<compile_context>
chip_gen: v7x
topology: tpu7x:2x2x1
jax: 0.10.2.dev20260603
libtpu: 0.0.44.dev20260713+nightly
codegen_flags: <defaults>
</compile_context>

<pallas_src>
import jax
import jax.numpy as jnp
from jax import lax
from jax.experimental import pallas as pl
from jax.experimental.pallas import tpu as pltpu
from jax.experimental.pallas import tpu_sc as plsc

N_NODES = 10000
N_EDGES = 320000
D_IN = 128
D_HID = 256

NC = 2
NS = 16
NW = NC * NS

NPAD = 10240
RPT = NPAD // NS
CH = 64
NBUF = 4
NBI = 16
NBC = 8
EPW = 10240
EPAD = EPW * NW
ROWS_PW = EPW // CH
NGO = ROWS_PW // NBI
NGRPC = ROWS_PW // NBC

_F32 = jnp.float32

_MESH = plsc.VectorSubcoreMesh(core_axis_name="c", subcore_axis_name="s",
                               num_cores=NC, num_subcores=NS)


def _zero_stripe(buf, acc_sh, sid):
    z16 = jnp.zeros((16,), _F32)

    @pl.loop(0, CH)
    def _(i):
        for j in range(D_IN // 16):
            buf[i, pl.ds(j * 16, 16)] = z16

    for r in range(RPT // CH):
        pltpu.sync_copy(buf, acc_sh.at[pl.ds(sid * RPT + r * CH, CH)])


def _agg():
    def body(x_hbm, src_hbm, dst_hbm, sums_out, acc_sh, srcb, dstb, rows_v,
             gsem0, gsem1, gsem2, gsem3, ssem0, ssem1, ssem2, ssem3):
        cid = lax.axis_index("c")
        sid = lax.axis_index("s")
        wid = sid * NC + cid
        _zero_stripe(rows_v.at[0], acc_sh, sid)
        plsc.subcore_barrier()
        base_row = wid * ROWS_PW
        gsems = (gsem0, gsem1, gsem2, gsem3)
        ssems = (ssem0, ssem1, ssem2, ssem3)

        @pl.loop(0, NGO)
        def _(go):
            r0 = base_row + go * NBI
            pltpu.sync_copy(src_hbm.at[pl.ds(r0, NBI)], srcb)
            pltpu.sync_copy(dst_hbm.at[pl.ds(r0, NBI)], dstb)
            gath = [None] * NBUF
            scat = [None] * NBUF
            for j in range(NBUF - 1):
                gath[j] = pltpu.async_copy(x_hbm.at[srcb.at[j]],
                                           rows_v.at[j], gsems[j])
            for b in range(NBI):
                p = b % NBUF
                gath[p].wait()
                scat[p] = pltpu.async_copy(rows_v.at[p],
                                           acc_sh.at[dstb.at[b]],
                                           ssems[p], add=True)
                nb = b + NBUF - 1
                if nb < NBI:
                    np_ = nb % NBUF
                    if scat[np_] is not None:
                        scat[np_].wait()
                    gath[np_] = pltpu.async_copy(x_hbm.at[srcb.at[nb]],
                                                 rows_v.at[np_], gsems[np_])
            for b in range(NBI - NBUF, NBI):
                scat[b % NBUF].wait()

        plsc.subcore_barrier()
        pltpu.sync_copy(acc_sh.at[pl.ds(sid * RPT, RPT)],
                        sums_out.at[cid, pl.ds(sid * RPT, RPT)])

    return pl.kernel(
        body,
        out_type=jax.ShapeDtypeStruct((NC, NPAD, D_IN), _F32),
        mesh=_MESH,
        scratch_types=(
            pltpu.VMEM_SHARED((NPAD, D_IN), _F32),
            pltpu.VMEM((NBI, CH), jnp.int32),
            pltpu.VMEM((NBI, CH), jnp.int32),
            pltpu.VMEM((NBUF, CH, D_IN), _F32),
            pltpu.SemaphoreType.DMA,
            pltpu.SemaphoreType.DMA,
            pltpu.SemaphoreType.DMA,
            pltpu.SemaphoreType.DMA,
            pltpu.SemaphoreType.DMA,
            pltpu.SemaphoreType.DMA,
            pltpu.SemaphoreType.DMA,
            pltpu.SemaphoreType.DMA,
        ),
    )


ROWS_PC = (EPAD // CH) // NS
NGO2 = ROWS_PC // NBI


def _agg2():
    def body(h_hbm, src_hbm, dst_hbm, sums_out, acc_sh, srcb, dstb, rows_v,
             gsem0, gsem1, gsem2, gsem3, ssem0, ssem1, ssem2, ssem3):
        cid = lax.axis_index("c")
        sid = lax.axis_index("s")
        _zero_stripe(rows_v.at[0], acc_sh, sid)
        plsc.subcore_barrier()
        base_row = sid * ROWS_PC
        gsems = (gsem0, gsem1, gsem2, gsem3)
        ssems = (ssem0, ssem1, ssem2, ssem3)

        @pl.loop(0, NGO2)
        def _(go):
            r0 = base_row + go * NBI
            pltpu.sync_copy(src_hbm.at[cid, pl.ds(r0, NBI)], srcb)
            pltpu.sync_copy(dst_hbm.at[pl.ds(r0, NBI)], dstb)
            gath = [None] * NBUF
            scat = [None] * NBUF
            for j in range(NBUF - 1):
                gath[j] = pltpu.async_copy(h_hbm.at[srcb.at[j]],
                                           rows_v.at[j], gsems[j])
            for b in range(NBI):
                p = b % NBUF
                gath[p].wait()
                scat[p] = pltpu.async_copy(rows_v.at[p],
                                           acc_sh.at[dstb.at[b]],
                                           ssems[p], add=True)
                nb = b + NBUF - 1
                if nb < NBI:
                    np_ = nb % NBUF
                    if scat[np_] is not None:
                        scat[np_].wait()
                    gath[np_] = pltpu.async_copy(h_hbm.at[srcb.at[nb]],
                                                 rows_v.at[np_], gsems[np_])
            for b in range(NBI - NBUF, NBI):
                scat[b % NBUF].wait()

        plsc.subcore_barrier()
        pltpu.sync_copy(acc_sh.at[pl.ds(sid * RPT, RPT)],
                        sums_out.at[cid, pl.ds(sid * RPT, RPT)])

    return pl.kernel(
        body,
        out_type=jax.ShapeDtypeStruct((NC, NPAD, D_IN), _F32),
        mesh=_MESH,
        scratch_types=(
            pltpu.VMEM_SHARED((NPAD, D_IN), _F32),
            pltpu.VMEM((NBI, CH), jnp.int32),
            pltpu.VMEM((NBI, CH), jnp.int32),
            pltpu.VMEM((NBUF, CH, D_IN), _F32),
            pltpu.SemaphoreType.DMA,
            pltpu.SemaphoreType.DMA,
            pltpu.SemaphoreType.DMA,
            pltpu.SemaphoreType.DMA,
            pltpu.SemaphoreType.DMA,
            pltpu.SemaphoreType.DMA,
            pltpu.SemaphoreType.DMA,
            pltpu.SemaphoreType.DMA,
        ),
    )


def _count():
    def body(dst_hbm, cnts_out, acc_sh, dstb, ones_v, sem):
        cid = lax.axis_index("c")
        sid = lax.axis_index("s")
        wid = sid * NC + cid
        _zero_stripe(ones_v, acc_sh, sid)
        one16 = jnp.ones((16,), _F32)

        @pl.loop(0, CH)
        def _(i):
            for j in range(D_IN // 16):
                ones_v[i, pl.ds(j * 16, 16)] = one16

        plsc.subcore_barrier()
        base_row = wid * ROWS_PW

        @pl.loop(0, NGRPC)
        def _(g):
            r0 = base_row + g * NBC
            pltpu.sync_copy(dst_hbm.at[pl.ds(r0, NBC)], dstb)
            descs = [pltpu.async_copy(ones_v, acc_sh.at[dstb.at[b]], sem,
                                      add=True) for b in range(NBC)]
            for d in descs:
                d.wait()

        plsc.subcore_barrier()
        pltpu.sync_copy(acc_sh.at[pl.ds(sid * RPT, RPT)],
                        cnts_out.at[cid, pl.ds(sid * RPT, RPT)])

    return pl.kernel(
        body,
        out_type=jax.ShapeDtypeStruct((NC, NPAD, D_IN), _F32),
        mesh=_MESH,
        scratch_types=(
            pltpu.VMEM_SHARED((NPAD, D_IN), _F32),
            pltpu.VMEM((NBC, CH), jnp.int32),
            pltpu.VMEM((CH, D_IN), _F32),
            pltpu.SemaphoreType.DMA,
        ),
    )



RB = 1024


def _tc1_body(sums, cnts, x, w1l, b1l, w1r, hout):
    s = sums[0] + sums[1]
    c = jnp.maximum(cnts[0][:, 0:1] + cnts[1][:, 0:1], 1.0)
    mean = s / c
    t = (jnp.dot(mean, w1l[...], preferred_element_type=_F32) + b1l[...]
         + jnp.dot(x[...], w1r[...], preferred_element_type=_F32))
    h = jnp.maximum(t, 0.0)
    hout[0] = h[:, :D_IN]
    hout[1] = h[:, D_IN:]


def _tc1(sums, cnts, x, w1l, b1l, w1r):
    return pl.pallas_call(
        _tc1_body,
        grid=(NPAD // RB,),
        in_specs=[
            pl.BlockSpec((NC, RB, D_IN), lambda i: (0, i, 0)),
            pl.BlockSpec((NC, RB, D_IN), lambda i: (0, i, 0)),
            pl.BlockSpec((RB, D_IN), lambda i: (i, 0)),
            pl.BlockSpec((D_IN, D_HID), lambda i: (0, 0)),
            pl.BlockSpec((1, D_HID), lambda i: (0, 0)),
            pl.BlockSpec((D_IN, D_HID), lambda i: (0, 0)),
        ],
        out_specs=pl.BlockSpec((2, RB, D_IN), lambda i: (0, i, 0)),
        out_shape=jax.ShapeDtypeStruct((2, NPAD, D_IN), _F32),
    )(sums, cnts, x, w1l, b1l, w1r)


def _tc2_body(s2, cnts, h, w2l, b2l, w2r, wc, bc, out):
    c = jnp.maximum(cnts[0][:, 0:1] + cnts[1][:, 0:1], 1.0)
    ma = s2[0] / c
    mb = s2[1] / c
    w2l_ = w2l[...]
    w2r_ = w2r[...]
    t = (jnp.dot(ma, w2l_[:D_IN], preferred_element_type=_F32)
         + jnp.dot(mb, w2l_[D_IN:], preferred_element_type=_F32)
         + b2l[...]
         + jnp.dot(h[0], w2r_[:D_IN], preferred_element_type=_F32)
         + jnp.dot(h[1], w2r_[D_IN:], preferred_element_type=_F32))
    h2 = jnp.maximum(t, 0.0)
    out[...] = jnp.dot(h2, wc[...], preferred_element_type=_F32) + bc[...]


def _tc2(s2, cnts, h, w2l, b2l, w2r, wc, bc):
    return pl.pallas_call(
        _tc2_body,
        grid=(NPAD // RB,),
        in_specs=[
            pl.BlockSpec((NC, RB, D_IN), lambda i: (0, i, 0)),
            pl.BlockSpec((NC, RB, D_IN), lambda i: (0, i, 0)),
            pl.BlockSpec((2, RB, D_IN), lambda i: (0, i, 0)),
            pl.BlockSpec((D_HID, D_HID), lambda i: (0, 0)),
            pl.BlockSpec((1, D_HID), lambda i: (0, 0)),
            pl.BlockSpec((D_HID, D_HID), lambda i: (0, 0)),
            pl.BlockSpec((D_HID, D_IN), lambda i: (0, 0)),
            pl.BlockSpec((1, D_IN), lambda i: (0, 0)),
        ],
        out_specs=pl.BlockSpec((RB, D_IN), lambda i: (i, 0)),
        out_shape=jax.ShapeDtypeStruct((NPAD, D_IN), _F32),
    )(s2, cnts, h, w2l, b2l, w2r, wc, bc)


def kernel(x, edge_index, W1l, b1l, W1r, W2l, b2l, W2r, Wc, bc):
    src = edge_index[0].astype(jnp.int32)
    dst = edge_index[1].astype(jnp.int32)

    n_extra = EPAD - N_EDGES
    ar = jnp.arange(n_extra, dtype=jnp.int32)
    src_p = jnp.concatenate([src, ar % N_NODES])
    dst_p = jnp.concatenate([dst, N_NODES + ar % (NPAD - N_NODES)])
    src2d = src_p.reshape(EPAD // CH, CH)
    dst2d = dst_p.reshape(EPAD // CH, CH)
    src2d_2 = jnp.stack([src2d, src2d + NPAD])

    x_p = jnp.zeros((NPAD, D_IN), _F32).at[:N_NODES].set(x)

    cnts = _count()(dst2d)
    sums1 = _agg()(x_p, src2d, dst2d)

    b1l2 = b1l.reshape(1, D_HID)
    b2l2 = b2l.reshape(1, D_HID)
    h = _tc1(sums1, cnts, x_p, W1l, b1l2, W1r)

    s2 = _agg2()(h.reshape(2 * NPAD, D_IN), src2d_2, dst2d)

    wc_p = jnp.zeros((D_HID, D_IN), _F32).at[:, :1].set(Wc)
    bc_p = jnp.zeros((1, D_IN), _F32).at[:, :1].set(bc.reshape(1, 1))
    out = _tc2(s2, cnts, h, W2l, b2l2, W2r, wc_p, bc_p)
    return out[:N_NODES, :1]

# --- scband reference (transcript-rebuilt; emitter-appended) ---
"""Pipeline reference for scband-graph-sage-79242146611211 (READ-ONLY COPY).

The authoritative reference and input builder live on the scoring server;
editing this copy changes nothing except your own understanding.
"""

import jax, jax.numpy as jnp
import numpy as np

N_NODES = 10000
N_EDGES = 320000
D_IN = 128
D_HID = 256
D_OUT = 1


def setup_inputs(seed: int = 0) -> dict:
    key = jax.random.key(seed)
    ks = jax.random.split(key, 10)
    x = jax.random.normal(ks[0], (N_NODES, D_IN), dtype=jnp.float32)
    edge_index = jax.random.randint(ks[1], (2, N_EDGES), 0, N_NODES, dtype=jnp.int64)
    # SAGEConv layer 1: lin_l (applied to aggregated neighbors, with bias), lin_r (applied to root, no bias)
    W1l = jax.random.normal(ks[2], (D_IN, D_HID), dtype=jnp.float32) * 0.05
    b1l = jnp.zeros((D_HID,), dtype=jnp.float32)
    W1r = jax.random.normal(ks[3], (D_IN, D_HID), dtype=jnp.float32) * 0.05
    # SAGEConv layer 2
    W2l = jax.random.normal(ks[4], (D_HID, D_HID), dtype=jnp.float32) * 0.05
    b2l = jnp.zeros((D_HID,), dtype=jnp.float32)
    W2r = jax.random.normal(ks[5], (D_HID, D_HID), dtype=jnp.float32) * 0.05
    # classifier
    Wc = jax.random.normal(ks[6], (D_HID, D_OUT), dtype=jnp.float32) * 0.05
    bc = jnp.zeros((D_OUT,), dtype=jnp.float32)
    return {"x": x, "edge_index": edge_index, "W1l": W1l, "b1l": b1l, "W1r": W1r,
            "W2l": W2l, "b2l": b2l, "W2r": W2r, "Wc": Wc, "bc": bc}


def _sage_conv(x, src, dst, n_nodes, Wl, bl, Wr):
    # mean aggregation of source features onto destination nodes
    msg = x[src]
    summed = jax.ops.segment_sum(msg, dst, num_segments=n_nodes)
    cnt = jax.ops.segment_sum(jnp.ones((msg.shape[0], 1), dtype=x.dtype), dst, num_segments=n_nodes)
    mean = summed / jnp.clip(cnt, 1.0, None)
    return mean @ Wl + bl + x @ Wr


def reference(x, edge_index, W1l, b1l, W1r, W2l, b2l, W2r, Wc, bc):
    src = edge_index[0]
    dst = edge_index[1]
    n = x.shape[0]
    h = jax.nn.relu(_sage_conv(x, src, dst, n, W1l, b1l, W1r))
    # dropout is identity in eval mode
    h = jax.nn.relu(_sage_conv(h, src, dst, n, W2l, b2l, W2r))
    return h @ Wc + bc

if __name__ == "__main__":
    import jax
    _d = setup_inputs()
    print(jax.jit(kernel)(*tuple(_d.values())))

</pallas_src>

<mosaic_0001>
#map = affine_map<(d0, d1) -> (0, 0)>
#map1 = affine_map<(d0, d1) -> (0, 0, 0)>
module attributes {stable_mosaic.version = 14 : i64} {
  func.func @body(%arg0: i32, %arg1: i32, %arg2: memref<20480x128xf32, #tpu.memory_space<hbm>>, %arg3: memref<2x5120x64xi32, #tpu.memory_space<hbm>>, %arg4: memref<5120x64xi32, #tpu.memory_space<hbm>>, %arg5: memref<2x10240x128xf32, #tpu.memory_space<hbm>>, %arg6: memref<10240x128xf32, #tpu.memory_space<vmem_shared>>, %arg7: memref<16x64xi32, #tpu.memory_space<vmem>>, %arg8: memref<16x64xi32, #tpu.memory_space<vmem>>, %arg9: memref<4x64x128xf32, #tpu.memory_space<vmem>>, %arg10: memref<!tpu.dma_semaphore, #tpu.memory_space<semaphore_mem>>, %arg11: memref<!tpu.dma_semaphore, #tpu.memory_space<semaphore_mem>>, %arg12: memref<!tpu.dma_semaphore, #tpu.memory_space<semaphore_mem>>, %arg13: memref<!tpu.dma_semaphore, #tpu.memory_space<semaphore_mem>>, %arg14: memref<!tpu.dma_semaphore, #tpu.memory_space<semaphore_mem>>, %arg15: memref<!tpu.dma_semaphore, #tpu.memory_space<semaphore_mem>>, %arg16: memref<!tpu.dma_semaphore, #tpu.memory_space<semaphore_mem>>, %arg17: memref<!tpu.dma_semaphore, #tpu.memory_space<semaphore_mem>>) attributes {dimension_semantics = [#tpu.dimension_semantics<core_parallel>, #tpu.dimension_semantics<subcore_parallel>], iteration_bounds = array<i64: 2, 16>, scalar_prefetch = 0 : i64, scratch_operands = 12 : i64, tpu.core_type = #tpu.core_type<sc_vector_subcore>, window_params = [{transform_indices = #map}, {transform_indices = #map1}, {transform_indices = #map}, {transform_indices = #map1}]} {
    %broadcast_in_dim3A = arith.constant 0.000000e+00 : f32
    %broadcast_in_dim3A_0 = vector.broadcast %broadcast_in_dim3A : f32 to vector<16xf32>
    %scan3A = arith.constant 0 : i32
    %scan3A_1 = arith.constant 0 : i32
    %scan3A_2 = arith.constant 64 : i32
    %scan3A_3 = arith.addi %scan3A_1, %scan3A_2 : i32
    %scan3A_4 = arith.constant 1 : i32
    scf.for %scan3A_65 = %scan3A_1 to %scan3A_3 step %scan3A_4  : i32 {
      %mul3A_66 = arith.constant 1 : i32
      %mul3A_67 = arith.muli %scan3A_65, %mul3A_66 : i32
      %add3A_68 = arith.constant 0 : i32
      %add3A_69 = arith.addi %add3A_68, %mul3A_67 : i32
      %swap3A = arith.constant 0 : i32
      %swap3A_70 = arith.constant 0 : i32
      %swap3A_71 = tpu.memref_slice %arg9[%scan3A, %swap3A, %swap3A_70] : memref<4x64x128xf32, #tpu.memory_space<vmem>> -> memref<1x64x128xf32, #tpu.memory_space<vmem>>
      %swap3A_72 = tpu.memref_squeeze %swap3A_71 : memref<1x64x128xf32, #tpu.memory_space<vmem>> -> memref<64x128xf32, #tpu.memory_space<vmem>>
      %swap3A_73 = arith.index_cast %add3A_69 : i32 to index
      %swap3A_74 = arith.constant 0 : index
      %swap3A_75 = tpu.vector_load %swap3A_72[%swap3A_73, %swap3A_74] {strides = array<i32>} : memref<64x128xf32, #tpu.memory_space<vmem>>, vector<1x16xf32>,
      %swap3A_76 = vector.shape_cast %swap3A_75 : vector<1x16xf32> to vector<16xf32>
      %swap3A_77 = vector.shape_cast %broadcast_in_dim3A_0 : vector<16xf32> to vector<1x16xf32>
      tpu.vector_store %swap3A_72[%swap3A_73, %swap3A_74], %swap3A_77 {strides = array<i32>} : memref<64x128xf32, #tpu.memory_space<vmem>>, vector<1x16xf32>,
      %swap3A_78 = arith.constant 0 : i32
      %swap3A_79 = arith.constant 0 : i32
      %swap3A_80 = tpu.memref_slice %arg9[%scan3A, %swap3A_78, %swap3A_79] : memref<4x64x128xf32, #tpu.memory_space<vmem>> -> memref<1x64x128xf32, #tpu.memory_space<vmem>>
      %swap3A_81 = tpu.memref_squeeze %swap3A_80 : memref<1x64x128xf32, #tpu.memory_space<vmem>> -> memref<64x128xf32, #tpu.memory_space<vmem>>
      %swap3A_82 = arith.index_cast %add3A_69 : i32 to index
      %swap3A_83 = arith.constant 16 : index
      %swap3A_84 = tpu.vector_load %swap3A_81[%swap3A_82, %swap3A_83] {strides = array<i32>} : memref<64x128xf32, #tpu.memory_space<vmem>>, vector<1x16xf32>,
      %swap3A_85 = vector.shape_cast %swap3A_84 : vector<1x16xf32> to vector<16xf32>
      %swap3A_86 = vector.shape_cast %broadcast_in_dim3A_0 : vector<16xf32> to vector<1x16xf32>
      tpu.vector_store %swap3A_81[%swap3A_82, %swap3A_83], %swap3A_86 {strides = array<i32>} : memref<64x128xf32, #tpu.memory_space<vmem>>, vector<1x16xf32>,
      %swap3A_87 = arith.constant 0 : i32
      %swap3A_88 = arith.constant 0 : i32
      %swap3A_89 = tpu.memref_slice %arg9[%scan3A, %swap3A_87, %swap3A_88] : memref<4x64x128xf32, #tpu.memory_space<vmem>> -> memref<1x64x128xf32, #tpu.memory_space<vmem>>
      %swap3A_90 = tpu.memref_squeeze %swap3A_89 : memref<1x64x128xf32, #tpu.memory_space<vmem>> -> memref<64x128xf32, #tpu.memory_space<vmem>>
      %swap3A_91 = arith.index_cast %add3A_69 : i32 to index
      %swap3A_92 = arith.constant 32 : index
      %swap3A_93 = tpu.vector_load %swap3A_90[%swap3A_91, %swap3A_92] {strides = array<i32>} : memref<64x128xf32, #tpu.memory_space<vmem>>, vector<1x16xf32>,
      %swap3A_94 = vector.shape_cast %swap3A_93 : vector<1x16xf32> to vector<16xf32>
      %swap3A_95 = vector.shape_cast %broadcast_in_dim3A_0 : vector<16xf32> to vector<1x16xf32>
      tpu.vector_store %swap3A_90[%swap3A_91, %swap3A_92], %swap3A_95 {strides = array<i32>} : memref<64x128xf32, #tpu.memory_space<vmem>>, vector<1x16xf32>,
      %swap3A_96 = arith.constant 0 : i32
      %swap3A_97 = arith.constant 0 : i32
      %swap3A_98 = tpu.memref_slice %arg9[%scan3A, %swap3A_96, %swap3A_97] : memref<4x64x128xf32, #tpu.memory_space<vmem>> -> memref<1x64x128xf32, #tpu.memory_space<vmem>>
      %swap3A_99 = tpu.memref_squeeze %swap3A_98 : memref<1x64x128xf32, #tpu.memory_space<vmem>> -> memref<64x128xf32, #tpu.memory_space<vmem>>
      %swap3A_100 = arith.index_cast %add3A_69 : i32 to index
      %swap3A_101 = arith.constant 48 : index
      %swap3A_102 = tpu.vector_load %swap3A_99[%swap3A_100, %swap3A_101] {strides = array<i32>} : memref<64x128xf32, #tpu.memory_space<vmem>>, vector<1x16xf32>,
      %swap3A_103 = vector.shape_cast %swap3A_102 : vector<1x16xf32> to vector<16xf32>
      %swap3A_104 = vector.shape_cast %broadcast_in_dim3A_0 : vector<16xf32> to vector<1x16xf32>
      tpu.vector_store %swap3A_99[%swap3A_100, %swap3A_101], %swap3A_104 {strides = array<i32>} : memref<64x128xf32, #tpu.memory_space<vmem>>, vector<1x16xf32>,
      %swap3A_105 = arith.constant 0 : i32
      %swap3A_106 = arith.constant 0 : i32
      %swap3A_107 = tpu.memref_slice %arg9[%scan3A, %swap3A_105, %swap3A_106] : memref<4x64x128xf32, #tpu.memory_space<vmem>> -> memref<1x64x128xf32, #tpu.memory_space<vmem>>
      %swap3A_108 = tpu.memref_squeeze %swap3A_107 : memref<1x64x128xf32, #tpu.memory_space<vmem>> -> memref<64x128xf32, #tpu.memory_space<vmem>>
      %swap3A_109 = arith.index_cast %add3A_69 : i32 to index
      %swap3A_110 = arith.constant 64 : index
      %swap3A_111 = tpu.vector_load %swap3A_108[%swap3A_109, %swap3A_110] {strides = array<i32>} : memref<64x128xf32, #tpu.memory_space<vmem>>, vector<1x16xf32>,
      %swap3A_112 = vector.shape_cast %swap3A_111 : vector<1x16xf32> to vector<16xf32>
      %swap3A_113 = vector.shape_cast %broadcast_in_dim3A_0 : vector<16xf32> to vector<1x16xf32>
      tpu.vector_store %swap3A_108[%swap3A_109, %swap3A_110], %swap3A_113 {strides = array<i32>} : memref<64x128xf32, #tpu.memory_space<vmem>>, vector<1x16xf32>,
      %swap3A_114 = arith.constant 0 : i32
      %swap3A_115 = arith.constant 0 : i32
      %swap3A_116 = tpu.memref_slice %arg9[%scan3A, %swap3A_114, %swap3A_115] : memref<4x64x128xf32, #tpu.memory_space<vmem>> -> memref<1x64x128xf32, #tpu.memory_space<vmem>>
      %swap3A_117 = tpu.memref_squeeze %swap3A_116 : memref<1x64x128xf32, #tpu.memory_space<vmem>> -> memref<64x128xf32, #tpu.memory_space<vmem>>
      %swap3A_118 = arith.index_cast %add3A_69 : i32 to index
      %swap3A_119 = arith.constant 80 : index
      %swap3A_120 = tpu.vector_load %swap3A_117[%swap3A_118, %swap3A_119] {strides = array<i32>} : memref<64x128xf32, #tpu.memory_space<vmem>>, vector<1x16xf32>,
      %swap3A_121 = vector.shape_cast %swap3A_120 : vector<1x16xf32> to vector<16xf32>
      %swap3A_122 = vector.shape_cast %broadcast_in_dim3A_0 : vector<16xf32> to vector<1x16xf32>
      tpu.vector_store %swap3A_117[%swap3A_118, %swap3A_119], %swap3A_122 {strides = array<i32>} : memref<64x128xf32, #tpu.memory_space<vmem>>, vector<1x16xf32>,
      %swap3A_123 = arith.constant 0 : i32
      %swap3A_124 = arith.constant 0 : i32
      %swap3A_125 = tpu.memref_slice %arg9[%scan3A, %swap3A_123, %swap3A_124] : memref<4x64x128xf32, #tpu.memory_space<vmem>> -> memref<1x64x128xf32, #tpu.memory_space<vmem>>
      %swap3A_126 = tpu.memref_squeeze %swap3A_125 : memref<1x64x128xf32, #tpu.memory_space<vmem>> -> memref<64x128xf32, #tpu.memory_space<vmem>>
      %swap3A_127 = arith.index_cast %add3A_69 : i32 to index
      %swap3A_128 = arith.constant 96 : index
      %swap3A_129 = tpu.vector_load %swap3A_126[%swap3A_127, %swap3A_128] {strides = array<i32>} : memref<64x128xf32, #tpu.memory_space<vmem>>, vector<1x16xf32>,
      %swap3A_130 = vector.shape_cast %swap3A_129 : vector<1x16xf32> to vector<16xf32>
      %swap3A_131 = vector.shape_cast %broadcast_in_dim3A_0 : vector<16xf32> to vector<1x16xf32>
      tpu.vector_store %swap3A_126[%swap3A_127, %swap3A_128], %swap3A_131 {strides = array<i32>} : memref<64x128xf32, #tpu.memory_space<vmem>>, vector<1x16xf32>,
      %swap3A_132 = arith.constant 0 : i32
      %swap3A_133 = arith.constant 0 : i32
      %swap3A_134 = tpu.memref_slice %arg9[%scan3A, %swap3A_132, %swap3A_133] : memref<4x64x128xf32, #tpu.memory_space<vmem>> -> memref<1x64x128xf32, #tpu.memory_space<vmem>>
      %swap3A_135 = tpu.memref_squeeze %swap3A_134 : memref<1x64x128xf32, #tpu.memory_space<vmem>> -> memref<64x128xf32, #tpu.memory_space<vmem>>
      %swap3A_136 = arith.index_cast %add3A_69 : i32 to index
      %swap3A_137 = arith.constant 112 : index
      %swap3A_138 = tpu.vector_load %swap3A_135[%swap3A_136, %swap3A_137] {strides = array<i32>} : memref<64x128xf32, #tpu.memory_space<vmem>>, vector<1x16xf32>,
      %swap3A_139 = vector.shape_cast %swap3A_138 : vector<1x16xf32> to vector<16xf32>
      %swap3A_140 = vector.shape_cast %broadcast_in_dim3A_0 : vector<16xf32> to vector<1x16xf32>
      tpu.vector_store %swap3A_135[%swap3A_136, %swap3A_137], %swap3A_140 {strides = array<i32>} : memref<64x128xf32, #tpu.memory_space<vmem>>, vector<1x16xf32>,
    }
    %scan3A_5 = arith.constant 64 : i32
    %mul3A = arith.constant 640 : i32
    %mul3A_6 = arith.muli %arg1, %mul3A : i32
    %add3A = arith.constant 0 : i32
    %add3A_7 = arith.addi %mul3A_6, %add3A : i32
    %run_scoped3A = arith.constant 0 : i32
    "tpu.region"() ({
      %run_scoped3A_65 = tpu.sem_alloc : memref<!tpu.dma_semaphore, #tpu.memory_space<semaphore_mem>>
      %dma_start3A = arith.constant 0 : i32
      %dma_start3A_66 = arith.constant 0 : i32
      %dma_start3A_67 = tpu.memref_slice %arg9[%run_scoped3A, %dma_start3A, %dma_start3A_66] : memref<4x64x128xf32, #tpu.memory_space<vmem>> -> memref<1x64x128xf32, #tpu.memory_space<vmem>>
      %dma_start3A_68 = tpu.memref_squeeze %dma_start3A_67 : memref<1x64x128xf32, #tpu.memory_space<vmem>> -> memref<64x128xf32, #tpu.memory_space<vmem>>
      %dma_start3A_69 = arith.constant 0 : i32
      %dma_start3A_70 = tpu.memref_slice %arg6[%add3A_7, %dma_start3A_69] : memref<10240x128xf32, #tpu.memory_space<vmem_shared>> -> memref<64x128xf32, #tpu.memory_space<vmem_shared>>
      %dma_start3A_71 = arith.constant 0 : i32
      %dma_start3A_72 = tpu.memref_slice %arg6[%add3A_7, %dma_start3A_71] : memref<10240x128xf32, #tpu.memory_space<vmem_shared>> -> memref<64x128xf32, #tpu.memory_space<vmem_shared>>
      %dma_start3A_73 = arith.constant 0 : i32
      %dma_start3A_74 = arith.constant 0 : i32
      %dma_start3A_75 = tpu.memref_slice %arg9[%run_scoped3A, %dma_start3A_73, %dma_start3A_74] : memref<4x64x128xf32, #tpu.memory_space<vmem>> -> memref<1x64x128xf32, #tpu.memory_space<vmem>>
      %dma_start3A_76 = tpu.memref_squeeze %dma_start3A_75 : memref<1x64x128xf32, #tpu.memory_space<vmem>> -> memref<64x128xf32, #tpu.memory_space<vmem>>
      tpu.enqueue_dma source(%dma_start3A_76 : memref<64x128xf32, #tpu.memory_space<vmem>>) target(%dma_start3A_72 : memref<64x128xf32, #tpu.memory_space<vmem_shared>>) target_semaphore(%run_scoped3A_65 : memref<!tpu.dma_semaphore, #tpu.memory_space<semaphore_mem>>)
      %dma_wait3A = arith.constant 0 : i32
      %dma_wait3A_77 = arith.constant 0 : i32
      %dma_wait3A_78 = tpu.memref_slice %arg9[%run_scoped3A, %dma_wait3A, %dma_wait3A_77] : memref<4x64x128xf32, #tpu.memory_space<vmem>> -> memref<1x64x128xf32, #tpu.memory_space<vmem>>
      %dma_wait3A_79 = tpu.memref_squeeze %dma_wait3A_78 : memref<1x64x128xf32, #tpu.memory_space<vmem>> -> memref<64x128xf32, #tpu.memory_space<vmem>>
      %dma_wait3A_80 = arith.constant 0 : i32
      %dma_wait3A_81 = tpu.memref_slice %arg6[%add3A_7, %dma_wait3A_80] : memref<10240x128xf32, #tpu.memory_space<vmem_shared>> -> memref<64x128xf32, #tpu.memory_space<vmem_shared>>
      %dma_wait3A_82 = arith.constant 0 : i32
      %dma_wait3A_83 = tpu.memref_slice %arg6[%add3A_7, %dma_wait3A_82] : memref<10240x128xf32, #tpu.memory_space<vmem_shared>> -> memref<64x128xf32, #tpu.memory_space<vmem_shared>>
      %dma_wait3A_84 = arith.constant 0 : i32
      %dma_wait3A_85 = arith.constant 0 : i32
      %dma_wait3A_86 = tpu.memref_slice %arg9[%run_scoped3A, %dma_wait3A_84, %dma_wait3A_85] : memref<4x64x128xf32, #tpu.memory_space<vmem>> -> memref<1x64x128xf32, #tpu.memory_space<vmem>>
      %dma_wait3A_87 = tpu.memref_squeeze %dma_wait3A_86 : memref<1x64x128xf32, #tpu.memory_space<vmem>> -> memref<64x128xf32, #tpu.memory_space<vmem>>
      tpu.wait_dma2 semaphore(%run_scoped3A_65 : memref<!tpu.dma_semaphore, #tpu.memory_space<semaphore_mem>>) src(%dma_wait3A_87 : memref<64x128xf32, #tpu.memory_space<vmem>>) dst(%dma_wait3A_83 : memref<64x128xf32, #tpu.memory_space<vmem_shared>>)
      tpu.yield
    }) : () -> ()
    %mul3A_8 = arith.constant 640 : i32
    %mul3A_9 = arith.muli %arg1, %mul3A_8 : i32
    %add3A_10 = arith.constant 64 : i32
    %add3A_11 = arith.addi %mul3A_9, %add3A_10 : i32
    %run_scoped3A_12 = arith.constant 0 : i32
    "tpu.region"() ({
      %run_scoped3A_65 = tpu.sem_alloc : memref<!tpu.dma_semaphore, #tpu.memory_space<semaphore_mem>>
      %dma_start3A = arith.constant 0 : i32
      %dma_start3A_66 = arith.constant 0 : i32
      %dma_start3A_67 = tpu.memref_slice %arg9[%run_scoped3A_12, %dma_start3A, %dma_start3A_66] : memref<4x64x128xf32, #tpu.memory_space<vmem>> -> memref<1x64x128xf32, #tpu.memory_space<vmem>>
      %dma_start3A_68 = tpu.memref_squeeze %dma_start3A_67 : memref<1x64x128xf32, #tpu.memory_space<vmem>> -> memref<64x128xf32, #tpu.memory_space<vmem>>
      %dma_start3A_69 = arith.constant 0 : i32
      %dma_start3A_70 = tpu.memref_slice %arg6[%add3A_11, %dma_start3A_69] : memref<10240x128xf32, #tpu.memory_space<vmem_shared>> -> memref<64x128xf32, #tpu.memory_space<vmem_shared>>
      %dma_start3A_71 = arith.constant 0 : i32
      %dma_start3A_72 = tpu.memref_slice %arg6[%add3A_11, %dma_start3A_71] : memref<10240x128xf32, #tpu.memory_space<vmem_shared>> -> memref<64x128xf32, #tpu.memory_space<vmem_shared>>
      %dma_start3A_73 = arith.constant 0 : i32
      %dma_start3A_74 = arith.constant 0 : i32
      %dma_start3A_75 = tpu.memref_slice %arg9[%run_scoped3A_12, %dma_start3A_73, %dma_start3A_74] : memref<4x64x128xf32, #tpu.memory_space<vmem>> -> memref<1x64x128xf32, #tpu.memory_space<vmem>>
      %dma_start3A_76 = tpu.memref_squeeze %dma_start3A_75 : memref<1x64x128xf32, #tpu.memory_space<vmem>> -> memref<64x128xf32, #tpu.memory_space<vmem>>
      tpu.enqueue_dma source(%dma_start3A_76 : memref<64x128xf32, #tpu.memory_space<vmem>>) target(%dma_start3A_72 : memref<64x128xf32, #tpu.memory_space<vmem_shared>>) target_semaphore(%run_scoped3A_65 : memref<!tpu.dma_semaphore, #tpu.memory_space<semaphore_mem>>)
      %dma_wait3A = arith.constant 0 : i32
      %dma_wait3A_77 = arith.constant 0 : i32
      %dma_wait3A_78 = tpu.memref_slice %arg9[%run_scoped3A_12, %dma_wait3A, %dma_wait3A_77] : memref<4x64x128xf32, #tpu.memory_space<vmem>> -> memref<1x64x128xf32, #tpu.memory_space<vmem>>
      %dma_wait3A_79 = tpu.memref_squeeze %dma_wait3A_78 : memref<1x64x128xf32, #tpu.memory_space<vmem>> -> memref<64x128xf32, #tpu.memory_space<vmem>>
      %dma_wait3A_80 = arith.constant 0 : i32
      %dma_wait3A_81 = tpu.memref_slice %arg6[%add3A_11, %dma_wait3A_80] : memref<10240x128xf32, #tpu.memory_space<vmem_shared>> -> memref<64x128xf32, #tpu.memory_space<vmem_shared>>
      %dma_wait3A_82 = arith.constant 0 : i32
      %dma_wait3A_83 = tpu.memref_slice %arg6[%add3A_11, %dma_wait3A_82] : memref<10240x128xf32, #tpu.memory_space<vmem_shared>> -> memref<64x128xf32, #tpu.memory_space<vmem_shared>>
      %dma_wait3A_84 = arith.constant 0 : i32
      %dma_wait3A_85 = arith.constant 0 : i32
      %dma_wait3A_86 = tpu.memref_slice %arg9[%run_scoped3A_12, %dma_wait3A_84, %dma_wait3A_85] : memref<4x64x128xf32, #tpu.memory_space<vmem>> -> memref<1x64x128xf32, #tpu.memory_space<vmem>>
      %dma_wait3A_87 = tpu.memref_squeeze %dma_wait3A_86 : memref<1x64x128xf32, #tpu.memory_space<vmem>> -> memref<64x128xf32, #tpu.memory_space<vmem>>
      tpu.wait_dma2 semaphore(%run_scoped3A_65 : memref<!tpu.dma_semaphore, #tpu.memory_space<semaphore_mem>>) src(%dma_wait3A_87 : memref<64x128xf32, #tpu.memory_space<vmem>>) dst(%dma_wait3A_83 : memref<64x128xf32, #tpu.memory_space<vmem_shared>>)
      tpu.yield
    }) : () -> ()
    %mul3A_13 = arith.constant 640 : i32
    %mul3A_14 = arith.muli %arg1, %mul3A_13 : i32
    %add3A_15 = arith.constant 128 : i32
    %add3A_16 = arith.addi %mul3A_14, %add3A_15 : i32
    %run_scoped3A_17 = arith.constant 0 : i32
    "tpu.region"() ({
      %run_scoped3A_65 = tpu.sem_alloc : memref<!tpu.dma_semaphore, #tpu.memory_space<semaphore_mem>>
      %dma_start3A = arith.constant 0 : i32
      %dma_start3A_66 = arith.constant 0 : i32
      %dma_start3A_67 = tpu.memref_slice %arg9[%run_scoped3A_17, %dma_start3A, %dma_start3A_66] : memref<4x64x128xf32, #tpu.memory_space<vmem>> -> memref<1x64x128xf32, #tpu.memory_space<vmem>>
      %dma_start3A_68 = tpu.memref_squeeze %dma_start3A_67 : memref<1x64x128xf32, #tpu.memory_space<vmem>> -> memref<64x128xf32, #tpu.memory_space<vmem>>
      %dma_start3A_69 = arith.constant 0 : i32
      %dma_start3A_70 = tpu.memref_slice %arg6[%add3A_16, %dma_start3A_69] : memref<10240x128xf32, #tpu.memory_space<vmem_shared>> -> memref<64x128xf32, #tpu.memory_space<vmem_shared>>
      %dma_start3A_71 = arith.constant 0 : i32
      %dma_start3A_72 = tpu.memref_slice %arg6[%add3A_16, %dma_start3A_71] : memref<10240x128xf32, #tpu.memory_space<vmem_shared>> -> memref<64x128xf32, #tpu.memory_space<vmem_shared>>
      %dma_start3A_73 = arith.constant 0 : i32
      %dma_start3A_74 = arith.constant 0 : i32
      %dma_start3A_75 = tpu.memref_slice %arg9[%run_scoped3A_17, %dma_start3A_73, %dma_start3A_74] : memref<4x64x128xf32, #tpu.memory_space<vmem>> -> memref<1x64x128xf32, #tpu.memory_space<vmem>>
      %dma_start3A_76 = tpu.memref_squeeze %dma_start3A_75 : memref<1x64x128xf32, #tpu.memory_space<vmem>> -> memref<64x128xf32, #tpu.memory_space<vmem>>
      tpu.enqueue_dma source(%dma_start3A_76 : memref<64x128xf32, #tpu.memory_space<vmem>>) target(%dma_start3A_72 : memref<64x128xf32, #tpu.memory_space<vmem_shared>>) target_semaphore(%run_scoped3A_65 : memref<!tpu.dma_semaphore, #tpu.memory_space<semaphore_mem>>)
      %dma_wait3A = arith.constant 0 : i32
      %dma_wait3A_77 = arith.constant 0 : i32
      %dma_wait3A_78 = tpu.memref_slice %arg9[%run_scoped3A_17, %dma_wait3A, %dma_wait3A_77] : memref<4x64x128xf32, #tpu.memory_space<vmem>> -> memref<1x64x128xf32, #tpu.memory_space<vmem>>
      %dma_wait3A_79 = tpu.memref_squeeze %dma_wait3A_78 : memref<1x64x128xf32, #tpu.memory_space<vmem>> -> memref<64x128xf32, #tpu.memory_space<vmem>>
      %dma_wait3A_80 = arith.constant 0 : i32
      %dma_wait3A_81 = tpu.memref_slice %arg6[%add3A_16, %dma_wait3A_80] : memref<10240x128xf32, #tpu.memory_space<vmem_shared>> -> memref<64x128xf32, #tpu.memory_space<vmem_shared>>
      %dma_wait3A_82 = arith.constant 0 : i32
      %dma_wait3A_83 = tpu.memref_slice %arg6[%add3A_16, %dma_wait3A_82] : memref<10240x128xf32, #tpu.memory_space<vmem_shared>> -> memref<64x128xf32, #tpu.memory_space<vmem_shared>>
      %dma_wait3A_84 = arith.constant 0 : i32
      %dma_wait3A_85 = arith.constant 0 : i32
      %dma_wait3A_86 = tpu.memref_slice %arg9[%run_scoped3A_17, %dma_wait3A_84, %dma_wait3A_85] : memref<4x64x128xf32, #tpu.memory_space<vmem>> -> memref<1x64x128xf32, #tpu.memory_space<vmem>>
      %dma_wait3A_87 = tpu.memref_squeeze %dma_wait3A_86 : memref<1x64x128xf32, #tpu.memory_space<vmem>> -> memref<64x128xf32, #tpu.memory_space<vmem>>
      tpu.wait_dma2 semaphore(%run_scoped3A_65 : memref<!tpu.dma_semaphore, #tpu.memory_space<semaphore_mem>>) src(%dma_wait3A_87 : memref<64x128xf32, #tpu.memory_space<vmem>>) dst(%dma_wait3A_83 : memref<64x128xf32, #tpu.memory_space<vmem_shared>>)
      tpu.yield
    }) : () -> ()
    %mul3A_18 = arith.constant 640 : i32
    %mul3A_19 = arith.muli %arg1, %mul3A_18 : i32
    %add3A_20 = arith.constant 192 : i32
    %add3A_21 = arith.addi %mul3A_19, %add3A_20 : i32
    %run_scoped3A_22 = arith.constant 0 : i32
    "tpu.region"() ({
      %run_scoped3A_65 = tpu.sem_alloc : memref<!tpu.dma_semaphore, #tpu.memory_space<semaphore_mem>>
      %dma_start3A = arith.constant 0 : i32
      %dma_start3A_66 = arith.constant 0 : i32
      %dma_start3A_67 = tpu.memref_slice %arg9[%run_scoped3A_22, %dma_start3A, %dma_start3A_66] : memref<4x64x128xf32, #tpu.memory_space<vmem>> -> memref<1x64x128xf32, #tpu.memory_space<vmem>>
      %dma_start3A_68 = tpu.memref_squeeze %dma_start3A_67 : memref<1x64x128xf32, #tpu.memory_space<vmem>> -> memref<64x128xf32, #tpu.memory_space<vmem>>
      %dma_start3A_69 = arith.constant 0 : i32
      %dma_start3A_70 = tpu.memref_slice %arg6[%add3A_21, %dma_start3A_69] : memref<10240x128xf32, #tpu.memory_space<vmem_shared>> -> memref<64x128xf32, #tpu.memory_space<vmem_shared>>
      %dma_start3A_71 = arith.constant 0 : i32
      %dma_start3A_72 = tpu.memref_slice %arg6[%add3A_21, %dma_start3A_71] : memref<10240x128xf32, #tpu.memory_space<vmem_shared>> -> memref<64x128xf32, #tpu.memory_space<vmem_shared>>
      %dma_start3A_73 = arith.constant 0 : i32
      %dma_start3A_74 = arith.constant 0 : i32
      %dma_start3A_75 = tpu.memref_slice %arg9[%run_scoped3A_22, %dma_start3A_73, %dma_start3A_74] : memref<4x64x128xf32, #tpu.memory_space<vmem>> -> memref<1x64x128xf32, #tpu.memory_space<vmem>>
      %dma_start3A_76 = tpu.memref_squeeze %dma_start3A_75 : memref<1x64x128xf32, #tpu.memory_space<vmem>> -> memref<64x128xf32, #tpu.memory_space<vmem>>
      tpu.enqueue_dma source(%dma_start3A_76 : memref<64x128xf32, #tpu.memory_space<vmem>>) target(%dma_start3A_72 : memref<64x128xf32, #tpu.memory_space<vmem_shared>>) target_semaphore(%run_scoped3A_65 : memref<!tpu.dma_semaphore, #tpu.memory_space<semaphore_mem>>)
      %dma_wait3A = arith.constant 0 : i32
      %dma_wait3A_77 = arith.constant 0 : i32
      %dma_wait3A_78 = tpu.memref_slice %arg9[%run_scoped3A_22, %dma_wait3A, %dma_wait3A_77] : memref<4x64x128xf32, #tpu.memory_space<vmem>> -> memref<1x64x128xf32, #tpu.memory_space<vmem>>
      %dma_wait3A_79 = tpu.memref_squeeze %dma_wait3A_78 : memref<1x64x128xf32, #tpu.memory_space<vmem>> -> memref<64x128xf32, #tpu.memory_space<vmem>>
      %dma_wait3A_80 = arith.constant 0 : i32
      %dma_wait3A_81 = tpu.memref_slice %arg6[%add3A_21, %dma_wait3A_80] : memref<10240x128xf32, #tpu.memory_space<vmem_shared>> -> memref<64x128xf32, #tpu.memory_space<vmem_shared>>
      %dma_wait3A_82 = arith.constant 0 : i32
      %dma_wait3A_83 = tpu.memref_slice %arg6[%add3A_21, %dma_wait3A_82] : memref<10240x128xf32, #tpu.memory_space<vmem_shared>> -> memref<64x128xf32, #tpu.memory_space<vmem_shared>>
      %dma_wait3A_84 = arith.constant 0 : i32
      %dma_wait3A_85 = arith.constant 0 : i32
      %dma_wait3A_86 = tpu.memref_slice %arg9[%run_scoped3A_22, %dma_wait3A_84, %dma_wait3A_85] : memref<4x64x128xf32, #tpu.memory_space<vmem>> -> memref<1x64x128xf32, #tpu.memory_space<vmem>>
      %dma_wait3A_87 = tpu.memref_squeeze %dma_wait3A_86 : memref<1x64x128xf32, #tpu.memory_space<vmem>> -> memref<64x128xf32, #tpu.memory_space<vmem>>
      tpu.wait_dma2 semaphore(%run_scoped3A_65 : memref<!tpu.dma_semaphore, #tpu.memory_space<semaphore_mem>>) src(%dma_wait3A_87 : memref<64x128xf32, #tpu.memory_space<vmem>>) dst(%dma_wait3A_83 : memref<64x128xf32, #tpu.memory_space<vmem_shared>>)
      tpu.yield
    }) : () -> ()
    %mul3A_23 = arith.constant 640 : i32
    %mul3A_24 = arith.muli %arg1, %mul3A_23 : i32
    %add3A_25 = arith.constant 256 : i32
    %add3A_26 = arith.addi %mul3A_24, %add3A_25 : i32
    %run_scoped3A_27 = arith.constant 0 : i32
    "tpu.region"() ({
      %run_scoped3A_65 = tpu.sem_alloc : memref<!tpu.dma_semaphore, #tpu.memory_space<semaphore_mem>>
      %dma_start3A = arith.constant 0 : i32
      %dma_start3A_66 = arith.constant 0 : i32
      %dma_start3A_67 = tpu.memref_slice %arg9[%run_scoped3A_27, %dma_start3A, %dma_start3A_66] : memref<4x64x128xf32, #tpu.memory_space<vmem>> -> memref<1x64x128xf32, #tpu.memory_space<vmem>>
      %dma_start3A_68 = tpu.memref_squeeze %dma_start3A_67 : memref<1x64x128xf32, #tpu.memory_space<vmem>> -> memref<64x128xf32, #tpu.memory_space<vmem>>
      %dma_start3A_69 = arith.constant 0 : i32
      %dma_start3A_70 = tpu.memref_slice %arg6[%add3A_26, %dma_start3A_69] : memref<10240x128xf32, #tpu.memory_space<vmem_shared>> -> memref<64x128xf32, #tpu.memory_space<vmem_shared>>
      %dma_start3A_71 = arith.constant 0 : i32
      %dma_start3A_72 = tpu.memref_slice %arg6[%add3A_26, %dma_start3A_71] : memref<10240x128xf32, #tpu.memory_space<vmem_shared>> -> memref<64x128xf32, #tpu.memory_space<vmem_shared>>
      %dma_start3A_73 = arith.constant 0 : i32
      %dma_start3A_74 = arith.constant 0 : i32
      %dma_start3A_75 = tpu.memref_slice %arg9[%run_scoped3A_27, %dma_start3A_73, %dma_start3A_74] : memref<4x64x128xf32, #tpu.memory_space<vmem>> -> memref<1x64x128xf32, #tpu.memory_space<vmem>>
      %dma_start3A_76 = tpu.memref_squeeze %dma_start3A_75 : memref<1x64x128xf32, #tpu.memory_space<vmem>> -> memref<64x128xf32, #tpu.memory_space<vmem>>
      tpu.enqueue_dma source(%dma_start3A_76 : memref<64x128xf32, #tpu.memory_space<vmem>>) target(%dma_start3A_72 : memref<64x128xf32, #tpu.memory_space<vmem_shared>>) target_semaphore(%run_scoped3A_65 : memref<!tpu.dma_semaphore, #tpu.memory_space<semaphore_mem>>)
      %dma_wait3A = arith.constant 0 : i32
      %dma_wait3A_77 = arith.constant 0 : i32
      %dma_wait3A_78 = tpu.memref_slice %arg9[%run_scoped3A_27, %dma_wait3A, %dma_wait3A_77] : memref<4x64x128xf32, #tpu.memory_space<vmem>> -> memref<1x64x128xf32, #tpu.memory_space<vmem>>
      %dma_wait3A_79 = tpu.memref_squeeze %dma_wait3A_78 : memref<1x64x128xf32, #tpu.memory_space<vmem>> -> memref<64x128xf32, #tpu.memory_space<vmem>>
      %dma_wait3A_80 = arith.constant 0 : i32
      %dma_wait3A_81 = tpu.memref_slice %arg6[%add3A_26, %dma_wait3A_80] : memref<10240x128xf32, #tpu.memory_space<vmem_shared>> -> memref<64x128xf32, #tpu.memory_space<vmem_shared>>
      %dma_wait3A_82 = arith.constant 0 : i32
      %dma_wait3A_83 = tpu.memref_slice %arg6[%add3A_26, %dma_wait3A_82] : memref<10240x128xf32, #tpu.memory_space<vmem_shared>> -> memref<64x128xf32, #tpu.memory_space<vmem_shared>>
      %dma_wait3A_84 = arith.constant 0 : i32
      %dma_wait3A_85 = arith.constant 0 : i32
      %dma_wait3A_86 = tpu.memref_slice %arg9[%run_scoped3A_27, %dma_wait3A_84, %dma_wait3A_85] : memref<4x64x128xf32, #tpu.memory_space<vmem>> -> memref<1x64x128xf32, #tpu.memory_space<vmem>>
      %dma_wait3A_87 = tpu.memref_squeeze %dma_wait3A_86 : memref<1x64x128xf32, #tpu.memory_space<vmem>> -> memref<64x128xf32, #tpu.memory_space<vmem>>
      tpu.wait_dma2 semaphore(%run_scoped3A_65 : memref<!tpu.dma_semaphore, #tpu.memory_space<semaphore_mem>>) src(%dma_wait3A_87 : memref<64x128xf32, #tpu.memory_space<vmem>>) dst(%dma_wait3A_83 : memref<64x128xf32, #tpu.memory_space<vmem_shared>>)
      tpu.yield
    }) : () -> ()
    %mul3A_28 = arith.constant 640 : i32
    %mul3A_29 = arith.muli %arg1, %mul3A_28 : i32
    %add3A_30 = arith.constant 320 : i32
    %add3A_31 = arith.addi %mul3A_29, %add3A_30 : i32
    %run_scoped3A_32 = arith.constant 0 : i32
    "tpu.region"() ({
      %run_scoped3A_65 = tpu.sem_alloc : memref<!tpu.dma_semaphore, #tpu.memory_space<semaphore_mem>>
      %dma_start3A = arith.constant 0 : i32
      %dma_start3A_66 = arith.constant 0 : i32
      %dma_start3A_67 = tpu.memref_slice %arg9[%run_scoped3A_32, %dma_start3A, %dma_start3A_66] : memref<4x64x128xf32, #tpu.memory_space<vmem>> -> memref<1x64x128xf32, #tpu.memory_space<vmem>>
      %dma_start3A_68 = tpu.memref_squeeze %dma_start3A_67 : memref<1x64x128xf32, #tpu.memory_space<vmem>> -> memref<64x128xf32, #tpu.memory_space<vmem>>
      %dma_start3A_69 = arith.constant 0 : i32
      %dma_start3A_70 = tpu.memref_slice %arg6[%add3A_31, %dma_start3A_69] : memref<10240x128xf32, #tpu.memory_space<vmem_shared>> -> memref<64x128xf32, #tpu.memory_space<vmem_shared>>
      %dma_start3A_71 = arith.constant 0 : i32
      %dma_start3A_72 = tpu.memref_slice %arg6[%add3A_31, %dma_start3A_71] : memref<10240x128xf32, #tpu.memory_space<vmem_shared>> -> memref<64x128xf32, #tpu.memory_space<vmem_shared>>
      %dma_start3A_73 = arith.constant 0 : i32
      %dma_start3A_74 = arith.constant 0 : i32
      %dma_start3A_75 = tpu.memref_slice %arg9[%run_scoped3A_32, %dma_start3A_73, %dma_start3A_74] : memref<4x64x128xf32, #tpu.memory_space<vmem>> -> memref<1x64x128xf32, #tpu.memory_space<vmem>>
      %dma_start3A_76 = tpu.memref_squeeze %dma_start3A_75 : memref<1x64x128xf32, #tpu.memory_space<vmem>> -> memref<64x128xf32, #tpu.memory_space<vmem>>
      tpu.enqueue_dma source(%dma_start3A_76 : memref<64x128xf32, #tpu.memory_space<vmem>>) target(%dma_start3A_72 : memref<64x128xf32, #tpu.memory_space<vmem_shared>>) target_semaphore(%run_scoped3A_65 : memref<!tpu.dma_semaphore, #tpu.memory_space<semaphore_mem>>)
      %dma_wait3A = arith.constant 0 : i32
      %dma_wait3A_77 = arith.constant 0 : i32
      %dma_wait3A_78 = tpu.memref_slice %arg9[%run_scoped3A_32, %dma_wait3A, %dma_wait3A_77] : memref<4x64x128xf32, #tpu.memory_space<vmem>> -> memref<1x64x128xf32, #tpu.memory_space<vmem>>
      %dma_wait3A_79 = tpu.memref_squeeze %dma_wait3A_78 : memref<1x64x128xf32, #tpu.memory_space<vmem>> -> memref<64x128xf32, #tpu.memory_space<vmem>>
      %dma_wait3A_80 = arith.constant 0 : i32
      %dma_wait3A_81 = tpu.memref_slice %arg6[%add3A_31, %dma_wait3A_80] : memref<10240x128xf32, #tpu.memory_space<vmem_shared>> -> memref<64x128xf32, #tpu.memory_space<vmem_shared>>
      %dma_wait3A_82 = arith.constant 0 : i32
      %dma_wait3A_83 = tpu.memref_slice %arg6[%add3A_31, %dma_wait3A_82] : memref<10240x128xf32, #tpu.memory_space<vmem_shared>> -> memref<64x128xf32, #tpu.memory_space<vmem_shared>>
      %dma_wait3A_84 = arith.constant 0 : i32
      %dma_wait3A_85 = arith.constant 0 : i32
      %dma_wait3A_86 = tpu.memref_slice %arg9[%run_scoped3A_32, %dma_wait3A_84, %dma_wait3A_85] : memref<4x64x128xf32, #tpu.memory_space<vmem>> -> memref<1x64x128xf32, #tpu.memory_space<vmem>>
      %dma_wait3A_87 = tpu.memref_squeeze %dma_wait3A_86 : memref<1x64x128xf32, #tpu.memory_space<vmem>> -> memref<64x128xf32, #tpu.memory_space<vmem>>
      tpu.wait_dma2 semaphore(%run_scoped3A_65 : memref<!tpu.dma_semaphore, #tpu.memory_space<semaphore_mem>>) src(%dma_wait3A_87 : memref<64x128xf32, #tpu.memory_space<vmem>>) dst(%dma_wait3A_83 : memref<64x128xf32, #tpu.memory_space<vmem_shared>>)
      tpu.yield
    }) : () -> ()
    %mul3A_33 = arith.constant 640 : i32
    %mul3A_34 = arith.muli %arg1, %mul3A_33 : i32
    %add3A_35 = arith.constant 384 : i32
    %add3A_36 = arith.addi %mul3A_34, %add3A_35 : i32
    %run_scoped3A_37 = arith.constant 0 : i32
    "tpu.region"() ({
      %run_scoped3A_65 = tpu.sem_alloc : memref<!tpu.dma_semaphore, #tpu.memory_space<semaphore_mem>>
      %dma_start3A = arith.constant 0 : i32
      %dma_start3A_66 = arith.constant 0 : i32
      %dma_start3A_67 = tpu.memref_slice %arg9[%run_scoped3A_37, %dma_start3A, %dma_start3A_66] : memref<4x64x128xf32, #tpu.memory_space<vmem>> -> memref<1x64x128xf32, #tpu.memory_space<vmem>>
      %dma_start3A_68 = tpu.memref_squeeze %dma_start3A_67 : memref<1x64x128xf32, #tpu.memory_space<vmem>> -> memref<64x128xf32, #tpu.memory_space<vmem>>
      %dma_start3A_69 = arith.constant 0 : i32
      %dma_start3A_70 = tpu.memref_slice %arg6[%add3A_36, %dma_start3A_69] : memref<10240x128xf32, #tpu.memory_space<vmem_shared>> -> memref<64x128xf32, #tpu.memory_space<vmem_shared>>
      %dma_start3A_71 = arith.constant 0 : i32
      %dma_start3A_72 = tpu.memref_slice %arg6[%add3A_36, %dma_start3A_71] : memref<10240x128xf32, #tpu.memory_space<vmem_shared>> -> memref<64x128xf32, #tpu.memory_space<vmem_shared>>
      %dma_start3A_73 = arith.constant 0 : i32
      %dma_start3A_74 = arith.constant 0 : i32
      %dma_start3A_75 = tpu.memref_slice %arg9[%run_scoped3A_37, %dma_start3A_73, %dma_start3A_74] : memref<4x64x128xf32, #tpu.memory_space<vmem>> -> memref<1x64x128xf32, #tpu.memory_space<vmem>>
      %dma_start3A_76 = tpu.memref_squeeze %dma_start3A_75 : memref<1x64x128xf32, #tpu.memory_space<vmem>> -> memref<64x128xf32, #tpu.memory_space<vmem>>
      tpu.enqueue_dma source(%dma_start3A_76 : memref<64x128xf32, #tpu.memory_space<vmem>>) target(%dma_start3A_72 : memref<64x128xf32, #tpu.memory_space<vmem_shared>>) target_semaphore(%run_scoped3A_65 : memref<!tpu.dma_semaphore, #tpu.memory_space<semaphore_mem>>)
      %dma_wait3A = arith.constant 0 : i32
      %dma_wait3A_77 = arith.constant 0 : i32
      %dma_wait3A_78 = tpu.memref_slice %arg9[%run_scoped3A_37, %dma_wait3A, %dma_wait3A_77] : memref<4x64x128xf32, #tpu.memory_space<vmem>> -> memref<1x64x128xf32, #tpu.memory_space<vmem>>
      %dma_wait3A_79 = tpu.memref_squeeze %dma_wait3A_78 : memref<1x64x128xf32, #tpu.memory_space<vmem>> -> memref<64x128xf32, #tpu.memory_space<vmem>>
      %dma_wait3A_80 = arith.constant 0 : i32
      %dma_wait3A_81 = tpu.memref_slice %arg6[%add3A_36, %dma_wait3A_80] : memref<10240x128xf32, #tpu.memory_space<vmem_shared>> -> memref<64x128xf32, #tpu.memory_space<vmem_shared>>
      %dma_wait3A_82 = arith.constant 0 : i32
      %dma_wait3A_83 = tpu.memref_slice %arg6[%add3A_36, %dma_wait3A_82] : memref<10240x128xf32, #tpu.memory_space<vmem_shared>> -> memref<64x128xf32, #tpu.memory_space<vmem_shared>>
      %dma_wait3A_84 = arith.constant 0 : i32
      %dma_wait3A_85 = arith.constant 0 : i32
      %dma_wait3A_86 = tpu.memref_slice %arg9[%run_scoped3A_37, %dma_wait3A_84, %dma_wait3A_85] : memref<4x64x128xf32, #tpu.memory_space<vmem>> -> memref<1x64x128xf32, #tpu.memory_space<vmem>>
      %dma_wait3A_87 = tpu.memref_squeeze %dma_wait3A_86 : memref<1x64x128xf32, #tpu.memory_space<vmem>> -> memref<64x128xf32, #tpu.memory_space<vmem>>
      tpu.wait_dma2 semaphore(%run_scoped3A_65 : memref<!tpu.dma_semaphore, #tpu.memory_space<semaphore_mem>>) src(%dma_wait3A_87 : memref<64x128xf32, #tpu.memory_space<vmem>>) dst(%dma_wait3A_83 : memref<64x128xf32, #tpu.memory_space<vmem_shared>>)
      tpu.yield
    }) : () -> ()
    %mul3A_38 = arith.constant 640 : i32
    %mul3A_39 = arith.muli %arg1, %mul3A_38 : i32
    %add3A_40 = arith.constant 448 : i32
    %add3A_41 = arith.addi %mul3A_39, %add3A_40 : i32
    %run_scoped3A_42 = arith.constant 0 : i32
    "tpu.region"() ({
      %run_scoped3A_65 = tpu.sem_alloc : memref<!tpu.dma_semaphore, #tpu.memory_space<semaphore_mem>>
      %dma_start3A = arith.constant 0 : i32
      %dma_start3A_66 = arith.constant 0 : i32
      %dma_start3A_67 = tpu.memref_slice %arg9[%run_scoped3A_42, %dma_start3A, %dma_start3A_66] : memref<4x64x128xf32, #tpu.memory_space<vmem>> -> memref<1x64x128xf32, #tpu.memory_space<vmem>>
      %dma_start3A_68 = tpu.memref_squeeze %dma_start3A_67 : memref<1x64x128xf32, #tpu.memory_space<vmem>> -> memref<64x128xf32, #tpu.memory_space<vmem>>
      %dma_start3A_69 = arith.constant 0 : i32
      %dma_start3A_70 = tpu.memref_slice %arg6[%add3A_41, %dma_start3A_69] : memref<10240x128xf32, #tpu.memory_space<vmem_shared>> -> memref<64x128xf32, #tpu.memory_space<vmem_shared>>
      %dma_start3A_71 = arith.constant 0 : i32
      %dma_start3A_72 = tpu.memref_slice %arg6[%add3A_41, %dma_start3A_71] : memref<10240x128xf32, #tpu.memory_space<vmem_shared>> -> memref<64x128xf32, #tpu.memory_space<vmem_shared>>
      %dma_start3A_73 = arith.constant 0 : i32
      %dma_start3A_74 = arith.constant 0 : i32
      %dma_start3A_75 = tpu.memref_slice %arg9[%run_scoped3A_42, %dma_start3A_73, %dma_start3A_74] : memref<4x64x128xf32, #tpu.memory_space<vmem>> -> memref<1x64x128xf32, #tpu.memory_space<vmem>>
      %dma_start3A_76 = tpu.memref_squeeze %dma_start3A_75 : memref<1x64x128xf32, #tpu.memory_space<vmem>> -> memref<64x128xf32, #tpu.memory_space<vmem>>
      tpu.enqueue_dma source(%dma_start3A_76 : memref<64x128xf32, #tpu.memory_space<vmem>>) target(%dma_start3A_72 : memref<64x128xf32, #tpu.memory_space<vmem_shared>>) target_semaphore(%run_scoped3A_65 : memref<!tpu.dma_semaphore, #tpu.memory_space<semaphore_mem>>)
      %dma_wait3A = arith.constant 0 : i32
      %dma_wait3A_77 = arith.constant 0 : i32
      %dma_wait3A_78 = tpu.memref_slice %arg9[%run_scoped3A_42, %dma_wait3A, %dma_wait3A_77] : memref<4x64x128xf32, #tpu.memory_space<vmem>> -> memref<1x64x128xf32, #tpu.memory_space<vmem>>
      %dma_wait3A_79 = tpu.memref_squeeze %dma_wait3A_78 : memref<1x64x128xf32, #tpu.memory_space<vmem>> -> memref<64x128xf32, #tpu.memory_space<vmem>>
      %dma_wait3A_80 = arith.constant 0 : i32
      %dma_wait3A_81 = tpu.memref_slice %arg6[%add3A_41, %dma_wait3A_80] : memref<10240x128xf32, #tpu.memory_space<vmem_shared>> -> memref<64x128xf32, #tpu.memory_space<vmem_shared>>
      %dma_wait3A_82 = arith.constant 0 : i32
      %dma_wait3A_83 = tpu.memref_slice %arg6[%add3A_41, %dma_wait3A_82] : memref<10240x128xf32, #tpu.memory_space<vmem_shared>> -> memref<64x128xf32, #tpu.memory_space<vmem_shared>>
      %dma_wait3A_84 = arith.constant 0 : i32
      %dma_wait3A_85 = arith.constant 0 : i32
      %dma_wait3A_86 = tpu.memref_slice %arg9[%run_scoped3A_42, %dma_wait3A_84, %dma_wait3A_85] : memref<4x64x128xf32, #tpu.memory_space<vmem>> -> memref<1x64x128xf32, #tpu.memory_space<vmem>>
      %dma_wait3A_87 = tpu.memref_squeeze %dma_wait3A_86 : memref<1x64x128xf32, #tpu.memory_space<vmem>> -> memref<64x128xf32, #tpu.memory_space<vmem>>
      tpu.wait_dma2 semaphore(%run_scoped3A_65 : memref<!tpu.dma_semaphore, #tpu.memory_space<semaphore_mem>>) src(%dma_wait3A_87 : memref<64x128xf32, #tpu.memory_space<vmem>>) dst(%dma_wait3A_83 : memref<64x128xf32, #tpu.memory_space<vmem_shared>>)
      tpu.yield
    }) : () -> ()
    %mul3A_43 = arith.constant 640 : i32
    %mul3A_44 = arith.muli %arg1, %mul3A_43 : i32
    %add3A_45 = arith.constant 512 : i32
    %add3A_46 = arith.addi %mul3A_44, %add3A_45 : i32
    %run_scoped3A_47 = arith.constant 0 : i32
    "tpu.region"() ({
      %run_scoped3A_65 = tpu.sem_alloc : memref<!tpu.dma_semaphore, #tpu.memory_space<semaphore_mem>>
      %dma_start3A = arith.constant 0 : i32
      %dma_start3A_66 = arith.constant 0 : i32
      %dma_start3A_67 = tpu.memref_slice %arg9[%run_scoped3A_47, %dma_start3A, %dma_start3A_66] : memref<4x64x128xf32, #tpu.memory_space<vmem>> -> memref<1x64x128xf32, #tpu.memory_space<vmem>>
      %dma_start3A_68 = tpu.memref_squeeze %dma_start3A_67 : memref<1x64x128xf32, #tpu.memory_space<vmem>> -> memref<64x128xf32, #tpu.memory_space<vmem>>
      %dma_start3A_69 = arith.constant 0 : i32
      %dma_start3A_70 = tpu.memref_slice %arg6[%add3A_46, %dma_start3A_69] : memref<10240x128xf32, #tpu.memory_space<vmem_shared>> -> memref<64x128xf32, #tpu.memory_space<vmem_shared>>
      %dma_start3A_71 = arith.constant 0 : i32
      %dma_start3A_72 = tpu.memref_slice %arg6[%add3A_46, %dma_start3A_71] : memref<10240x128xf32, #tpu.memory_space<vmem_shared>> -> memref<64x128xf32, #tpu.memory_space<vmem_shared>>
      %dma_start3A_73 = arith.constant 0 : i32
      %dma_start3A_74 = arith.constant 0 : i32
      %dma_start3A_75 = tpu.memref_slice %arg9[%run_scoped3A_47, %dma_start3A_73, %dma_start3A_74] : memref<4x64x128xf32, #tpu.memory_space<vmem>> -> memref<1x64x128xf32, #tpu.memory_space<vmem>>
      %dma_start3A_76 = tpu.memref_squeeze %dma_start3A_75 : memref<1x64x128xf32, #tpu.memory_space<vmem>> -> memref<64x128xf32, #tpu.memory_space<vmem>>
      tpu.enqueue_dma source(%dma_start3A_76 : memref<64x128xf32, #tpu.memory_space<vmem>>) target(%dma_start3A_72 : memref<64x128xf32, #tpu.memory_space<vmem_shared>>) target_semaphore(%run_scoped3A_65 : memref<!tpu.dma_semaphore, #tpu.memory_space<semaphore_mem>>)
      %dma_wait3A = arith.constant 0 : i32
      %dma_wait3A_77 = arith.constant 0 : i32
      %dma_wait3A_78 = tpu.memref_slice %arg9[%run_scoped3A_47, %dma_wait3A, %dma_wait3A_77] : memref<4x64x128xf32, #tpu.memory_space<vmem>> -> memref<1x64x128xf32, #tpu.memory_space<vmem>>
      %dma_wait3A_79 = tpu.memref_squeeze %dma_wait3A_78 : memref<1x64x128xf32, #tpu.memory_space<vmem>> -> memref<64x128xf32, #tpu.memory_space<vmem>>
      %dma_wait3A_80 = arith.constant 0 : i32
      %dma_wait3A_81 = tpu.memref_slice %arg6[%add3A_46, %dma_wait3A_80] : memref<10240x128xf32, #tpu.memory_space<vmem_shared>> -> memref<64x128xf32, #tpu.memory_space<vmem_shared>>
      %dma_wait3A_82 = arith.constant 0 : i32
      %dma_wait3A_83 = tpu.memref_slice %arg6[%add3A_46, %dma_wait3A_82] : memref<10240x128xf32, #tpu.memory_space<vmem_shared>> -> memref<64x128xf32, #tpu.memory_space<vmem_shared>>
      %dma_wait3A_84 = arith.constant 0 : i32
      %dma_wait3A_85 = arith.constant 0 : i32
      %dma_wait3A_86 = tpu.memref_slice %arg9[%run_scoped3A_47, %dma_wait3A_84, %dma_wait3A_85] : memref<4x64x128xf32, #tpu.memory_space<vmem>> -> memref<1x64x128xf32, #tpu.memory_space<vmem>>
      %dma_wait3A_87 = tpu.memref_squeeze %dma_wait3A_86 : memref<1x64x128xf32, #tpu.memory_space<vmem>> -> memref<64x128xf32, #tpu.memory_space<vmem>>
      tpu.wait_dma2 semaphore(%run_scoped3A_65 : memref<!tpu.dma_semaphore, #tpu.memory_space<semaphore_mem>>) src(%dma_wait3A_87 : memref<64x128xf32, #tpu.memory_space<vmem>>) dst(%dma_wait3A_83 : memref<64x128xf32, #tpu.memory_space<vmem_shared>>)
      tpu.yield
    }) : () -> ()
    %mul3A_48 = arith.constant 640 : i32
    %mul3A_49 = arith.muli %arg1, %mul3A_48 : i32
    %add3A_50 = arith.constant 576 : i32
    %add3A_51 = arith.addi %mul3A_49, %add3A_50 : i32
    %run_scoped3A_52 = arith.constant 0 : i32
    "tpu.region"() ({
      %run_scoped3A_65 = tpu.sem_alloc : memref<!tpu.dma_semaphore, #tpu.memory_space<semaphore_mem>>
      %dma_start3A = arith.constant 0 : i32
      %dma_start3A_66 = arith.constant 0 : i32
      %dma_start3A_67 = tpu.memref_slice %arg9[%run_scoped3A_52, %dma_start3A, %dma_start3A_66] : memref<4x64x128xf32, #tpu.memory_space<vmem>> -> memref<1x64x128xf32, #tpu.memory_space<vmem>>
      %dma_start3A_68 = tpu.memref_squeeze %dma_start3A_67 : memref<1x64x128xf32, #tpu.memory_space<vmem>> -> memref<64x128xf32, #tpu.memory_space<vmem>>
      %dma_start3A_69 = arith.constant 0 : i32
      %dma_start3A_70 = tpu.memref_slice %arg6[%add3A_51, %dma_start3A_69] : memref<10240x128xf32, #tpu.memory_space<vmem_shared>> -> memref<64x128xf32, #tpu.memory_space<vmem_shared>>
      %dma_start3A_71 = arith.constant 0 : i32
      %dma_start3A_72 = tpu.memref_slice %arg6[%add3A_51, %dma_start3A_71] : memref<10240x128xf32, #tpu.memory_space<vmem_shared>> -> memref<64x128xf32, #tpu.memory_space<vmem_shared>>
      %dma_start3A_73 = arith.constant 0 : i32
      %dma_start3A_74 = arith.constant 0 : i32
      %dma_start3A_75 = tpu.memref_slice %arg9[%run_scoped3A_52, %dma_start3A_73, %dma_start3A_74] : memref<4x64x128xf32, #tpu.memory_space<vmem>> -> memref<1x64x128xf32, #tpu.memory_space<vmem>>
      %dma_start3A_76 = tpu.memref_squeeze %dma_start3A_75 : memref<1x64x128xf32, #tpu.memory_space<vmem>> -> memref<64x128xf32, #tpu.memory_space<vmem>>
      tpu.enqueue_dma source(%dma_start3A_76 : memref<64x128xf32, #tpu.memory_space<vmem>>) target(%dma_start3A_72 : memref<64x128xf32, #tpu.memory_space<vmem_shared>>) target_semaphore(%run_scoped3A_65 : memref<!tpu.dma_semaphore, #tpu.memory_space<semaphore_mem>>)
      %dma_wait3A = arith.constant 0 : i32
      %dma_wait3A_77 = arith.constant 0 : i32
      %dma_wait3A_78 = tpu.memref_slice %arg9[%run_scoped3A_52, %dma_wait3A, %dma_wait3A_77] : memref<4x64x128xf32, #tpu.memory_space<vmem>> -> memref<1x64x128xf32, #tpu.memory_space<vmem>>
      %dma_wait3A_79 = tpu.memref_squeeze %dma_wait3A_78 : memref<1x64x128xf32, #tpu.memory_space<vmem>> -> memref<64x128xf32, #tpu.memory_space<vmem>>
      %dma_wait3A_80 = arith.constant 0 : i32
      %dma_wait3A_81 = tpu.memref_slice %arg6[%add3A_51, %dma_wait3A_80] : memref<10240x128xf32, #tpu.memory_space<vmem_shared>> -> memref<64x128xf32, #tpu.memory_space<vmem_shared>>
      %dma_wait3A_82 = arith.constant 0 : i32
      %dma_wait3A_83 = tpu.memref_slice %arg6[%add3A_51, %dma_wait3A_82] : memref<10240x128xf32, #tpu.memory_space<vmem_shared>> -> memref<64x128xf32, #tpu.memory_space<vmem_shared>>
      %dma_wait3A_84 = arith.constant 0 : i32
      %dma_wait3A_85 = arith.constant 0 : i32
      %dma_wait3A_86 = tpu.memref_slice %arg9[%run_scoped3A_52, %dma_wait3A_84, %dma_wait3A_85] : memref<4x64x128xf32, #tpu.memory_space<vmem>> -> memref<1x64x128xf32, #tpu.memory_space<vmem>>
      %dma_wait3A_87 = tpu.memref_squeeze %dma_wait3A_86 : memref<1x64x128xf32, #tpu.memory_space<vmem>> -> memref<64x128xf32, #tpu.memory_space<vmem>>
      tpu.wait_dma2 semaphore(%run_scoped3A_65 : memref<!tpu.dma_semaphore, #tpu.memory_space<semaphore_mem>>) src(%dma_wait3A_87 : memref<64x128xf32, #tpu.memory_space<vmem>>) dst(%dma_wait3A_83 : memref<64x128xf32, #tpu.memory_space<vmem_shared>>)
      tpu.yield
    }) : () -> ()
    %barrier3A = arith.constant 0 : index
    tpu.barrier barrier_id(%barrier3A)
    %mul3A_53 = arith.constant 320 : i32
    %mul3A_54 = arith.muli %arg1, %mul3A_53 : i32
    %scan3A_55 = arith.constant 0 : i32
    %scan3A_56 = arith.constant 20 : i32
    %scan3A_57 = arith.addi %scan3A_55, %scan3A_56 : i32
    %scan3A_58 = arith.constant 1 : i32
    scf.for %scan3A_65 = %scan3A_55 to %scan3A_57 step %scan3A_58  : i32 {
      %mul3A_66 = arith.constant 1 : i32
      %mul3A_67 = arith.muli %scan3A_65, %mul3A_66 : i32
      %add3A_68 = arith.constant 0 : i32
      %add3A_69 = arith.addi %add3A_68, %mul3A_67 : i32
      %mul3A_70 = arith.constant 16 : i32
      %mul3A_71 = arith.muli %add3A_69, %mul3A_70 : i32
      %add3A_72 = arith.addi %mul3A_54, %mul3A_71 : i32
      "tpu.region"() ({
        %run_scoped3A_839 = tpu.sem_alloc : memref<!tpu.dma_semaphore, #tpu.memory_space<semaphore_mem>>
        %dma_start3A_840 = arith.constant 0 : i32
        %dma_start3A_841 = tpu.memref_slice %arg3[%arg0, %add3A_72, %dma_start3A_840] : memref<2x5120x64xi32, #tpu.memory_space<hbm>> -> memref<1x16x64xi32, #tpu.memory_space<hbm>>
        %dma_start3A_842 = tpu.memref_squeeze %dma_start3A_841 : memref<1x16x64xi32, #tpu.memory_space<hbm>> -> memref<16x64xi32, #tpu.memory_space<hbm>>
        %dma_start3A_843 = arith.constant 0 : i32
        %dma_start3A_844 = tpu.memref_slice %arg3[%arg0, %add3A_72, %dma_start3A_843] : memref<2x5120x64xi32, #tpu.memory_space<hbm>> -> memref<1x16x64xi32, #tpu.memory_space<hbm>>
        %dma_start3A_845 = tpu.memref_squeeze %dma_start3A_844 : memref<1x16x64xi32, #tpu.memory_space<hbm>> -> memref<16x64xi32, #tpu.memory_space<hbm>>
        tpu.enqueue_dma source(%dma_start3A_845 : memref<16x64xi32, #tpu.memory_space<hbm>>) target(%arg7 : memref<16x64xi32, #tpu.memory_space<vmem>>) target_semaphore(%run_scoped3A_839 : memref<!tpu.dma_semaphore, #tpu.memory_space<semaphore_mem>>)
        %dma_wait3A_846 = arith.constant 0 : i32
        %dma_wait3A_847 = tpu.memref_slice %arg3[%arg0, %add3A_72, %dma_wait3A_846] : memref<2x5120x64xi32, #tpu.memory_space<hbm>> -> memref<1x16x64xi32, #tpu.memory_space<hbm>>
        %dma_wait3A_848 = tpu.memref_squeeze %dma_wait3A_847 : memref<1x16x64xi32, #tpu.memory_space<hbm>> -> memref<16x64xi32, #tpu.memory_space<hbm>>
        %dma_wait3A_849 = arith.constant 0 : i32
        %dma_wait3A_850 = tpu.memref_slice %arg3[%arg0, %add3A_72, %dma_wait3A_849] : memref<2x5120x64xi32, #tpu.memory_space<hbm>> -> memref<1x16x64xi32, #tpu.memory_space<hbm>>
        %dma_wait3A_851 = tpu.memref_squeeze %dma_wait3A_850 : memref<1x16x64xi32, #tpu.memory_space<hbm>> -> memref<16x64xi32, #tpu.memory_space<hbm>>
        tpu.wait_dma2 semaphore(%run_scoped3A_839 : memref<!tpu.dma_semaphore, #tpu.memory_space<semaphore_mem>>) src(%dma_wait3A_851 : memref<16x64xi32, #tpu.memory_space<hbm>>) dst(%arg7 : memref<16x64xi32, #tpu.memory_space<vmem>>)
        tpu.yield
      }) : () -> ()
      "tpu.region"() ({
        %run_scoped3A_839 = tpu.sem_alloc : memref<!tpu.dma_semaphore, #tpu.memory_space<semaphore_mem>>
        %dma_start3A_840 = arith.constant 0 : i32
        %dma_start3A_841 = tpu.memref_slice %arg4[%add3A_72, %dma_start3A_840] : memref<5120x64xi32, #tpu.memory_space<hbm>> -> memref<16x64xi32, #tpu.memory_space<hbm>>
        %dma_start3A_842 = arith.constant 0 : i32
        %dma_start3A_843 = tpu.memref_slice %arg4[%add3A_72, %dma_start3A_842] : memref<5120x64xi32, #tpu.memory_space<hbm>> -> memref<16x64xi32, #tpu.memory_space<hbm>>
        tpu.enqueue_dma source(%dma_start3A_843 : memref<16x64xi32, #tpu.memory_space<hbm>>) target(%arg8 : memref<16x64xi32, #tpu.memory_space<vmem>>) target_semaphore(%run_scoped3A_839 : memref<!tpu.dma_semaphore, #tpu.memory_space<semaphore_mem>>)
        %dma_wait3A_844 = arith.constant 0 : i32
        %dma_wait3A_845 = tpu.memref_slice %arg4[%add3A_72, %dma_wait3A_844] : memref<5120x64xi32, #tpu.memory_space<hbm>> -> memref<16x64xi32, #tpu.memory_space<hbm>>
        %dma_wait3A_846 = arith.constant 0 : i32
        %dma_wait3A_847 = tpu.memref_slice %arg4[%add3A_72, %dma_wait3A_846] : memref<5120x64xi32, #tpu.memory_space<hbm>> -> memref<16x64xi32, #tpu.memory_space<hbm>>
        tpu.wait_dma2 semaphore(%run_scoped3A_839 : memref<!tpu.dma_semaphore, #tpu.memory_space<semaphore_mem>>) src(%dma_wait3A_847 : memref<16x64xi32, #tpu.memory_space<hbm>>) dst(%arg8 : memref<16x64xi32, #tpu.memory_space<vmem>>)
        tpu.yield
      }) : () -> ()
      %dma_start3A = arith.constant 0 : i32
      %dma_start3A_73 = arith.constant 0 : i32
      %dma_start3A_74 = arith.constant 0 : i32
      %dma_start3A_75 = arith.constant 0 : i32
      %dma_start3A_76 = tpu.memref_slice %arg9[%dma_start3A_73, %dma_start3A_74, %dma_start3A_75] : memref<4x64x128xf32, #tpu.memory_space<vmem>> -> memref<1x64x128xf32, #tpu.memory_space<vmem>>
      %dma_start3A_77 = tpu.memref_squeeze %dma_start3A_76 : memref<1x64x128xf32, #tpu.memory_space<vmem>> -> memref<64x128xf32, #tpu.memory_space<vmem>>
      %dma_start3A_78 = arith.constant 0 : i32
      %dma_start3A_79 = tpu.memref_slice %arg7[%dma_start3A, %dma_start3A_78] : memref<16x64xi32, #tpu.memory_space<vmem>> -> memref<1x64xi32, #tpu.memory_space<vmem>>
      %dma_start3A_80 = tpu.memref_squeeze %dma_start3A_79 : memref<1x64xi32, #tpu.memory_space<vmem>> -> memref<64xi32, #tpu.memory_space<vmem>>
      %dma_start3A_81 = arith.constant 0 : i32
      %dma_start3A_82 = arith.constant 0 : i32
      %dma_start3A_83 = tpu.memref_slice %arg2[%dma_start3A_81, %dma_start3A_82] : memref<20480x128xf32, #tpu.memory_space<hbm>> -> memref<20480x128xf32, #tpu.memory_space<hbm>>
      tpu.enqueue_indirect_dma source(%dma_start3A_83 : memref<20480x128xf32, #tpu.memory_space<hbm>>) target(%dma_start3A_77 : memref<64x128xf32, #tpu.memory_space<vmem>>) offsets(%dma_start3A_80 : memref<64xi32, #tpu.memory_space<vmem>>) semaphore(%arg10 : memref<!tpu.dma_semaphore, #tpu.memory_space<semaphore_mem>>)
      %dma_start3A_84 = arith.constant 1 : i32
      %dma_start3A_85 = arith.constant 1 : i32
      %dma_start3A_86 = arith.constant 0 : i32
      %dma_start3A_87 = arith.constant 0 : i32
      %dma_start3A_88 = tpu.memref_slice %arg9[%dma_start3A_85, %dma_start3A_86, %dma_start3A_87] : memref<4x64x128xf32, #tpu.memory_space<vmem>> -> memref<1x64x128xf32, #tpu.memory_space<vmem>>
      %dma_start3A_89 = tpu.memref_squeeze %dma_start3A_88 : memref<1x64x128xf32, #tpu.memory_space<vmem>> -> memref<64x128xf32, #tpu.memory_space<vmem>>
      %dma_start3A_90 = arith.constant 0 : i32
      %dma_start3A_91 = tpu.memref_slice %arg7[%dma_start3A_84, %dma_start3A_90] : memref<16x64xi32, #tpu.memory_space<vmem>> -> memref<1x64xi32, #tpu.memory_space<vmem>>
      %dma_start3A_92 = tpu.memref_squeeze %dma_start3A_91 : memref<1x64xi32, #tpu.memory_space<vmem>> -> memref<64xi32, #tpu.memory_space<vmem>>
      %dma_start3A_93 = arith.constant 0 : i32
      %dma_start3A_94 = arith.constant 0 : i32
      %dma_start3A_95 = tpu.memref_slice %arg2[%dma_start3A_93, %dma_start3A_94] : memref<20480x128xf32, #tpu.memory_space<hbm>> -> memref<20480x128xf32, #tpu.memory_space<hbm>>
      tpu.enqueue_indirect_dma source(%dma_start3A_95 : memref<20480x128xf32, #tpu.memory_space<hbm>>) target(%dma_start3A_89 : memref<64x128xf32, #tpu.memory_space<vmem>>) offsets(%dma_start3A_92 : memref<64xi32, #tpu.memory_space<vmem>>) semaphore(%arg11 : memref<!tpu.dma_semaphore, #tpu.memory_space<semaphore_mem>>)
      %dma_start3A_96 = arith.constant 2 : i32
      %dma_start3A_97 = arith.constant 2 : i32
      %dma_start3A_98 = arith.constant 0 : i32
      %dma_start3A_99 = arith.constant 0 : i32
      %dma_start3A_100 = tpu.memref_slice %arg9[%dma_start3A_97, %dma_start3A_98, %dma_start3A_99] : memref<4x64x128xf32, #tpu.memory_space<vmem>> -> memref<1x64x128xf32, #tpu.memory_space<vmem>>
      %dma_start3A_101 = tpu.memref_squeeze %dma_start3A_100 : memref<1x64x128xf32, #tpu.memory_space<vmem>> -> memref<64x128xf32, #tpu.memory_space<vmem>>
      %dma_start3A_102 = arith.constant 0 : i32
      %dma_start3A_103 = tpu.memref_slice %arg7[%dma_start3A_96, %dma_start3A_102] : memref<16x64xi32, #tpu.memory_space<vmem>> -> memref<1x64xi32, #tpu.memory_space<vmem>>
      %dma_start3A_104 = tpu.memref_squeeze %dma_start3A_103 : memref<1x64xi32, #tpu.memory_space<vmem>> -> memref<64xi32, #tpu.memory_space<vmem>>
      %dma_start3A_105 = arith.constant 0 : i32
      %dma_start3A_106 = arith.constant 0 : i32
      %dma_start3A_107 = tpu.memref_slice %arg2[%dma_start3A_105, %dma_start3A_106] : memref<20480x128xf32, #tpu.memory_space<hbm>> -> memref<20480x128xf32, #tpu.memory_space<hbm>>
      tpu.enqueue_indirect_dma source(%dma_start3A_107 : memref<20480x128xf32, #tpu.memory_space<hbm>>) target(%dma_start3A_101 : memref<64x128xf32, #tpu.memory_space<vmem>>) offsets(%dma_start3A_104 : memref<64xi32, #tpu.memory_space<vmem>>) semaphore(%arg12 : memref<!tpu.dma_semaphore, #tpu.memory_space<semaphore_mem>>)
      %dma_wait3A = arith.constant 0 : i32
      %dma_wait3A_108 = arith.constant 0 : i32
      %dma_wait3A_109 = arith.constant 0 : i32
      %dma_wait3A_110 = arith.constant 0 : i32
      %dma_wait3A_111 = tpu.memref_slice %arg9[%dma_wait3A_108, %dma_wait3A_109, %dma_wait3A_110] : memref<4x64x128xf32, #tpu.memory_space<vmem>> -> memref<1x64x128xf32, #tpu.memory_space<vmem>>
      %dma_wait3A_112 = tpu.memref_squeeze %dma_wait3A_111 : memref<1x64x128xf32, #tpu.memory_space<vmem>> -> memref<64x128xf32, #tpu.memory_space<vmem>>
      %dma_wait3A_113 = arith.constant 0 : i32
      %dma_wait3A_114 = tpu.memref_slice %arg7[%dma_wait3A, %dma_wait3A_113] : memref<16x64xi32, #tpu.memory_space<vmem>> -> memref<1x64xi32, #tpu.memory_space<vmem>>
      %dma_wait3A_115 = tpu.memref_squeeze %dma_wait3A_114 : memref<1x64xi32, #tpu.memory_space<vmem>> -> memref<64xi32, #tpu.memory_space<vmem>>
      %dma_wait3A_116 = arith.constant 0 : i32
      %dma_wait3A_117 = arith.constant 0 : i32
      %dma_wait3A_118 = tpu.memref_slice %arg2[%dma_wait3A_116, %dma_wait3A_117] : memref<20480x128xf32, #tpu.memory_space<hbm>> -> memref<20480x128xf32, #tpu.memory_space<hbm>>
      tpu.wait_indirect_dma semaphore(%arg10 : memref<!tpu.dma_semaphore, #tpu.memory_space<semaphore_mem>>) src(%dma_wait3A_118 : memref<20480x128xf32, #tpu.memory_space<hbm>>) dst(%dma_wait3A_112 : memref<64x128xf32, #tpu.memory_space<vmem>>)
      %dma_start3A_119 = arith.constant 0 : i32
      %dma_start3A_120 = arith.constant 0 : i32
      %dma_start3A_121 = arith.constant 0 : i32
      %dma_start3A_122 = arith.constant 0 : i32
      %dma_start3A_123 = tpu.memref_slice %arg9[%dma_start3A_119, %dma_start3A_121, %dma_start3A_122] : memref<4x64x128xf32, #tpu.memory_space<vmem>> -> memref<1x64x128xf32, #tpu.memory_space<vmem>>
      %dma_start3A_124 = tpu.memref_squeeze %dma_start3A_123 : memref<1x64x128xf32, #tpu.memory_space<vmem>> -> memref<64x128xf32, #tpu.memory_space<vmem>>
      %dma_start3A_125 = arith.constant 0 : i32
      %dma_start3A_126 = tpu.memref_slice %arg8[%dma_start3A_120, %dma_start3A_125] : memref<16x64xi32, #tpu.memory_space<vmem>> -> memref<1x64xi32, #tpu.memory_space<vmem>>
      %dma_start3A_127 = tpu.memref_squeeze %dma_start3A_126 : memref<1x64xi32, #tpu.memory_space<vmem>> -> memref<64xi32, #tpu.memory_space<vmem>>
      %dma_start3A_128 = arith.constant 0 : i32
      %dma_start3A_129 = arith.constant 0 : i32
      %dma_start3A_130 = tpu.memref_slice %arg6[%dma_start3A_128, %dma_start3A_129] : memref<10240x128xf32, #tpu.memory_space<vmem_shared>> -> memref<10240x128xf32, #tpu.memory_space<vmem_shared>>
      tpu.enqueue_indirect_dma source(%dma_start3A_124 : memref<64x128xf32, #tpu.memory_space<vmem>>) target(%dma_start3A_130 : memref<10240x128xf32, #tpu.memory_space<vmem_shared>>) offsets(%dma_start3A_127 : memref<64xi32, #tpu.memory_space<vmem>>) semaphore(%arg14 : memref<!tpu.dma_semaphore, #tpu.memory_space<semaphore_mem>>) {add = true}
      %dma_start3A_131 = arith.constant 3 : i32
      %dma_start3A_132 = arith.constant 3 : i32
      %dma_start3A_133 = arith.constant 0 : i32
      %dma_start3A_134 = arith.constant 0 : i32
      %dma_start3A_135 = tpu.memref_slice %arg9[%dma_start3A_132, %dma_start3A_133, %dma_start3A_134] : memref<4x64x128xf32, #tpu.memory_space<vmem>> -> memref<1x64x128xf32, #tpu.memory_space<vmem>>
      %dma_start3A_136 = tpu.memref_squeeze %dma_start3A_135 : memref<1x64x128xf32, #tpu.memory_space<vmem>> -> memref<64x128xf32, #tpu.memory_space<vmem>>
      %dma_start3A_137 = arith.constant 0 : i32
      %dma_start3A_138 = tpu.memref_slice %arg7[%dma_start3A_131, %dma_start3A_137] : memref<16x64xi32, #tpu.memory_space<vmem>> -> memref<1x64xi32, #tpu.memory_space<vmem>>
      %dma_start3A_139 = tpu.memref_squeeze %dma_start3A_138 : memref<1x64xi32, #tpu.memory_space<vmem>> -> memref<64xi32, #tpu.memory_space<vmem>>
      %dma_start3A_140 = arith.constant 0 : i32
      %dma_start3A_141 = arith.constant 0 : i32
      %dma_start3A_142 = tpu.memref_slice %arg2[%dma_start3A_140, %dma_start3A_141] : memref<20480x128xf32, #tpu.memory_space<hbm>> -> memref<20480x128xf32, #tpu.memory_space<hbm>>
      tpu.enqueue_indirect_dma source(%dma_start3A_142 : memref<20480x128xf32, #tpu.memory_space<hbm>>) target(%dma_start3A_136 : memref<64x128xf32, #tpu.memory_space<vmem>>) offsets(%dma_start3A_139 : memref<64xi32, #tpu.memory_space<vmem>>) semaphore(%arg13 : memref<!tpu.dma_semaphore, #tpu.memory_space<semaphore_mem>>)
      %dma_wait3A_143 = arith.constant 1 : i32
      %dma_wait3A_144 = arith.constant 1 : i32
      %dma_wait3A_145 = arith.constant 0 : i32
      %dma_wait3A_146 = arith.constant 0 : i32
      %dma_wait3A_147 = tpu.memref_slice %arg9[%dma_wait3A_144, %dma_wait3A_145, %dma_wait3A_146] : memref<4x64x128xf32, #tpu.memory_space<vmem>> -> memref<1x64x128xf32, #tpu.memory_space<vmem>>
      %dma_wait3A_148 = tpu.memref_squeeze %dma_wait3A_147 : memref<1x64x128xf32, #tpu.memory_space<vmem>> -> memref<64x128xf32, #tpu.memory_space<vmem>>
      %dma_wait3A_149 = arith.constant 0 : i32
      %dma_wait3A_150 = tpu.memref_slice %arg7[%dma_wait3A_143, %dma_wait3A_149] : memref<16x64xi32, #tpu.memory_space<vmem>> -> memref<1x64xi32, #tpu.memory_space<vmem>>
      %dma_wait3A_151 = tpu.memref_squeeze %dma_wait3A_150 : memref<1x64xi32, #tpu.memory_space<vmem>> -> memref<64xi32, #tpu.memory_space<vmem>>
      %dma_wait3A_152 = arith.constant 0 : i32
      %dma_wait3A_153 = arith.constant 0 : i32
      %dma_wait3A_154 = tpu.memref_slice %arg2[%dma_wait3A_152, %dma_wait3A_153] : memref<20480x128xf32, #tpu.memory_space<hbm>> -> memref<20480x128xf32, #tpu.memory_space<hbm>>
      tpu.wait_indirect_dma semaphore(%arg11 : memref<!tpu.dma_semaphore, #tpu.memory_space<semaphore_mem>>) src(%dma_wait3A_154 : memref<20480x128xf32, #tpu.memory_space<hbm>>) dst(%dma_wait3A_148 : memref<64x128xf32, #tpu.memory_space<vmem>>)
      %dma_start3A_155 = arith.constant 1 : i32
      %dma_start3A_156 = arith.constant 1 : i32
      %dma_start3A_157 = arith.constant 0 : i32
      %dma_start3A_158 = arith.constant 0 : i32
      %dma_start3A_159 = tpu.memref_slice %arg9[%dma_start3A_155, %dma_start3A_157, %dma_start3A_158] : memref<4x64x128xf32, #tpu.memory_space<vmem>> -> memref<1x64x128xf32, #tpu.memory_space<vmem>>
      %dma_start3A_160 = tpu.memref_squeeze %dma_start3A_159 : memref<1x64x128xf32, #tpu.memory_space<vmem>> -> memref<64x128xf32, #tpu.memory_space<vmem>>
      %dma_start3A_161 = arith.constant 0 : i32
      %dma_start3A_162 = tpu.memref_slice %arg8[%dma_start3A_156, %dma_start3A_161] : memref<16x64xi32, #tpu.memory_space<vmem>> -> memref<1x64xi32, #tpu.memory_space<vmem>>
      %dma_start3A_163 = tpu.memref_squeeze %dma_start3A_162 : memref<1x64xi32, #tpu.memory_space<vmem>> -> memref<64xi32, #tpu.memory_space<vmem>>
      %dma_start3A_164 = arith.constant 0 : i32
      %dma_start3A_165 = arith.constant 0 : i32
      %dma_start3A_166 = tpu.memref_slice %arg6[%dma_start3A_164, %dma_start3A_165] : memref<10240x128xf32, #tpu.memory_space<vmem_shared>> -> memref<10240x128xf32, #tpu.memory_space<vmem_shared>>
      tpu.enqueue_indirect_dma source(%dma_start3A_160 : memref<64x128xf32, #tpu.memory_space<vmem>>) target(%dma_start3A_166 : memref<10240x128xf32, #tpu.memory_space<vmem_shared>>) offsets(%dma_start3A_163 : memref<64xi32, #tpu.memory_space<vmem>>) semaphore(%arg15 : memref<!tpu.dma_semaphore, #tpu.memory_space<semaphore_mem>>) {add = true}
      %dma_wait3A_167 = arith.constant 0 : i32
      %dma_wait3A_168 = arith.constant 0 : i32
      %dma_wait3A_169 = arith.constant 0 : i32
      %dma_wait3A_170 = arith.constant 0 : i32
      %dma_wait3A_171 = tpu.memref_slice %arg9[%dma_wait3A_167, %dma_wait3A_169, %dma_wait3A_170] : memref<4x64x128xf32, #tpu.memory_space<vmem>> -> memref<1x64x128xf32, #tpu.memory_space<vmem>>
      %dma_wait3A_172 = tpu.memref_squeeze %dma_wait3A_171 : memref<1x64x128xf32, #tpu.memory_space<vmem>> -> memref<64x128xf32, #tpu.memory_space<vmem>>
      %dma_wait3A_173 = arith.constant 0 : i32
      %dma_wait3A_174 = tpu.memref_slice %arg8[%dma_wait3A_168, %dma_wait3A_173] : memref<16x64xi32, #tpu.memory_space<vmem>> -> memref<1x64xi32, #tpu.memory_space<vmem>>
      %dma_wait3A_175 = tpu.memref_squeeze %dma_wait3A_174 : memref<1x64xi32, #tpu.memory_space<vmem>> -> memref<64xi32, #tpu.memory_space<vmem>>
      %dma_wait3A_176 = arith.constant 0 : i32
      %dma_wait3A_177 = arith.constant 0 : i32
      %dma_wait3A_178 = tpu.memref_slice %arg6[%dma_wait3A_176, %dma_wait3A_177] : memref<10240x128xf32, #tpu.memory_space<vmem_shared>> -> memref<10240x128xf32, #tpu.memory_space<vmem_shared>>
      tpu.wait_indirect_dma semaphore(%arg14 : memref<!tpu.dma_semaphore, #tpu.memory_space<semaphore_mem>>) src(%dma_wait3A_172 : memref<64x128xf32, #tpu.memory_space<vmem>>) dst(%dma_wait3A_178 : memref<10240x128xf32, #tpu.memory_space<vmem_shared>>)
      %dma_start3A_179 = arith.constant 4 : i32
      %dma_start3A_180 = arith.constant 0 : i32
      %dma_start3A_181 = arith.constant 0 : i32
      %dma_start3A_182 = arith.constant 0 : i32
      %dma_start3A_183 = tpu.memref_slice %arg9[%dma_start3A_180, %dma_start3A_181, %dma_start3A_182] : memref<4x64x128xf32, #tpu.memory_space<vmem>> -> memref<1x64x128xf32, #tpu.memory_space<vmem>>
      %dma_start3A_184 = tpu.memref_squeeze %dma_start3A_183 : memref<1x64x128xf32, #tpu.memory_space<vmem>> -> memref<64x128xf32, #tpu.memory_space<vmem>>
      %dma_start3A_185 = arith.constant 0 : i32
      %dma_start3A_186 = tpu.memref_slice %arg7[%dma_start3A_179, %dma_start3A_185] : memref<16x64xi32, #tpu.memory_space<vmem>> -> memref<1x64xi32, #tpu.memory_space<vmem>>
      %dma_start3A_187 = tpu.memref_squeeze %dma_start3A_186 : memref<1x64xi32, #tpu.memory_space<vmem>> -> memref<64xi32, #tpu.memory_space<vmem>>
      %dma_start3A_188 = arith.constant 0 : i32
      %dma_start3A_189 = arith.constant 0 : i32
      %dma_start3A_190 = tpu.memref_slice %arg2[%dma_start3A_188, %dma_start3A_189] : memref<20480x128xf32, #tpu.memory_space<hbm>> -> memref<20480x128xf32, #tpu.memory_space<hbm>>
      tpu.enqueue_indirect_dma source(%dma_start3A_190 : memref<20480x128xf32, #tpu.memory_space<hbm>>) target(%dma_start3A_184 : memref<64x128xf32, #tpu.memory_space<vmem>>) offsets(%dma_start3A_187 : memref<64xi32, #tpu.memory_space<vmem>>) semaphore(%arg10 : memref<!tpu.dma_semaphore, #tpu.memory_space<semaphore_mem>>)
      %dma_wait3A_191 = arith.constant 2 : i32
      %dma_wait3A_192 = arith.constant 2 : i32
      %dma_wait3A_193 = arith.constant 0 : i32
      %dma_wait3A_194 = arith.constant 0 : i32
      %dma_wait3A_195 = tpu.memref_slice %arg9[%dma_wait3A_192, %dma_wait3A_193, %dma_wait3A_194] : memref<4x64x128xf32, #tpu.memory_space<vmem>> -> memref<1x64x128xf32, #tpu.memory_space<vmem>>
      %dma_wait3A_196 = tpu.memref_squeeze %dma_wait3A_195 : memref<1x64x128xf32, #tpu.memory_space<vmem>> -> memref<64x128xf32, #tpu.memory_space<vmem>>
      %dma_wait3A_197 = arith.constant 0 : i32
      %dma_wait3A_198 = tpu.memref_slice %arg7[%dma_wait3A_191, %dma_wait3A_197] : memref<16x64xi32, #tpu.memory_space<vmem>> -> memref<1x64xi32, #tpu.memory_space<vmem>>
      %dma_wait3A_199 = tpu.memref_squeeze %dma_wait3A_198 : memref<1x64xi32, #tpu.memory_space<vmem>> -> memref<64xi32, #tpu.memory_space<vmem>>
      %dma_wait3A_200 = arith.constant 0 : i32
      %dma_wait3A_201 = arith.constant 0 : i32
      %dma_wait3A_202 = tpu.memref_slice %arg2[%dma_wait3A_200, %dma_wait3A_201] : memref<20480x128xf32, #tpu.memory_space<hbm>> -> memref<20480x128xf32, #tpu.memory_space<hbm>>
      tpu.wait_indirect_dma semaphore(%arg12 : memref<!tpu.dma_semaphore, #tpu.memory_space<semaphore_mem>>) src(%dma_wait3A_202 : memref<20480x128xf32, #tpu.memory_space<hbm>>) dst(%dma_wait3A_196 : memref<64x128xf32, #tpu.memory_space<vmem>>)
      %dma_start3A_203 = arith.constant 2 : i32
      %dma_start3A_204 = arith.constant 2 : i32
      %dma_start3A_205 = arith.constant 0 : i32
      %dma_start3A_206 = arith.constant 0 : i32
      %dma_start3A_207 = tpu.memref_slice %arg9[%dma_start3A_203, %dma_start3A_205, %dma_start3A_206] : memref<4x64x128xf32, #tpu.memory_space<vmem>> -> memref<1x64x128xf32, #tpu.memory_space<vmem>>
      %dma_start3A_208 = tpu.memref_squeeze %dma_start3A_207 : memref<1x64x128xf32, #tpu.memory_space<vmem>> -> memref<64x128xf32, #tpu.memory_space<vmem>>
      %dma_start3A_209 = arith.constant 0 : i32
      %dma_start3A_210 = tpu.memref_slice %arg8[%dma_start3A_204, %dma_start3A_209] : memref<16x64xi32, #tpu.memory_space<vmem>> -> memref<1x64xi32, #tpu.memory_space<vmem>>
      %dma_start3A_211 = tpu.memref_squeeze %dma_start3A_210 : memref<1x64xi32, #tpu.memory_space<vmem>> -> memref<64xi32, #tpu.memory_space<vmem>>
      %dma_start3A_212 = arith.constant 0 : i32
      %dma_start3A_213 = arith.constant 0 : i32
      %dma_start3A_214 = tpu.memref_slice %arg6[%dma_start3A_212, %dma_start3A_213] : memref<10240x128xf32, #tpu.memory_space<vmem_shared>> -> memref<10240x128xf32, #tpu.memory_space<vmem_shared>>
      tpu.enqueue_indirect_dma source(%dma_start3A_208 : memref<64x128xf32, #tpu.memory_space<vmem>>) target(%dma_start3A_214 : memref<10240x128xf32, #tpu.memory_space<vmem_shared>>) offsets(%dma_start3A_211 : memref<64xi32, #tpu.memory_space<vmem>>) semaphore(%arg16 : memref<!tpu.dma_semaphore, #tpu.memory_space<semaphore_mem>>) {add = true}
      %dma_wait3A_215 = arith.constant 1 : i32
      %dma_wait3A_216 = arith.constant 1 : i32
      %dma_wait3A_217 = arith.constant 0 : i32
      %dma_wait3A_218 = arith.constant 0 : i32
      %dma_wait3A_219 = tpu.memref_slice %arg9[%dma_wait3A_215, %dma_wait3A_217, %dma_wait3A_218] : memref<4x64x128xf32, #tpu.memory_space<vmem>> -> memref<1x64x128xf32, #tpu.memory_space<vmem>>
      %dma_wait3A_220 = tpu.memref_squeeze %dma_wait3A_219 : memref<1x64x128xf32, #tpu.memory_space<vmem>> -> memref<64x128xf32, #tpu.memory_space<vmem>>
      %dma_wait3A_221 = arith.constant 0 : i32
      %dma_wait3A_222 = tpu.memref_slice %arg8[%dma_wait3A_216, %dma_wait3A_221] : memref<16x64xi32, #tpu.memory_space<vmem>> -> memref<1x64xi32, #tpu.memory_space<vmem>>
      %dma_wait3A_223 = tpu.memref_squeeze %dma_wait3A_222 : memref<1x64xi32, #tpu.memory_space<vmem>> -> memref<64xi32, #tpu.memory_space<vmem>>
      %dma_wait3A_224 = arith.constant 0 : i32
      %dma_wait3A_225 = arith.constant 0 : i32
      %dma_wait3A_226 = tpu.memref_slice %arg6[%dma_wait3A_224, %dma_wait3A_225] : memref<10240x128xf32, #tpu.memory_space<vmem_shared>> -> memref<10240x128xf32, #tpu.memory_space<vmem_shared>>
      tpu.wait_indirect_dma semaphore(%arg15 : memref<!tpu.dma_semaphore, #tpu.memory_space<semaphore_mem>>) src(%dma_wait3A_220 : memref<64x128xf32, #tpu.memory_space<vmem>>) dst(%dma_wait3A_226 : memref<10240x128xf32, #tpu.memory_space<vmem_shared>>)
      %dma_start3A_227 = arith.constant 5 : i32
      %dma_start3A_228 = arith.constant 1 : i32
      %dma_start3A_229 = arith.constant 0 : i32
      %dma_start3A_230 = arith.constant 0 : i32
      %dma_start3A_231 = tpu.memref_slice %arg9[%dma_start3A_228, %dma_start3A_229, %dma_start3A_230] : memref<4x64x128xf32, #tpu.memory_space<vmem>> -> memref<1x64x128xf32, #tpu.memory_space<vmem>>
      %dma_start3A_232 = tpu.memref_squeeze %dma_start3A_231 : memref<1x64x128xf32, #tpu.memory_space<vmem>> -> memref<64x128xf32, #tpu.memory_space<vmem>>
      %dma_start3A_233 = arith.constant 0 : i32
      %dma_start3A_234 = tpu.memref_slice %arg7[%dma_start3A_227, %dma_start3A_233] : memref<16x64xi32, #tpu.memory_space<vmem>> -> memref<1x64xi32, #tpu.memory_space<vmem>>
      %dma_start3A_235 = tpu.memref_squeeze %dma_start3A_234 : memref<1x64xi32, #tpu.memory_space<vmem>> -> memref<64xi32, #tpu.memory_space<vmem>>
      %dma_start3A_236 = arith.constant 0 : i32
      %dma_start3A_237 = arith.constant 0 : i32
      %dma_start3A_238 = tpu.memref_slice %arg2[%dma_start3A_236, %dma_start3A_237] : memref<20480x128xf32, #tpu.memory_space<hbm>> -> memref<20480x128xf32, #tpu.memory_space<hbm>>
      tpu.enqueue_indirect_dma source(%dma_start3A_238 : memref<20480x128xf32, #tpu.memory_space<hbm>>) target(%dma_start3A_232 : memref<64x128xf32, #tpu.memory_space<vmem>>) offsets(%dma_start3A_235 : memref<64xi32, #tpu.memory_space<vmem>>) semaphore(%arg11 : memref<!tpu.dma_semaphore, #tpu.memory_space<semaphore_mem>>)
      %dma_wait3A_239 = arith.constant 3 : i32
      %dma_wait3A_240 = arith.constant 3 : i32
      %dma_wait3A_241 = arith.constant 0 : i32
      %dma_wait3A_242 = arith.constant 0 : i32
      %dma_wait3A_243 = tpu.memref_slice %arg9[%dma_wait3A_240, %dma_wait3A_241, %dma_wait3A_242] : memref<4x64x128xf32, #tpu.memory_space<vmem>> -> memref<1x64x128xf32, #tpu.memory_space<vmem>>
      %dma_wait3A_244 = tpu.memref_squeeze %dma_wait3A_243 : memref<1x64x128xf32, #tpu.memory_space<vmem>> -> memref<64x128xf32, #tpu.memory_space<vmem>>
      %dma_wait3A_245 = arith.constant 0 : i32
      %dma_wait3A_246 = tpu.memref_slice %arg7[%dma_wait3A_239, %dma_wait3A_245] : memref<16x64xi32, #tpu.memory_space<vmem>> -> memref<1x64xi32, #tpu.memory_space<vmem>>
      %dma_wait3A_247 = tpu.memref_squeeze %dma_wait3A_246 : memref<1x64xi32, #tpu.memory_space<vmem>> -> memref<64xi32, #tpu.memory_space<vmem>>
      %dma_wait3A_248 = arith.constant 0 : i32
      %dma_wait3A_249 = arith.constant 0 : i32
      %dma_wait3A_250 = tpu.memref_slice %arg2[%dma_wait3A_248, %dma_wait3A_249] : memref<20480x128xf32, #tpu.memory_space<hbm>> -> memref<20480x128xf32, #tpu.memory_space<hbm>>
      tpu.wait_indirect_dma semaphore(%arg13 : memref<!tpu.dma_semaphore, #tpu.memory_space<semaphore_mem>>) src(%dma_wait3A_250 : memref<20480x128xf32, #tpu.memory_space<hbm>>) dst(%dma_wait3A_244 : memref<64x128xf32, #tpu.memory_space<vmem>>)
      %dma_start3A_251 = arith.constant 3 : i32
      %dma_start3A_252 = arith.constant 3 : i32
      %dma_start3A_253 = arith.constant 0 : i32
      %dma_start3A_254 = arith.constant 0 : i32
      %dma_start3A_255 = tpu.memref_slice %arg9[%dma_start3A_251, %dma_start3A_253, %dma_start3A_254] : memref<4x64x128xf32, #tpu.memory_space<vmem>> -> memref<1x64x128xf32, #tpu.memory_space<vmem>>
      %dma_start3A_256 = tpu.memref_squeeze %dma_start3A_255 : memref<1x64x128xf32, #tpu.memory_space<vmem>> -> memref<64x128xf32, #tpu.memory_space<vmem>>
      %dma_start3A_257 = arith.constant 0 : i32
      %dma_start3A_258 = tpu.memref_slice %arg8[%dma_start3A_252, %dma_start3A_257] : memref<16x64xi32, #tpu.memory_space<vmem>> -> memref<1x64xi32, #tpu.memory_space<vmem>>
      %dma_start3A_259 = tpu.memref_squeeze %dma_start3A_258 : memref<1x64xi32, #tpu.memory_space<vmem>> -> memref<64xi32, #tpu.memory_space<vmem>>
      %dma_start3A_260 = arith.constant 0 : i32
      %dma_start3A_261 = arith.constant 0 : i32
      %dma_start3A_262 = tpu.memref_slice %arg6[%dma_start3A_260, %dma_start3A_261] : memref<10240x128xf32, #tpu.memory_space<vmem_shared>> -> memref<10240x128xf32, #tpu.memory_space<vmem_shared>>
      tpu.enqueue_indirect_dma source(%dma_start3A_256 : memref<64x128xf32, #tpu.memory_space<vmem>>) target(%dma_start3A_262 : memref<10240x128xf32, #tpu.memory_space<vmem_shared>>) offsets(%dma_start3A_259 : memref<64xi32, #tpu.memory_space<vmem>>) semaphore(%arg17 : memref<!tpu.dma_semaphore, #tpu.memory_space<semaphore_mem>>) {add = true}
      %dma_wait3A_263 = arith.constant 2 : i32
      %dma_wait3A_264 = arith.constant 2 : i32
      %dma_wait3A_265 = arith.constant 0 : i32
      %dma_wait3A_266 = arith.constant 0 : i32
      %dma_wait3A_267 = tpu.memref_slice %arg9[%dma_wait3A_263, %dma_wait3A_265, %dma_wait3A_266] : memref<4x64x128xf32, #tpu.memory_space<vmem>> -> memref<1x64x128xf32, #tpu.memory_space<vmem>>
      %dma_wait3A_268 = tpu.memref_squeeze %dma_wait3A_267 : memref<1x64x128xf32, #tpu.memory_space<vmem>> -> memref<64x128xf32, #tpu.memory_space<vmem>>
      %dma_wait3A_269 = arith.constant 0 : i32
      %dma_wait3A_270 = tpu.memref_slice %arg8[%dma_wait3A_264, %dma_wait3A_269] : memref<16x64xi32, #tpu.memory_space<vmem>> -> memref<1x64xi32, #tpu.memory_space<vmem>>
      %dma_wait3A_271 = tpu.memref_squeeze %dma_wait3A_270 : memref<1x64xi32, #tpu.memory_space<vmem>> -> memref<64xi32, #tpu.memory_space<vmem>>
      %dma_wait3A_272 = arith.constant 0 : i32
      %dma_wait3A_273 = arith.constant 0 : i32
      %dma_wait3A_274 = tpu.memref_slice %arg6[%dma_wait3A_272, %dma_wait3A_273] : memref<10240x128xf32, #tpu.memory_space<vmem_shared>> -> memref<10240x128xf32, #tpu.memory_space<vmem_shared>>
      tpu.wait_indirect_dma semaphore(%arg16 : memref<!tpu.dma_semaphore, #tpu.memory_space<semaphore_mem>>) src(%dma_wait3A_268 : memref<64x128xf32, #tpu.memory_space<vmem>>) dst(%dma_wait3A_274 : memref<10240x128xf32, #tpu.memory_space<vmem_shared>>)
      %dma_start3A_275 = arith.constant 6 : i32
      %dma_start3A_276 = arith.constant 2 : i32
      %dma_start3A_277 = arith.constant 0 : i32
      %dma_start3A_278 = arith.constant 0 : i32
      %dma_start3A_279 = tpu.memref_slice %arg9[%dma_start3A_276, %dma_start3A_277, %dma_start3A_278] : memref<4x64x128xf32, #tpu.memory_space<vmem>> -> memref<1x64x128xf32, #tpu.memory_space<vmem>>
      %dma_start3A_280 = tpu.memref_squeeze %dma_start3A_279 : memref<1x64x128xf32, #tpu.memory_space<vmem>> -> memref<64x128xf32, #tpu.memory_space<vmem>>
      %dma_start3A_281 = arith.constant 0 : i32
      %dma_start3A_282 = tpu.memref_slice %arg7[%dma_start3A_275, %dma_start3A_281] : memref<16x64xi32, #tpu.memory_space<vmem>> -> memref<1x64xi32, #tpu.memory_space<vmem>>
      %dma_start3A_283 = tpu.memref_squeeze %dma_start3A_282 : memref<1x64xi32, #tpu.memory_space<vmem>> -> memref<64xi32, #tpu.memory_space<vmem>>
      %dma_start3A_284 = arith.constant 0 : i32
      %dma_start3A_285 = arith.constant 0 : i32
      %dma_start3A_286 = tpu.memref_slice %arg2[%dma_start3A_284, %dma_start3A_285] : memref<20480x128xf32, #tpu.memory_space<hbm>> -> memref<20480x128xf32, #tpu.memory_space<hbm>>
      tpu.enqueue_indirect_dma source(%dma_start3A_286 : memref<20480x128xf32, #tpu.memory_space<hbm>>) target(%dma_start3A_280 : memref<64x128xf32, #tpu.memory_space<vmem>>) offsets(%dma_start3A_283 : memref<64xi32, #tpu.memory_space<vmem>>) semaphore(%arg12 : memref<!tpu.dma_semaphore, #tpu.memory_space<semaphore_mem>>)
      %dma_wait3A_287 = arith.constant 4 : i32
      %dma_wait3A_288 = arith.constant 0 : i32
      %dma_wait3A_289 = arith.constant 0 : i32
      %dma_wait3A_290 = arith.constant 0 : i32
      %dma_wait3A_291 = tpu.memref_slice %arg9[%dma_wait3A_288, %dma_wait3A_289, %dma_wait3A_290] : memref<4x64x128xf32, #tpu.memory_space<vmem>> -> memref<1x64x128xf32, #tpu.memory_space<vmem>>
      %dma_wait3A_292 = tpu.memref_squeeze %dma_wait3A_291 : memref<1x64x128xf32, #tpu.memory_space<vmem>> -> memref<64x128xf32, #tpu.memory_space<vmem>>
      %dma_wait3A_293 = arith.constant 0 : i32
      %dma_wait3A_294 = tpu.memref_slice %arg7[%dma_wait3A_287, %dma_wait3A_293] : memref<16x64xi32, #tpu.memory_space<vmem>> -> memref<1x64xi32, #tpu.memory_space<vmem>>
      %dma_wait3A_295 = tpu.memref_squeeze %dma_wait3A_294 : memref<1x64xi32, #tpu.memory_space<vmem>> -> memref<64xi32, #tpu.memory_space<vmem>>
      %dma_wait3A_296 = arith.constant 0 : i32
      %dma_wait3A_297 = arith.constant 0 : i32
      %dma_wait3A_298 = tpu.memref_slice %arg2[%dma_wait3A_296, %dma_wait3A_297] : memref<20480x128xf32, #tpu.memory_space<hbm>> -> memref<20480x128xf32, #tpu.memory_space<hbm>>
      tpu.wait_indirect_dma semaphore(%arg10 : memref<!tpu.dma_semaphore, #tpu.memory_space<semaphore_mem>>) src(%dma_wait3A_298 : memref<20480x128xf32, #tpu.memory_space<hbm>>) dst(%dma_wait3A_292 : memref<64x128xf32, #tpu.memory_space<vmem>>)
      %dma_start3A_299 = arith.constant 0 : i32
      %dma_start3A_300 = arith.constant 4 : i32
      %dma_start3A_301 = arith.constant 0 : i32
      %dma_start3A_302 = arith.constant 0 : i32
      %dma_start3A_303 = tpu.memref_slice %arg9[%dma_start3A_299, %dma_start3A_301, %dma_start3A_302] : memref<4x64x128xf32, #tpu.memory_space<vmem>> -> memref<1x64x128xf32, #tpu.memory_space<vmem>>
      %dma_start3A_304 = tpu.memref_squeeze %dma_start3A_303 : memref<1x64x128xf32, #tpu.memory_space<vmem>> -> memref<64x128xf32, #tpu.memory_space<vmem>>
      %dma_start3A_305 = arith.constant 0 : i32
      %dma_start3A_306 = tpu.memref_slice %arg8[%dma_start3A_300, %dma_start3A_305] : memref<16x64xi32, #tpu.memory_space<vmem>> -> memref<1x64xi32, #tpu.memory_space<vmem>>
      %dma_start3A_307 = tpu.memref_squeeze %dma_start3A_306 : memref<1x64xi32, #tpu.memory_space<vmem>> -> memref<64xi32, #tpu.memory_space<vmem>>
      %dma_start3A_308 = arith.constant 0 : i32
      %dma_start3A_309 = arith.constant 0 : i32
      %dma_start3A_310 = tpu.memref_slice %arg6[%dma_start3A_308, %dma_start3A_309] : memref<10240x128xf32, #tpu.memory_space<vmem_shared>> -> memref<10240x128xf32, #tpu.memory_space<vmem_shared>>
      tpu.enqueue_indirect_dma source(%dma_start3A_304 : memref<64x128xf32, #tpu.memory_space<vmem>>) target(%dma_start3A_310 : memref<10240x128xf32, #tpu.memory_space<vmem_shared>>) offsets(%dma_start3A_307 : memref<64xi32, #tpu.memory_space<vmem>>) semaphore(%arg14 : memref<!tpu.dma_semaphore, #tpu.memory_space<semaphore_mem>>) {add = true}
      %dma_wait3A_311 = arith.constant 3 : i32
      %dma_wait3A_312 = arith.constant 3 : i32
      %dma_wait3A_313 = arith.constant 0 : i32
      %dma_wait3A_314 = arith.constant 0 : i32
      %dma_wait3A_315 = tpu.memref_slice %arg9[%dma_wait3A_311, %dma_wait3A_313, %dma_wait3A_314] : memref<4x64x128xf32, #tpu.memory_space<vmem>> -> memref<1x64x128xf32, #tpu.memory_space<vmem>>
      %dma_wait3A_316 = tpu.memref_squeeze %dma_wait3A_315 : memref<1x64x128xf32, #tpu.memory_space<vmem>> -> memref<64x128xf32, #tpu.memory_space<vmem>>
      %dma_wait3A_317 = arith.constant 0 : i32
      %dma_wait3A_318 = tpu.memref_slice %arg8[%dma_wait3A_312, %dma_wait3A_317] : memref<16x64xi32, #tpu.memory_space<vmem>> -> memref<1x64xi32, #tpu.memory_space<vmem>>
      %dma_wait3A_319 = tpu.memref_squeeze %dma_wait3A_318 : memref<1x64xi32, #tpu.memory_space<vmem>> -> memref<64xi32, #tpu.memory_space<vmem>>
      %dma_wait3A_320 = arith.constant 0 : i32
      %dma_wait3A_321 = arith.constant 0 : i32
      %dma_wait3A_322 = tpu.memref_slice %arg6[%dma_wait3A_320, %dma_wait3A_321] : memref<10240x128xf32, #tpu.memory_space<vmem_shared>> -> memref<10240x128xf32, #tpu.memory_space<vmem_shared>>
      tpu.wait_indirect_dma semaphore(%arg17 : memref<!tpu.dma_semaphore, #tpu.memory_space<semaphore_mem>>) src(%dma_wait3A_316 : memref<64x128xf32, #tpu.memory_space<vmem>>) dst(%dma_wait3A_322 : memref<10240x128xf32, #tpu.memory_space<vmem_shared>>)
      %dma_start3A_323 = arith.constant 7 : i32
      %dma_start3A_324 = arith.constant 3 : i32
      %dma_start3A_325 = arith.constant 0 : i32
      %dma_start3A_326 = arith.constant 0 : i32
      %dma_start3A_327 = tpu.memref_slice %arg9[%dma_start3A_324, %dma_start3A_325, %dma_start3A_326] : memref<4x64x128xf32, #tpu.memory_space<vmem>> -> memref<1x64x128xf32, #tpu.memory_space<vmem>>
      %dma_start3A_328 = tpu.memref_squeeze %dma_start3A_327 : memref<1x64x128xf32, #tpu.memory_space<vmem>> -> memref<64x128xf32, #tpu.memory_space<vmem>>
      %dma_start3A_329 = arith.constant 0 : i32
      %dma_start3A_330 = tpu.memref_slice %arg7[%dma_start3A_323, %dma_start3A_329] : memref<16x64xi32, #tpu.memory_space<vmem>> -> memref<1x64xi32, #tpu.memory_space<vmem>>
      %dma_start3A_331 = tpu.memref_squeeze %dma_start3A_330 : memref<1x64xi32, #tpu.memory_space<vmem>> -> memref<64xi32, #tpu.memory_space<vmem>>
      %dma_start3A_332 = arith.constant 0 : i32
      %dma_start3A_333 = arith.constant 0 : i32
      %dma_start3A_334 = tpu.memref_slice %arg2[%dma_start3A_332, %dma_start3A_333] : memref<20480x128xf32, #tpu.memory_space<hbm>> -> memref<20480x128xf32, #tpu.memory_space<hbm>>
      tpu.enqueue_indirect_dma source(%dma_start3A_334 : memref<20480x128xf32, #tpu.memory_space<hbm>>) target(%dma_start3A_328 : memref<64x128xf32, #tpu.memory_space<vmem>>) offsets(%dma_start3A_331 : memref<64xi32, #tpu.memory_space<vmem>>) semaphore(%arg13 : memref<!tpu.dma_semaphore, #tpu.memory_space<semaphore_mem>>)
      %dma_wait3A_335 = arith.constant 5 : i32
      %dma_wait3A_336 = arith.constant 1 : i32
      %dma_wait3A_337 = arith.constant 0 : i32
      %dma_wait3A_338 = arith.constant 0 : i32
      %dma_wait3A_339 = tpu.memref_slice %arg9[%dma_wait3A_336, %dma_wait3A_337, %dma_wait3A_338] : memref<4x64x128xf32, #tpu.memory_space<vmem>> -> memref<1x64x128xf32, #tpu.memory_space<vmem>>
      %dma_wait3A_340 = tpu.memref_squeeze %dma_wait3A_339 : memref<1x64x128xf32, #tpu.memory_space<vmem>> -> memref<64x128xf32, #tpu.memory_space<vmem>>
      %dma_wait3A_341 = arith.constant 0 : i32
      %dma_wait3A_342 = tpu.memref_slice %arg7[%dma_wait3A_335, %dma_wait3A_341] : memref<16x64xi32, #tpu.memory_space<vmem>> -> memref<1x64xi32, #tpu.memory_space<vmem>>
      %dma_wait3A_343 = tpu.memref_squeeze %dma_wait3A_342 : memref<1x64xi32, #tpu.memory_space<vmem>> -> memref<64xi32, #tpu.memory_space<vmem>>
      %dma_wait3A_344 = arith.constant 0 : i32
      %dma_wait3A_345 = arith.constant 0 : i32
      %dma_wait3A_346 = tpu.memref_slice %arg2[%dma_wait3A_344, %dma_wait3A_345] : memref<20480x128xf32, #tpu.memory_space<hbm>> -> memref<20480x128xf32, #tpu.memory_space<hbm>>
      tpu.wait_indirect_dma semaphore(%arg11 : memref<!tpu.dma_semaphore, #tpu.memory_space<semaphore_mem>>) src(%dma_wait3A_346 : memref<20480x128xf32, #tpu.memory_space<hbm>>) dst(%dma_wait3A_340 : memref<64x128xf32, #tpu.memory_space<vmem>>)
      %dma_start3A_347 = arith.constant 1 : i32
      %dma_start3A_348 = arith.constant 5 : i32
      %dma_start3A_349 = arith.constant 0 : i32
      %dma_start3A_350 = arith.constant 0 : i32
      %dma_start3A_351 = tpu.memref_slice %arg9[%dma_start3A_347, %dma_start3A_349, %dma_start3A_350] : memref<4x64x128xf32, #tpu.memory_space<vmem>> -> memref<1x64x128xf32, #tpu.memory_space<vmem>>
      %dma_start3A_352 = tpu.memref_squeeze %dma_start3A_351 : memref<1x64x128xf32, #tpu.memory_space<vmem>> -> memref<64x128xf32, #tpu.memory_space<vmem>>
      %dma_start3A_353 = arith.constant 0 : i32
      %dma_start3A_354 = tpu.memref_slice %arg8[%dma_start3A_348, %dma_start3A_353] : memref<16x64xi32, #tpu.memory_space<vmem>> -> memref<1x64xi32, #tpu.memory_space<vmem>>
      %dma_start3A_355 = tpu.memref_squeeze %dma_start3A_354 : memref<1x64xi32, #tpu.memory_space<vmem>> -> memref<64xi32, #tpu.memory_space<vmem>>
      %dma_start3A_356 = arith.constant 0 : i32
      %dma_start3A_357 = arith.constant 0 : i32
      %dma_start3A_358 = tpu.memref_slice %arg6[%dma_start3A_356, %dma_start3A_357] : memref<10240x128xf32, #tpu.memory_space<vmem_shared>> -> memref<10240x128xf32, #tpu.memory_space<vmem_shared>>
      tpu.enqueue_indirect_dma source(%dma_start3A_352 : memref<64x128xf32, #tpu.memory_space<vmem>>) target(%dma_start3A_358 : memref<10240x128xf32, #tpu.memory_space<vmem_shared>>) offsets(%dma_start3A_355 : memref<64xi32, #tpu.memory_space<vmem>>) semaphore(%arg15 : memref<!tpu.dma_semaphore, #tpu.memory_space<semaphore_mem>>) {add = true}
      %dma_wait3A_359 = arith.constant 0 : i32
      %dma_wait3A_360 = arith.constant 4 : i32
      %dma_wait3A_361 = arith.constant 0 : i32
      %dma_wait3A_362 = arith.constant 0 : i32
      %dma_wait3A_363 = tpu.memref_slice %arg9[%dma_wait3A_359, %dma_wait3A_361, %dma_wait3A_362] : memref<4x64x128xf32, #tpu.memory_space<vmem>> -> memref<1x64x128xf32, #tpu.memory_space<vmem>>
      %dma_wait3A_364 = tpu.memref_squeeze %dma_wait3A_363 : memref<1x64x128xf32, #tpu.memory_space<vmem>> -> memref<64x128xf32, #tpu.memory_space<vmem>>
      %dma_wait3A_365 = arith.constant 0 : i32
      %dma_wait3A_366 = tpu.memref_slice %arg8[%dma_wait3A_360, %dma_wait3A_365] : memref<16x64xi32, #tpu.memory_space<vmem>> -> memref<1x64xi32, #tpu.memory_space<vmem>>
      %dma_wait3A_367 = tpu.memref_squeeze %dma_wait3A_366 : memref<1x64xi32, #tpu.memory_space<vmem>> -> memref<64xi32, #tpu.memory_space<vmem>>
      %dma_wait3A_368 = arith.constant 0 : i32
      %dma_wait3A_369 = arith.constant 0 : i32
      %dma_wait3A_370 = tpu.memref_slice %arg6[%dma_wait3A_368, %dma_wait3A_369] : memref<10240x128xf32, #tpu.memory_space<vmem_shared>> -> memref<10240x128xf32, #tpu.memory_space<vmem_shared>>
      tpu.wait_indirect_dma semaphore(%arg14 : memref<!tpu.dma_semaphore, #tpu.memory_space<semaphore_mem>>) src(%dma_wait3A_364 : memref<64x128xf32, #tpu.memory_space<vmem>>) dst(%dma_wait3A_370 : memref<10240x128xf32, #tpu.memory_space<vmem_shared>>)
      %dma_start3A_371 = arith.constant 8 : i32
      %dma_start3A_372 = arith.constant 0 : i32
      %dma_start3A_373 = arith.constant 0 : i32
      %dma_start3A_374 = arith.constant 0 : i32
      %dma_start3A_375 = tpu.memref_slice %arg9[%dma_start3A_372, %dma_start3A_373, %dma_start3A_374] : memref<4x64x128xf32, #tpu.memory_space<vmem>> -> memref<1x64x128xf32, #tpu.memory_space<vmem>>
      %dma_start3A_376 = tpu.memref_squeeze %dma_start3A_375 : memref<1x64x128xf32, #tpu.memory_space<vmem>> -> memref<64x128xf32, #tpu.memory_space<vmem>>
      %dma_start3A_377 = arith.constant 0 : i32
      %dma_start3A_378 = tpu.memref_slice %arg7[%dma_start3A_371, %dma_start3A_377] : memref<16x64xi32, #tpu.memory_space<vmem>> -> memref<1x64xi32, #tpu.memory_space<vmem>>
      %dma_start3A_379 = tpu.memref_squeeze %dma_start3A_378 : memref<1x64xi32, #tpu.memory_space<vmem>> -> memref<64xi32, #tpu.memory_space<vmem>>
      %dma_start3A_380 = arith.constant 0 : i32
      %dma_start3A_381 = arith.constant 0 : i32
      %dma_start3A_382 = tpu.memref_slice %arg2[%dma_start3A_380, %dma_start3A_381] : memref<20480x128xf32, #tpu.memory_space<hbm>> -> memref<20480x128xf32, #tpu.memory_space<hbm>>
      tpu.enqueue_indirect_dma source(%dma_start3A_382 : memref<20480x128xf32, #tpu.memory_space<hbm>>) target(%dma_start3A_376 : memref<64x128xf32, #tpu.memory_space<vmem>>) offsets(%dma_start3A_379 : memref<64xi32, #tpu.memory_space<vmem>>) semaphore(%arg10 : memref<!tpu.dma_semaphore, #tpu.memory_space<semaphore_mem>>)
      %dma_wait3A_383 = arith.constant 6 : i32
      %dma_wait3A_384 = arith.constant 2 : i32
      %dma_wait3A_385 = arith.constant 0 : i32
      %dma_wait3A_386 = arith.constant 0 : i32
      %dma_wait3A_387 = tpu.memref_slice %arg9[%dma_wait3A_384, %dma_wait3A_385, %dma_wait3A_386] : memref<4x64x128xf32, #tpu.memory_space<vmem>> -> memref<1x64x128xf32, #tpu.memory_space<vmem>>
      %dma_wait3A_388 = tpu.memref_squeeze %dma_wait3A_387 : memref<1x64x128xf32, #tpu.memory_space<vmem>> -> memref<64x128xf32, #tpu.memory_space<vmem>>
      %dma_wait3A_389 = arith.constant 0 : i32
      %dma_wait3A_390 = tpu.memref_slice %arg7[%dma_wait3A_383, %dma_wait3A_389] : memref<16x64xi32, #tpu.memory_space<vmem>> -> memref<1x64xi32, #tpu.memory_space<vmem>>
      %dma_wait3A_391 = tpu.memref_squeeze %dma_wait3A_390 : memref<1x64xi32, #tpu.memory_space<vmem>> -> memref<64xi32, #tpu.memory_space<vmem>>
      %dma_wait3A_392 = arith.constant 0 : i32
      %dma_wait3A_393 = arith.constant 0 : i32
      %dma_wait3A_394 = tpu.memref_slice %arg2[%dma_wait3A_392, %dma_wait3A_393] : memref<20480x128xf32, #tpu.memory_space<hbm>> -> memref<20480x128xf32, #tpu.memory_space<hbm>>
      tpu.wait_indirect_dma semaphore(%arg12 : memref<!tpu.dma_semaphore, #tpu.memory_space<semaphore_mem>>) src(%dma_wait3A_394 : memref<20480x128xf32, #tpu.memory_space<hbm>>) dst(%dma_wait3A_388 : memref<64x128xf32, #tpu.memory_space<vmem>>)
      %dma_start3A_395 = arith.constant 2 : i32
      %dma_start3A_396 = arith.constant 6 : i32
      %dma_start3A_397 = arith.constant 0 : i32
      %dma_start3A_398 = arith.constant 0 : i32
      %dma_start3A_399 = tpu.memref_slice %arg9[%dma_start3A_395, %dma_start3A_397, %dma_start3A_398] : memref<4x64x128xf32, #tpu.memory_space<vmem>> -> memref<1x64x128xf32, #tpu.memory_space<vmem>>
      %dma_start3A_400 = tpu.memref_squeeze %dma_start3A_399 : memref<1x64x128xf32, #tpu.memory_space<vmem>> -> memref<64x128xf32, #tpu.memory_space<vmem>>
      %dma_start3A_401 = arith.constant 0 : i32
      %dma_start3A_402 = tpu.memref_slice %arg8[%dma_start3A_396, %dma_start3A_401] : memref<16x64xi32, #tpu.memory_space<vmem>> -> memref<1x64xi32, #tpu.memory_space<vmem>>
      %dma_start3A_403 = tpu.memref_squeeze %dma_start3A_402 : memref<1x64xi32, #tpu.memory_space<vmem>> -> memref<64xi32, #tpu.memory_space<vmem>>
      %dma_start3A_404 = arith.constant 0 : i32
      %dma_start3A_405 = arith.constant 0 : i32
      %dma_start3A_406 = tpu.memref_slice %arg6[%dma_start3A_404, %dma_start3A_405] : memref<10240x128xf32, #tpu.memory_space<vmem_shared>> -> memref<10240x128xf32, #tpu.memory_space<vmem_shared>>
      tpu.enqueue_indirect_dma source(%dma_start3A_400 : memref<64x128xf32, #tpu.memory_space<vmem>>) target(%dma_start3A_406 : memref<10240x128xf32, #tpu.memory_space<vmem_shared>>) offsets(%dma_start3A_403 : memref<64xi32, #tpu.memory_space<vmem>>) semaphore(%arg16 : memref<!tpu.dma_semaphore, #tpu.memory_space<semaphore_mem>>) {add = true}
      %dma_wait3A_407 = arith.constant 1 : i32
      %dma_wait3A_408 = arith.constant 5 : i32
      %dma_wait3A_409 = arith.constant 0 : i32
      %dma_wait3A_410 = arith.constant 0 : i32
      %dma_wait3A_411 = tpu.memref_slice %arg9[%dma_wait3A_407, %dma_wait3A_409, %dma_wait3A_410] : memref<4x64x128xf32, #tpu.memory_space<vmem>> -> memref<1x64x128xf32, #tpu.memory_space<vmem>>
      %dma_wait3A_412 = tpu.memref_squeeze %dma_wait3A_411 : memref<1x64x128xf32, #tpu.memory_space<vmem>> -> memref<64x128xf32, #tpu.memory_space<vmem>>
      %dma_wait3A_413 = arith.constant 0 : i32
      %dma_wait3A_414 = tpu.memref_slice %arg8[%dma_wait3A_408, %dma_wait3A_413] : memref<16x64xi32, #tpu.memory_space<vmem>> -> memref<1x64xi32, #tpu.memory_space<vmem>>
      %dma_wait3A_415 = tpu.memref_squeeze %dma_wait3A_414 : memref<1x64xi32, #tpu.memory_space<vmem>> -> memref<64xi32, #tpu.memory_space<vmem>>
      %dma_wait3A_416 = arith.constant 0 : i32
      %dma_wait3A_417 = arith.constant 0 : i32
      %dma_wait3A_418 = tpu.memref_slice %arg6[%dma_wait3A_416, %dma_wait3A_417] : memref<10240x128xf32, #tpu.memory_space<vmem_shared>> -> memref<10240x128xf32, #tpu.memory_space<vmem_shared>>
      tpu.wait_indirect_dma semaphore(%arg15 : memref<!tpu.dma_semaphore, #tpu.memory_space<semaphore_mem>>) src(%dma_wait3A_412 : memref<64x128xf32, #tpu.memory_space<vmem>>) dst(%dma_wait3A_418 : memref<10240x128xf32, #tpu.memory_space<vmem_shared>>)
      %dma_start3A_419 = arith.constant 9 : i32
      %dma_start3A_420 = arith.constant 1 : i32
      %dma_start3A_421 = arith.constant 0 : i32
      %dma_start3A_422 = arith.constant 0 : i32
      %dma_start3A_423 = tpu.memref_slice %arg9[%dma_start3A_420, %dma_start3A_421, %dma_start3A_422] : memref<4x64x128xf32, #tpu.memory_space<vmem>> -> memref<1x64x128xf32, #tpu.memory_space<vmem>>
      %dma_start3A_424 = tpu.memref_squeeze %dma_start3A_423 : memref<1x64x128xf32, #tpu.memory_space<vmem>> -> memref<64x128xf32, #tpu.memory_space<vmem>>
      %dma_start3A_425 = arith.constant 0 : i32
      %dma_start3A_426 = tpu.memref_slice %arg7[%dma_start3A_419, %dma_start3A_425] : memref<16x64xi32, #tpu.memory_space<vmem>> -> memref<1x64xi32, #tpu.memory_space<vmem>>
      %dma_start3A_427 = tpu.memref_squeeze %dma_start3A_426 : memref<1x64xi32, #tpu.memory_space<vmem>> -> memref<64xi32, #tpu.memory_space<vmem>>
      %dma_start3A_428 = arith.constant 0 : i32
      %dma_start3A_429 = arith.constant 0 : i32
      %dma_start3A_430 = tpu.memref_slice %arg2[%dma_start3A_428, %dma_start3A_429] : memref<20480x128xf32, #tpu.memory_space<hbm>> -> memref<20480x128xf32, #tpu.memory_space<hbm>>
      tpu.enqueue_indirect_dma source(%dma_start3A_430 : memref<20480x128xf32, #tpu.memory_space<hbm>>) target(%dma_start3A_424 : memref<64x128xf32, #tpu.memory_space<vmem>>) offsets(%dma_start3A_427 : memref<64xi32, #tpu.memory_space<vmem>>) semaphore(%arg11 : memref<!tpu.dma_semaphore, #tpu.memory_space<semaphore_mem>>)
      %dma_wait3A_431 = arith.constant 7 : i32
      %dma_wait3A_432 = arith.constant 3 : i32
      %dma_wait3A_433 = arith.constant 0 : i32
      %dma_wait3A_434 = arith.constant 0 : i32
      %dma_wait3A_435 = tpu.memref_slice %arg9[%dma_wait3A_432, %dma_wait3A_433, %dma_wait3A_434] : memref<4x64x128xf32, #tpu.memory_space<vmem>> -> memref<1x64x128xf32, #tpu.memory_space<vmem>>
      %dma_wait3A_436 = tpu.memref_squeeze %dma_wait3A_435 : memref<1x64x128xf32, #tpu.memory_space<vmem>> -> memref<64x128xf32, #tpu.memory_space<vmem>>
      %dma_wait3A_437 = arith.constant 0 : i32
      %dma_wait3A_438 = tpu.memref_slice %arg7[%dma_wait3A_431, %dma_wait3A_437] : memref<16x64xi32, #tpu.memory_space<vmem>> -> memref<1x64xi32, #tpu.memory_space<vmem>>
      %dma_wait3A_439 = tpu.memref_squeeze %dma_wait3A_438 : memref<1x64xi32, #tpu.memory_space<vmem>> -> memref<64xi32, #tpu.memory_space<vmem>>
      %dma_wait3A_440 = arith.constant 0 : i32
      %dma_wait3A_441 = arith.constant 0 : i32
      %dma_wait3A_442 = tpu.memref_slice %arg2[%dma_wait3A_440, %dma_wait3A_441] : memref<20480x128xf32, #tpu.memory_space<hbm>> -> memref<20480x128xf32, #tpu.memory_space<hbm>>
      tpu.wait_indirect_dma semaphore(%arg13 : memref<!tpu.dma_semaphore, #tpu.memory_space<semaphore_mem>>) src(%dma_wait3A_442 : memref<20480x128xf32, #tpu.memory_space<hbm>>) dst(%dma_wait3A_436 : memref<64x128xf32, #tpu.memory_space<vmem>>)
      %dma_start3A_443 = arith.constant 3 : i32
      %dma_start3A_444 = arith.constant 7 : i32
      %dma_start3A_445 = arith.constant 0 : i32
      %dma_start3A_446 = arith.constant 0 : i32
      %dma_start3A_447 = tpu.memref_slice %arg9[%dma_start3A_443, %dma_start3A_445, %dma_start3A_446] : memref<4x64x128xf32, #tpu.memory_space<vmem>> -> memref<1x64x128xf32, #tpu.memory_space<vmem>>
      %dma_start3A_448 = tpu.memref_squeeze %dma_start3A_447 : memref<1x64x128xf32, #tpu.memory_space<vmem>> -> memref<64x128xf32, #tpu.memory_space<vmem>>
      %dma_start3A_449 = arith.constant 0 : i32
      %dma_start3A_450 = tpu.memref_slice %arg8[%dma_start3A_444, %dma_start3A_449] : memref<16x64xi32, #tpu.memory_space<vmem>> -> memref<1x64xi32, #tpu.memory_space<vmem>>
      %dma_start3A_451 = tpu.memref_squeeze %dma_start3A_450 : memref<1x64xi32, #tpu.memory_space<vmem>> -> memref<64xi32, #tpu.memory_space<vmem>>
      %dma_start3A_452 = arith.constant 0 : i32
      %dma_start3A_453 = arith.constant 0 : i32
      %dma_start3A_454 = tpu.memref_slice %arg6[%dma_start3A_452, %dma_start3A_453] : memref<10240x128xf32, #tpu.memory_space<vmem_shared>> -> memref<10240x128xf32, #tpu.memory_space<vmem_shared>>
      tpu.enqueue_indirect_dma source(%dma_start3A_448 : memref<64x128xf32, #tpu.memory_space<vmem>>) target(%dma_start3A_454 : memref<10240x128xf32, #tpu.memory_space<vmem_shared>>) offsets(%dma_start3A_451 : memref<64xi32, #tpu.memory_space<vmem>>) semaphore(%arg17 : memref<!tpu.dma_semaphore, #tpu.memory_space<semaphore_mem>>) {add = true}
      %dma_wait3A_455 = arith.constant 2 : i32
      %dma_wait3A_456 = arith.constant 6 : i32
      %dma_wait3A_457 = arith.constant 0 : i32
      %dma_wait3A_458 = arith.constant 0 : i32
      %dma_wait3A_459 = tpu.memref_slice %arg9[%dma_wait3A_455, %dma_wait3A_457, %dma_wait3A_458] : memref<4x64x128xf32, #tpu.memory_space<vmem>> -> memref<1x64x128xf32, #tpu.memory_space<vmem>>
      %dma_wait3A_460 = tpu.memref_squeeze %dma_wait3A_459 : memref<1x64x128xf32, #tpu.memory_space<vmem>> -> memref<64x128xf32, #tpu.memory_space<vmem>>
      %dma_wait3A_461 = arith.constant 0 : i32
      %dma_wait3A_462 = tpu.memref_slice %arg8[%dma_wait3A_456, %dma_wait3A_461] : memref<16x64xi32, #tpu.memory_space<vmem>> -> memref<1x64xi32, #tpu.memory_space<vmem>>
      %dma_wait3A_463 = tpu.memref_squeeze %dma_wait3A_462 : memref<1x64xi32, #tpu.memory_space<vmem>> -> memref<64xi32, #tpu.memory_space<vmem>>
      %dma_wait3A_464 = arith.constant 0 : i32
      %dma_wait3A_465 = arith.constant 0 : i32
      %dma_wait3A_466 = tpu.memref_slice %arg6[%dma_wait3A_464, %dma_wait3A_465] : memref<10240x128xf32, #tpu.memory_space<vmem_shared>> -> memref<10240x128xf32, #tpu.memory_space<vmem_shared>>
      tpu.wait_indirect_dma semaphore(%arg16 : memref<!tpu.dma_semaphore, #tpu.memory_space<semaphore_mem>>) src(%dma_wait3A_460 : memref<64x128xf32, #tpu.memory_space<vmem>>) dst(%dma_wait3A_466 : memref<10240x128xf32, #tpu.memory_space<vmem_shared>>)
      %dma_start3A_467 = arith.constant 10 : i32
      %dma_start3A_468 = arith.constant 2 : i32
      %dma_start3A_469 = arith.constant 0 : i32
      %dma_start3A_470 = arith.constant 0 : i32
      %dma_start3A_471 = tpu.memref_slice %arg9[%dma_start3A_468, %dma_start3A_469, %dma_start3A_470] : memref<4x64x128xf32, #tpu.memory_space<vmem>> -> memref<1x64x128xf32, #tpu.memory_space<vmem>>
      %dma_start3A_472 = tpu.memref_squeeze %dma_start3A_471 : memref<1x64x128xf32, #tpu.memory_space<vmem>> -> memref<64x128xf32, #tpu.memory_space<vmem>>
      %dma_start3A_473 = arith.constant 0 : i32
      %dma_start3A_474 = tpu.memref_slice %arg7[%dma_start3A_467, %dma_start3A_473] : memref<16x64xi32, #tpu.memory_space<vmem>> -> memref<1x64xi32, #tpu.memory_space<vmem>>
      %dma_start3A_475 = tpu.memref_squeeze %dma_start3A_474 : memref<1x64xi32, #tpu.memory_space<vmem>> -> memref<64xi32, #tpu.memory_space<vmem>>
      %dma_start3A_476 = arith.constant 0 : i32
      %dma_start3A_477 = arith.constant 0 : i32
      %dma_start3A_478 = tpu.memref_slice %arg2[%dma_start3A_476, %dma_start3A_477] : memref<20480x128xf32, #tpu.memory_space<hbm>> -> memref<20480x128xf32, #tpu.memory_space<hbm>>
      tpu.enqueue_indirect_dma source(%dma_start3A_478 : memref<20480x128xf32, #tpu.memory_space<hbm>>) target(%dma_start3A_472 : memref<64x128xf32, #tpu.memory_space<vmem>>) offsets(%dma_start3A_475 : memref<64xi32, #tpu.memory_space<vmem>>) semaphore(%arg12 : memref<!tpu.dma_semaphore, #tpu.memory_space<semaphore_mem>>)
      %dma_wait3A_479 = arith.constant 8 : i32
      %dma_wait3A_480 = arith.constant 0 : i32
      %dma_wait3A_481 = arith.constant 0 : i32
      %dma_wait3A_482 = arith.constant 0 : i32
      %dma_wait3A_483 = tpu.memref_slice %arg9[%dma_wait3A_480, %dma_wait3A_481, %dma_wait3A_482] : memref<4x64x128xf32, #tpu.memory_space<vmem>> -> memref<1x64x128xf32, #tpu.memory_space<vmem>>
      %dma_wait3A_484 = tpu.memref_squeeze %dma_wait3A_483 : memref<1x64x128xf32, #tpu.memory_space<vmem>> -> memref<64x128xf32, #tpu.memory_space<vmem>>
      %dma_wait3A_485 = arith.constant 0 : i32
      %dma_wait3A_486 = tpu.memref_slice %arg7[%dma_wait3A_479, %dma_wait3A_485] : memref<16x64xi32, #tpu.memory_space<vmem>> -> memref<1x64xi32, #tpu.memory_space<vmem>>
      %dma_wait3A_487 = tpu.memref_squeeze %dma_wait3A_486 : memref<1x64xi32, #tpu.memory_space<vmem>> -> memref<64xi32, #tpu.memory_space<vmem>>
      %dma_wait3A_488 = arith.constant 0 : i32
      %dma_wait3A_489 = arith.constant 0 : i32
      %dma_wait3A_490 = tpu.memref_slice %arg2[%dma_wait3A_488, %dma_wait3A_489] : memref<20480x128xf32, #tpu.memory_space<hbm>> -> memref<20480x128xf32, #tpu.memory_space<hbm>>
      tpu.wait_indirect_dma semaphore(%arg10 : memref<!tpu.dma_semaphore, #tpu.memory_space<semaphore_mem>>) src(%dma_wait3A_490 : memref<20480x128xf32, #tpu.memory_space<hbm>>) dst(%dma_wait3A_484 : memref<64x128xf32, #tpu.memory_space<vmem>>)
      %dma_start3A_491 = arith.constant 0 : i32
      %dma_start3A_492 = arith.constant 8 : i32
      %dma_start3A_493 = arith.constant 0 : i32
      %dma_start3A_494 = arith.constant 0 : i32
      %dma_start3A_495 = tpu.memref_slice %arg9[%dma_start3A_491, %dma_start3A_493, %dma_start3A_494] : memref<4x64x128xf32, #tpu.memory_space<vmem>> -> memref<1x64x128xf32, #tpu.memory_space<vmem>>
      %dma_start3A_496 = tpu.memref_squeeze %dma_start3A_495 : memref<1x64x128xf32, #tpu.memory_space<vmem>> -> memref<64x128xf32, #tpu.memory_space<vmem>>
      %dma_start3A_497 = arith.constant 0 : i32
      %dma_start3A_498 = tpu.memref_slice %arg8[%dma_start3A_492, %dma_start3A_497] : memref<16x64xi32, #tpu.memory_space<vmem>> -> memref<1x64xi32, #tpu.memory_space<vmem>>
      %dma_start3A_499 = tpu.memref_squeeze %dma_start3A_498 : memref<1x64xi32, #tpu.memory_space<vmem>> -> memref<64xi32, #tpu.memory_space<vmem>>
      %dma_start3A_500 = arith.constant 0 : i32
      %dma_start3A_501 = arith.constant 0 : i32
      %dma_start3A_502 = tpu.memref_slice %arg6[%dma_start3A_500, %dma_start3A_501] : memref<10240x128xf32, #tpu.memory_space<vmem_shared>> -> memref<10240x128xf32, #tpu.memory_space<vmem_shared>>
      tpu.enqueue_indirect_dma source(%dma_start3A_496 : memref<64x128xf32, #tpu.memory_space<vmem>>) target(%dma_start3A_502 : memref<10240x128xf32, #tpu.memory_space<vmem_shared>>) offsets(%dma_start3A_499 : memref<64xi32, #tpu.memory_space<vmem>>) semaphore(%arg14 : memref<!tpu.dma_semaphore, #tpu.memory_space<semaphore_mem>>) {add = true}
      %dma_wait3A_503 = arith.constant 3 : i32
      %dma_wait3A_504 = arith.constant 7 : i32
      %dma_wait3A_505 = arith.constant 0 : i32
      %dma_wait3A_506 = arith.constant 0 : i32
      %dma_wait3A_507 = tpu.memref_slice %arg9[%dma_wait3A_503, %dma_wait3A_505, %dma_wait3A_506] : memref<4x64x128xf32, #tpu.memory_space<vmem>> -> memref<1x64x128xf32, #tpu.memory_space<vmem>>
      %dma_wait3A_508 = tpu.memref_squeeze %dma_wait3A_507 : memref<1x64x128xf32, #tpu.memory_space<vmem>> -> memref<64x128xf32, #tpu.memory_space<vmem>>
      %dma_wait3A_509 = arith.constant 0 : i32
      %dma_wait3A_510 = tpu.memref_slice %arg8[%dma_wait3A_504, %dma_wait3A_509] : memref<16x64xi32, #tpu.memory_space<vmem>> -> memref<1x64xi32, #tpu.memory_space<vmem>>
      %dma_wait3A_511 = tpu.memref_squeeze %dma_wait3A_510 : memref<1x64xi32, #tpu.memory_space<vmem>> -> memref<64xi32, #tpu.memory_space<vmem>>
      %dma_wait3A_512 = arith.constant 0 : i32
      %dma_wait3A_513 = arith.constant 0 : i32
      %dma_wait3A_514 = tpu.memref_slice %arg6[%dma_wait3A_512, %dma_wait3A_513] : memref<10240x128xf32, #tpu.memory_space<vmem_shared>> -> memref<10240x128xf32, #tpu.memory_space<vmem_shared>>
      tpu.wait_indirect_dma semaphore(%arg17 : memref<!tpu.dma_semaphore, #tpu.memory_space<semaphore_mem>>) src(%dma_wait3A_508 : memref<64x128xf32, #tpu.memory_space<vmem>>) dst(%dma_wait3A_514 : memref<10240x128xf32, #tpu.memory_space<vmem_shared>>)
      %dma_start3A_515 = arith.constant 11 : i32
      %dma_start3A_516 = arith.constant 3 : i32
      %dma_start3A_517 = arith.constant 0 : i32
      %dma_start3A_518 = arith.constant 0 : i32
      %dma_start3A_519 = tpu.memref_slice %arg9[%dma_start3A_516, %dma_start3A_517, %dma_start3A_518] : memref<4x64x128xf32, #tpu.memory_space<vmem>> -> memref<1x64x128xf32, #tpu.memory_space<vmem>>
      %dma_start3A_520 = tpu.memref_squeeze %dma_start3A_519 : memref<1x64x128xf32, #tpu.memory_space<vmem>> -> memref<64x128xf32, #tpu.memory_space<vmem>>
      %dma_start3A_521 = arith.constant 0 : i32
      %dma_start3A_522 = tpu.memref_slice %arg7[%dma_start3A_515, %dma_start3A_521] : memref<16x64xi32, #tpu.memory_space<vmem>> -> memref<1x64xi32, #tpu.memory_space<vmem>>
      %dma_start3A_523 = tpu.memref_squeeze %dma_start3A_522 : memref<1x64xi32, #tpu.memory_space<vmem>> -> memref<64xi32, #tpu.memory_space<vmem>>
      %dma_start3A_524 = arith.constant 0 : i32
      %dma_start3A_525 = arith.constant 0 : i32
      %dma_start3A_526 = tpu.memref_slice %arg2[%dma_start3A_524, %dma_start3A_525] : memref<20480x128xf32, #tpu.memory_space<hbm>> -> memref<20480x128xf32, #tpu.memory_space<hbm>>
      tpu.enqueue_indirect_dma source(%dma_start3A_526 : memref<20480x128xf32, #tpu.memory_space<hbm>>) target(%dma_start3A_520 : memref<64x128xf32, #tpu.memory_space<vmem>>) offsets(%dma_start3A_523 : memref<64xi32, #tpu.memory_space<vmem>>) semaphore(%arg13 : memref<!tpu.dma_semaphore, #tpu.memory_space<semaphore_mem>>)
      %dma_wait3A_527 = arith.constant 9 : i32
      %dma_wait3A_528 = arith.constant 1 : i32
      %dma_wait3A_529 = arith.constant 0 : i32
      %dma_wait3A_530 = arith.constant 0 : i32
      %dma_wait3A_531 = tpu.memref_slice %arg9[%dma_wait3A_528, %dma_wait3A_529, %dma_wait3A_530] : memref<4x64x128xf32, #tpu.memory_space<vmem>> -> memref<1x64x128xf32, #tpu.memory_space<vmem>>
      %dma_wait3A_532 = tpu.memref_squeeze %dma_wait3A_531 : memref<1x64x128xf32, #tpu.memory_space<vmem>> -> memref<64x128xf32, #tpu.memory_space<vmem>>
      %dma_wait3A_533 = arith.constant 0 : i32
      %dma_wait3A_534 = tpu.memref_slice %arg7[%dma_wait3A_527, %dma_wait3A_533] : memref<16x64xi32, #tpu.memory_space<vmem>> -> memref<1x64xi32, #tpu.memory_space<vmem>>
      %dma_wait3A_535 = tpu.memref_squeeze %dma_wait3A_534 : memref<1x64xi32, #tpu.memory_space<vmem>> -> memref<64xi32, #tpu.memory_space<vmem>>
      %dma_wait3A_536 = arith.constant 0 : i32
      %dma_wait3A_537 = arith.constant 0 : i32
      %dma_wait3A_538 = tpu.memref_slice %arg2[%dma_wait3A_536, %dma_wait3A_537] : memref<20480x128xf32, #tpu.memory_space<hbm>> -> memref<20480x128xf32, #tpu.memory_space<hbm>>
      tpu.wait_indirect_dma semaphore(%arg11 : memref<!tpu.dma_semaphore, #tpu.memory_space<semaphore_mem>>) src(%dma_wait3A_538 : memref<20480x128xf32, #tpu.memory_space<hbm>>) dst(%dma_wait3A_532 : memref<64x128xf32, #tpu.memory_space<vmem>>)
      %dma_start3A_539 = arith.constant 1 : i32
      %dma_start3A_540 = arith.constant 9 : i32
      %dma_start3A_541 = arith.constant 0 : i32
      %dma_start3A_542 = arith.constant 0 : i32
      %dma_start3A_543 = tpu.memref_slice %arg9[%dma_start3A_539, %dma_start3A_541, %dma_start3A_542] : memref<4x64x128xf32, #tpu.memory_space<vmem>> -> memref<1x64x128xf32, #tpu.memory_space<vmem>>
      %dma_start3A_544 = tpu.memref_squeeze %dma_start3A_543 : memref<1x64x128xf32, #tpu.memory_space<vmem>> -> memref<64x128xf32, #tpu.memory_space<vmem>>
      %dma_start3A_545 = arith.constant 0 : i32
      %dma_start3A_546 = tpu.memref_slice %arg8[%dma_start3A_540, %dma_start3A_545] : memref<16x64xi32, #tpu.memory_space<vmem>> -> memref<1x64xi32, #tpu.memory_space<vmem>>
      %dma_start3A_547 = tpu.memref_squeeze %dma_start3A_546 : memref<1x64xi32, #tpu.memory_space<vmem>> -> memref<64xi32, #tpu.memory_space<vmem>>
      %dma_start3A_548 = arith.constant 0 : i32
      %dma_start3A_549 = arith.constant 0 : i32
      %dma_start3A_550 = tpu.memref_slice %arg6[%dma_start3A_548, %dma_start3A_549] : memref<10240x128xf32, #tpu.memory_space<vmem_shared>> -> memref<10240x128xf32, #tpu.memory_space<vmem_shared>>
      tpu.enqueue_indirect_dma source(%dma_start3A_544 : memref<64x128xf32, #tpu.memory_space<vmem>>) target(%dma_start3A_550 : memref<10240x128xf32, #tpu.memory_space<vmem_shared>>) offsets(%dma_start3A_547 : memref<64xi32, #tpu.memory_space<vmem>>) semaphore(%arg15 : memref<!tpu.dma_semaphore, #tpu.memory_space<semaphore_mem>>) {add = true}
      %dma_wait3A_551 = arith.constant 0 : i32
      %dma_wait3A_552 = arith.constant 8 : i32
      %dma_wait3A_553 = arith.constant 0 : i32
      %dma_wait3A_554 = arith.constant 0 : i32
      %dma_wait3A_555 = tpu.memref_slice %arg9[%dma_wait3A_551, %dma_wait3A_553, %dma_wait3A_554] : memref<4x64x128xf32, #tpu.memory_space<vmem>> -> memref<1x64x128xf32, #tpu.memory_space<vmem>>
      %dma_wait3A_556 = tpu.memref_squeeze %dma_wait3A_555 : memref<1x64x128xf32, #tpu.memory_space<vmem>> -> memref<64x128xf32, #tpu.memory_space<vmem>>
      %dma_wait3A_557 = arith.constant 0 : i32
      %dma_wait3A_558 = tpu.memref_slice %arg8[%dma_wait3A_552, %dma_wait3A_557] : memref<16x64xi32, #tpu.memory_space<vmem>> -> memref<1x64xi32, #tpu.memory_space<vmem>>
      %dma_wait3A_559 = tpu.memref_squeeze %dma_wait3A_558 : memref<1x64xi32, #tpu.memory_space<vmem>> -> memref<64xi32, #tpu.memory_space<vmem>>
      %dma_wait3A_560 = arith.constant 0 : i32
      %dma_wait3A_561 = arith.constant 0 : i32
      %dma_wait3A_562 = tpu.memref_slice %arg6[%dma_wait3A_560, %dma_wait3A_561] : memref<10240x128xf32, #tpu.memory_space<vmem_shared>> -> memref<10240x128xf32, #tpu.memory_space<vmem_shared>>
      tpu.wait_indirect_dma semaphore(%arg14 : memref<!tpu.dma_semaphore, #tpu.memory_space<semaphore_mem>>) src(%dma_wait3A_556 : memref<64x128xf32, #tpu.memory_space<vmem>>) dst(%dma_wait3A_562 : memref<10240x128xf32, #tpu.memory_space<vmem_shared>>)
      %dma_start3A_563 = arith.constant 12 : i32
      %dma_start3A_564 = arith.constant 0 : i32
      %dma_start3A_565 = arith.constant 0 : i32
      %dma_start3A_566 = arith.constant 0 : i32
      %dma_start3A_567 = tpu.memref_slice %arg9[%dma_start3A_564, %dma_start3A_565, %dma_start3A_566] : memref<4x64x128xf32, #tpu.memory_space<vmem>> -> memref<1x64x128xf32, #tpu.memory_space<vmem>>
      %dma_start3A_568 = tpu.memref_squeeze %dma_start3A_567 : memref<1x64x128xf32, #tpu.memory_space<vmem>> -> memref<64x128xf32, #tpu.memory_space<vmem>>
      %dma_start3A_569 = arith.constant 0 : i32
      %dma_start3A_570 = tpu.memref_slice %arg7[%dma_start3A_563, %dma_start3A_569] : memref<16x64xi32, #tpu.memory_space<vmem>> -> memref<1x64xi32, #tpu.memory_space<vmem>>
      %dma_start3A_571 = tpu.memref_squeeze %dma_start3A_570 : memref<1x64xi32, #tpu.memory_space<vmem>> -> memref<64xi32, #tpu.memory_space<vmem>>
      %dma_start3A_572 = arith.constant 0 : i32
      %dma_start3A_573 = arith.constant 0 : i32
      %dma_start3A_574 = tpu.memref_slice %arg2[%dma_start3A_572, %dma_start3A_573] : memref<20480x128xf32, #tpu.memory_space<hbm>> -> memref<20480x128xf32, #tpu.memory_space<hbm>>
      tpu.enqueue_indirect_dma source(%dma_start3A_574 : memref<20480x128xf32, #tpu.memory_space<hbm>>) target(%dma_start3A_568 : memref<64x128xf32, #tpu.memory_space<vmem>>) offsets(%dma_start3A_571 : memref<64xi32, #tpu.memory_space<vmem>>) semaphore(%arg10 : memref<!tpu.dma_semaphore, #tpu.memory_space<semaphore_mem>>)
      %dma_wait3A_575 = arith.constant 10 : i32
      %dma_wait3A_576 = arith.constant 2 : i32
      %dma_wait3A_577 = arith.constant 0 : i32
      %dma_wait3A_578 = arith.constant 0 : i32
      %dma_wait3A_579 = tpu.memref_slice %arg9[%dma_wait3A_576, %dma_wait3A_577, %dma_wait3A_578] : memref<4x64x128xf32, #tpu.memory_space<vmem>> -> memref<1x64x128xf32, #tpu.memory_space<vmem>>
      %dma_wait3A_580 = tpu.memref_squeeze %dma_wait3A_579 : memref<1x64x128xf32, #tpu.memory_space<vmem>> -> memref<64x128xf32, #tpu.memory_space<vmem>>
      %dma_wait3A_581 = arith.constant 0 : i32
      %dma_wait3A_582 = tpu.memref_slice %arg7[%dma_wait3A_575, %dma_wait3A_581] : memref<16x64xi32, #tpu.memory_space<vmem>> -> memref<1x64xi32, #tpu.memory_space<vmem>>
      %dma_wait3A_583 = tpu.memref_squeeze %dma_wait3A_582 : memref<1x64xi32, #tpu.memory_space<vmem>> -> memref<64xi32, #tpu.memory_space<vmem>>
      %dma_wait3A_584 = arith.constant 0 : i32
      %dma_wait3A_585 = arith.constant 0 : i32
      %dma_wait3A_586 = tpu.memref_slice %arg2[%dma_wait3A_584, %dma_wait3A_585] : memref<20480x128xf32, #tpu.memory_space<hbm>> -> memref<20480x128xf32, #tpu.memory_space<hbm>>
      tpu.wait_indirect_dma semaphore(%arg12 : memref<!tpu.dma_semaphore, #tpu.memory_space<semaphore_mem>>) src(%dma_wait3A_586 : memref<20480x128xf32, #tpu.memory_space<hbm>>) dst(%dma_wait3A_580 : memref<64x128xf32, #tpu.memory_space<vmem>>)
      %dma_start3A_587 = arith.constant 2 : i32
      %dma_start3A_588 = arith.constant 10 : i32
      %dma_start3A_589 = arith.constant 0 : i32
      %dma_start3A_590 = arith.constant 0 : i32
      %dma_start3A_591 = tpu.memref_slice %arg9[%dma_start3A_587, %dma_start3A_589, %dma_start3A_590] : memref<4x64x128xf32, #tpu.memory_space<vmem>> -> memref<1x64x128xf32, #tpu.memory_space<vmem>>
      %dma_start3A_592 = tpu.memref_squeeze %dma_start3A_591 : memref<1x64x128xf32, #tpu.memory_space<vmem>> -> memref<64x128xf32, #tpu.memory_space<vmem>>
      %dma_start3A_593 = arith.constant 0 : i32
      %dma_start3A_594 = tpu.memref_slice %arg8[%dma_start3A_588, %dma_start3A_593] : memref<16x64xi32, #tpu.memory_space<vmem>> -> memref<1x64xi32, #tpu.memory_space<vmem>>
      %dma_start3A_595 = tpu.memref_squeeze %dma_start3A_594 : memref<1x64xi32, #tpu.memory_space<vmem>> -> memref<64xi32, #tpu.memory_space<vmem>>
      %dma_start3A_596 = arith.constant 0 : i32
      %dma_start3A_597 = arith.constant 0 : i32
      %dma_start3A_598 = tpu.memref_slice %arg6[%dma_start3A_596, %dma_start3A_597] : memref<10240x128xf32, #tpu.memory_space<vmem_shared>> -> memref<10240x128xf32, #tpu.memory_space<vmem_shared>>
      tpu.enqueue_indirect_dma source(%dma_start3A_592 : memref<64x128xf32, #tpu.memory_space<vmem>>) target(%dma_start3A_598 : memref<10240x128xf32, #tpu.memory_space<vmem_shared>>) offsets(%dma_start3A_595 : memref<64xi32, #tpu.memory_space<vmem>>) semaphore(%arg16 : memref<!tpu.dma_semaphore, #tpu.memory_space<semaphore_mem>>) {add = true}
      %dma_wait3A_599 = arith.constant 1 : i32
      %dma_wait3A_600 = arith.constant 9 : i32
      %dma_wait3A_601 = arith.constant 0 : i32
      %dma_wait3A_602 = arith.constant 0 : i32
      %dma_wait3A_603 = tpu.memref_slice %arg9[%dma_wait3A_599, %dma_wait3A_601, %dma_wait3A_602] : memref<4x64x128xf32, #tpu.memory_space<vmem>> -> memref<1x64x128xf32, #tpu.memory_space<vmem>>
      %dma_wait3A_604 = tpu.memref_squeeze %dma_wait3A_603 : memref<1x64x128xf32, #tpu.memory_space<vmem>> -> memref<64x128xf32, #tpu.memory_space<vmem>>
      %dma_wait3A_605 = arith.constant 0 : i32
      %dma_wait3A_606 = tpu.memref_slice %arg8[%dma_wait3A_600, %dma_wait3A_605] : memref<16x64xi32, #tpu.memory_space<vmem>> -> memref<1x64xi32, #tpu.memory_space<vmem>>
      %dma_wait3A_607 = tpu.memref_squeeze %dma_wait3A_606 : memref<1x64xi32, #tpu.memory_space<vmem>> -> memref<64xi32, #tpu.memory_space<vmem>>
      %dma_wait3A_608 = arith.constant 0 : i32
      %dma_wait3A_609 = arith.constant 0 : i32
      %dma_wait3A_610 = tpu.memref_slice %arg6[%dma_wait3A_608, %dma_wait3A_609] : memref<10240x128xf32, #tpu.memory_space<vmem_shared>> -> memref<10240x128xf32, #tpu.memory_space<vmem_shared>>
      tpu.wait_indirect_dma semaphore(%arg15 : memref<!tpu.dma_semaphore, #tpu.memory_space<semaphore_mem>>) src(%dma_wait3A_604 : memref<64x128xf32, #tpu.memory_space<vmem>>) dst(%dma_wait3A_610 : memref<10240x128xf32, #tpu.memory_space<vmem_shared>>)
      %dma_start3A_611 = arith.constant 13 : i32
      %dma_start3A_612 = arith.constant 1 : i32
      %dma_start3A_613 = arith.constant 0 : i32
      %dma_start3A_614 = arith.constant 0 : i32
      %dma_start3A_615 = tpu.memref_slice %arg9[%dma_start3A_612, %dma_start3A_613, %dma_start3A_614] : memref<4x64x128xf32, #tpu.memory_space<vmem>> -> memref<1x64x128xf32, #tpu.memory_space<vmem>>
      %dma_start3A_616 = tpu.memref_squeeze %dma_start3A_615 : memref<1x64x128xf32, #tpu.memory_space<vmem>> -> memref<64x128xf32, #tpu.memory_space<vmem>>
      %dma_start3A_617 = arith.constant 0 : i32
      %dma_start3A_618 = tpu.memref_slice %arg7[%dma_start3A_611, %dma_start3A_617] : memref<16x64xi32, #tpu.memory_space<vmem>> -> memref<1x64xi32, #tpu.memory_space<vmem>>
      %dma_start3A_619 = tpu.memref_squeeze %dma_start3A_618 : memref<1x64xi32, #tpu.memory_space<vmem>> -> memref<64xi32, #tpu.memory_space<vmem>>
      %dma_start3A_620 = arith.constant 0 : i32
      %dma_start3A_621 = arith.constant 0 : i32
      %dma_start3A_622 = tpu.memref_slice %arg2[%dma_start3A_620, %dma_start3A_621] : memref<20480x128xf32, #tpu.memory_space<hbm>> -> memref<20480x128xf32, #tpu.memory_space<hbm>>
      tpu.enqueue_indirect_dma source(%dma_start3A_622 : memref<20480x128xf32, #tpu.memory_space<hbm>>) target(%dma_start3A_616 : memref<64x128xf32, #tpu.memory_space<vmem>>) offsets(%dma_start3A_619 : memref<64xi32, #tpu.memory_space<vmem>>) semaphore(%arg11 : memref<!tpu.dma_semaphore, #tpu.memory_space<semaphore_mem>>)
      %dma_wait3A_623 = arith.constant 11 : i32
      %dma_wait3A_624 = arith.constant 3 : i32
      %dma_wait3A_625 = arith.constant 0 : i32
      %dma_wait3A_626 = arith.constant 0 : i32
      %dma_wait3A_627 = tpu.memref_slice %arg9[%dma_wait3A_624, %dma_wait3A_625, %dma_wait3A_626] : memref<4x64x128xf32, #tpu.memory_space<vmem>> -> memref<1x64x128xf32, #tpu.memory_space<vmem>>
      %dma_wait3A_628 = tpu.memref_squeeze %dma_wait3A_627 : memref<1x64x128xf32, #tpu.memory_space<vmem>> -> memref<64x128xf32, #tpu.memory_space<vmem>>
      %dma_wait3A_629 = arith.constant 0 : i32
      %dma_wait3A_630 = tpu.memref_slice %arg7[%dma_wait3A_623, %dma_wait3A_629] : memref<16x64xi32, #tpu.memory_space<vmem>> -> memref<1x64xi32, #tpu.memory_space<vmem>>
      %dma_wait3A_631 = tpu.memref_squeeze %dma_wait3A_630 : memref<1x64xi32, #tpu.memory_space<vmem>> -> memref<64xi32, #tpu.memory_space<vmem>>
      %dma_wait3A_632 = arith.constant 0 : i32
      %dma_wait3A_633 = arith.constant 0 : i32
      %dma_wait3A_634 = tpu.memref_slice %arg2[%dma_wait3A_632, %dma_wait3A_633] : memref<20480x128xf32, #tpu.memory_space<hbm>> -> memref<20480x128xf32, #tpu.memory_space<hbm>>
      tpu.wait_indirect_dma semaphore(%arg13 : memref<!tpu.dma_semaphore, #tpu.memory_space<semaphore_mem>>) src(%dma_wait3A_634 : memref<20480x128xf32, #tpu.memory_space<hbm>>) dst(%dma_wait3A_628 : memref<64x128xf32, #tpu.memory_space<vmem>>)
      %dma_start3A_635 = arith.constant 3 : i32
      %dma_start3A_636 = arith.constant 11 : i32
      %dma_start3A_637 = arith.constant 0 : i32
      %dma_start3A_638 = arith.constant 0 : i32
      %dma_start3A_639 = tpu.memref_slice %arg9[%dma_start3A_635, %dma_start3A_637, %dma_start3A_638] : memref<4x64x128xf32, #tpu.memory_space<vmem>> -> memref<1x64x128xf32, #tpu.memory_space<vmem>>
      %dma_start3A_640 = tpu.memref_squeeze %dma_start3A_639 : memref<1x64x128xf32, #tpu.memory_space<vmem>> -> memref<64x128xf32, #tpu.memory_space<vmem>>
      %dma_start3A_641 = arith.constant 0 : i32
      %dma_start3A_642 = tpu.memref_slice %arg8[%dma_start3A_636, %dma_start3A_641] : memref<16x64xi32, #tpu.memory_space<vmem>> -> memref<1x64xi32, #tpu.memory_space<vmem>>
      %dma_start3A_643 = tpu.memref_squeeze %dma_start3A_642 : memref<1x64xi32, #tpu.memory_space<vmem>> -> memref<64xi32, #tpu.memory_space<vmem>>
      %dma_start3A_644 = arith.constant 0 : i32
      %dma_start3A_645 = arith.constant 0 : i32
      %dma_start3A_646 = tpu.memref_slice %arg6[%dma_start3A_644, %dma_start3A_645] : memref<10240x128xf32, #tpu.memory_space<vmem_shared>> -> memref<10240x128xf32, #tpu.memory_space<vmem_shared>>
      tpu.enqueue_indirect_dma source(%dma_start3A_640 : memref<64x128xf32, #tpu.memory_space<vmem>>) target(%dma_start3A_646 : memref<10240x128xf32, #tpu.memory_space<vmem_shared>>) offsets(%dma_start3A_643 : memref<64xi32, #tpu.memory_space<vmem>>) semaphore(%arg17 : memref<!tpu.dma_semaphore, #tpu.memory_space<semaphore_mem>>) {add = true}
      %dma_wait3A_647 = arith.constant 2 : i32
      %dma_wait3A_648 = arith.constant 10 : i32
      %dma_wait3A_649 = arith.constant 0 : i32
      %dma_wait3A_650 = arith.constant 0 : i32
      %dma_wait3A_651 = tpu.memref_slice %arg9[%dma_wait3A_647, %dma_wait3A_649, %dma_wait3A_650] : memref<4x64x128xf32, #tpu.memory_space<vmem>> -> memref<1x64x128xf32, #tpu.memory_space<vmem>>
      %dma_wait3A_652 = tpu.memref_squeeze %dma_wait3A_651 : memref<1x64x128xf32, #tpu.memory_space<vmem>> -> memref<64x128xf32, #tpu.memory_space<vmem>>
      %dma_wait3A_653 = arith.constant 0 : i32
      %dma_wait3A_654 = tpu.memref_slice %arg8[%dma_wait3A_648, %dma_wait3A_653] : memref<16x64xi32, #tpu.memory_space<vmem>> -> memref<1x64xi32, #tpu.memory_space<vmem>>
      %dma_wait3A_655 = tpu.memref_squeeze %dma_wait3A_654 : memref<1x64xi32, #tpu.memory_space<vmem>> -> memref<64xi32, #tpu.memory_space<vmem>>
      %dma_wait3A_656 = arith.constant 0 : i32
      %dma_wait3A_657 = arith.constant 0 : i32
      %dma_wait3A_658 = tpu.memref_slice %arg6[%dma_wait3A_656, %dma_wait3A_657] : memref<10240x128xf32, #tpu.memory_space<vmem_shared>> -> memref<10240x128xf32, #tpu.memory_space<vmem_shared>>
      tpu.wait_indirect_dma semaphore(%arg16 : memref<!tpu.dma_semaphore, #tpu.memory_space<semaphore_mem>>) src(%dma_wait3A_652 : memref<64x128xf32, #tpu.memory_space<vmem>>) dst(%dma_wait3A_658 : memref<10240x128xf32, #tpu.memory_space<vmem_shared>>)
      %dma_start3A_659 = arith.constant 14 : i32
      %dma_start3A_660 = arith.constant 2 : i32
      %dma_start3A_661 = arith.constant 0 : i32
      %dma_start3A_662 = arith.constant 0 : i32
      %dma_start3A_663 = tpu.memref_slice %arg9[%dma_start3A_660, %dma_start3A_661, %dma_start3A_662] : memref<4x64x128xf32, #tpu.memory_space<vmem>> -> memref<1x64x128xf32, #tpu.memory_space<vmem>>
      %dma_start3A_664 = tpu.memref_squeeze %dma_start3A_663 : memref<1x64x128xf32, #tpu.memory_space<vmem>> -> memref<64x128xf32, #tpu.memory_space<vmem>>
      %dma_start3A_665 = arith.constant 0 : i32
      %dma_start3A_666 = tpu.memref_slice %arg7[%dma_start3A_659, %dma_start3A_665] : memref<16x64xi32, #tpu.memory_space<vmem>> -> memref<1x64xi32, #tpu.memory_space<vmem>>
      %dma_start3A_667 = tpu.memref_squeeze %dma_start3A_666 : memref<1x64xi32, #tpu.memory_space<vmem>> -> memref<64xi32, #tpu.memory_space<vmem>>
      %dma_start3A_668 = arith.constant 0 : i32
      %dma_start3A_669 = arith.constant 0 : i32
      %dma_start3A_670 = tpu.memref_slice %arg2[%dma_start3A_668, %dma_start3A_669] : memref<20480x128xf32, #tpu.memory_space<hbm>> -> memref<20480x128xf32, #tpu.memory_space<hbm>>
      tpu.enqueue_indirect_dma source(%dma_start3A_670 : memref<20480x128xf32, #tpu.memory_space<hbm>>) target(%dma_start3A_664 : memref<64x128xf32, #tpu.memory_space<vmem>>) offsets(%dma_start3A_667 : memref<64xi32, #tpu.memory_space<vmem>>) semaphore(%arg12 : memref<!tpu.dma_semaphore, #tpu.memory_space<semaphore_mem>>)
      %dma_wait3A_671 = arith.constant 12 : i32
      %dma_wait3A_672 = arith.constant 0 : i32
      %dma_wait3A_673 = arith.constant 0 : i32
      %dma_wait3A_674 = arith.constant 0 : i32
      %dma_wait3A_675 = tpu.memref_slice %arg9[%dma_wait3A_672, %dma_wait3A_673, %dma_wait3A_674] : memref<4x64x128xf32, #tpu.memory_space<vmem>> -> memref<1x64x128xf32, #tpu.memory_space<vmem>>
      %dma_wait3A_676 = tpu.memref_squeeze %dma_wait3A_675 : memref<1x64x128xf32, #tpu.memory_space<vmem>> -> memref<64x128xf32, #tpu.memory_space<vmem>>
      %dma_wait3A_677 = arith.constant 0 : i32
      %dma_wait3A_678 = tpu.memref_slice %arg7[%dma_wait3A_671, %dma_wait3A_677] : memref<16x64xi32, #tpu.memory_space<vmem>> -> memref<1x64xi32, #tpu.memory_space<vmem>>
      %dma_wait3A_679 = tpu.memref_squeeze %dma_wait3A_678 : memref<1x64xi32, #tpu.memory_space<vmem>> -> memref<64xi32, #tpu.memory_space<vmem>>
      %dma_wait3A_680 = arith.constant 0 : i32
      %dma_wait3A_681 = arith.constant 0 : i32
      %dma_wait3A_682 = tpu.memref_slice %arg2[%dma_wait3A_680, %dma_wait3A_681] : memref<20480x128xf32, #tpu.memory_space<hbm>> -> memref<20480x128xf32, #tpu.memory_space<hbm>>
      tpu.wait_indirect_dma semaphore(%arg10 : memref<!tpu.dma_semaphore, #tpu.memory_space<semaphore_mem>>) src(%dma_wait3A_682 : memref<20480x128xf32, #tpu.memory_space<hbm>>) dst(%dma_wait3A_676 : memref<64x128xf32, #tpu.memory_space<vmem>>)
      %dma_start3A_683 = arith.constant 0 : i32
      %dma_start3A_684 = arith.constant 12 : i32
      %dma_start3A_685 = arith.constant 0 : i32
      %dma_start3A_686 = arith.constant 0 : i32
      %dma_start3A_687 = tpu.memref_slice %arg9[%dma_start3A_683, %dma_start3A_685, %dma_start3A_686] : memref<4x64x128xf32, #tpu.memory_space<vmem>> -> memref<1x64x128xf32, #tpu.memory_space<vmem>>
      %dma_start3A_688 = tpu.memref_squeeze %dma_start3A_687 : memref<1x64x128xf32, #tpu.memory_space<vmem>> -> memref<64x128xf32, #tpu.memory_space<vmem>>
      %dma_start3A_689 = arith.constant 0 : i32
      %dma_start3A_690 = tpu.memref_slice %arg8[%dma_start3A_684, %dma_start3A_689] : memref<16x64xi32, #tpu.memory_space<vmem>> -> memref<1x64xi32, #tpu.memory_space<vmem>>
      %dma_start3A_691 = tpu.memref_squeeze %dma_start3A_690 : memref<1x64xi32, #tpu.memory_space<vmem>> -> memref<64xi32, #tpu.memory_space<vmem>>
      %dma_start3A_692 = arith.constant 0 : i32
      %dma_start3A_693 = arith.constant 0 : i32
      %dma_start3A_694 = tpu.memref_slice %arg6[%dma_start3A_692, %dma_start3A_693] : memref<10240x128xf32, #tpu.memory_space<vmem_shared>> -> memref<10240x128xf32, #tpu.memory_space<vmem_shared>>
      tpu.enqueue_indirect_dma source(%dma_start3A_688 : memref<64x128xf32, #tpu.memory_space<vmem>>) target(%dma_start3A_694 : memref<10240x128xf32, #tpu.memory_space<vmem_shared>>) offsets(%dma_start3A_691 : memref<64xi32, #tpu.memory_space<vmem>>) semaphore(%arg14 : memref<!tpu.dma_semaphore, #tpu.memory_space<semaphore_mem>>) {add = true}
      %dma_wait3A_695 = arith.constant 3 : i32
      %dma_wait3A_696 = arith.constant 11 : i32
      %dma_wait3A_697 = arith.constant 0 : i32
      %dma_wait3A_698 = arith.constant 0 : i32
      %dma_wait3A_699 = tpu.memref_slice %arg9[%dma_wait3A_695, %dma_wait3A_697, %dma_wait3A_698] : memref<4x64x128xf32, #tpu.memory_space<vmem>> -> memref<1x64x128xf32, #tpu.memory_space<vmem>>
      %dma_wait3A_700 = tpu.memref_squeeze %dma_wait3A_699 : memref<1x64x128xf32, #tpu.memory_space<vmem>> -> memref<64x128xf32, #tpu.memory_space<vmem>>
      %dma_wait3A_701 = arith.constant 0 : i32
      %dma_wait3A_702 = tpu.memref_slice %arg8[%dma_wait3A_696, %dma_wait3A_701] : memref<16x64xi32, #tpu.memory_space<vmem>> -> memref<1x64xi32, #tpu.memory_space<vmem>>
      %dma_wait3A_703 = tpu.memref_squeeze %dma_wait3A_702 : memref<1x64xi32, #tpu.memory_space<vmem>> -> memref<64xi32, #tpu.memory_space<vmem>>
      %dma_wait3A_704 = arith.constant 0 : i32
      %dma_wait3A_705 = arith.constant 0 : i32
      %dma_wait3A_706 = tpu.memref_slice %arg6[%dma_wait3A_704, %dma_wait3A_705] : memref<10240x128xf32, #tpu.memory_space<vmem_shared>> -> memref<10240x128xf32, #tpu.memory_space<vmem_shared>>
      tpu.wait_indirect_dma semaphore(%arg17 : memref<!tpu.dma_semaphore, #tpu.memory_space<semaphore_mem>>) src(%dma_wait3A_700 : memref<64x128xf32, #tpu.memory_space<vmem>>) dst(%dma_wait3A_706 : memref<10240x128xf32, #tpu.memory_space<vmem_shared>>)
      %dma_start3A_707 = arith.constant 15 : i32
      %dma_start3A_708 = arith.constant 3 : i32
      %dma_start3A_709 = arith.constant 0 : i32
      %dma_start3A_710 = arith.constant 0 : i32
      %dma_start3A_711 = tpu.memref_slice %arg9[%dma_start3A_708, %dma_start3A_709, %dma_start3A_710] : memref<4x64x128xf32, #tpu.memory_space<vmem>> -> memref<1x64x128xf32, #tpu.memory_space<vmem>>
      %dma_start3A_712 = tpu.memref_squeeze %dma_start3A_711 : memref<1x64x128xf32, #tpu.memory_space<vmem>> -> memref<64x128xf32, #tpu.memory_space<vmem>>
      %dma_start3A_713 = arith.constant 0 : i32
      %dma_start3A_714 = tpu.memref_slice %arg7[%dma_start3A_707, %dma_start3A_713] : memref<16x64xi32, #tpu.memory_space<vmem>> -> memref<1x64xi32, #tpu.memory_space<vmem>>
      %dma_start3A_715 = tpu.memref_squeeze %dma_start3A_714 : memref<1x64xi32, #tpu.memory_space<vmem>> -> memref<64xi32, #tpu.memory_space<vmem>>
      %dma_start3A_716 = arith.constant 0 : i32
      %dma_start3A_717 = arith.constant 0 : i32
      %dma_start3A_718 = tpu.memref_slice %arg2[%dma_start3A_716, %dma_start3A_717] : memref<20480x128xf32, #tpu.memory_space<hbm>> -> memref<20480x128xf32, #tpu.memory_space<hbm>>
      tpu.enqueue_indirect_dma source(%dma_start3A_718 : memref<20480x128xf32, #tpu.memory_space<hbm>>) target(%dma_start3A_712 : memref<64x128xf32, #tpu.memory_space<vmem>>) offsets(%dma_start3A_715 : memref<64xi32, #tpu.memory_space<vmem>>) semaphore(%arg13 : memref<!tpu.dma_semaphore, #tpu.memory_space<semaphore_mem>>)
      %dma_wait3A_719 = arith.constant 13 : i32
      %dma_wait3A_720 = arith.constant 1 : i32
      %dma_wait3A_721 = arith.constant 0 : i32
      %dma_wait3A_722 = arith.constant 0 : i32
      %dma_wait3A_723 = tpu.memref_slice %arg9[%dma_wait3A_720, %dma_wait3A_721, %dma_wait3A_722] : memref<4x64x128xf32, #tpu.memory_space<vmem>> -> memref<1x64x128xf32, #tpu.memory_space<vmem>>
      %dma_wait3A_724 = tpu.memref_squeeze %dma_wait3A_723 : memref<1x64x128xf32, #tpu.memory_space<vmem>> -> memref<64x128xf32, #tpu.memory_space<vmem>>
      %dma_wait3A_725 = arith.constant 0 : i32
      %dma_wait3A_726 = tpu.memref_slice %arg7[%dma_wait3A_719, %dma_wait3A_725] : memref<16x64xi32, #tpu.memory_space<vmem>> -> memref<1x64xi32, #tpu.memory_space<vmem>>
      %dma_wait3A_727 = tpu.memref_squeeze %dma_wait3A_726 : memref<1x64xi32, #tpu.memory_space<vmem>> -> memref<64xi32, #tpu.memory_space<vmem>>
      %dma_wait3A_728 = arith.constant 0 : i32
      %dma_wait3A_729 = arith.constant 0 : i32
      %dma_wait3A_730 = tpu.memref_slice %arg2[%dma_wait3A_728, %dma_wait3A_729] : memref<20480x128xf32, #tpu.memory_space<hbm>> -> memref<20480x128xf32, #tpu.memory_space<hbm>>
      tpu.wait_indirect_dma semaphore(%arg11 : memref<!tpu.dma_semaphore, #tpu.memory_space<semaphore_mem>>) src(%dma_wait3A_730 : memref<20480x128xf32, #tpu.memory_space<hbm>>) dst(%dma_wait3A_724 : memref<64x128xf32, #tpu.memory_space<vmem>>)
      %dma_start3A_731 = arith.constant 1 : i32
      %dma_start3A_732 = arith.constant 13 : i32
      %dma_start3A_733 = arith.constant 0 : i32
      %dma_start3A_734 = arith.constant 0 : i32
      %dma_start3A_735 = tpu.memref_slice %arg9[%dma_start3A_731, %dma_start3A_733, %dma_start3A_734] : memref<4x64x128xf32, #tpu.memory_space<vmem>> -> memref<1x64x128xf32, #tpu.memory_space<vmem>>
      %dma_start3A_736 = tpu.memref_squeeze %dma_start3A_735 : memref<1x64x128xf32, #tpu.memory_space<vmem>> -> memref<64x128xf32, #tpu.memory_space<vmem>>
      %dma_start3A_737 = arith.constant 0 : i32
      %dma_start3A_738 = tpu.memref_slice %arg8[%dma_start3A_732, %dma_start3A_737] : memref<16x64xi32, #tpu.memory_space<vmem>> -> memref<1x64xi32, #tpu.memory_space<vmem>>
      %dma_start3A_739 = tpu.memref_squeeze %dma_start3A_738 : memref<1x64xi32, #tpu.memory_space<vmem>> -> memref<64xi32, #tpu.memory_space<vmem>>
      %dma_start3A_740 = arith.constant 0 : i32
      %dma_start3A_741 = arith.constant 0 : i32
      %dma_start3A_742 = tpu.memref_slice %arg6[%dma_start3A_740, %dma_start3A_741] : memref<10240x128xf32, #tpu.memory_space<vmem_shared>> -> memref<10240x128xf32, #tpu.memory_space<vmem_shared>>
      tpu.enqueue_indirect_dma source(%dma_start3A_736 : memref<64x128xf32, #tpu.memory_space<vmem>>) target(%dma_start3A_742 : memref<10240x128xf32, #tpu.memory_space<vmem_shared>>) offsets(%dma_start3A_739 : memref<64xi32, #tpu.memory_space<vmem>>) semaphore(%arg15 : memref<!tpu.dma_semaphore, #tpu.memory_space<semaphore_mem>>) {add = true}
      %dma_wait3A_743 = arith.constant 14 : i32
      %dma_wait3A_744 = arith.constant 2 : i32
      %dma_wait3A_745 = arith.constant 0 : i32
      %dma_wait3A_746 = arith.constant 0 : i32
      %dma_wait3A_747 = tpu.memref_slice %arg9[%dma_wait3A_744, %dma_wait3A_745, %dma_wait3A_746] : memref<4x64x128xf32, #tpu.memory_space<vmem>> -> memref<1x64x128xf32, #tpu.memory_space<vmem>>
      %dma_wait3A_748 = tpu.memref_squeeze %dma_wait3A_747 : memref<1x64x128xf32, #tpu.memory_space<vmem>> -> memref<64x128xf32, #tpu.memory_space<vmem>>
      %dma_wait3A_749 = arith.constant 0 : i32
      %dma_wait3A_750 = tpu.memref_slice %arg7[%dma_wait3A_743, %dma_wait3A_749] : memref<16x64xi32, #tpu.memory_space<vmem>> -> memref<1x64xi32, #tpu.memory_space<vmem>>
      %dma_wait3A_751 = tpu.memref_squeeze %dma_wait3A_750 : memref<1x64xi32, #tpu.memory_space<vmem>> -> memref<64xi32, #tpu.memory_space<vmem>>
      %dma_wait3A_752 = arith.constant 0 : i32
      %dma_wait3A_753 = arith.constant 0 : i32
      %dma_wait3A_754 = tpu.memref_slice %arg2[%dma_wait3A_752, %dma_wait3A_753] : memref<20480x128xf32, #tpu.memory_space<hbm>> -> memref<20480x128xf32, #tpu.memory_space<hbm>>
      tpu.wait_indirect_dma semaphore(%arg12 : memref<!tpu.dma_semaphore, #tpu.memory_space<semaphore_mem>>) src(%dma_wait3A_754 : memref<20480x128xf32, #tpu.memory_space<hbm>>) dst(%dma_wait3A_748 : memref<64x128xf32, #tpu.memory_space<vmem>>)
      %dma_start3A_755 = arith.constant 2 : i32
      %dma_start3A_756 = arith.constant 14 : i32
      %dma_start3A_757 = arith.constant 0 : i32
      %dma_start3A_758 = arith.constant 0 : i32
      %dma_start3A_759 = tpu.memref_slice %arg9[%dma_start3A_755, %dma_start3A_757, %dma_start3A_758] : memref<4x64x128xf32, #tpu.memory_space<vmem>> -> memref<1x64x128xf32, #tpu.memory_space<vmem>>
      %dma_start3A_760 = tpu.memref_squeeze %dma_start3A_759 : memref<1x64x128xf32, #tpu.memory_space<vmem>> -> memref<64x128xf32, #tpu.memory_space<vmem>>
      %dma_start3A_761 = arith.constant 0 : i32
      %dma_start3A_762 = tpu.memref_slice %arg8[%dma_start3A_756, %dma_start3A_761] : memref<16x64xi32, #tpu.memory_space<vmem>> -> memref<1x64xi32, #tpu.memory_space<vmem>>
      %dma_start3A_763 = tpu.memref_squeeze %dma_start3A_762 : memref<1x64xi32, #tpu.memory_space<vmem>> -> memref<64xi32, #tpu.memory_space<vmem>>
      %dma_start3A_764 = arith.constant 0 : i32
      %dma_start3A_765 = arith.constant 0 : i32
      %dma_start3A_766 = tpu.memref_slice %arg6[%dma_start3A_764, %dma_start3A_765] : memref<10240x128xf32, #tpu.memory_space<vmem_shared>> -> memref<10240x128xf32, #tpu.memory_space<vmem_shared>>
      tpu.enqueue_indirect_dma source(%dma_start3A_760 : memref<64x128xf32, #tpu.memory_space<vmem>>) target(%dma_start3A_766 : memref<10240x128xf32, #tpu.memory_space<vmem_shared>>) offsets(%dma_start3A_763 : memref<64xi32, #tpu.memory_space<vmem>>) semaphore(%arg16 : memref<!tpu.dma_semaphore, #tpu.memory_space<semaphore_mem>>) {add = true}
      %dma_wait3A_767 = arith.constant 15 : i32
      %dma_wait3A_768 = arith.constant 3 : i32
      %dma_wait3A_769 = arith.constant 0 : i32
      %dma_wait3A_770 = arith.constant 0 : i32
      %dma_wait3A_771 = tpu.memref_slice %arg9[%dma_wait3A_768, %dma_wait3A_769, %dma_wait3A_770] : memref<4x64x128xf32, #tpu.memory_space<vmem>> -> memref<1x64x128xf32, #tpu.memory_space<vmem>>
      %dma_wait3A_772 = tpu.memref_squeeze %dma_wait3A_771 : memref<1x64x128xf32, #tpu.memory_space<vmem>> -> memref<64x128xf32, #tpu.memory_space<vmem>>
      %dma_wait3A_773 = arith.constant 0 : i32
      %dma_wait3A_774 = tpu.memref_slice %arg7[%dma_wait3A_767, %dma_wait3A_773] : memref<16x64xi32, #tpu.memory_space<vmem>> -> memref<1x64xi32, #tpu.memory_space<vmem>>
      %dma_wait3A_775 = tpu.memref_squeeze %dma_wait3A_774 : memref<1x64xi32, #tpu.memory_space<vmem>> -> memref<64xi32, #tpu.memory_space<vmem>>
      %dma_wait3A_776 = arith.constant 0 : i32
      %dma_wait3A_777 = arith.constant 0 : i32
      %dma_wait3A_778 = tpu.memref_slice %arg2[%dma_wait3A_776, %dma_wait3A_777] : memref<20480x128xf32, #tpu.memory_space<hbm>> -> memref<20480x128xf32, #tpu.memory_space<hbm>>
      tpu.wait_indirect_dma semaphore(%arg13 : memref<!tpu.dma_semaphore, #tpu.memory_space<semaphore_mem>>) src(%dma_wait3A_778 : memref<20480x128xf32, #tpu.memory_space<hbm>>) dst(%dma_wait3A_772 : memref<64x128xf32, #tpu.memory_space<vmem>>)
      %dma_start3A_779 = arith.constant 3 : i32
      %dma_start3A_780 = arith.constant 15 : i32
      %dma_start3A_781 = arith.constant 0 : i32
      %dma_start3A_782 = arith.constant 0 : i32
      %dma_start3A_783 = tpu.memref_slice %arg9[%dma_start3A_779, %dma_start3A_781, %dma_start3A_782] : memref<4x64x128xf32, #tpu.memory_space<vmem>> -> memref<1x64x128xf32, #tpu.memory_space<vmem>>
      %dma_start3A_784 = tpu.memref_squeeze %dma_start3A_783 : memref<1x64x128xf32, #tpu.memory_space<vmem>> -> memref<64x128xf32, #tpu.memory_space<vmem>>
      %dma_start3A_785 = arith.constant 0 : i32
      %dma_start3A_786 = tpu.memref_slice %arg8[%dma_start3A_780, %dma_start3A_785] : memref<16x64xi32, #tpu.memory_space<vmem>> -> memref<1x64xi32, #tpu.memory_space<vmem>>
      %dma_start3A_787 = tpu.memref_squeeze %dma_start3A_786 : memref<1x64xi32, #tpu.memory_space<vmem>> -> memref<64xi32, #tpu.memory_space<vmem>>
      %dma_start3A_788 = arith.constant 0 : i32
      %dma_start3A_789 = arith.constant 0 : i32
      %dma_start3A_790 = tpu.memref_slice %arg6[%dma_start3A_788, %dma_start3A_789] : memref<10240x128xf32, #tpu.memory_space<vmem_shared>> -> memref<10240x128xf32, #tpu.memory_space<vmem_shared>>
      tpu.enqueue_indirect_dma source(%dma_start3A_784 : memref<64x128xf32, #tpu.memory_space<vmem>>) target(%dma_start3A_790 : memref<10240x128xf32, #tpu.memory_space<vmem_shared>>) offsets(%dma_start3A_787 : memref<64xi32, #tpu.memory_space<vmem>>) semaphore(%arg17 : memref<!tpu.dma_semaphore, #tpu.memory_space<semaphore_mem>>) {add = true}
      %dma_wait3A_791 = arith.constant 0 : i32
      %dma_wait3A_792 = arith.constant 12 : i32
      %dma_wait3A_793 = arith.constant 0 : i32
      %dma_wait3A_794 = arith.constant 0 : i32
      %dma_wait3A_795 = tpu.memref_slice %arg9[%dma_wait3A_791, %dma_wait3A_793, %dma_wait3A_794] : memref<4x64x128xf32, #tpu.memory_space<vmem>> -> memref<1x64x128xf32, #tpu.memory_space<vmem>>
      %dma_wait3A_796 = tpu.memref_squeeze %dma_wait3A_795 : memref<1x64x128xf32, #tpu.memory_space<vmem>> -> memref<64x128xf32, #tpu.memory_space<vmem>>
      %dma_wait3A_797 = arith.constant 0 : i32
      %dma_wait3A_798 = tpu.memref_slice %arg8[%dma_wait3A_792, %dma_wait3A_797] : memref<16x64xi32, #tpu.memory_space<vmem>> -> memref<1x64xi32, #tpu.memory_space<vmem>>
      %dma_wait3A_799 = tpu.memref_squeeze %dma_wait3A_798 : memref<1x64xi32, #tpu.memory_space<vmem>> -> memref<64xi32, #tpu.memory_space<vmem>>
      %dma_wait3A_800 = arith.constant 0 : i32
      %dma_wait3A_801 = arith.constant 0 : i32
      %dma_wait3A_802 = tpu.memref_slice %arg6[%dma_wait3A_800, %dma_wait3A_801] : memref<10240x128xf32, #tpu.memory_space<vmem_shared>> -> memref<10240x128xf32, #tpu.memory_space<vmem_shared>>
      tpu.wait_indirect_dma semaphore(%arg14 : memref<!tpu.dma_semaphore, #tpu.memory_space<semaphore_mem>>) src(%dma_wait3A_796 : memref<64x128xf32, #tpu.memory_space<vmem>>) dst(%dma_wait3A_802 : memref<10240x128xf32, #tpu.memory_space<vmem_shared>>)
      %dma_wait3A_803 = arith.constant 1 : i32
      %dma_wait3A_804 = arith.constant 13 : i32
      %dma_wait3A_805 = arith.constant 0 : i32
      %dma_wait3A_806 = arith.constant 0 : i32
      %dma_wait3A_807 = tpu.memref_slice %arg9[%dma_wait3A_803, %dma_wait3A_805, %dma_wait3A_806] : memref<4x64x128xf32, #tpu.memory_space<vmem>> -> memref<1x64x128xf32, #tpu.memory_space<vmem>>
      %dma_wait3A_808 = tpu.memref_squeeze %dma_wait3A_807 : memref<1x64x128xf32, #tpu.memory_space<vmem>> -> memref<64x128xf32, #tpu.memory_space<vmem>>
      %dma_wait3A_809 = arith.constant 0 : i32
      %dma_wait3A_810 = tpu.memref_slice %arg8[%dma_wait3A_804, %dma_wait3A_809] : memref<16x64xi32, #tpu.memory_space<vmem>> -> memref<1x64xi32, #tpu.memory_space<vmem>>
      %dma_wait3A_811 = tpu.memref_squeeze %dma_wait3A_810 : memref<1x64xi32, #tpu.memory_space<vmem>> -> memref<64xi32, #tpu.memory_space<vmem>>
      %dma_wait3A_812 = arith.constant 0 : i32
      %dma_wait3A_813 = arith.constant 0 : i32
      %dma_wait3A_814 = tpu.memref_slice %arg6[%dma_wait3A_812, %dma_wait3A_813] : memref<10240x128xf32, #tpu.memory_space<vmem_shared>> -> memref<10240x128xf32, #tpu.memory_space<vmem_shared>>
      tpu.wait_indirect_dma semaphore(%arg15 : memref<!tpu.dma_semaphore, #tpu.memory_space<semaphore_mem>>) src(%dma_wait3A_808 : memref<64x128xf32, #tpu.memory_space<vmem>>) dst(%dma_wait3A_814 : memref<10240x128xf32, #tpu.memory_space<vmem_shared>>)
      %dma_wait3A_815 = arith.constant 2 : i32
      %dma_wait3A_816 = arith.constant 14 : i32
      %dma_wait3A_817 = arith.constant 0 : i32
      %dma_wait3A_818 = arith.constant 0 : i32
      %dma_wait3A_819 = tpu.memref_slice %arg9[%dma_wait3A_815, %dma_wait3A_817, %dma_wait3A_818] : memref<4x64x128xf32, #tpu.memory_space<vmem>> -> memref<1x64x128xf32, #tpu.memory_space<vmem>>
      %dma_wait3A_820 = tpu.memref_squeeze %dma_wait3A_819 : memref<1x64x128xf32, #tpu.memory_space<vmem>> -> memref<64x128xf32, #tpu.memory_space<vmem>>
      %dma_wait3A_821 = arith.constant 0 : i32
      %dma_wait3A_822 = tpu.memref_slice %arg8[%dma_wait3A_816, %dma_wait3A_821] : memref<16x64xi32, #tpu.memory_space<vmem>> -> memref<1x64xi32, #tpu.memory_space<vmem>>
      %dma_wait3A_823 = tpu.memref_squeeze %dma_wait3A_822 : memref<1x64xi32, #tpu.memory_space<vmem>> -> memref<64xi32, #tpu.memory_space<vmem>>
      %dma_wait3A_824 = arith.constant 0 : i32
      %dma_wait3A_825 = arith.constant 0 : i32
      %dma_wait3A_826 = tpu.memref_slice %arg6[%dma_wait3A_824, %dma_wait3A_825] : memref<10240x128xf32, #tpu.memory_space<vmem_shared>> -> memref<10240x128xf32, #tpu.memory_space<vmem_shared>>
      tpu.wait_indirect_dma semaphore(%arg16 : memref<!tpu.dma_semaphore, #tpu.memory_space<semaphore_mem>>) src(%dma_wait3A_820 : memref<64x128xf32, #tpu.memory_space<vmem>>) dst(%dma_wait3A_826 : memref<10240x128xf32, #tpu.memory_space<vmem_shared>>)
      %dma_wait3A_827 = arith.constant 3 : i32
      %dma_wait3A_828 = arith.constant 15 : i32
      %dma_wait3A_829 = arith.constant 0 : i32
      %dma_wait3A_830 = arith.constant 0 : i32
      %dma_wait3A_831 = tpu.memref_slice %arg9[%dma_wait3A_827, %dma_wait3A_829, %dma_wait3A_830] : memref<4x64x128xf32, #tpu.memory_space<vmem>> -> memref<1x64x128xf32, #tpu.memory_space<vmem>>
      %dma_wait3A_832 = tpu.memref_squeeze %dma_wait3A_831 : memref<1x64x128xf32, #tpu.memory_space<vmem>> -> memref<64x128xf32, #tpu.memory_space<vmem>>
      %dma_wait3A_833 = arith.constant 0 : i32
      %dma_wait3A_834 = tpu.memref_slice %arg8[%dma_wait3A_828, %dma_wait3A_833] : memref<16x64xi32, #tpu.memory_space<vmem>> -> memref<1x64xi32, #tpu.memory_space<vmem>>
      %dma_wait3A_835 = tpu.memref_squeeze %dma_wait3A_834 : memref<1x64xi32, #tpu.memory_space<vmem>> -> memref<64xi32, #tpu.memory_space<vmem>>
      %dma_wait3A_836 = arith.constant 0 : i32
      %dma_wait3A_837 = arith.constant 0 : i32
      %dma_wait3A_838 = tpu.memref_slice %arg6[%dma_wait3A_836, %dma_wait3A_837] : memref<10240x128xf32, #tpu.memory_space<vmem_shared>> -> memref<10240x128xf32, #tpu.memory_space<vmem_shared>>
      tpu.wait_indirect_dma semaphore(%arg17 : memref<!tpu.dma_semaphore, #tpu.memory_space<semaphore_mem>>) src(%dma_wait3A_832 : memref<64x128xf32, #tpu.memory_space<vmem>>) dst(%dma_wait3A_838 : memref<10240x128xf32, #tpu.memory_space<vmem_shared>>)
    }
    %scan3A_59 = arith.constant 20 : i32
    %barrier3A_60 = arith.constant 0 : index
    tpu.barrier barrier_id(%barrier3A_60)
    %mul3A_61 = arith.constant 640 : i32
    %mul3A_62 = arith.muli %arg1, %mul3A_61 : i32
    %mul3A_63 = arith.constant 640 : i32
    %mul3A_64 = arith.muli %arg1, %mul3A_63 : i32
    "tpu.region"() ({
      %run_scoped3A_65 = tpu.sem_alloc : memref<!tpu.dma_semaphore, #tpu.memory_space<semaphore_mem>>
      %dma_start3A = arith.constant 0 : i32
      %dma_start3A_66 = tpu.memref_slice %arg5[%arg0, %mul3A_64, %dma_start3A] : memref<2x10240x128xf32, #tpu.memory_space<hbm>> -> memref<1x640x128xf32, #tpu.memory_space<hbm>>
      %dma_start3A_67 = tpu.memref_squeeze %dma_start3A_66 : memref<1x640x128xf32, #tpu.memory_space<hbm>> -> memref<640x128xf32, #tpu.memory_space<hbm>>
      %dma_start3A_68 = arith.constant 0 : i32
      %dma_start3A_69 = tpu.memref_slice %arg6[%mul3A_62, %dma_start3A_68] : memref<10240x128xf32, #tpu.memory_space<vmem_shared>> -> memref<640x128xf32, #tpu.memory_space<vmem_shared>>
      tpu.enqueue_dma source(%dma_start3A_69 : memref<640x128xf32, #tpu.memory_space<vmem_shared>>) target(%dma_start3A_67 : memref<640x128xf32, #tpu.memory_space<hbm>>) target_semaphore(%run_scoped3A_65 : memref<!tpu.dma_semaphore, #tpu.memory_space<semaphore_mem>>)
      %dma_wait3A = arith.constant 0 : i32
      %dma_wait3A_70 = tpu.memref_slice %arg5[%arg0, %mul3A_64, %dma_wait3A] : memref<2x10240x128xf32, #tpu.memory_space<hbm>> -> memref<1x640x128xf32, #tpu.memory_space<hbm>>
      %dma_wait3A_71 = tpu.memref_squeeze %dma_wait3A_70 : memref<1x640x128xf32, #tpu.memory_space<hbm>> -> memref<640x128xf32, #tpu.memory_space<hbm>>
      %dma_wait3A_72 = arith.constant 0 : i32
      %dma_wait3A_73 = tpu.memref_slice %arg6[%mul3A_62, %dma_wait3A_72] : memref<10240x128xf32, #tpu.memory_space<vmem_shared>> -> memref<640x128xf32, #tpu.memory_space<vmem_shared>>
      tpu.wait_dma2 semaphore(%run_scoped3A_65 : memref<!tpu.dma_semaphore, #tpu.memory_space<semaphore_mem>>) src(%dma_wait3A_73 : memref<640x128xf32, #tpu.memory_space<vmem_shared>>) dst(%dma_wait3A_71 : memref<640x128xf32, #tpu.memory_space<hbm>>)
      tpu.yield
    }) : () -> ()
    return
  }
}

#map = affine_map<(d0, d1) -> (0, 0)>
#map1 = affine_map<(d0, d1) -> (0, 0, 0)>
module attributes {stable_mosaic.version = 14 : i64} {
  func.func @body(%arg0: i32, %arg1: i32, %arg2: memref<10240x128xf32, #tpu.memory_space<hbm>>, %arg3: memref<5120x64xi32, #tpu.memory_space<hbm>>, %arg4: memref<5120x64xi32, #tpu.memory_space<hbm>>, %arg5: memref<2x10240x128xf32, #tpu.memory_space<hbm>>, %arg6: memref<10240x128xf32, #tpu.memory_space<vmem_shared>>, %arg7: memref<16x64xi32, #tpu.memory_space<vmem>>, %arg8: memref<16x64xi32, #tpu.memory_space<vmem>>, %arg9: memref<4x64x128xf32, #tpu.memory_space<vmem>>, %arg10: memref<!tpu.dma_semaphore, #tpu.memory_space<semaphore_mem>>, %arg11: memref<!tpu.dma_semaphore, #tpu.memory_space<semaphore_mem>>, %arg12: memref<!tpu.dma_semaphore, #tpu.memory_space<semaphore_mem>>, %arg13: memref<!tpu.dma_semaphore, #tpu.memory_space<semaphore_mem>>, %arg14: memref<!tpu.dma_semaphore, #tpu.memory_space<semaphore_mem>>, %arg15: memref<!tpu.dma_semaphore, #tpu.memory_space<semaphore_mem>>, %arg16: memref<!tpu.dma_semaphore, #tpu.memory_space<semaphore_mem>>, %arg17: memref<!tpu.dma_semaphore, #tpu.memory_space<semaphore_mem>>) attributes {dimension_semantics = [#tpu.dimension_semantics<core_parallel>, #tpu.dimension_semantics<subcore_parallel>], iteration_bounds = array<i64: 2, 16>, scalar_prefetch = 0 : i64, scratch_operands = 12 : i64, tpu.core_type = #tpu.core_type<sc_vector_subcore>, window_params = [{transform_indices = #map}, {transform_indices = #map}, {transform_indices = #map}, {transform_indices = #map1}]} {
    %mul3A = arith.constant 2 : i32
    %mul3A_0 = arith.muli %arg1, %mul3A : i32
    %add3A = arith.addi %mul3A_0, %arg0 : i32
    %broadcast_in_dim3A = arith.constant 0.000000e+00 : f32
    %broadcast_in_dim3A_1 = vector.broadcast %broadcast_in_dim3A : f32 to vector<16xf32>
    %scan3A = arith.constant 0 : i32
    %scan3A_2 = arith.constant 0 : i32
    %scan3A_3 = arith.constant 64 : i32
    %scan3A_4 = arith.addi %scan3A_2, %scan3A_3 : i32
    %scan3A_5 = arith.constant 1 : i32
    scf.for %scan3A_68 = %scan3A_2 to %scan3A_4 step %scan3A_5  : i32 {
      %mul3A_69 = arith.constant 1 : i32
      %mul3A_70 = arith.muli %scan3A_68, %mul3A_69 : i32
      %add3A_71 = arith.constant 0 : i32
      %add3A_72 = arith.addi %add3A_71, %mul3A_70 : i32
      %swap3A = arith.constant 0 : i32
      %swap3A_73 = arith.constant 0 : i32
      %swap3A_74 = tpu.memref_slice %arg9[%scan3A, %swap3A, %swap3A_73] : memref<4x64x128xf32, #tpu.memory_space<vmem>> -> memref<1x64x128xf32, #tpu.memory_space<vmem>>
      %swap3A_75 = tpu.memref_squeeze %swap3A_74 : memref<1x64x128xf32, #tpu.memory_space<vmem>> -> memref<64x128xf32, #tpu.memory_space<vmem>>
      %swap3A_76 = arith.index_cast %add3A_72 : i32 to index
      %swap3A_77 = arith.constant 0 : index
      %swap3A_78 = tpu.vector_load %swap3A_75[%swap3A_76, %swap3A_77] {strides = array<i32>} : memref<64x128xf32, #tpu.memory_space<vmem>>, vector<1x16xf32>,
      %swap3A_79 = vector.shape_cast %swap3A_78 : vector<1x16xf32> to vector<16xf32>
      %swap3A_80 = vector.shape_cast %broadcast_in_dim3A_1 : vector<16xf32> to vector<1x16xf32>
      tpu.vector_store %swap3A_75[%swap3A_76, %swap3A_77], %swap3A_80 {strides = array<i32>} : memref<64x128xf32, #tpu.memory_space<vmem>>, vector<1x16xf32>,
      %swap3A_81 = arith.constant 0 : i32
      %swap3A_82 = arith.constant 0 : i32
      %swap3A_83 = tpu.memref_slice %arg9[%scan3A, %swap3A_81, %swap3A_82] : memref<4x64x128xf32, #tpu.memory_space<vmem>> -> memref<1x64x128xf32, #tpu.memory_space<vmem>>
      %swap3A_84 = tpu.memref_squeeze %swap3A_83 : memref<1x64x128xf32, #tpu.memory_space<vmem>> -> memref<64x128xf32, #tpu.memory_space<vmem>>
      %swap3A_85 = arith.index_cast %add3A_72 : i32 to index
      %swap3A_86 = arith.constant 16 : index
      %swap3A_87 = tpu.vector_load %swap3A_84[%swap3A_85, %swap3A_86] {strides = array<i32>} : memref<64x128xf32, #tpu.memory_space<vmem>>, vector<1x16xf32>,
      %swap3A_88 = vector.shape_cast %swap3A_87 : vector<1x16xf32> to vector<16xf32>
      %swap3A_89 = vector.shape_cast %broadcast_in_dim3A_1 : vector<16xf32> to vector<1x16xf32>
      tpu.vector_store %swap3A_84[%swap3A_85, %swap3A_86], %swap3A_89 {strides = array<i32>} : memref<64x128xf32, #tpu.memory_space<vmem>>, vector<1x16xf32>,
      %swap3A_90 = arith.constant 0 : i32
      %swap3A_91 = arith.constant 0 : i32
      %swap3A_92 = tpu.memref_slice %arg9[%scan3A, %swap3A_90, %swap3A_91] : memref<4x64x128xf32, #tpu.memory_space<vmem>> -> memref<1x64x128xf32, #tpu.memory_space<vmem>>
      %swap3A_93 = tpu.memref_squeeze %swap3A_92 : memref<1x64x128xf32, #tpu.memory_space<vmem>> -> memref<64x128xf32, #tpu.memory_space<vmem>>
      %swap3A_94 = arith.index_cast %add3A_72 : i32 to index
      %swap3A_95 = arith.constant 32 : index
      %swap3A_96 = tpu.vector_load %swap3A_93[%swap3A_94, %swap3A_95] {strides = array<i32>} : memref<64x128xf32, #tpu.memory_space<vmem>>, vector<1x16xf32>,
      %swap3A_97 = vector.shape_cast %swap3A_96 : vector<1x16xf32> to vector<16xf32>
      %swap3A_98 = vector.shape_cast %broadcast_in_dim3A_1 : vector<16xf32> to vector<1x16xf32>
      tpu.vector_store %swap3A_93[%swap3A_94, %swap3A_95], %swap3A_98 {strides = array<i32>} : memref<64x128xf32, #tpu.memory_space<vmem>>, vector<1x16xf32>,
      %swap3A_99 = arith.constant 0 : i32
      %swap3A_100 = arith.constant 0 : i32
      %swap3A_101 = tpu.memref_slice %arg9[%scan3A, %swap3A_99, %swap3A_100] : memref<4x64x128xf32, #tpu.memory_space<vmem>> -> memref<1x64x128xf32, #tpu.memory_space<vmem>>
      %swap3A_102 = tpu.memref_squeeze %swap3A_101 : memref<1x64x128xf32, #tpu.memory_space<vmem>> -> memref<64x128xf32, #tpu.memory_space<vmem>>
      %swap3A_103 = arith.index_cast %add3A_72 : i32 to index
      %swap3A_104 = arith.constant 48 : index
      %swap3A_105 = tpu.vector_load %swap3A_102[%swap3A_103, %swap3A_104] {strides = array<i32>} : memref<64x128xf32, #tpu.memory_space<vmem>>, vector<1x16xf32>,
      %swap3A_106 = vector.shape_cast %swap3A_105 : vector<1x16xf32> to vector<16xf32>
      %swap3A_107 = vector.shape_cast %broadcast_in_dim3A_1 : vector<16xf32> to vector<1x16xf32>
      tpu.vector_store %swap3A_102[%swap3A_103, %swap3A_104], %swap3A_107 {strides = array<i32>} : memref<64x128xf32, #tpu.memory_space<vmem>>, vector<1x16xf32>,
      %swap3A_108 = arith.constant 0 : i32
      %swap3A_109 = arith.constant 0 : i32
      %swap3A_110 = tpu.memref_slice %arg9[%scan3A, %swap3A_108, %swap3A_109] : memref<4x64x128xf32, #tpu.memory_space<vmem>> -> memref<1x64x128xf32, #tpu.memory_space<vmem>>
      %swap3A_111 = tpu.memref_squeeze %swap3A_110 : memref<1x64x128xf32, #tpu.memory_space<vmem>> -> memref<64x128xf32, #tpu.memory_space<vmem>>
      %swap3A_112 = arith.index_cast %add3A_72 : i32 to index
      %swap3A_113 = arith.constant 64 : index
      %swap3A_114 = tpu.vector_load %swap3A_111[%swap3A_112, %swap3A_113] {strides = array<i32>} : memref<64x128xf32, #tpu.memory_space<vmem>>, vector<1x16xf32>,
      %swap3A_115 = vector.shape_cast %swap3A_114 : vector<1x16xf32> to vector<16xf32>
      %swap3A_116 = vector.shape_cast %broadcast_in_dim3A_1 : vector<16xf32> to vector<1x16xf32>
      tpu.vector_store %swap3A_111[%swap3A_112, %swap3A_113], %swap3A_116 {strides = array<i32>} : memref<64x128xf32, #tpu.memory_space<vmem>>, vector<1x16xf32>,
      %swap3A_117 = arith.constant 0 : i32
      %swap3A_118 = arith.constant 0 : i32
      %swap3A_119 = tpu.memref_slice %arg9[%scan3A, %swap3A_117, %swap3A_118] : memref<4x64x128xf32, #tpu.memory_space<vmem>> -> memref<1x64x128xf32, #tpu.memory_space<vmem>>
      %swap3A_120 = tpu.memref_squeeze %swap3A_119 : memref<1x64x128xf32, #tpu.memory_space<vmem>> -> memref<64x128xf32, #tpu.memory_space<vmem>>
      %swap3A_121 = arith.index_cast %add3A_72 : i32 to index
      %swap3A_122 = arith.constant 80 : index
      %swap3A_123 = tpu.vector_load %swap3A_120[%swap3A_121, %swap3A_122] {strides = array<i32>} : memref<64x128xf32, #tpu.memory_space<vmem>>, vector<1x16xf32>,
      %swap3A_124 = vector.shape_cast %swap3A_123 : vector<1x16xf32> to vector<16xf32>
      %swap3A_125 = vector.shape_cast %broadcast_in_dim3A_1 : vector<16xf32> to vector<1x16xf32>
      tpu.vector_store %swap3A_120[%swap3A_121, %swap3A_122], %swap3A_125 {strides = array<i32>} : memref<64x128xf32, #tpu.memory_space<vmem>>, vector<1x16xf32>,
      %swap3A_126 = arith.constant 0 : i32
      %swap3A_127 = arith.constant 0 : i32
      %swap3A_128 = tpu.memref_slice %arg9[%scan3A, %swap3A_126, %swap3A_127] : memref<4x64x128xf32, #tpu.memory_space<vmem>> -> memref<1x64x128xf32, #tpu.memory_space<vmem>>
      %swap3A_129 = tpu.memref_squeeze %swap3A_128 : memref<1x64x128xf32, #tpu.memory_space<vmem>> -> memref<64x128xf32, #tpu.memory_space<vmem>>
      %swap3A_130 = arith.index_cast %add3A_72 : i32 to index
      %swap3A_131 = arith.constant 96 : index
      %swap3A_132 = tpu.vector_load %swap3A_129[%swap3A_130, %swap3A_131] {strides = array<i32>} : memref<64x128xf32, #tpu.memory_space<vmem>>, vector<1x16xf32>,
      %swap3A_133 = vector.shape_cast %swap3A_132 : vector<1x16xf32> to vector<16xf32>
      %swap3A_134 = vector.shape_cast %broadcast_in_dim3A_1 : vector<16xf32> to vector<1x16xf32>
      tpu.vector_store %swap3A_129[%swap3A_130, %swap3A_131], %swap3A_134 {strides = array<i32>} : memref<64x128xf32, #tpu.memory_space<vmem>>, vector<1x16xf32>,
      %swap3A_135 = arith.constant 0 : i32
      %swap3A_136 = arith.constant 0 : i32
      %swap3A_137 = tpu.memref_slice %arg9[%scan3A, %swap3A_135, %swap3A_136] : memref<4x64x128xf32, #tpu.memory_space<vmem>> -> memref<1x64x128xf32, #tpu.memory_space<vmem>>
      %swap3A_138 = tpu.memref_squeeze %swap3A_137 : memref<1x64x128xf32, #tpu.memory_space<vmem>> -> memref<64x128xf32, #tpu.memory_space<vmem>>
      %swap3A_139 = arith.index_cast %add3A_72 : i32 to index
      %swap3A_140 = arith.constant 112 : index
      %swap3A_141 = tpu.vector_load %swap3A_138[%swap3A_139, %swap3A_140] {strides = array<i32>} : memref<64x128xf32, #tpu.memory_space<vmem>>, vector<1x16xf32>,
      %swap3A_142 = vector.shape_cast %swap3A_141 : vector<1x16xf32> to vector<16xf32>
      %swap3A_143 = vector.shape_cast %broadcast_in_dim3A_1 : vector<16xf32> to vector<1x16xf32>
      tpu.vector_store %swap3A_138[%swap3A_139, %swap3A_140], %swap3A_143 {strides = array<i32>} : memref<64x128xf32, #tpu.memory_space<vmem>>, vector<1x16xf32>,
    }
    %scan3A_6 = arith.constant 64 : i32
    %mul3A_7 = arith.constant 640 : i32
    %mul3A_8 = arith.muli %arg1, %mul3A_7 : i32
    %add3A_9 = arith.constant 0 : i32
    %add3A_10 = arith.addi %mul3A_8, %add3A_9 : i32
    %run_scoped3A = arith.constant 0 : i32
    "tpu.region"() ({
      %run_scoped3A_68 = tpu.sem_alloc : memref<!tpu.dma_semaphore, #tpu.memory_space<semaphore_mem>>
      %dma_start3A = arith.constant 0 : i32
      %dma_start3A_69 = arith.constant 0 : i32
      %dma_start3A_70 = tpu.memref_slice %arg9[%run_scoped3A, %dma_start3A, %dma_start3A_69] : memref<4x64x128xf32, #tpu.memory_space<vmem>> -> memref<1x64x128xf32, #tpu.memory_space<vmem>>
      %dma_start3A_71 = tpu.memref_squeeze %dma_start3A_70 : memref<1x64x128xf32, #tpu.memory_space<vmem>> -> memref<64x128xf32, #tpu.memory_space<vmem>>
      %dma_start3A_72 = arith.constant 0 : i32
      %dma_start3A_73 = tpu.memref_slice %arg6[%add3A_10, %dma_start3A_72] : memref<10240x128xf32, #tpu.memory_space<vmem_shared>> -> memref<64x128xf32, #tpu.memory_space<vmem_shared>>
      %dma_start3A_74 = arith.constant 0 : i32
      %dma_start3A_75 = tpu.memref_slice %arg6[%add3A_10, %dma_start3A_74] : memref<10240x128xf32, #tpu.memory_space<vmem_shared>> -> memref<64x128xf32, #tpu.memory_space<vmem_shared>>
      %dma_start3A_76 = arith.constant 0 : i32
      %dma_start3A_77 = arith.constant 0 : i32
      %dma_start3A_78 = tpu.memref_slice %arg9[%run_scoped3A, %dma_start3A_76, %dma_start3A_77] : memref<4x64x128xf32, #tpu.memory_space<vmem>> -> memref<1x64x128xf32, #tpu.memory_space<vmem>>
      %dma_start3A_79 = tpu.memref_squeeze %dma_start3A_78 : memref<1x64x128xf32, #tpu.memory_space<vmem>> -> memref<64x128xf32, #tpu.memory_space<vmem>>
      tpu.enqueue_dma source(%dma_start3A_79 : memref<64x128xf32, #tpu.memory_space<vmem>>) target(%dma_start3A_75 : memref<64x128xf32, #tpu.memory_space<vmem_shared>>) target_semaphore(%run_scoped3A_68 : memref<!tpu.dma_semaphore, #tpu.memory_space<semaphore_mem>>)
      %dma_wait3A = arith.constant 0 : i32
      %dma_wait3A_80 = arith.constant 0 : i32
      %dma_wait3A_81 = tpu.memref_slice %arg9[%run_scoped3A, %dma_wait3A, %dma_wait3A_80] : memref<4x64x128xf32, #tpu.memory_space<vmem>> -> memref<1x64x128xf32, #tpu.memory_space<vmem>>
      %dma_wait3A_82 = tpu.memref_squeeze %dma_wait3A_81 : memref<1x64x128xf32, #tpu.memory_space<vmem>> -> memref<64x128xf32, #tpu.memory_space<vmem>>
      %dma_wait3A_83 = arith.constant 0 : i32
      %dma_wait3A_84 = tpu.memref_slice %arg6[%add3A_10, %dma_wait3A_83] : memref<10240x128xf32, #tpu.memory_space<vmem_shared>> -> memref<64x128xf32, #tpu.memory_space<vmem_shared>>
      %dma_wait3A_85 = arith.constant 0 : i32
      %dma_wait3A_86 = tpu.memref_slice %arg6[%add3A_10, %dma_wait3A_85] : memref<10240x128xf32, #tpu.memory_space<vmem_shared>> -> memref<64x128xf32, #tpu.memory_space<vmem_shared>>
      %dma_wait3A_87 = arith.constant 0 : i32
      %dma_wait3A_88 = arith.constant 0 : i32
      %dma_wait3A_89 = tpu.memref_slice %arg9[%run_scoped3A, %dma_wait3A_87, %dma_wait3A_88] : memref<4x64x128xf32, #tpu.memory_space<vmem>> -> memref<1x64x128xf32, #tpu.memory_space<vmem>>
      %dma_wait3A_90 = tpu.memref_squeeze %dma_wait3A_89 : memref<1x64x128xf32, #tpu.memory_space<vmem>> -> memref<64x128xf32, #tpu.memory_space<vmem>>
      tpu.wait_dma2 semaphore(%run_scoped3A_68 : memref<!tpu.dma_semaphore, #tpu.memory_space<semaphore_mem>>) src(%dma_wait3A_90 : memref<64x128xf32, #tpu.memory_space<vmem>>) dst(%dma_wait3A_86 : memref<64x128xf32, #tpu.memory_space<vmem_shared>>)
      tpu.yield
    }) : () -> ()
    %mul3A_11 = arith.constant 640 : i32
    %mul3A_12 = arith.muli %arg1, %mul3A_11 : i32
    %add3A_13 = arith.constant 64 : i32
    %add3A_14 = arith.addi %mul3A_12, %add3A_13 : i32
    %run_scoped3A_15 = arith.constant 0 : i32
    "tpu.region"() ({
      %run_scoped3A_68 = tpu.sem_alloc : memref<!tpu.dma_semaphore, #tpu.memory_space<semaphore_mem>>
      %dma_start3A = arith.constant 0 : i32
      %dma_start3A_69 = arith.constant 0 : i32
      %dma_start3A_70 = tpu.memref_slice %arg9[%run_scoped3A_15, %dma_start3A, %dma_start3A_69] : memref<4x64x128xf32, #tpu.memory_space<vmem>> -> memref<1x64x128xf32, #tpu.memory_space<vmem>>
      %dma_start3A_71 = tpu.memref_squeeze %dma_start3A_70 : memref<1x64x128xf32, #tpu.memory_space<vmem>> -> memref<64x128xf32, #tpu.memory_space<vmem>>
      %dma_start3A_72 = arith.constant 0 : i32
      %dma_start3A_73 = tpu.memref_slice %arg6[%add3A_14, %dma_start3A_72] : memref<10240x128xf32, #tpu.memory_space<vmem_shared>> -> memref<64x128xf32, #tpu.memory_space<vmem_shared>>
      %dma_start3A_74 = arith.constant 0 : i32
      %dma_start3A_75 = tpu.memref_slice %arg6[%add3A_14, %dma_start3A_74] : memref<10240x128xf32, #tpu.memory_space<vmem_shared>> -> memref<64x128xf32, #tpu.memory_space<vmem_shared>>
      %dma_start3A_76 = arith.constant 0 : i32
      %dma_start3A_77 = arith.constant 0 : i32
      %dma_start3A_78 = tpu.memref_slice %arg9[%run_scoped3A_15, %dma_start3A_76, %dma_start3A_77] : memref<4x64x128xf32, #tpu.memory_space<vmem>> -> memref<1x64x128xf32, #tpu.memory_space<vmem>>
      %dma_start3A_79 = tpu.memref_squeeze %dma_start3A_78 : memref<1x64x128xf32, #tpu.memory_space<vmem>> -> memref<64x128xf32, #tpu.memory_space<vmem>>
      tpu.enqueue_dma source(%dma_start3A_79 : memref<64x128xf32, #tpu.memory_space<vmem>>) target(%dma_start3A_75 : memref<64x128xf32, #tpu.memory_space<vmem_shared>>) target_semaphore(%run_scoped3A_68 : memref<!tpu.dma_semaphore, #tpu.memory_space<semaphore_mem>>)
      %dma_wait3A = arith.constant 0 : i32
      %dma_wait3A_80 = arith.constant 0 : i32
      %dma_wait3A_81 = tpu.memref_slice %arg9[%run_scoped3A_15, %dma_wait3A, %dma_wait3A_80] : memref<4x64x128xf32, #tpu.memory_space<vmem>> -> memref<1x64x128xf32, #tpu.memory_space<vmem>>
      %dma_wait3A_82 = tpu.memref_squeeze %dma_wait3A_81 : memref<1x64x128xf32, #tpu.memory_space<vmem>> -> memref<64x128xf32, #tpu.memory_space<vmem>>
      %dma_wait3A_83 = arith.constant 0 : i32
      %dma_wait3A_84 = tpu.memref_slice %arg6[%add3A_14, %dma_wait3A_83] : memref<10240x128xf32, #tpu.memory_space<vmem_shared>> -> memref<64x128xf32, #tpu.memory_space<vmem_shared>>
      %dma_wait3A_85 = arith.constant 0 : i32
      %dma_wait3A_86 = tpu.memref_slice %arg6[%add3A_14, %dma_wait3A_85] : memref<10240x128xf32, #tpu.memory_space<vmem_shared>> -> memref<64x128xf32, #tpu.memory_space<vmem_shared>>
      %dma_wait3A_87 = arith.constant 0 : i32
      %dma_wait3A_88 = arith.constant 0 : i32
      %dma_wait3A_89 = tpu.memref_slice %arg9[%run_scoped3A_15, %dma_wait3A_87, %dma_wait3A_88] : memref<4x64x128xf32, #tpu.memory_space<vmem>> -> memref<1x64x128xf32, #tpu.memory_space<vmem>>
      %dma_wait3A_90 = tpu.memref_squeeze %dma_wait3A_89 : memref<1x64x128xf32, #tpu.memory_space<vmem>> -> memref<64x128xf32, #tpu.memory_space<vmem>>
      tpu.wait_dma2 semaphore(%run_scoped3A_68 : memref<!tpu.dma_semaphore, #tpu.memory_space<semaphore_mem>>) src(%dma_wait3A_90 : memref<64x128xf32, #tpu.memory_space<vmem>>) dst(%dma_wait3A_86 : memref<64x128xf32, #tpu.memory_space<vmem_shared>>)
      tpu.yield
    }) : () -> ()
    %mul3A_16 = arith.constant 640 : i32
    %mul3A_17 = arith.muli %arg1, %mul3A_16 : i32
    %add3A_18 = arith.constant 128 : i32
    %add3A_19 = arith.addi %mul3A_17, %add3A_18 : i32
    %run_scoped3A_20 = arith.constant 0 : i32
    "tpu.region"() ({
      %run_scoped3A_68 = tpu.sem_alloc : memref<!tpu.dma_semaphore, #tpu.memory_space<semaphore_mem>>
      %dma_start3A = arith.constant 0 : i32
      %dma_start3A_69 = arith.constant 0 : i32
      %dma_start3A_70 = tpu.memref_slice %arg9[%run_scoped3A_20, %dma_start3A, %dma_start3A_69] : memref<4x64x128xf32, #tpu.memory_space<vmem>> -> memref<1x64x128xf32, #tpu.memory_space<vmem>>
      %dma_start3A_71 = tpu.memref_squeeze %dma_start3A_70 : memref<1x64x128xf32, #tpu.memory_space<vmem>> -> memref<64x128xf32, #tpu.memory_space<vmem>>
      %dma_start3A_72 = arith.constant 0 : i32
      %dma_start3A_73 = tpu.memref_slice %arg6[%add3A_19, %dma_start3A_72] : memref<10240x128xf32, #tpu.memory_space<vmem_shared>> -> memref<64x128xf32, #tpu.memory_space<vmem_shared>>
      %dma_start3A_74 = arith.constant 0 : i32
      %dma_start3A_75 = tpu.memref_slice %arg6[%add3A_19, %dma_start3A_74] : memref<10240x128xf32, #tpu.memory_space<vmem_shared>> -> memref<64x128xf32, #tpu.memory_space<vmem_shared>>
      %dma_start3A_76 = arith.constant 0 : i32
      %dma_start3A_77 = arith.constant 0 : i32
      %dma_start3A_78 = tpu.memref_slice %arg9[%run_scoped3A_20, %dma_start3A_76, %dma_start3A_77] : memref<4x64x128xf32, #tpu.memory_space<vmem>> -> memref<1x64x128xf32, #tpu.memory_space<vmem>>
      %dma_start3A_79 = tpu.memref_squeeze %dma_start3A_78 : memref<1x64x128xf32, #tpu.memory_space<vmem>> -> memref<64x128xf32, #tpu.memory_space<vmem>>
      tpu.enqueue_dma source(%dma_start3A_79 : memref<64x128xf32, #tpu.memory_space<vmem>>) target(%dma_start3A_75 : memref<64x128xf32, #tpu.memory_space<vmem_shared>>) target_semaphore(%run_scoped3A_68 : memref<!tpu.dma_semaphore, #tpu.memory_space<semaphore_mem>>)
      %dma_wait3A = arith.constant 0 : i32
      %dma_wait3A_80 = arith.constant 0 : i32
      %dma_wait3A_81 = tpu.memref_slice %arg9[%run_scoped3A_20, %dma_wait3A, %dma_wait3A_80] : memref<4x64x128xf32, #tpu.memory_space<vmem>> -> memref<1x64x128xf32, #tpu.memory_space<vmem>>
      %dma_wait3A_82 = tpu.memref_squeeze %dma_wait3A_81 : memref<1x64x128xf32, #tpu.memory_space<vmem>> -> memref<64x128xf32, #tpu.memory_space<vmem>>
      %dma_wait3A_83 = arith.constant 0 : i32
      %dma_wait3A_84 = tpu.memref_slice %arg6[%add3A_19, %dma_wait3A_83] : memref<10240x128xf32, #tpu.memory_space<vmem_shared>> -> memref<64x128xf32, #tpu.memory_space<vmem_shared>>
      %dma_wait3A_85 = arith.constant 0 : i32
      %dma_wait3A_86 = tpu.memref_slice %arg6[%add3A_19, %dma_wait3A_85] : memref<10240x128xf32, #tpu.memory_space<vmem_shared>> -> memref<64x128xf32, #tpu.memory_space<vmem_shared>>
      %dma_wait3A_87 = arith.constant 0 : i32
      %dma_wait3A_88 = arith.constant 0 : i32
      %dma_wait3A_89 = tpu.memref_slice %arg9[%run_scoped3A_20, %dma_wait3A_87, %dma_wait3A_88] : memref<4x64x128xf32, #tpu.memory_space<vmem>> -> memref<1x64x128xf32, #tpu.memory_space<vmem>>
      %dma_wait3A_90 = tpu.memref_squeeze %dma_wait3A_89 : memref<1x64x128xf32, #tpu.memory_space<vmem>> -> memref<64x128xf32, #tpu.memory_space<vmem>>
      tpu.wait_dma2 semaphore(%run_scoped3A_68 : memref<!tpu.dma_semaphore, #tpu.memory_space<semaphore_mem>>) src(%dma_wait3A_90 : memref<64x128xf32, #tpu.memory_space<vmem>>) dst(%dma_wait3A_86 : memref<64x128xf32, #tpu.memory_space<vmem_shared>>)
      tpu.yield
    }) : () -> ()
    %mul3A_21 = arith.constant 640 : i32
    %mul3A_22 = arith.muli %arg1, %mul3A_21 : i32
    %add3A_23 = arith.constant 192 : i32
    %add3A_24 = arith.addi %mul3A_22, %add3A_23 : i32
    %run_scoped3A_25 = arith.constant 0 : i32
    "tpu.region"() ({
      %run_scoped3A_68 = tpu.sem_alloc : memref<!tpu.dma_semaphore, #tpu.memory_space<semaphore_mem>>
      %dma_start3A = arith.constant 0 : i32
      %dma_start3A_69 = arith.constant 0 : i32
      %dma_start3A_70 = tpu.memref_slice %arg9[%run_scoped3A_25, %dma_start3A, %dma_start3A_69] : memref<4x64x128xf32, #tpu.memory_space<vmem>> -> memref<1x64x128xf32, #tpu.memory_space<vmem>>
      %dma_start3A_71 = tpu.memref_squeeze %dma_start3A_70 : memref<1x64x128xf32, #tpu.memory_space<vmem>> -> memref<64x128xf32, #tpu.memory_space<vmem>>
      %dma_start3A_72 = arith.constant 0 : i32
      %dma_start3A_73 = tpu.memref_slice %arg6[%add3A_24, %dma_start3A_72] : memref<10240x128xf32, #tpu.memory_space<vmem_shared>> -> memref<64x128xf32, #tpu.memory_space<vmem_shared>>
      %dma_start3A_74 = arith.constant 0 : i32
      %dma_start3A_75 = tpu.memref_slice %arg6[%add3A_24, %dma_start3A_74] : memref<10240x128xf32, #tpu.memory_space<vmem_shared>> -> memref<64x128xf32, #tpu.memory_space<vmem_shared>>
      %dma_start3A_76 = arith.constant 0 : i32
      %dma_start3A_77 = arith.constant 0 : i32
      %dma_start3A_78 = tpu.memref_slice %arg9[%run_scoped3A_25, %dma_start3A_76, %dma_start3A_77] : memref<4x64x128xf32, #tpu.memory_space<vmem>> -> memref<1x64x128xf32, #tpu.memory_space<vmem>>
      %dma_start3A_79 = tpu.memref_squeeze %dma_start3A_78 : memref<1x64x128xf32, #tpu.memory_space<vmem>> -> memref<64x128xf32, #tpu.memory_space<vmem>>
      tpu.enqueue_dma source(%dma_start3A_79 : memref<64x128xf32, #tpu.memory_space<vmem>>) target(%dma_start3A_75 : memref<64x128xf32, #tpu.memory_space<vmem_shared>>) target_semaphore(%run_scoped3A_68 : memref<!tpu.dma_semaphore, #tpu.memory_space<semaphore_mem>>)
      %dma_wait3A = arith.constant 0 : i32
      %dma_wait3A_80 = arith.constant 0 : i32
      %dma_wait3A_81 = tpu.memref_slice %arg9[%run_scoped3A_25, %dma_wait3A, %dma_wait3A_80] : memref<4x64x128xf32, #tpu.memory_space<vmem>> -> memref<1x64x128xf32, #tpu.memory_space<vmem>>
      %dma_wait3A_82 = tpu.memref_squeeze %dma_wait3A_81 : memref<1x64x128xf32, #tpu.memory_space<vmem>> -> memref<64x128xf32, #tpu.memory_space<vmem>>
      %dma_wait3A_83 = arith.constant 0 : i32
      %dma_wait3A_84 = tpu.memref_slice %arg6[%add3A_24, %dma_wait3A_83] : memref<10240x128xf32, #tpu.memory_space<vmem_shared>> -> memref<64x128xf32, #tpu.memory_space<vmem_shared>>
      %dma_wait3A_85 = arith.constant 0 : i32
      %dma_wait3A_86 = tpu.memref_slice %arg6[%add3A_24, %dma_wait3A_85] : memref<10240x128xf32, #tpu.memory_space<vmem_shared>> -> memref<64x128xf32, #tpu.memory_space<vmem_shared>>
      %dma_wait3A_87 = arith.constant 0 : i32
      %dma_wait3A_88 = arith.constant 0 : i32
      %dma_wait3A_89 = tpu.memref_slice %arg9[%run_scoped3A_25, %dma_wait3A_87, %dma_wait3A_88] : memref<4x64x128xf32, #tpu.memory_space<vmem>> -> memref<1x64x128xf32, #tpu.memory_space<vmem>>
      %dma_wait3A_90 = tpu.memref_squeeze %dma_wait3A_89 : memref<1x64x128xf32, #tpu.memory_space<vmem>> -> memref<64x128xf32, #tpu.memory_space<vmem>>
      tpu.wait_dma2 semaphore(%run_scoped3A_68 : memref<!tpu.dma_semaphore, #tpu.memory_space<semaphore_mem>>) src(%dma_wait3A_90 : memref<64x128xf32, #tpu.memory_space<vmem>>) dst(%dma_wait3A_86 : memref<64x128xf32, #tpu.memory_space<vmem_shared>>)
      tpu.yield
    }) : () -> ()
    %mul3A_26 = arith.constant 640 : i32
    %mul3A_27 = arith.muli %arg1, %mul3A_26 : i32
    %add3A_28 = arith.constant 256 : i32
    %add3A_29 = arith.addi %mul3A_27, %add3A_28 : i32
    %run_scoped3A_30 = arith.constant 0 : i32
    "tpu.region"() ({
      %run_scoped3A_68 = tpu.sem_alloc : memref<!tpu.dma_semaphore, #tpu.memory_space<semaphore_mem>>
      %dma_start3A = arith.constant 0 : i32
      %dma_start3A_69 = arith.constant 0 : i32
      %dma_start3A_70 = tpu.memref_slice %arg9[%run_scoped3A_30, %dma_start3A, %dma_start3A_69] : memref<4x64x128xf32, #tpu.memory_space<vmem>> -> memref<1x64x128xf32, #tpu.memory_space<vmem>>
      %dma_start3A_71 = tpu.memref_squeeze %dma_start3A_70 : memref<1x64x128xf32, #tpu.memory_space<vmem>> -> memref<64x128xf32, #tpu.memory_space<vmem>>
      %dma_start3A_72 = arith.constant 0 : i32
      %dma_start3A_73 = tpu.memref_slice %arg6[%add3A_29, %dma_start3A_72] : memref<10240x128xf32, #tpu.memory_space<vmem_shared>> -> memref<64x128xf32, #tpu.memory_space<vmem_shared>>
      %dma_start3A_74 = arith.constant 0 : i32
      %dma_start3A_75 = tpu.memref_slice %arg6[%add3A_29, %dma_start3A_74] : memref<10240x128xf32, #tpu.memory_space<vmem_shared>> -> memref<64x128xf32, #tpu.memory_space<vmem_shared>>
      %dma_start3A_76 = arith.constant 0 : i32
      %dma_start3A_77 = arith.constant 0 : i32
      %dma_start3A_78 = tpu.memref_slice %arg9[%run_scoped3A_30, %dma_start3A_76, %dma_start3A_77] : memref<4x64x128xf32, #tpu.memory_space<vmem>> -> memref<1x64x128xf32, #tpu.memory_space<vmem>>
      %dma_start3A_79 = tpu.memref_squeeze %dma_start3A_78 : memref<1x64x128xf32, #tpu.memory_space<vmem>> -> memref<64x128xf32, #tpu.memory_space<vmem>>
      tpu.enqueue_dma source(%dma_start3A_79 : memref<64x128xf32, #tpu.memory_space<vmem>>) target(%dma_start3A_75 : memref<64x128xf32, #tpu.memory_space<vmem_shared>>) target_semaphore(%run_scoped3A_68 : memref<!tpu.dma_semaphore, #tpu.memory_space<semaphore_mem>>)
      %dma_wait3A = arith.constant 0 : i32
      %dma_wait3A_80 = arith.constant 0 : i32
      %dma_wait3A_81 = tpu.memref_slice %arg9[%run_scoped3A_30, %dma_wait3A, %dma_wait3A_80] : memref<4x64x128xf32, #tpu.memory_space<vmem>> -> memref<1x64x128xf32, #tpu.memory_space<vmem>>
      %dma_wait3A_82 = tpu.memref_squeeze %dma_wait3A_81 : memref<1x64x128xf32, #tpu.memory_space<vmem>> -> memref<64x128xf32, #tpu.memory_space<vmem>>
      %dma_wait3A_83 = arith.constant 0 : i32
      %dma_wait3A_84 = tpu.memref_slice %arg6[%add3A_29, %dma_wait3A_83] : memref<10240x128xf32, #tpu.memory_space<vmem_shared>> -> memref<64x128xf32, #tpu.memory_space<vmem_shared>>
      %dma_wait3A_85 = arith.constant 0 : i32
      %dma_wait3A_86 = tpu.memref_slice %arg6[%add3A_29, %dma_wait3A_85] : memref<10240x128xf32, #tpu.memory_space<vmem_shared>> -> memref<64x128xf32, #tpu.memory_space<vmem_shared>>
      %dma_wait3A_87 = arith.constant 0 : i32
      %dma_wait3A_88 = arith.constant 0 : i32
      %dma_wait3A_89 = tpu.memref_slice %arg9[%run_scoped3A_30, %dma_wait3A_87, %dma_wait3A_88] : memref<4x64x128xf32, #tpu.memory_space<vmem>> -> memref<1x64x128xf32, #tpu.memory_space<vmem>>
      %dma_wait3A_90 = tpu.memref_squeeze %dma_wait3A_89 : memref<1x64x128xf32, #tpu.memory_space<vmem>> -> memref<64x128xf32, #tpu.memory_space<vmem>>
      tpu.wait_dma2 semaphore(%run_scoped3A_68 : memref<!tpu.dma_semaphore, #tpu.memory_space<semaphore_mem>>) src(%dma_wait3A_90 : memref<64x128xf32, #tpu.memory_space<vmem>>) dst(%dma_wait3A_86 : memref<64x128xf32, #tpu.memory_space<vmem_shared>>)
      tpu.yield
    }) : () -> ()
    %mul3A_31 = arith.constant 640 : i32
    %mul3A_32 = arith.muli %arg1, %mul3A_31 : i32
    %add3A_33 = arith.constant 320 : i32
    %add3A_34 = arith.addi %mul3A_32, %add3A_33 : i32
    %run_scoped3A_35 = arith.constant 0 : i32
    "tpu.region"() ({
      %run_scoped3A_68 = tpu.sem_alloc : memref<!tpu.dma_semaphore, #tpu.memory_space<semaphore_mem>>
      %dma_start3A = arith.constant 0 : i32
      %dma_start3A_69 = arith.constant 0 : i32
      %dma_start3A_70 = tpu.memref_slice %arg9[%run_scoped3A_35, %dma_start3A, %dma_start3A_69] : memref<4x64x128xf32, #tpu.memory_space<vmem>> -> memref<1x64x128xf32, #tpu.memory_space<vmem>>
      %dma_start3A_71 = tpu.memref_squeeze %dma_start3A_70 : memref<1x64x128xf32, #tpu.memory_space<vmem>> -> memref<64x128xf32, #tpu.memory_space<vmem>>
      %dma_start3A_72 = arith.constant 0 : i32
      %dma_start3A_73 = tpu.memref_slice %arg6[%add3A_34, %dma_start3A_72] : memref<10240x128xf32, #tpu.memory_space<vmem_shared>> -> memref<64x128xf32, #tpu.memory_space<vmem_shared>>
      %dma_start3A_74 = arith.constant 0 : i32
      %dma_start3A_75 = tpu.memref_slice %arg6[%add3A_34, %dma_start3A_74] : memref<10240x128xf32, #tpu.memory_space<vmem_shared>> -> memref<64x128xf32, #tpu.memory_space<vmem_shared>>
      %dma_start3A_76 = arith.constant 0 : i32
      %dma_start3A_77 = arith.constant 0 : i32
      %dma_start3A_78 = tpu.memref_slice %arg9[%run_scoped3A_35, %dma_start3A_76, %dma_start3A_77] : memref<4x64x128xf32, #tpu.memory_space<vmem>> -> memref<1x64x128xf32, #tpu.memory_space<vmem>>
      %dma_start3A_79 = tpu.memref_squeeze %dma_start3A_78 : memref<1x64x128xf32, #tpu.memory_space<vmem>> -> memref<64x128xf32, #tpu.memory_space<vmem>>
      tpu.enqueue_dma source(%dma_start3A_79 : memref<64x128xf32, #tpu.memory_space<vmem>>) target(%dma_start3A_75 : memref<64x128xf32, #tpu.memory_space<vmem_shared>>) target_semaphore(%run_scoped3A_68 : memref<!tpu.dma_semaphore, #tpu.memory_space<semaphore_mem>>)
      %dma_wait3A = arith.constant 0 : i32
      %dma_wait3A_80 = arith.constant 0 : i32
      %dma_wait3A_81 = tpu.memref_slice %arg9[%run_scoped3A_35, %dma_wait3A, %dma_wait3A_80] : memref<4x64x128xf32, #tpu.memory_space<vmem>> -> memref<1x64x128xf32, #tpu.memory_space<vmem>>
      %dma_wait3A_82 = tpu.memref_squeeze %dma_wait3A_81 : memref<1x64x128xf32, #tpu.memory_space<vmem>> -> memref<64x128xf32, #tpu.memory_space<vmem>>
      %dma_wait3A_83 = arith.constant 0 : i32
      %dma_wait3A_84 = tpu.memref_slice %arg6[%add3A_34, %dma_wait3A_83] : memref<10240x128xf32, #tpu.memory_space<vmem_shared>> -> memref<64x128xf32, #tpu.memory_space<vmem_shared>>
      %dma_wait3A_85 = arith.constant 0 : i32
      %dma_wait3A_86 = tpu.memref_slice %arg6[%add3A_34, %dma_wait3A_85] : memref<10240x128xf32, #tpu.memory_space<vmem_shared>> -> memref<64x128xf32, #tpu.memory_space<vmem_shared>>
      %dma_wait3A_87 = arith.constant 0 : i32
      %dma_wait3A_88 = arith.constant 0 : i32
      %dma_wait3A_89 = tpu.memref_slice %arg9[%run_scoped3A_35, %dma_wait3A_87, %dma_wait3A_88] : memref<4x64x128xf32, #tpu.memory_space<vmem>> -> memref<1x64x128xf32, #tpu.memory_space<vmem>>
      %dma_wait3A_90 = tpu.memref_squeeze %dma_wait3A_89 : memref<1x64x128xf32, #tpu.memory_space<vmem>> -> memref<64x128xf32, #tpu.memory_space<vmem>>
      tpu.wait_dma2 semaphore(%run_scoped3A_68 : memref<!tpu.dma_semaphore, #tpu.memory_space<semaphore_mem>>) src(%dma_wait3A_90 : memref<64x128xf32, #tpu.memory_space<vmem>>) dst(%dma_wait3A_86 : memref<64x128xf32, #tpu.memory_space<vmem_shared>>)
      tpu.yield
    }) : () -> ()
    %mul3A_36 = arith.constant 640 : i32
    %mul3A_37 = arith.muli %arg1, %mul3A_36 : i32
    %add3A_38 = arith.constant 384 : i32
    %add3A_39 = arith.addi %mul3A_37, %add3A_38 : i32
    %run_scoped3A_40 = arith.constant 0 : i32
    "tpu.region"() ({
      %run_scoped3A_68 = tpu.sem_alloc : memref<!tpu.dma_semaphore, #tpu.memory_space<semaphore_mem>>
      %dma_start3A = arith.constant 0 : i32
      %dma_start3A_69 = arith.constant 0 : i32
      %dma_start3A_70 = tpu.memref_slice %arg9[%run_scoped3A_40, %dma_start3A, %dma_start3A_69] : memref<4x64x128xf32, #tpu.memory_space<vmem>> -> memref<1x64x128xf32, #tpu.memory_space<vmem>>
      %dma_start3A_71 = tpu.memref_squeeze %dma_start3A_70 : memref<1x64x128xf32, #tpu.memory_space<vmem>> -> memref<64x128xf32, #tpu.memory_space<vmem>>
      %dma_start3A_72 = arith.constant 0 : i32
      %dma_start3A_73 = tpu.memref_slice %arg6[%add3A_39, %dma_start3A_72] : memref<10240x128xf32, #tpu.memory_space<vmem_shared>> -> memref<64x128xf32, #tpu.memory_space<vmem_shared>>
      %dma_start3A_74 = arith.constant 0 : i32
      %dma_start3A_75 = tpu.memref_slice %arg6[%add3A_39, %dma_start3A_74] : memref<10240x128xf32, #tpu.memory_space<vmem_shared>> -> memref<64x128xf32, #tpu.memory_space<vmem_shared>>
      %dma_start3A_76 = arith.constant 0 : i32
      %dma_start3A_77 = arith.constant 0 : i32
      %dma_start3A_78 = tpu.memref_slice %arg9[%run_scoped3A_40, %dma_start3A_76, %dma_start3A_77] : memref<4x64x128xf32, #tpu.memory_space<vmem>> -> memref<1x64x128xf32, #tpu.memory_space<vmem>>
      %dma_start3A_79 = tpu.memref_squeeze %dma_start3A_78 : memref<1x64x128xf32, #tpu.memory_space<vmem>> -> memref<64x128xf32, #tpu.memory_space<vmem>>
      tpu.enqueue_dma source(%dma_start3A_79 : memref<64x128xf32, #tpu.memory_space<vmem>>) target(%dma_start3A_75 : memref<64x128xf32, #tpu.memory_space<vmem_shared>>) target_semaphore(%run_scoped3A_68 : memref<!tpu.dma_semaphore, #tpu.memory_space<semaphore_mem>>)
      %dma_wait3A = arith.constant 0 : i32
      %dma_wait3A_80 = arith.constant 0 : i32
      %dma_wait3A_81 = tpu.memref_slice %arg9[%run_scoped3A_40, %dma_wait3A, %dma_wait3A_80] : memref<4x64x128xf32, #tpu.memory_space<vmem>> -> memref<1x64x128xf32, #tpu.memory_space<vmem>>
      %dma_wait3A_82 = tpu.memref_squeeze %dma_wait3A_81 : memref<1x64x128xf32, #tpu.memory_space<vmem>> -> memref<64x128xf32, #tpu.memory_space<vmem>>
      %dma_wait3A_83 = arith.constant 0 : i32
      %dma_wait3A_84 = tpu.memref_slice %arg6[%add3A_39, %dma_wait3A_83] : memref<10240x128xf32, #tpu.memory_space<vmem_shared>> -> memref<64x128xf32, #tpu.memory_space<vmem_shared>>
      %dma_wait3A_85 = arith.constant 0 : i32
      %dma_wait3A_86 = tpu.memref_slice %arg6[%add3A_39, %dma_wait3A_85] : memref<10240x128xf32, #tpu.memory_space<vmem_shared>> -> memref<64x128xf32, #tpu.memory_space<vmem_shared>>
      %dma_wait3A_87 = arith.constant 0 : i32
      %dma_wait3A_88 = arith.constant 0 : i32
      %dma_wait3A_89 = tpu.memref_slice %arg9[%run_scoped3A_40, %dma_wait3A_87, %dma_wait3A_88] : memref<4x64x128xf32, #tpu.memory_space<vmem>> -> memref<1x64x128xf32, #tpu.memory_space<vmem>>
      %dma_wait3A_90 = tpu.memref_squeeze %dma_wait3A_89 : memref<1x64x128xf32, #tpu.memory_space<vmem>> -> memref<64x128xf32, #tpu.memory_space<vmem>>
      tpu.wait_dma2 semaphore(%run_scoped3A_68 : memref<!tpu.dma_semaphore, #tpu.memory_space<semaphore_mem>>) src(%dma_wait3A_90 : memref<64x128xf32, #tpu.memory_space<vmem>>) dst(%dma_wait3A_86 : memref<64x128xf32, #tpu.memory_space<vmem_shared>>)
      tpu.yield
    }) : () -> ()
    %mul3A_41 = arith.constant 640 : i32
    %mul3A_42 = arith.muli %arg1, %mul3A_41 : i32
    %add3A_43 = arith.constant 448 : i32
    %add3A_44 = arith.addi %mul3A_42, %add3A_43 : i32
    %run_scoped3A_45 = arith.constant 0 : i32
    "tpu.region"() ({
      %run_scoped3A_68 = tpu.sem_alloc : memref<!tpu.dma_semaphore, #tpu.memory_space<semaphore_mem>>
      %dma_start3A = arith.constant 0 : i32
      %dma_start3A_69 = arith.constant 0 : i32
      %dma_start3A_70 = tpu.memref_slice %arg9[%run_scoped3A_45, %dma_start3A, %dma_start3A_69] : memref<4x64x128xf32, #tpu.memory_space<vmem>> -> memref<1x64x128xf32, #tpu.memory_space<vmem>>
      %dma_start3A_71 = tpu.memref_squeeze %dma_start3A_70 : memref<1x64x128xf32, #tpu.memory_space<vmem>> -> memref<64x128xf32, #tpu.memory_space<vmem>>
      %dma_start3A_72 = arith.constant 0 : i32
      %dma_start3A_73 = tpu.memref_slice %arg6[%add3A_44, %dma_start3A_72] : memref<10240x128xf32, #tpu.memory_space<vmem_shared>> -> memref<64x128xf32, #tpu.memory_space<vmem_shared>>
      %dma_start3A_74 = arith.constant 0 : i32
      %dma_start3A_75 = tpu.memref_slice %arg6[%add3A_44, %dma_start3A_74] : memref<10240x128xf32, #tpu.memory_space<vmem_shared>> -> memref<64x128xf32, #tpu.memory_space<vmem_shared>>
      %dma_start3A_76 = arith.constant 0 : i32
      %dma_start3A_77 = arith.constant 0 : i32
      %dma_start3A_78 = tpu.memref_slice %arg9[%run_scoped3A_45, %dma_start3A_76, %dma_start3A_77] : memref<4x64x128xf32, #tpu.memory_space<vmem>> -> memref<1x64x128xf32, #tpu.memory_space<vmem>>
      %dma_start3A_79 = tpu.memref_squeeze %dma_start3A_78 : memref<1x64x128xf32, #tpu.memory_space<vmem>> -> memref<64x128xf32, #tpu.memory_space<vmem>>
      tpu.enqueue_dma source(%dma_start3A_79 : memref<64x128xf32, #tpu.memory_space<vmem>>) target(%dma_start3A_75 : memref<64x128xf32, #tpu.memory_space<vmem_shared>>) target_semaphore(%run_scoped3A_68 : memref<!tpu.dma_semaphore, #tpu.memory_space<semaphore_mem>>)
      %dma_wait3A = arith.constant 0 : i32
      %dma_wait3A_80 = arith.constant 0 : i32
      %dma_wait3A_81 = tpu.memref_slice %arg9[%run_scoped3A_45, %dma_wait3A, %dma_wait3A_80] : memref<4x64x128xf32, #tpu.memory_space<vmem>> -> memref<1x64x128xf32, #tpu.memory_space<vmem>>
      %dma_wait3A_82 = tpu.memref_squeeze %dma_wait3A_81 : memref<1x64x128xf32, #tpu.memory_space<vmem>> -> memref<64x128xf32, #tpu.memory_space<vmem>>
      %dma_wait3A_83 = arith.constant 0 : i32
      %dma_wait3A_84 = tpu.memref_slice %arg6[%add3A_44, %dma_wait3A_83] : memref<10240x128xf32, #tpu.memory_space<vmem_shared>> -> memref<64x128xf32, #tpu.memory_space<vmem_shared>>
      %dma_wait3A_85 = arith.constant 0 : i32
      %dma_wait3A_86 = tpu.memref_slice %arg6[%add3A_44, %dma_wait3A_85] : memref<10240x128xf32, #tpu.memory_space<vmem_shared>> -> memref<64x128xf32, #tpu.memory_space<vmem_shared>>
      %dma_wait3A_87 = arith.constant 0 : i32
      %dma_wait3A_88 = arith.constant 0 : i32
      %dma_wait3A_89 = tpu.memref_slice %arg9[%run_scoped3A_45, %dma_wait3A_87, %dma_wait3A_88] : memref<4x64x128xf32, #tpu.memory_space<vmem>> -> memref<1x64x128xf32, #tpu.memory_space<vmem>>
      %dma_wait3A_90 = tpu.memref_squeeze %dma_wait3A_89 : memref<1x64x128xf32, #tpu.memory_space<vmem>> -> memref<64x128xf32, #tpu.memory_space<vmem>>
      tpu.wait_dma2 semaphore(%run_scoped3A_68 : memref<!tpu.dma_semaphore, #tpu.memory_space<semaphore_mem>>) src(%dma_wait3A_90 : memref<64x128xf32, #tpu.memory_space<vmem>>) dst(%dma_wait3A_86 : memref<64x128xf32, #tpu.memory_space<vmem_shared>>)
      tpu.yield
    }) : () -> ()
    %mul3A_46 = arith.constant 640 : i32
    %mul3A_47 = arith.muli %arg1, %mul3A_46 : i32
    %add3A_48 = arith.constant 512 : i32
    %add3A_49 = arith.addi %mul3A_47, %add3A_48 : i32
    %run_scoped3A_50 = arith.constant 0 : i32
    "tpu.region"() ({
      %run_scoped3A_68 = tpu.sem_alloc : memref<!tpu.dma_semaphore, #tpu.memory_space<semaphore_mem>>
      %dma_start3A = arith.constant 0 : i32
      %dma_start3A_69 = arith.constant 0 : i32
      %dma_start3A_70 = tpu.memref_slice %arg9[%run_scoped3A_50, %dma_start3A, %dma_start3A_69] : memref<4x64x128xf32, #tpu.memory_space<vmem>> -> memref<1x64x128xf32, #tpu.memory_space<vmem>>
      %dma_start3A_71 = tpu.memref_squeeze %dma_start3A_70 : memref<1x64x128xf32, #tpu.memory_space<vmem>> -> memref<64x128xf32, #tpu.memory_space<vmem>>
      %dma_start3A_72 = arith.constant 0 : i32
      %dma_start3A_73 = tpu.memref_slice %arg6[%add3A_49, %dma_start3A_72] : memref<10240x128xf32, #tpu.memory_space<vmem_shared>> -> memref<64x128xf32, #tpu.memory_space<vmem_shared>>
      %dma_start3A_74 = arith.constant 0 : i32
      %dma_start3A_75 = tpu.memref_slice %arg6[%add3A_49, %dma_start3A_74] : memref<10240x128xf32, #tpu.memory_space<vmem_shared>> -> memref<64x128xf32, #tpu.memory_space<vmem_shared>>
      %dma_start3A_76 = arith.constant 0 : i32
      %dma_start3A_77 = arith.constant 0 : i32
      %dma_start3A_78 = tpu.memref_slice %arg9[%run_scoped3A_50, %dma_start3A_76, %dma_start3A_77] : memref<4x64x128xf32, #tpu.memory_space<vmem>> -> memref<1x64x128xf32, #tpu.memory_space<vmem>>
      %dma_start3A_79 = tpu.memref_squeeze %dma_start3A_78 : memref<1x64x128xf32, #tpu.memory_space<vmem>> -> memref<64x128xf32, #tpu.memory_space<vmem>>
      tpu.enqueue_dma source(%dma_start3A_79 : memref<64x128xf32, #tpu.memory_space<vmem>>) target(%dma_start3A_75 : memref<64x128xf32, #tpu.memory_space<vmem_shared>>) target_semaphore(%run_scoped3A_68 : memref<!tpu.dma_semaphore, #tpu.memory_space<semaphore_mem>>)
      %dma_wait3A = arith.constant 0 : i32
      %dma_wait3A_80 = arith.constant 0 : i32
      %dma_wait3A_81 = tpu.memref_slice %arg9[%run_scoped3A_50, %dma_wait3A, %dma_wait3A_80] : memref<4x64x128xf32, #tpu.memory_space<vmem>> -> memref<1x64x128xf32, #tpu.memory_space<vmem>>
      %dma_wait3A_82 = tpu.memref_squeeze %dma_wait3A_81 : memref<1x64x128xf32, #tpu.memory_space<vmem>> -> memref<64x128xf32, #tpu.memory_space<vmem>>
      %dma_wait3A_83 = arith.constant 0 : i32
      %dma_wait3A_84 = tpu.memref_slice %arg6[%add3A_49, %dma_wait3A_83] : memref<10240x128xf32, #tpu.memory_space<vmem_shared>> -> memref<64x128xf32, #tpu.memory_space<vmem_shared>>
      %dma_wait3A_85 = arith.constant 0 : i32
      %dma_wait3A_86 = tpu.memref_slice %arg6[%add3A_49, %dma_wait3A_85] : memref<10240x128xf32, #tpu.memory_space<vmem_shared>> -> memref<64x128xf32, #tpu.memory_space<vmem_shared>>
      %dma_wait3A_87 = arith.constant 0 : i32
      %dma_wait3A_88 = arith.constant 0 : i32
      %dma_wait3A_89 = tpu.memref_slice %arg9[%run_scoped3A_50, %dma_wait3A_87, %dma_wait3A_88] : memref<4x64x128xf32, #tpu.memory_space<vmem>> -> memref<1x64x128xf32, #tpu.memory_space<vmem>>
      %dma_wait3A_90 = tpu.memref_squeeze %dma_wait3A_89 : memref<1x64x128xf32, #tpu.memory_space<vmem>> -> memref<64x128xf32, #tpu.memory_space<vmem>>
      tpu.wait_dma2 semaphore(%run_scoped3A_68 : memref<!tpu.dma_semaphore, #tpu.memory_space<semaphore_mem>>) src(%dma_wait3A_90 : memref<64x128xf32, #tpu.memory_space<vmem>>) dst(%dma_wait3A_86 : memref<64x128xf32, #tpu.memory_space<vmem_shared>>)
      tpu.yield
    }) : () -> ()
    %mul3A_51 = arith.constant 640 : i32
    %mul3A_52 = arith.muli %arg1, %mul3A_51 : i32
    %add3A_53 = arith.constant 576 : i32
    %add3A_54 = arith.addi %mul3A_52, %add3A_53 : i32
    %run_scoped3A_55 = arith.constant 0 : i32
    "tpu.region"() ({
      %run_scoped3A_68 = tpu.sem_alloc : memref<!tpu.dma_semaphore, #tpu.memory_space<semaphore_mem>>
      %dma_start3A = arith.constant 0 : i32
      %dma_start3A_69 = arith.constant 0 : i32
      %dma_start3A_70 = tpu.memref_slice %arg9[%run_scoped3A_55, %dma_start3A, %dma_start3A_69] : memref<4x64x128xf32, #tpu.memory_space<vmem>> -> memref<1x64x128xf32, #tpu.memory_space<vmem>>
      %dma_start3A_71 = tpu.memref_squeeze %dma_start3A_70 : memref<1x64x128xf32, #tpu.memory_space<vmem>> -> memref<64x128xf32, #tpu.memory_space<vmem>>
      %dma_start3A_72 = arith.constant 0 : i32
      %dma_start3A_73 = tpu.memref_slice %arg6[%add3A_54, %dma_start3A_72] : memref<10240x128xf32, #tpu.memory_space<vmem_shared>> -> memref<64x128xf32, #tpu.memory_space<vmem_shared>>
      %dma_start3A_74 = arith.constant 0 : i32
      %dma_start3A_75 = tpu.memref_slice %arg6[%add3A_54, %dma_start3A_74] : memref<10240x128xf32, #tpu.memory_space<vmem_shared>> -> memref<64x128xf32, #tpu.memory_space<vmem_shared>>
      %dma_start3A_76 = arith.constant 0 : i32
      %dma_start3A_77 = arith.constant 0 : i32
      %dma_start3A_78 = tpu.memref_slice %arg9[%run_scoped3A_55, %dma_start3A_76, %dma_start3A_77] : memref<4x64x128xf32, #tpu.memory_space<vmem>> -> memref<1x64x128xf32, #tpu.memory_space<vmem>>
      %dma_start3A_79 = tpu.memref_squeeze %dma_start3A_78 : memref<1x64x128xf32, #tpu.memory_space<vmem>> -> memref<64x128xf32, #tpu.memory_space<vmem>>
      tpu.enqueue_dma source(%dma_start3A_79 : memref<64x128xf32, #tpu.memory_space<vmem>>) target(%dma_start3A_75 : memref<64x128xf32, #tpu.memory_space<vmem_shared>>) target_semaphore(%run_scoped3A_68 : memref<!tpu.dma_semaphore, #tpu.memory_space<semaphore_mem>>)
      %dma_wait3A = arith.constant 0 : i32
      %dma_wait3A_80 = arith.constant 0 : i32
      %dma_wait3A_81 = tpu.memref_slice %arg9[%run_scoped3A_55, %dma_wait3A, %dma_wait3A_80] : memref<4x64x128xf32, #tpu.memory_space<vmem>> -> memref<1x64x128xf32, #tpu.memory_space<vmem>>
      %dma_wait3A_82 = tpu.memref_squeeze %dma_wait3A_81 : memref<1x64x128xf32, #tpu.memory_space<vmem>> -> memref<64x128xf32, #tpu.memory_space<vmem>>
      %dma_wait3A_83 = arith.constant 0 : i32
      %dma_wait3A_84 = tpu.memref_slice %arg6[%add3A_54, %dma_wait3A_83] : memref<10240x128xf32, #tpu.memory_space<vmem_shared>> -> memref<64x128xf32, #tpu.memory_space<vmem_shared>>
      %dma_wait3A_85 = arith.constant 0 : i32
      %dma_wait3A_86 = tpu.memref_slice %arg6[%add3A_54, %dma_wait3A_85] : memref<10240x128xf32, #tpu.memory_space<vmem_shared>> -> memref<64x128xf32, #tpu.memory_space<vmem_shared>>
      %dma_wait3A_87 = arith.constant 0 : i32
      %dma_wait3A_88 = arith.constant 0 : i32
      %dma_wait3A_89 = tpu.memref_slice %arg9[%run_scoped3A_55, %dma_wait3A_87, %dma_wait3A_88] : memref<4x64x128xf32, #tpu.memory_space<vmem>> -> memref<1x64x128xf32, #tpu.memory_space<vmem>>
      %dma_wait3A_90 = tpu.memref_squeeze %dma_wait3A_89 : memref<1x64x128xf32, #tpu.memory_space<vmem>> -> memref<64x128xf32, #tpu.memory_space<vmem>>
      tpu.wait_dma2 semaphore(%run_scoped3A_68 : memref<!tpu.dma_semaphore, #tpu.memory_space<semaphore_mem>>) src(%dma_wait3A_90 : memref<64x128xf32, #tpu.memory_space<vmem>>) dst(%dma_wait3A_86 : memref<64x128xf32, #tpu.memory_space<vmem_shared>>)
      tpu.yield
    }) : () -> ()
    %barrier3A = arith.constant 0 : index
    tpu.barrier barrier_id(%barrier3A)
    %mul3A_56 = arith.constant 160 : i32
    %mul3A_57 = arith.muli %add3A, %mul3A_56 : i32
    %scan3A_58 = arith.constant 0 : i32
    %scan3A_59 = arith.constant 10 : i32
    %scan3A_60 = arith.addi %scan3A_58, %scan3A_59 : i32
    %scan3A_61 = arith.constant 1 : i32
    scf.for %scan3A_68 = %scan3A_58 to %scan3A_60 step %scan3A_61  : i32 {
      %mul3A_69 = arith.constant 1 : i32
      %mul3A_70 = arith.muli %scan3A_68, %mul3A_69 : i32
      %add3A_71 = arith.constant 0 : i32
      %add3A_72 = arith.addi %add3A_71, %mul3A_70 : i32
      %mul3A_73 = arith.constant 16 : i32
      %mul3A_74 = arith.muli %add3A_72, %mul3A_73 : i32
      %add3A_75 = arith.addi %mul3A_57, %mul3A_74 : i32
      "tpu.region"() ({
        %run_scoped3A_842 = tpu.sem_alloc : memref<!tpu.dma_semaphore, #tpu.memory_space<semaphore_mem>>
        %dma_start3A_843 = arith.constant 0 : i32
        %dma_start3A_844 = tpu.memref_slice %arg3[%add3A_75, %dma_start3A_843] : memref<5120x64xi32, #tpu.memory_space<hbm>> -> memref<16x64xi32, #tpu.memory_space<hbm>>
        %dma_start3A_845 = arith.constant 0 : i32
        %dma_start3A_846 = tpu.memref_slice %arg3[%add3A_75, %dma_start3A_845] : memref<5120x64xi32, #tpu.memory_space<hbm>> -> memref<16x64xi32, #tpu.memory_space<hbm>>
        tpu.enqueue_dma source(%dma_start3A_846 : memref<16x64xi32, #tpu.memory_space<hbm>>) target(%arg7 : memref<16x64xi32, #tpu.memory_space<vmem>>) target_semaphore(%run_scoped3A_842 : memref<!tpu.dma_semaphore, #tpu.memory_space<semaphore_mem>>)
        %dma_wait3A_847 = arith.constant 0 : i32
        %dma_wait3A_848 = tpu.memref_slice %arg3[%add3A_75, %dma_wait3A_847] : memref<5120x64xi32, #tpu.memory_space<hbm>> -> memref<16x64xi32, #tpu.memory_space<hbm>>
        %dma_wait3A_849 = arith.constant 0 : i32
        %dma_wait3A_850 = tpu.memref_slice %arg3[%add3A_75, %dma_wait3A_849] : memref<5120x64xi32, #tpu.memory_space<hbm>> -> memref<16x64xi32, #tpu.memory_space<hbm>>
        tpu.wait_dma2 semaphore(%run_scoped3A_842 : memref<!tpu.dma_semaphore, #tpu.memory_space<semaphore_mem>>) src(%dma_wait3A_850 : memref<16x64xi32, #tpu.memory_space<hbm>>) dst(%arg7 : memref<16x64xi32, #tpu.memory_space<vmem>>)
        tpu.yield
      }) : () -> ()
      "tpu.region"() ({
        %run_scoped3A_842 = tpu.sem_alloc : memref<!tpu.dma_semaphore, #tpu.memory_space<semaphore_mem>>
        %dma_start3A_843 = arith.constant 0 : i32
        %dma_start3A_844 = tpu.memref_slice %arg4[%add3A_75, %dma_start3A_843] : memref<5120x64xi32, #tpu.memory_space<hbm>> -> memref<16x64xi32, #tpu.memory_space<hbm>>
        %dma_start3A_845 = arith.constant 0 : i32
        %dma_start3A_846 = tpu.memref_slice %arg4[%add3A_75, %dma_start3A_845] : memref<5120x64xi32, #tpu.memory_space<hbm>> -> memref<16x64xi32, #tpu.memory_space<hbm>>
        tpu.enqueue_dma source(%dma_start3A_846 : memref<16x64xi32, #tpu.memory_space<hbm>>) target(%arg8 : memref<16x64xi32, #tpu.memory_space<vmem>>) target_semaphore(%run_scoped3A_842 : memref<!tpu.dma_semaphore, #tpu.memory_space<semaphore_mem>>)
        %dma_wait3A_847 = arith.constant 0 : i32
        %dma_wait3A_848 = tpu.memref_slice %arg4[%add3A_75, %dma_wait3A_847] : memref<5120x64xi32, #tpu.memory_space<hbm>> -> memref<16x64xi32, #tpu.memory_space<hbm>>
        %dma_wait3A_849 = arith.constant 0 : i32
        %dma_wait3A_850 = tpu.memref_slice %arg4[%add3A_75, %dma_wait3A_849] : memref<5120x64xi32, #tpu.memory_space<hbm>> -> memref<16x64xi32, #tpu.memory_space<hbm>>
        tpu.wait_dma2 semaphore(%run_scoped3A_842 : memref<!tpu.dma_semaphore, #tpu.memory_space<semaphore_mem>>) src(%dma_wait3A_850 : memref<16x64xi32, #tpu.memory_space<hbm>>) dst(%arg8 : memref<16x64xi32, #tpu.memory_space<vmem>>)
        tpu.yield
      }) : () -> ()
      %dma_start3A = arith.constant 0 : i32
      %dma_start3A_76 = arith.constant 0 : i32
      %dma_start3A_77 = arith.constant 0 : i32
      %dma_start3A_78 = arith.constant 0 : i32
      %dma_start3A_79 = tpu.memref_slice %arg9[%dma_start3A_76, %dma_start3A_77, %dma_start3A_78] : memref<4x64x128xf32, #tpu.memory_space<vmem>> -> memref<1x64x128xf32, #tpu.memory_space<vmem>>
      %dma_start3A_80 = tpu.memref_squeeze %dma_start3A_79 : memref<1x64x128xf32, #tpu.memory_space<vmem>> -> memref<64x128xf32, #tpu.memory_space<vmem>>
      %dma_start3A_81 = arith.constant 0 : i32
      %dma_start3A_82 = tpu.memref_slice %arg7[%dma_start3A, %dma_start3A_81] : memref<16x64xi32, #tpu.memory_space<vmem>> -> memref<1x64xi32, #tpu.memory_space<vmem>>
      %dma_start3A_83 = tpu.memref_squeeze %dma_start3A_82 : memref<1x64xi32, #tpu.memory_space<vmem>> -> memref<64xi32, #tpu.memory_space<vmem>>
      %dma_start3A_84 = arith.constant 0 : i32
      %dma_start3A_85 = arith.constant 0 : i32
      %dma_start3A_86 = tpu.memref_slice %arg2[%dma_start3A_84, %dma_start3A_85] : memref<10240x128xf32, #tpu.memory_space<hbm>> -> memref<10240x128xf32, #tpu.memory_space<hbm>>
      tpu.enqueue_indirect_dma source(%dma_start3A_86 : memref<10240x128xf32, #tpu.memory_space<hbm>>) target(%dma_start3A_80 : memref<64x128xf32, #tpu.memory_space<vmem>>) offsets(%dma_start3A_83 : memref<64xi32, #tpu.memory_space<vmem>>) semaphore(%arg10 : memref<!tpu.dma_semaphore, #tpu.memory_space<semaphore_mem>>)
      %dma_start3A_87 = arith.constant 1 : i32
      %dma_start3A_88 = arith.constant 1 : i32
      %dma_start3A_89 = arith.constant 0 : i32
      %dma_start3A_90 = arith.constant 0 : i32
      %dma_start3A_91 = tpu.memref_slice %arg9[%dma_start3A_88, %dma_start3A_89, %dma_start3A_90] : memref<4x64x128xf32, #tpu.memory_space<vmem>> -> memref<1x64x128xf32, #tpu.memory_space<vmem>>
      %dma_start3A_92 = tpu.memref_squeeze %dma_start3A_91 : memref<1x64x128xf32, #tpu.memory_space<vmem>> -> memref<64x128xf32, #tpu.memory_space<vmem>>
      %dma_start3A_93 = arith.constant 0 : i32
      %dma_start3A_94 = tpu.memref_slice %arg7[%dma_start3A_87, %dma_start3A_93] : memref<16x64xi32, #tpu.memory_space<vmem>> -> memref<1x64xi32, #tpu.memory_space<vmem>>
      %dma_start3A_95 = tpu.memref_squeeze %dma_start3A_94 : memref<1x64xi32, #tpu.memory_space<vmem>> -> memref<64xi32, #tpu.memory_space<vmem>>
      %dma_start3A_96 = arith.constant 0 : i32
      %dma_start3A_97 = arith.constant 0 : i32
      %dma_start3A_98 = tpu.memref_slice %arg2[%dma_start3A_96, %dma_start3A_97] : memref<10240x128xf32, #tpu.memory_space<hbm>> -> memref<10240x128xf32, #tpu.memory_space<hbm>>
      tpu.enqueue_indirect_dma source(%dma_start3A_98 : memref<10240x128xf32, #tpu.memory_space<hbm>>) target(%dma_start3A_92 : memref<64x128xf32, #tpu.memory_space<vmem>>) offsets(%dma_start3A_95 : memref<64xi32, #tpu.memory_space<vmem>>) semaphore(%arg11 : memref<!tpu.dma_semaphore, #tpu.memory_space<semaphore_mem>>)
      %dma_start3A_99 = arith.constant 2 : i32
      %dma_start3A_100 = arith.constant 2 : i32
      %dma_start3A_101 = arith.constant 0 : i32
      %dma_start3A_102 = arith.constant 0 : i32
      %dma_start3A_103 = tpu.memref_slice %arg9[%dma_start3A_100, %dma_start3A_101, %dma_start3A_102] : memref<4x64x128xf32, #tpu.memory_space<vmem>> -> memref<1x64x128xf32, #tpu.memory_space<vmem>>
      %dma_start3A_104 = tpu.memref_squeeze %dma_start3A_103 : memref<1x64x128xf32, #tpu.memory_space<vmem>> -> memref<64x128xf32, #tpu.memory_space<vmem>>
      %dma_start3A_105 = arith.constant 0 : i32
      %dma_start3A_106 = tpu.memref_slice %arg7[%dma_start3A_99, %dma_start3A_105] : memref<16x64xi32, #tpu.memory_space<vmem>> -> memref<1x64xi32, #tpu.memory_space<vmem>>
      %dma_start3A_107 = tpu.memref_squeeze %dma_start3A_106 : memref<1x64xi32, #tpu.memory_space<vmem>> -> memref<64xi32, #tpu.memory_space<vmem>>
      %dma_start3A_108 = arith.constant 0 : i32
      %dma_start3A_109 = arith.constant 0 : i32
      %dma_start3A_110 = tpu.memref_slice %arg2[%dma_start3A_108, %dma_start3A_109] : memref<10240x128xf32, #tpu.memory_space<hbm>> -> memref<10240x128xf32, #tpu.memory_space<hbm>>
      tpu.enqueue_indirect_dma source(%dma_start3A_110 : memref<10240x128xf32, #tpu.memory_space<hbm>>) target(%dma_start3A_104 : memref<64x128xf32, #tpu.memory_space<vmem>>) offsets(%dma_start3A_107 : memref<64xi32, #tpu.memory_space<vmem>>) semaphore(%arg12 : memref<!tpu.dma_semaphore, #tpu.memory_space<semaphore_mem>>)
      %dma_wait3A = arith.constant 0 : i32
      %dma_wait3A_111 = arith.constant 0 : i32
      %dma_wait3A_112 = arith.constant 0 : i32
      %dma_wait3A_113 = arith.constant 0 : i32
      %dma_wait3A_114 = tpu.memref_slice %arg9[%dma_wait3A_111, %dma_wait3A_112, %dma_wait3A_113] : memref<4x64x128xf32, #tpu.memory_space<vmem>> -> memref<1x64x128xf32, #tpu.memory_space<vmem>>
      %dma_wait3A_115 = tpu.memref_squeeze %dma_wait3A_114 : memref<1x64x128xf32, #tpu.memory_space<vmem>> -> memref<64x128xf32, #tpu.memory_space<vmem>>
      %dma_wait3A_116 = arith.constant 0 : i32
      %dma_wait3A_117 = tpu.memref_slice %arg7[%dma_wait3A, %dma_wait3A_116] : memref<16x64xi32, #tpu.memory_space<vmem>> -> memref<1x64xi32, #tpu.memory_space<vmem>>
      %dma_wait3A_118 = tpu.memref_squeeze %dma_wait3A_117 : memref<1x64xi32, #tpu.memory_space<vmem>> -> memref<64xi32, #tpu.memory_space<vmem>>
      %dma_wait3A_119 = arith.constant 0 : i32
      %dma_wait3A_120 = arith.constant 0 : i32
      %dma_wait3A_121 = tpu.memref_slice %arg2[%dma_wait3A_119, %dma_wait3A_120] : memref<10240x128xf32, #tpu.memory_space<hbm>> -> memref<10240x128xf32, #tpu.memory_space<hbm>>
      tpu.wait_indirect_dma semaphore(%arg10 : memref<!tpu.dma_semaphore, #tpu.memory_space<semaphore_mem>>) src(%dma_wait3A_121 : memref<10240x128xf32, #tpu.memory_space<hbm>>) dst(%dma_wait3A_115 : memref<64x128xf32, #tpu.memory_space<vmem>>)
      %dma_start3A_122 = arith.constant 0 : i32
      %dma_start3A_123 = arith.constant 0 : i32
      %dma_start3A_124 = arith.constant 0 : i32
      %dma_start3A_125 = arith.constant 0 : i32
      %dma_start3A_126 = tpu.memref_slice %arg9[%dma_start3A_122, %dma_start3A_124, %dma_start3A_125] : memref<4x64x128xf32, #tpu.memory_space<vmem>> -> memref<1x64x128xf32, #tpu.memory_space<vmem>>
      %dma_start3A_127 = tpu.memref_squeeze %dma_start3A_126 : memref<1x64x128xf32, #tpu.memory_space<vmem>> -> memref<64x128xf32, #tpu.memory_space<vmem>>
      %dma_start3A_128 = arith.constant 0 : i32
      %dma_start3A_129 = tpu.memref_slice %arg8[%dma_start3A_123, %dma_start3A_128] : memref<16x64xi32, #tpu.memory_space<vmem>> -> memref<1x64xi32, #tpu.memory_space<vmem>>
      %dma_start3A_130 = tpu.memref_squeeze %dma_start3A_129 : memref<1x64xi32, #tpu.memory_space<vmem>> -> memref<64xi32, #tpu.memory_space<vmem>>
      %dma_start3A_131 = arith.constant 0 : i32
      %dma_start3A_132 = arith.constant 0 : i32
      %dma_start3A_133 = tpu.memref_slice %arg6[%dma_start3A_131, %dma_start3A_132] : memref<10240x128xf32, #tpu.memory_space<vmem_shared>> -> memref<10240x128xf32, #tpu.memory_space<vmem_shared>>
      tpu.enqueue_indirect_dma source(%dma_start3A_127 : memref<64x128xf32, #tpu.memory_space<vmem>>) target(%dma_start3A_133 : memref<10240x128xf32, #tpu.memory_space<vmem_shared>>) offsets(%dma_start3A_130 : memref<64xi32, #tpu.memory_space<vmem>>) semaphore(%arg14 : memref<!tpu.dma_semaphore, #tpu.memory_space<semaphore_mem>>) {add = true}
      %dma_start3A_134 = arith.constant 3 : i32
      %dma_start3A_135 = arith.constant 3 : i32
      %dma_start3A_136 = arith.constant 0 : i32
      %dma_start3A_137 = arith.constant 0 : i32
      %dma_start3A_138 = tpu.memref_slice %arg9[%dma_start3A_135, %dma_start3A_136, %dma_start3A_137] : memref<4x64x128xf32, #tpu.memory_space<vmem>> -> memref<1x64x128xf32, #tpu.memory_space<vmem>>
      %dma_start3A_139 = tpu.memref_squeeze %dma_start3A_138 : memref<1x64x128xf32, #tpu.memory_space<vmem>> -> memref<64x128xf32, #tpu.memory_space<vmem>>
      %dma_start3A_140 = arith.constant 0 : i32
      %dma_start3A_141 = tpu.memref_slice %arg7[%dma_start3A_134, %dma_start3A_140] : memref<16x64xi32, #tpu.memory_space<vmem>> -> memref<1x64xi32, #tpu.memory_space<vmem>>
      %dma_start3A_142 = tpu.memref_squeeze %dma_start3A_141 : memref<1x64xi32, #tpu.memory_space<vmem>> -> memref<64xi32, #tpu.memory_space<vmem>>
      %dma_start3A_143 = arith.constant 0 : i32
      %dma_start3A_144 = arith.constant 0 : i32
      %dma_start3A_145 = tpu.memref_slice %arg2[%dma_start3A_143, %dma_start3A_144] : memref<10240x128xf32, #tpu.memory_space<hbm>> -> memref<10240x128xf32, #tpu.memory_space<hbm>>
      tpu.enqueue_indirect_dma source(%dma_start3A_145 : memref<10240x128xf32, #tpu.memory_space<hbm>>) target(%dma_start3A_139 : memref<64x128xf32, #tpu.memory_space<vmem>>) offsets(%dma_start3A_142 : memref<64xi32, #tpu.memory_space<vmem>>) semaphore(%arg13 : memref<!tpu.dma_semaphore, #tpu.memory_space<semaphore_mem>>)
      %dma_wait3A_146 = arith.constant 1 : i32
      %dma_wait3A_147 = arith.constant 1 : i32
      %dma_wait3A_148 = arith.constant 0 : i32
      %dma_wait3A_149 = arith.constant 0 : i32
      %dma_wait3A_150 = tpu.memref_slice %arg9[%dma_wait3A_147, %dma_wait3A_148, %dma_wait3A_149] : memref<4x64x128xf32, #tpu.memory_space<vmem>> -> memref<1x64x128xf32, #tpu.memory_space<vmem>>
      %dma_wait3A_151 = tpu.memref_squeeze %dma_wait3A_150 : memref<1x64x128xf32, #tpu.memory_space<vmem>> -> memref<64x128xf32, #tpu.memory_space<vmem>>
      %dma_wait3A_152 = arith.constant 0 : i32
      %dma_wait3A_153 = tpu.memref_slice %arg7[%dma_wait3A_146, %dma_wait3A_152] : memref<16x64xi32, #tpu.memory_space<vmem>> -> memref<1x64xi32, #tpu.memory_space<vmem>>
      %dma_wait3A_154 = tpu.memref_squeeze %dma_wait3A_153 : memref<1x64xi32, #tpu.memory_space<vmem>> -> memref<64xi32, #tpu.memory_space<vmem>>
      %dma_wait3A_155 = arith.constant 0 : i32
      %dma_wait3A_156 = arith.constant 0 : i32
      %dma_wait3A_157 = tpu.memref_slice %arg2[%dma_wait3A_155, %dma_wait3A_156] : memref<10240x128xf32, #tpu.memory_space<hbm>> -> memref<10240x128xf32, #tpu.memory_space<hbm>>
      tpu.wait_indirect_dma semaphore(%arg11 : memref<!tpu.dma_semaphore, #tpu.memory_space<semaphore_mem>>) src(%dma_wait3A_157 : memref<10240x128xf32, #tpu.memory_space<hbm>>) dst(%dma_wait3A_151 : memref<64x128xf32, #tpu.memory_space<vmem>>)
      %dma_start3A_158 = arith.constant 1 : i32
      %dma_start3A_159 = arith.constant 1 : i32
      %dma_start3A_160 = arith.constant 0 : i32
      %dma_start3A_161 = arith.constant 0 : i32
      %dma_start3A_162 = tpu.memref_slice %arg9[%dma_start3A_158, %dma_start3A_160, %dma_start3A_161] : memref<4x64x128xf32, #tpu.memory_space<vmem>> -> memref<1x64x128xf32, #tpu.memory_space<vmem>>
      %dma_start3A_163 = tpu.memref_squeeze %dma_start3A_162 : memref<1x64x128xf32, #tpu.memory_space<vmem>> -> memref<64x128xf32, #tpu.memory_space<vmem>>
      %dma_start3A_164 = arith.constant 0 : i32
      %dma_start3A_165 = tpu.memref_slice %arg8[%dma_start3A_159, %dma_start3A_164] : memref<16x64xi32, #tpu.memory_space<vmem>> -> memref<1x64xi32, #tpu.memory_space<vmem>>
      %dma_start3A_166 = tpu.memref_squeeze %dma_start3A_165 : memref<1x64xi32, #tpu.memory_space<vmem>> -> memref<64xi32, #tpu.memory_space<vmem>>
      %dma_start3A_167 = arith.constant 0 : i32
      %dma_start3A_168 = arith.constant 0 : i32
      %dma_start3A_169 = tpu.memref_slice %arg6[%dma_start3A_167, %dma_start3A_168] : memref<10240x128xf32, #tpu.memory_space<vmem_shared>> -> memref<10240x128xf32, #tpu.memory_space<vmem_shared>>
      tpu.enqueue_indirect_dma source(%dma_start3A_163 : memref<64x128xf32, #tpu.memory_space<vmem>>) target(%dma_start3A_169 : memref<10240x128xf32, #tpu.memory_space<vmem_shared>>) offsets(%dma_start3A_166 : memref<64xi32, #tpu.memory_space<vmem>>) semaphore(%arg15 : memref<!tpu.dma_semaphore, #tpu.memory_space<semaphore_mem>>) {add = true}
      %dma_wait3A_170 = arith.constant 0 : i32
      %dma_wait3A_171 = arith.constant 0 : i32
      %dma_wait3A_172 = arith.constant 0 : i32
      %dma_wait3A_173 = arith.constant 0 : i32
      %dma_wait3A_174 = tpu.memref_slice %arg9[%dma_wait3A_170, %dma_wait3A_172, %dma_wait3A_173] : memref<4x64x128xf32, #tpu.memory_space<vmem>> -> memref<1x64x128xf32, #tpu.memory_space<vmem>>
      %dma_wait3A_175 = tpu.memref_squeeze %dma_wait3A_174 : memref<1x64x128xf32, #tpu.memory_space<vmem>> -> memref<64x128xf32, #tpu.memory_space<vmem>>
      %dma_wait3A_176 = arith.constant 0 : i32
      %dma_wait3A_177 = tpu.memref_slice %arg8[%dma_wait3A_171, %dma_wait3A_176] : memref<16x64xi32, #tpu.memory_space<vmem>> -> memref<1x64xi32, #tpu.memory_space<vmem>>
      %dma_wait3A_178 = tpu.memref_squeeze %dma_wait3A_177 : memref<1x64xi32, #tpu.memory_space<vmem>> -> memref<64xi32, #tpu.memory_space<vmem>>
      %dma_wait3A_179 = arith.constant 0 : i32
      %dma_wait3A_180 = arith.constant 0 : i32
      %dma_wait3A_181 = tpu.memref_slice %arg6[%dma_wait3A_179, %dma_wait3A_180] : memref<10240x128xf32, #tpu.memory_space<vmem_shared>> -> memref<10240x128xf32, #tpu.memory_space<vmem_shared>>
      tpu.wait_indirect_dma semaphore(%arg14 : memref<!tpu.dma_semaphore, #tpu.memory_space<semaphore_mem>>) src(%dma_wait3A_175 : memref<64x128xf32, #tpu.memory_space<vmem>>) dst(%dma_wait3A_181 : memref<10240x128xf32, #tpu.memory_space<vmem_shared>>)
      %dma_start3A_182 = arith.constant 4 : i32
      %dma_start3A_183 = arith.constant 0 : i32
      %dma_start3A_184 = arith.constant 0 : i32
      %dma_start3A_185 = arith.constant 0 : i32
      %dma_start3A_186 = tpu.memref_slice %arg9[%dma_start3A_183, %dma_start3A_184, %dma_start3A_185] : memref<4x64x128xf32, #tpu.memory_space<vmem>> -> memref<1x64x128xf32, #tpu.memory_space<vmem>>
      %dma_start3A_187 = tpu.memref_squeeze %dma_start3A_186 : memref<1x64x128xf32, #tpu.memory_space<vmem>> -> memref<64x128xf32, #tpu.memory_space<vmem>>
      %dma_start3A_188 = arith.constant 0 : i32
      %dma_start3A_189 = tpu.memref_slice %arg7[%dma_start3A_182, %dma_start3A_188] : memref<16x64xi32, #tpu.memory_space<vmem>> -> memref<1x64xi32, #tpu.memory_space<vmem>>
      %dma_start3A_190 = tpu.memref_squeeze %dma_start3A_189 : memref<1x64xi32, #tpu.memory_space<vmem>> -> memref<64xi32, #tpu.memory_space<vmem>>
      %dma_start3A_191 = arith.constant 0 : i32
      %dma_start3A_192 = arith.constant 0 : i32
      %dma_start3A_193 = tpu.memref_slice %arg2[%dma_start3A_191, %dma_start3A_192] : memref<10240x128xf32, #tpu.memory_space<hbm>> -> memref<10240x128xf32, #tpu.memory_space<hbm>>
      tpu.enqueue_indirect_dma source(%dma_start3A_193 : memref<10240x128xf32, #tpu.memory_space<hbm>>) target(%dma_start3A_187 : memref<64x128xf32, #tpu.memory_space<vmem>>) offsets(%dma_start3A_190 : memref<64xi32, #tpu.memory_space<vmem>>) semaphore(%arg10 : memref<!tpu.dma_semaphore, #tpu.memory_space<semaphore_mem>>)
      %dma_wait3A_194 = arith.constant 2 : i32
      %dma_wait3A_195 = arith.constant 2 : i32
      %dma_wait3A_196 = arith.constant 0 : i32
      %dma_wait3A_197 = arith.constant 0 : i32
      %dma_wait3A_198 = tpu.memref_slice %arg9[%dma_wait3A_195, %dma_wait3A_196, %dma_wait3A_197] : memref<4x64x128xf32, #tpu.memory_space<vmem>> -> memref<1x64x128xf32, #tpu.memory_space<vmem>>
      %dma_wait3A_199 = tpu.memref_squeeze %dma_wait3A_198 : memref<1x64x128xf32, #tpu.memory_space<vmem>> -> memref<64x128xf32, #tpu.memory_space<vmem>>
      %dma_wait3A_200 = arith.constant 0 : i32
      %dma_wait3A_201 = tpu.memref_slice %arg7[%dma_wait3A_194, %dma_wait3A_200] : memref<16x64xi32, #tpu.memory_space<vmem>> -> memref<1x64xi32, #tpu.memory_space<vmem>>
      %dma_wait3A_202 = tpu.memref_squeeze %dma_wait3A_201 : memref<1x64xi32, #tpu.memory_space<vmem>> -> memref<64xi32, #tpu.memory_space<vmem>>
      %dma_wait3A_203 = arith.constant 0 : i32
      %dma_wait3A_204 = arith.constant 0 : i32
      %dma_wait3A_205 = tpu.memref_slice %arg2[%dma_wait3A_203, %dma_wait3A_204] : memref<10240x128xf32, #tpu.memory_space<hbm>> -> memref<10240x128xf32, #tpu.memory_space<hbm>>
      tpu.wait_indirect_dma semaphore(%arg12 : memref<!tpu.dma_semaphore, #tpu.memory_space<semaphore_mem>>) src(%dma_wait3A_205 : memref<10240x128xf32, #tpu.memory_space<hbm>>) dst(%dma_wait3A_199 : memref<64x128xf32, #tpu.memory_space<vmem>>)
      %dma_start3A_206 = arith.constant 2 : i32
      %dma_start3A_207 = arith.constant 2 : i32
      %dma_start3A_208 = arith.constant 0 : i32
      %dma_start3A_209 = arith.constant 0 : i32
      %dma_start3A_210 = tpu.memref_slice %arg9[%dma_start3A_206, %dma_start3A_208, %dma_start3A_209] : memref<4x64x128xf32, #tpu.memory_space<vmem>> -> memref<1x64x128xf32, #tpu.memory_space<vmem>>
      %dma_start3A_211 = tpu.memref_squeeze %dma_start3A_210 : memref<1x64x128xf32, #tpu.memory_space<vmem>> -> memref<64x128xf32, #tpu.memory_space<vmem>>
      %dma_start3A_212 = arith.constant 0 : i32
      %dma_start3A_213 = tpu.memref_slice %arg8[%dma_start3A_207, %dma_start3A_212] : memref<16x64xi32, #tpu.memory_space<vmem>> -> memref<1x64xi32, #tpu.memory_space<vmem>>
      %dma_start3A_214 = tpu.memref_squeeze %dma_start3A_213 : memref<1x64xi32, #tpu.memory_space<vmem>> -> memref<64xi32, #tpu.memory_space<vmem>>
      %dma_start3A_215 = arith.constant 0 : i32
      %dma_start3A_216 = arith.constant 0 : i32
      %dma_start3A_217 = tpu.memref_slice %arg6[%dma_start3A_215, %dma_start3A_216] : memref<10240x128xf32, #tpu.memory_space<vmem_shared>> -> memref<10240x128xf32, #tpu.memory_space<vmem_shared>>
      tpu.enqueue_indirect_dma source(%dma_start3A_211 : memref<64x128xf32, #tpu.memory_space<vmem>>) target(%dma_start3A_217 : memref<10240x128xf32, #tpu.memory_space<vmem_shared>>) offsets(%dma_start3A_214 : memref<64xi32, #tpu.memory_space<vmem>>) semaphore(%arg16 : memref<!tpu.dma_semaphore, #tpu.memory_space<semaphore_mem>>) {add = true}
      %dma_wait3A_218 = arith.constant 1 : i32
      %dma_wait3A_219 = arith.constant 1 : i32
      %dma_wait3A_220 = arith.constant 0 : i32
      %dma_wait3A_221 = arith.constant 0 : i32
      %dma_wait3A_222 = tpu.memref_slice %arg9[%dma_wait3A_218, %dma_wait3A_220, %dma_wait3A_221] : memref<4x64x128xf32, #tpu.memory_space<vmem>> -> memref<1x64x128xf32, #tpu.memory_space<vmem>>
      %dma_wait3A_223 = tpu.memref_squeeze %dma_wait3A_222 : memref<1x64x128xf32, #tpu.memory_space<vmem>> -> memref<64x128xf32, #tpu.memory_space<vmem>>
      %dma_wait3A_224 = arith.constant 0 : i32
      %dma_wait3A_225 = tpu.memref_slice %arg8[%dma_wait3A_219, %dma_wait3A_224] : memref<16x64xi32, #tpu.memory_space<vmem>> -> memref<1x64xi32, #tpu.memory_space<vmem>>
      %dma_wait3A_226 = tpu.memref_squeeze %dma_wait3A_225 : memref<1x64xi32, #tpu.memory_space<vmem>> -> memref<64xi32, #tpu.memory_space<vmem>>
      %dma_wait3A_227 = arith.constant 0 : i32
      %dma_wait3A_228 = arith.constant 0 : i32
      %dma_wait3A_229 = tpu.memref_slice %arg6[%dma_wait3A_227, %dma_wait3A_228] : memref<10240x128xf32, #tpu.memory_space<vmem_shared>> -> memref<10240x128xf32, #tpu.memory_space<vmem_shared>>
      tpu.wait_indirect_dma semaphore(%arg15 : memref<!tpu.dma_semaphore, #tpu.memory_space<semaphore_mem>>) src(%dma_wait3A_223 : memref<64x128xf32, #tpu.memory_space<vmem>>) dst(%dma_wait3A_229 : memref<10240x128xf32, #tpu.memory_space<vmem_shared>>)
      %dma_start3A_230 = arith.constant 5 : i32
      %dma_start3A_231 = arith.constant 1 : i32
      %dma_start3A_232 = arith.constant 0 : i32
      %dma_start3A_233 = arith.constant 0 : i32
      %dma_start3A_234 = tpu.memref_slice %arg9[%dma_start3A_231, %dma_start3A_232, %dma_start3A_233] : memref<4x64x128xf32, #tpu.memory_space<vmem>> -> memref<1x64x128xf32, #tpu.memory_space<vmem>>
      %dma_start3A_235 = tpu.memref_squeeze %dma_start3A_234 : memref<1x64x128xf32, #tpu.memory_space<vmem>> -> memref<64x128xf32, #tpu.memory_space<vmem>>
      %dma_start3A_236 = arith.constant 0 : i32
      %dma_start3A_237 = tpu.memref_slice %arg7[%dma_start3A_230, %dma_start3A_236] : memref<16x64xi32, #tpu.memory_space<vmem>> -> memref<1x64xi32, #tpu.memory_space<vmem>>
      %dma_start3A_238 = tpu.memref_squeeze %dma_start3A_237 : memref<1x64xi32, #tpu.memory_space<vmem>> -> memref<64xi32, #tpu.memory_space<vmem>>
      %dma_start3A_239 = arith.constant 0 : i32
      %dma_start3A_240 = arith.constant 0 : i32
      %dma_start3A_241 = tpu.memref_slice %arg2[%dma_start3A_239, %dma_start3A_240] : memref<10240x128xf32, #tpu.memory_space<hbm>> -> memref<10240x128xf32, #tpu.memory_space<hbm>>
      tpu.enqueue_indirect_dma source(%dma_start3A_241 : memref<10240x128xf32, #tpu.memory_space<hbm>>) target(%dma_start3A_235 : memref<64x128xf32, #tpu.memory_space<vmem>>) offsets(%dma_start3A_238 : memref<64xi32, #tpu.memory_space<vmem>>) semaphore(%arg11 : memref<!tpu.dma_semaphore, #tpu.memory_space<semaphore_mem>>)
      %dma_wait3A_242 = arith.constant 3 : i32
      %dma_wait3A_243 = arith.constant 3 : i32
      %dma_wait3A_244 = arith.constant 0 : i32
      %dma_wait3A_245 = arith.constant 0 : i32
      %dma_wait3A_246 = tpu.memref_slice %arg9[%dma_wait3A_243, %dma_wait3A_244, %dma_wait3A_245] : memref<4x64x128xf32, #tpu.memory_space<vmem>> -> memref<1x64x128xf32, #tpu.memory_space<vmem>>
      %dma_wait3A_247 = tpu.memref_squeeze %dma_wait3A_246 : memref<1x64x128xf32, #tpu.memory_space<vmem>> -> memref<64x128xf32, #tpu.memory_space<vmem>>
      %dma_wait3A_248 = arith.constant 0 : i32
      %dma_wait3A_249 = tpu.memref_slice %arg7[%dma_wait3A_242, %dma_wait3A_248] : memref<16x64xi32, #tpu.memory_space<vmem>> -> memref<1x64xi32, #tpu.memory_space<vmem>>
      %dma_wait3A_250 = tpu.memref_squeeze %dma_wait3A_249 : memref<1x64xi32, #tpu.memory_space<vmem>> -> memref<64xi32, #tpu.memory_space<vmem>>
      %dma_wait3A_251 = arith.constant 0 : i32
      %dma_wait3A_252 = arith.constant 0 : i32
      %dma_wait3A_253 = tpu.memref_slice %arg2[%dma_wait3A_251, %dma_wait3A_252] : memref<10240x128xf32, #tpu.memory_space<hbm>> -> memref<10240x128xf32, #tpu.memory_space<hbm>>
      tpu.wait_indirect_dma semaphore(%arg13 : memref<!tpu.dma_semaphore, #tpu.memory_space<semaphore_mem>>) src(%dma_wait3A_253 : memref<10240x128xf32, #tpu.memory_space<hbm>>) dst(%dma_wait3A_247 : memref<64x128xf32, #tpu.memory_space<vmem>>)
      %dma_start3A_254 = arith.constant 3 : i32
      %dma_start3A_255 = arith.constant 3 : i32
      %dma_start3A_256 = arith.constant 0 : i32
      %dma_start3A_257 = arith.constant 0 : i32
      %dma_start3A_258 = tpu.memref_slice %arg9[%dma_start3A_254, %dma_start3A_256, %dma_start3A_257] : memref<4x64x128xf32, #tpu.memory_space<vmem>> -> memref<1x64x128xf32, #tpu.memory_space<vmem>>
      %dma_start3A_259 = tpu.memref_squeeze %dma_start3A_258 : memref<1x64x128xf32, #tpu.memory_space<vmem>> -> memref<64x128xf32, #tpu.memory_space<vmem>>
      %dma_start3A_260 = arith.constant 0 : i32
      %dma_start3A_261 = tpu.memref_slice %arg8[%dma_start3A_255, %dma_start3A_260] : memref<16x64xi32, #tpu.memory_space<vmem>> -> memref<1x64xi32, #tpu.memory_space<vmem>>
      %dma_start3A_262 = tpu.memref_squeeze %dma_start3A_261 : memref<1x64xi32, #tpu.memory_space<vmem>> -> memref<64xi32, #tpu.memory_space<vmem>>
      %dma_start3A_263 = arith.constant 0 : i32
      %dma_start3A_264 = arith.constant 0 : i32
      %dma_start3A_265 = tpu.memref_slice %arg6[%dma_start3A_263, %dma_start3A_264] : memref<10240x128xf32, #tpu.memory_space<vmem_shared>> -> memref<10240x128xf32, #tpu.memory_space<vmem_shared>>
      tpu.enqueue_indirect_dma source(%dma_start3A_259 : memref<64x128xf32, #tpu.memory_space<vmem>>) target(%dma_start3A_265 : memref<10240x128xf32, #tpu.memory_space<vmem_shared>>) offsets(%dma_start3A_262 : memref<64xi32, #tpu.memory_space<vmem>>) semaphore(%arg17 : memref<!tpu.dma_semaphore, #tpu.memory_space<semaphore_mem>>) {add = true}
      %dma_wait3A_266 = arith.constant 2 : i32
      %dma_wait3A_267 = arith.constant 2 : i32
      %dma_wait3A_268 = arith.constant 0 : i32
      %dma_wait3A_269 = arith.constant 0 : i32
      %dma_wait3A_270 = tpu.memref_slice %arg9[%dma_wait3A_266, %dma_wait3A_268, %dma_wait3A_269] : memref<4x64x128xf32, #tpu.memory_space<vmem>> -> memref<1x64x128xf32, #tpu.memory_space<vmem>>
      %dma_wait3A_271 = tpu.memref_squeeze %dma_wait3A_270 : memref<1x64x128xf32, #tpu.memory_space<vmem>> -> memref<64x128xf32, #tpu.memory_space<vmem>>
      %dma_wait3A_272 = arith.constant 0 : i32
      %dma_wait3A_273 = tpu.memref_slice %arg8[%dma_wait3A_267, %dma_wait3A_272] : memref<16x64xi32, #tpu.memory_space<vmem>> -> memref<1x64xi32, #tpu.memory_space<vmem>>
      %dma_wait3A_274 = tpu.memref_squeeze %dma_wait3A_273 : memref<1x64xi32, #tpu.memory_space<vmem>> -> memref<64xi32, #tpu.memory_space<vmem>>
      %dma_wait3A_275 = arith.constant 0 : i32
      %dma_wait3A_276 = arith.constant 0 : i32
      %dma_wait3A_277 = tpu.memref_slice %arg6[%dma_wait3A_275, %dma_wait3A_276] : memref<10240x128xf32, #tpu.memory_space<vmem_shared>> -> memref<10240x128xf32, #tpu.memory_space<vmem_shared>>
      tpu.wait_indirect_dma semaphore(%arg16 : memref<!tpu.dma_semaphore, #tpu.memory_space<semaphore_mem>>) src(%dma_wait3A_271 : memref<64x128xf32, #tpu.memory_space<vmem>>) dst(%dma_wait3A_277 : memref<10240x128xf32, #tpu.memory_space<vmem_shared>>)
      %dma_start3A_278 = arith.constant 6 : i32
      %dma_start3A_279 = arith.constant 2 : i32
      %dma_start3A_280 = arith.constant 0 : i32
      %dma_start3A_281 = arith.constant 0 : i32
      %dma_start3A_282 = tpu.memref_slice %arg9[%dma_start3A_279, %dma_start3A_280, %dma_start3A_281] : memref<4x64x128xf32, #tpu.memory_space<vmem>> -> memref<1x64x128xf32, #tpu.memory_space<vmem>>
      %dma_start3A_283 = tpu.memref_squeeze %dma_start3A_282 : memref<1x64x128xf32, #tpu.memory_space<vmem>> -> memref<64x128xf32, #tpu.memory_space<vmem>>
      %dma_start3A_284 = arith.constant 0 : i32
      %dma_start3A_285 = tpu.memref_slice %arg7[%dma_start3A_278, %dma_start3A_284] : memref<16x64xi32, #tpu.memory_space<vmem>> -> memref<1x64xi32, #tpu.memory_space<vmem>>
      %dma_start3A_286 = tpu.memref_squeeze %dma_start3A_285 : memref<1x64xi32, #tpu.memory_space<vmem>> -> memref<64xi32, #tpu.memory_space<vmem>>
      %dma_start3A_287 = arith.constant 0 : i32
      %dma_start3A_288 = arith.constant 0 : i32
      %dma_start3A_289 = tpu.memref_slice %arg2[%dma_start3A_287, %dma_start3A_288] : memref<10240x128xf32, #tpu.memory_space<hbm>> -> memref<10240x128xf32, #tpu.memory_space<hbm>>
      tpu.enqueue_indirect_dma source(%dma_start3A_289 : memref<10240x128xf32, #tpu.memory_space<hbm>>) target(%dma_start3A_283 : memref<64x128xf32, #tpu.memory_space<vmem>>) offsets(%dma_start3A_286 : memref<64xi32, #tpu.memory_space<vmem>>) semaphore(%arg12 : memref<!tpu.dma_semaphore, #tpu.memory_space<semaphore_mem>>)
      %dma_wait3A_290 = arith.constant 4 : i32
      %dma_wait3A_291 = arith.constant 0 : i32
      %dma_wait3A_292 = arith.constant 0 : i32
      %dma_wait3A_293 = arith.constant 0 : i32
      %dma_wait3A_294 = tpu.memref_slice %arg9[%dma_wait3A_291, %dma_wait3A_292, %dma_wait3A_293] : memref<4x64x128xf32, #tpu.memory_space<vmem>> -> memref<1x64x128xf32, #tpu.memory_space<vmem>>
      %dma_wait3A_295 = tpu.memref_squeeze %dma_wait3A_294 : memref<1x64x128xf32, #tpu.memory_space<vmem>> -> memref<64x128xf32, #tpu.memory_space<vmem>>
      %dma_wait3A_296 = arith.constant 0 : i32
      %dma_wait3A_297 = tpu.memref_slice %arg7[%dma_wait3A_290, %dma_wait3A_296] : memref<16x64xi32, #tpu.memory_space<vmem>> -> memref<1x64xi32, #tpu.memory_space<vmem>>
      %dma_wait3A_298 = tpu.memref_squeeze %dma_wait3A_297 : memref<1x64xi32, #tpu.memory_space<vmem>> -> memref<64xi32, #tpu.memory_space<vmem>>
      %dma_wait3A_299 = arith.constant 0 : i32
      %dma_wait3A_300 = arith.constant 0 : i32
      %dma_wait3A_301 = tpu.memref_slice %arg2[%dma_wait3A_299, %dma_wait3A_300] : memref<10240x128xf32, #tpu.memory_space<hbm>> -> memref<10240x128xf32, #tpu.memory_space<hbm>>
      tpu.wait_indirect_dma semaphore(%arg10 : memref<!tpu.dma_semaphore, #tpu.memory_space<semaphore_mem>>) src(%dma_wait3A_301 : memref<10240x128xf32, #tpu.memory_space<hbm>>) dst(%dma_wait3A_295 : memref<64x128xf32, #tpu.memory_space<vmem>>)
      %dma_start3A_302 = arith.constant 0 : i32
      %dma_start3A_303 = arith.constant 4 : i32
      %dma_start3A_304 = arith.constant 0 : i32
      %dma_start3A_305 = arith.constant 0 : i32
      %dma_start3A_306 = tpu.memref_slice %arg9[%dma_start3A_302, %dma_start3A_304, %dma_start3A_305] : memref<4x64x128xf32, #tpu.memory_space<vmem>> -> memref<1x64x128xf32, #tpu.memory_space<vmem>>
      %dma_start3A_307 = tpu.memref_squeeze %dma_start3A_306 : memref<1x64x128xf32, #tpu.memory_space<vmem>> -> memref<64x128xf32, #tpu.memory_space<vmem>>
      %dma_start3A_308 = arith.constant 0 : i32
      %dma_start3A_309 = tpu.memref_slice %arg8[%dma_start3A_303, %dma_start3A_308] : memref<16x64xi32, #tpu.memory_space<vmem>> -> memref<1x64xi32, #tpu.memory_space<vmem>>
      %dma_start3A_310 = tpu.memref_squeeze %dma_start3A_309 : memref<1x64xi32, #tpu.memory_space<vmem>> -> memref<64xi32, #tpu.memory_space<vmem>>
      %dma_start3A_311 = arith.constant 0 : i32
      %dma_start3A_312 = arith.constant 0 : i32
      %dma_start3A_313 = tpu.memref_slice %arg6[%dma_start3A_311, %dma_start3A_312] : memref<10240x128xf32, #tpu.memory_space<vmem_shared>> -> memref<10240x128xf32, #tpu.memory_space<vmem_shared>>
      tpu.enqueue_indirect_dma source(%dma_start3A_307 : memref<64x128xf32, #tpu.memory_space<vmem>>) target(%dma_start3A_313 : memref<10240x128xf32, #tpu.memory_space<vmem_shared>>) offsets(%dma_start3A_310 : memref<64xi32, #tpu.memory_space<vmem>>) semaphore(%arg14 : memref<!tpu.dma_semaphore, #tpu.memory_space<semaphore_mem>>) {add = true}
      %dma_wait3A_314 = arith.constant 3 : i32
      %dma_wait3A_315 = arith.constant 3 : i32
      %dma_wait3A_316 = arith.constant 0 : i32
      %dma_wait3A_317 = arith.constant 0 : i32
      %dma_wait3A_318 = tpu.memref_slice %arg9[%dma_wait3A_314, %dma_wait3A_316, %dma_wait3A_317] : memref<4x64x128xf32, #tpu.memory_space<vmem>> -> memref<1x64x128xf32, #tpu.memory_space<vmem>>
      %dma_wait3A_319 = tpu.memref_squeeze %dma_wait3A_318 : memref<1x64x128xf32, #tpu.memory_space<vmem>> -> memref<64x128xf32, #tpu.memory_space<vmem>>
      %dma_wait3A_320 = arith.constant 0 : i32
      %dma_wait3A_321 = tpu.memref_slice %arg8[%dma_wait3A_315, %dma_wait3A_320] : memref<16x64xi32, #tpu.memory_space<vmem>> -> memref<1x64xi32, #tpu.memory_space<vmem>>
      %dma_wait3A_322 = tpu.memref_squeeze %dma_wait3A_321 : memref<1x64xi32, #tpu.memory_space<vmem>> -> memref<64xi32, #tpu.memory_space<vmem>>
      %dma_wait3A_323 = arith.constant 0 : i32
      %dma_wait3A_324 = arith.constant 0 : i32
      %dma_wait3A_325 = tpu.memref_slice %arg6[%dma_wait3A_323, %dma_wait3A_324] : memref<10240x128xf32, #tpu.memory_space<vmem_shared>> -> memref<10240x128xf32, #tpu.memory_space<vmem_shared>>
      tpu.wait_indirect_dma semaphore(%arg17 : memref<!tpu.dma_semaphore, #tpu.memory_space<semaphore_mem>>) src(%dma_wait3A_319 : memref<64x128xf32, #tpu.memory_space<vmem>>) dst(%dma_wait3A_325 : memref<10240x128xf32, #tpu.memory_space<vmem_shared>>)
      %dma_start3A_326 = arith.constant 7 : i32
      %dma_start3A_327 = arith.constant 3 : i32
      %dma_start3A_328 = arith.constant 0 : i32
      %dma_start3A_329 = arith.constant 0 : i32
      %dma_start3A_330 = tpu.memref_slice %arg9[%dma_start3A_327, %dma_start3A_328, %dma_start3A_329] : memref<4x64x128xf32, #tpu.memory_space<vmem>> -> memref<1x64x128xf32, #tpu.memory_space<vmem>>
      %dma_start3A_331 = tpu.memref_squeeze %dma_start3A_330 : memref<1x64x128xf32, #tpu.memory_space<vmem>> -> memref<64x128xf32, #tpu.memory_space<vmem>>
      %dma_start3A_332 = arith.constant 0 : i32
      %dma_start3A_333 = tpu.memref_slice %arg7[%dma_start3A_326, %dma_start3A_332] : memref<16x64xi32, #tpu.memory_space<vmem>> -> memref<1x64xi32, #tpu.memory_space<vmem>>
      %dma_start3A_334 = tpu.memref_squeeze %dma_start3A_333 : memref<1x64xi32, #tpu.memory_space<vmem>> -> memref<64xi32, #tpu.memory_space<vmem>>
      %dma_start3A_335 = arith.constant 0 : i32
      %dma_start3A_336 = arith.constant 0 : i32
      %dma_start3A_337 = tpu.memref_slice %arg2[%dma_start3A_335, %dma_start3A_336] : memref<10240x128xf32, #tpu.memory_space<hbm>> -> memref<10240x128xf32, #tpu.memory_space<hbm>>
      tpu.enqueue_indirect_dma source(%dma_start3A_337 : memref<10240x128xf32, #tpu.memory_space<hbm>>) target(%dma_start3A_331 : memref<64x128xf32, #tpu.memory_space<vmem>>) offsets(%dma_start3A_334 : memref<64xi32, #tpu.memory_space<vmem>>) semaphore(%arg13 : memref<!tpu.dma_semaphore, #tpu.memory_space<semaphore_mem>>)
      %dma_wait3A_338 = arith.constant 5 : i32
      %dma_wait3A_339 = arith.constant 1 : i32
      %dma_wait3A_340 = arith.constant 0 : i32
      %dma_wait3A_341 = arith.constant 0 : i32
      %dma_wait3A_342 = tpu.memref_slice %arg9[%dma_wait3A_339, %dma_wait3A_340, %dma_wait3A_341] : memref<4x64x128xf32, #tpu.memory_space<vmem>> -> memref<1x64x128xf32, #tpu.memory_space<vmem>>
      %dma_wait3A_343 = tpu.memref_squeeze %dma_wait3A_342 : memref<1x64x128xf32, #tpu.memory_space<vmem>> -> memref<64x128xf32, #tpu.memory_space<vmem>>
      %dma_wait3A_344 = arith.constant 0 : i32
      %dma_wait3A_345 = tpu.memref_slice %arg7[%dma_wait3A_338, %dma_wait3A_344] : memref<16x64xi32, #tpu.memory_space<vmem>> -> memref<1x64xi32, #tpu.memory_space<vmem>>
      %dma_wait3A_346 = tpu.memref_squeeze %dma_wait3A_345 : memref<1x64xi32, #tpu.memory_space<vmem>> -> memref<64xi32, #tpu.memory_space<vmem>>
      %dma_wait3A_347 = arith.constant 0 : i32
      %dma_wait3A_348 = arith.constant 0 : i32
      %dma_wait3A_349 = tpu.memref_slice %arg2[%dma_wait3A_347, %dma_wait3A_348] : memref<10240x128xf32, #tpu.memory_space<hbm>> -> memref<10240x128xf32, #tpu.memory_space<hbm>>
      tpu.wait_indirect_dma semaphore(%arg11 : memref<!tpu.dma_semaphore, #tpu.memory_space<semaphore_mem>>) src(%dma_wait3A_349 : memref<10240x128xf32, #tpu.memory_space<hbm>>) dst(%dma_wait3A_343 : memref<64x128xf32, #tpu.memory_space<vmem>>)
      %dma_start3A_350 = arith.constant 1 : i32
      %dma_start3A_351 = arith.constant 5 : i32
      %dma_start3A_352 = arith.constant 0 : i32
      %dma_start3A_353 = arith.constant 0 : i32
      %dma_start3A_354 = tpu.memref_slice %arg9[%dma_start3A_350, %dma_start3A_352, %dma_start3A_353] : memref<4x64x128xf32, #tpu.memory_space<vmem>> -> memref<1x64x128xf32, #tpu.memory_space<vmem>>
      %dma_start3A_355 = tpu.memref_squeeze %dma_start3A_354 : memref<1x64x128xf32, #tpu.memory_space<vmem>> -> memref<64x128xf32, #tpu.memory_space<vmem>>
      %dma_start3A_356 = arith.constant 0 : i32
      %dma_start3A_357 = tpu.memref_slice %arg8[%dma_start3A_351, %dma_start3A_356] : memref<16x64xi32, #tpu.memory_space<vmem>> -> memref<1x64xi32, #tpu.memory_space<vmem>>
      %dma_start3A_358 = tpu.memref_squeeze %dma_start3A_357 : memref<1x64xi32, #tpu.memory_space<vmem>> -> memref<64xi32, #tpu.memory_space<vmem>>
      %dma_start3A_359 = arith.constant 0 : i32
      %dma_start3A_360 = arith.constant 0 : i32
      %dma_start3A_361 = tpu.memref_slice %arg6[%dma_start3A_359, %dma_start3A_360] : memref<10240x128xf32, #tpu.memory_space<vmem_shared>> -> memref<10240x128xf32, #tpu.memory_space<vmem_shared>>
      tpu.enqueue_indirect_dma source(%dma_start3A_355 : memref<64x128xf32, #tpu.memory_space<vmem>>) target(%dma_start3A_361 : memref<10240x128xf32, #tpu.memory_space<vmem_shared>>) offsets(%dma_start3A_358 : memref<64xi32, #tpu.memory_space<vmem>>) semaphore(%arg15 : memref<!tpu.dma_semaphore, #tpu.memory_space<semaphore_mem>>) {add = true}
      %dma_wait3A_362 = arith.constant 0 : i32
      %dma_wait3A_363 = arith.constant 4 : i32
      %dma_wait3A_364 = arith.constant 0 : i32
      %dma_wait3A_365 = arith.constant 0 : i32
      %dma_wait3A_366 = tpu.memref_slice %arg9[%dma_wait3A_362, %dma_wait3A_364, %dma_wait3A_365] : memref<4x64x128xf32, #tpu.memory_space<vmem>> -> memref<1x64x128xf32, #tpu.memory_space<vmem>>
      %dma_wait3A_367 = tpu.memref_squeeze %dma_wait3A_366 : memref<1x64x128xf32, #tpu.memory_space<vmem>> -> memref<64x128xf32, #tpu.memory_space<vmem>>
      %dma_wait3A_368 = arith.constant 0 : i32
      %dma_wait3A_369 = tpu.memref_slice %arg8[%dma_wait3A_363, %dma_wait3A_368] : memref<16x64xi32, #tpu.memory_space<vmem>> -> memref<1x64xi32, #tpu.memory_space<vmem>>
      %dma_wait3A_370 = tpu.memref_squeeze %dma_wait3A_369 : memref<1x64xi32, #tpu.memory_space<vmem>> -> memref<64xi32, #tpu.memory_space<vmem>>
      %dma_wait3A_371 = arith.constant 0 : i32
      %dma_wait3A_372 = arith.constant 0 : i32
      %dma_wait3A_373 = tpu.memref_slice %arg6[%dma_wait3A_371, %dma_wait3A_372] : memref<10240x128xf32, #tpu.memory_space<vmem_shared>> -> memref<10240x128xf32, #tpu.memory_space<vmem_shared>>
      tpu.wait_indirect_dma semaphore(%arg14 : memref<!tpu.dma_semaphore, #tpu.memory_space<semaphore_mem>>) src(%dma_wait3A_367 : memref<64x128xf32, #tpu.memory_space<vmem>>) dst(%dma_wait3A_373 : memref<10240x128xf32, #tpu.memory_space<vmem_shared>>)
      %dma_start3A_374 = arith.constant 8 : i32
      %dma_start3A_375 = arith.constant 0 : i32
      %dma_start3A_376 = arith.constant 0 : i32
      %dma_start3A_377 = arith.constant 0 : i32
      %dma_start3A_378 = tpu.memref_slice %arg9[%dma_start3A_375, %dma_start3A_376, %dma_start3A_377] : memref<4x64x128xf32, #tpu.memory_space<vmem>> -> memref<1x64x128xf32, #tpu.memory_space<vmem>>
      %dma_start3A_379 = tpu.memref_squeeze %dma_start3A_378 : memref<1x64x128xf32, #tpu.memory_space<vmem>> -> memref<64x128xf32, #tpu.memory_space<vmem>>
      %dma_start3A_380 = arith.constant 0 : i32
      %dma_start3A_381 = tpu.memref_slice %arg7[%dma_start3A_374, %dma_start3A_380] : memref<16x64xi32, #tpu.memory_space<vmem>> -> memref<1x64xi32, #tpu.memory_space<vmem>>
      %dma_start3A_382 = tpu.memref_squeeze %dma_start3A_381 : memref<1x64xi32, #tpu.memory_space<vmem>> -> memref<64xi32, #tpu.memory_space<vmem>>
      %dma_start3A_383 = arith.constant 0 : i32
      %dma_start3A_384 = arith.constant 0 : i32
      %dma_start3A_385 = tpu.memref_slice %arg2[%dma_start3A_383, %dma_start3A_384] : memref<10240x128xf32, #tpu.memory_space<hbm>> -> memref<10240x128xf32, #tpu.memory_space<hbm>>
      tpu.enqueue_indirect_dma source(%dma_start3A_385 : memref<10240x128xf32, #tpu.memory_space<hbm>>) target(%dma_start3A_379 : memref<64x128xf32, #tpu.memory_space<vmem>>) offsets(%dma_start3A_382 : memref<64xi32, #tpu.memory_space<vmem>>) semaphore(%arg10 : memref<!tpu.dma_semaphore, #tpu.memory_space<semaphore_mem>>)
      %dma_wait3A_386 = arith.constant 6 : i32
      %dma_wait3A_387 = arith.constant 2 : i32
      %dma_wait3A_388 = arith.constant 0 : i32
      %dma_wait3A_389 = arith.constant 0 : i32
      %dma_wait3A_390 = tpu.memref_slice %arg9[%dma_wait3A_387, %dma_wait3A_388, %dma_wait3A_389] : memref<4x64x128xf32, #tpu.memory_space<vmem>> -> memref<1x64x128xf32, #tpu.memory_space<vmem>>
      %dma_wait3A_391 = tpu.memref_squeeze %dma_wait3A_390 : memref<1x64x128xf32, #tpu.memory_space<vmem>> -> memref<64x128xf32, #tpu.memory_space<vmem>>
      %dma_wait3A_392 = arith.constant 0 : i32
      %dma_wait3A_393 = tpu.memref_slice %arg7[%dma_wait3A_386, %dma_wait3A_392] : memref<16x64xi32, #tpu.memory_space<vmem>> -> memref<1x64xi32, #tpu.memory_space<vmem>>
      %dma_wait3A_394 = tpu.memref_squeeze %dma_wait3A_393 : memref<1x64xi32, #tpu.memory_space<vmem>> -> memref<64xi32, #tpu.memory_space<vmem>>
      %dma_wait3A_395 = arith.constant 0 : i32
      %dma_wait3A_396 = arith.constant 0 : i32
      %dma_wait3A_397 = tpu.memref_slice %arg2[%dma_wait3A_395, %dma_wait3A_396] : memref<10240x128xf32, #tpu.memory_space<hbm>> -> memref<10240x128xf32, #tpu.memory_space<hbm>>
      tpu.wait_indirect_dma semaphore(%arg12 : memref<!tpu.dma_semaphore, #tpu.memory_space<semaphore_mem>>) src(%dma_wait3A_397 : memref<10240x128xf32, #tpu.memory_space<hbm>>) dst(%dma_wait3A_391 : memref<64x128xf32, #tpu.memory_space<vmem>>)
      %dma_start3A_398 = arith.constant 2 : i32
      %dma_start3A_399 = arith.constant 6 : i32
      %dma_start3A_400 = arith.constant 0 : i32
      %dma_start3A_401 = arith.constant 0 : i32
      %dma_start3A_402 = tpu.memref_slice %arg9[%dma_start3A_398, %dma_start3A_400, %dma_start3A_401] : memref<4x64x128xf32, #tpu.memory_space<vmem>> -> memref<1x64x128xf32, #tpu.memory_space<vmem>>
      %dma_start3A_403 = tpu.memref_squeeze %dma_start3A_402 : memref<1x64x128xf32, #tpu.memory_space<vmem>> -> memref<64x128xf32, #tpu.memory_space<vmem>>
      %dma_start3A_404 = arith.constant 0 : i32
      %dma_start3A_405 = tpu.memref_slice %arg8[%dma_start3A_399, %dma_start3A_404] : memref<16x64xi32, #tpu.memory_space<vmem>> -> memref<1x64xi32, #tpu.memory_space<vmem>>
      %dma_start3A_406 = tpu.memref_squeeze %dma_start3A_405 : memref<1x64xi32, #tpu.memory_space<vmem>> -> memref<64xi32, #tpu.memory_space<vmem>>
      %dma_start3A_407 = arith.constant 0 : i32
      %dma_start3A_408 = arith.constant 0 : i32
      %dma_start3A_409 = tpu.memref_slice %arg6[%dma_start3A_407, %dma_start3A_408] : memref<10240x128xf32, #tpu.memory_space<vmem_shared>> -> memref<10240x128xf32, #tpu.memory_space<vmem_shared>>
      tpu.enqueue_indirect_dma source(%dma_start3A_403 : memref<64x128xf32, #tpu.memory_space<vmem>>) target(%dma_start3A_409 : memref<10240x128xf32, #tpu.memory_space<vmem_shared>>) offsets(%dma_start3A_406 : memref<64xi32, #tpu.memory_space<vmem>>) semaphore(%arg16 : memref<!tpu.dma_semaphore, #tpu.memory_space<semaphore_mem>>) {add = true}
      %dma_wait3A_410 = arith.constant 1 : i32
      %dma_wait3A_411 = arith.constant 5 : i32
      %dma_wait3A_412 = arith.constant 0 : i32
      %dma_wait3A_413 = arith.constant 0 : i32
      %dma_wait3A_414 = tpu.memref_slice %arg9[%dma_wait3A_410, %dma_wait3A_412, %dma_wait3A_413] : memref<4x64x128xf32, #tpu.memory_space<vmem>> -> memref<1x64x128xf32, #tpu.memory_space<vmem>>
      %dma_wait3A_415 = tpu.memref_squeeze %dma_wait3A_414 : memref<1x64x128xf32, #tpu.memory_space<vmem>> -> memref<64x128xf32, #tpu.memory_space<vmem>>
      %dma_wait3A_416 = arith.constant 0 : i32
      %dma_wait3A_417 = tpu.memref_slice %arg8[%dma_wait3A_411, %dma_wait3A_416] : memref<16x64xi32, #tpu.memory_space<vmem>> -> memref<1x64xi32, #tpu.memory_space<vmem>>
      %dma_wait3A_418 = tpu.memref_squeeze %dma_wait3A_417 : memref<1x64xi32, #tpu.memory_space<vmem>> -> memref<64xi32, #tpu.memory_space<vmem>>
      %dma_wait3A_419 = arith.constant 0 : i32
      %dma_wait3A_420 = arith.constant 0 : i32
      %dma_wait3A_421 = tpu.memref_slice %arg6[%dma_wait3A_419, %dma_wait3A_420] : memref<10240x128xf32, #tpu.memory_space<vmem_shared>> -> memref<10240x128xf32, #tpu.memory_space<vmem_shared>>
      tpu.wait_indirect_dma semaphore(%arg15 : memref<!tpu.dma_semaphore, #tpu.memory_space<semaphore_mem>>) src(%dma_wait3A_415 : memref<64x128xf32, #tpu.memory_space<vmem>>) dst(%dma_wait3A_421 : memref<10240x128xf32, #tpu.memory_space<vmem_shared>>)
      %dma_start3A_422 = arith.constant 9 : i32
      %dma_start3A_423 = arith.constant 1 : i32
      %dma_start3A_424 = arith.constant 0 : i32
      %dma_start3A_425 = arith.constant 0 : i32
      %dma_start3A_426 = tpu.memref_slice %arg9[%dma_start3A_423, %dma_start3A_424, %dma_start3A_425] : memref<4x64x128xf32, #tpu.memory_space<vmem>> -> memref<1x64x128xf32, #tpu.memory_space<vmem>>
      %dma_start3A_427 = tpu.memref_squeeze %dma_start3A_426 : memref<1x64x128xf32, #tpu.memory_space<vmem>> -> memref<64x128xf32, #tpu.memory_space<vmem>>
      %dma_start3A_428 = arith.constant 0 : i32
      %dma_start3A_429 = tpu.memref_slice %arg7[%dma_start3A_422, %dma_start3A_428] : memref<16x64xi32, #tpu.memory_space<vmem>> -> memref<1x64xi32, #tpu.memory_space<vmem>>
      %dma_start3A_430 = tpu.memref_squeeze %dma_start3A_429 : memref<1x64xi32, #tpu.memory_space<vmem>> -> memref<64xi32, #tpu.memory_space<vmem>>
      %dma_start3A_431 = arith.constant 0 : i32
      %dma_start3A_432 = arith.constant 0 : i32
      %dma_start3A_433 = tpu.memref_slice %arg2[%dma_start3A_431, %dma_start3A_432] : memref<10240x128xf32, #tpu.memory_space<hbm>> -> memref<10240x128xf32, #tpu.memory_space<hbm>>
      tpu.enqueue_indirect_dma source(%dma_start3A_433 : memref<10240x128xf32, #tpu.memory_space<hbm>>) target(%dma_start3A_427 : memref<64x128xf32, #tpu.memory_space<vmem>>) offsets(%dma_start3A_430 : memref<64xi32, #tpu.memory_space<vmem>>) semaphore(%arg11 : memref<!tpu.dma_semaphore, #tpu.memory_space<semaphore_mem>>)
      %dma_wait3A_434 = arith.constant 7 : i32
      %dma_wait3A_435 = arith.constant 3 : i32
      %dma_wait3A_436 = arith.constant 0 : i32
      %dma_wait3A_437 = arith.constant 0 : i32
      %dma_wait3A_438 = tpu.memref_slice %arg9[%dma_wait3A_435, %dma_wait3A_436, %dma_wait3A_437] : memref<4x64x128xf32, #tpu.memory_space<vmem>> -> memref<1x64x128xf32, #tpu.memory_space<vmem>>
      %dma_wait3A_439 = tpu.memref_squeeze %dma_wait3A_438 : memref<1x64x128xf32, #tpu.memory_space<vmem>> -> memref<64x128xf32, #tpu.memory_space<vmem>>
      %dma_wait3A_440 = arith.constant 0 : i32
      %dma_wait3A_441 = tpu.memref_slice %arg7[%dma_wait3A_434, %dma_wait3A_440] : memref<16x64xi32, #tpu.memory_space<vmem>> -> memref<1x64xi32, #tpu.memory_space<vmem>>
      %dma_wait3A_442 = tpu.memref_squeeze %dma_wait3A_441 : memref<1x64xi32, #tpu.memory_space<vmem>> -> memref<64xi32, #tpu.memory_space<vmem>>
      %dma_wait3A_443 = arith.constant 0 : i32
      %dma_wait3A_444 = arith.constant 0 : i32
      %dma_wait3A_445 = tpu.memref_slice %arg2[%dma_wait3A_443, %dma_wait3A_444] : memref<10240x128xf32, #tpu.memory_space<hbm>> -> memref<10240x128xf32, #tpu.memory_space<hbm>>
      tpu.wait_indirect_dma semaphore(%arg13 : memref<!tpu.dma_semaphore, #tpu.memory_space<semaphore_mem>>) src(%dma_wait3A_445 : memref<10240x128xf32, #tpu.memory_space<hbm>>) dst(%dma_wait3A_439 : memref<64x128xf32, #tpu.memory_space<vmem>>)
      %dma_start3A_446 = arith.constant 3 : i32
      %dma_start3A_447 = arith.constant 7 : i32
      %dma_start3A_448 = arith.constant 0 : i32
      %dma_start3A_449 = arith.constant 0 : i32
      %dma_start3A_450 = tpu.memref_slice %arg9[%dma_start3A_446, %dma_start3A_448, %dma_start3A_449] : memref<4x64x128xf32, #tpu.memory_space<vmem>> -> memref<1x64x128xf32, #tpu.memory_space<vmem>>
      %dma_start3A_451 = tpu.memref_squeeze %dma_start3A_450 : memref<1x64x128xf32, #tpu.memory_space<vmem>> -> memref<64x128xf32, #tpu.memory_space<vmem>>
      %dma_start3A_452 = arith.constant 0 : i32
      %dma_start3A_453 = tpu.memref_slice %arg8[%dma_start3A_447, %dma_start3A_452] : memref<16x64xi32, #tpu.memory_space<vmem>> -> memref<1x64xi32, #tpu.memory_space<vmem>>
      %dma_start3A_454 = tpu.memref_squeeze %dma_start3A_453 : memref<1x64xi32, #tpu.memory_space<vmem>> -> memref<64xi32, #tpu.memory_space<vmem>>
      %dma_start3A_455 = arith.constant 0 : i32
      %dma_start3A_456 = arith.constant 0 : i32
      %dma_start3A_457 = tpu.memref_slice %arg6[%dma_start3A_455, %dma_start3A_456] : memref<10240x128xf32, #tpu.memory_space<vmem_shared>> -> memref<10240x128xf32, #tpu.memory_space<vmem_shared>>
      tpu.enqueue_indirect_dma source(%dma_start3A_451 : memref<64x128xf32, #tpu.memory_space<vmem>>) target(%dma_start3A_457 : memref<10240x128xf32, #tpu.memory_space<vmem_shared>>) offsets(%dma_start3A_454 : memref<64xi32, #tpu.memory_space<vmem>>) semaphore(%arg17 : memref<!tpu.dma_semaphore, #tpu.memory_space<semaphore_mem>>) {add = true}
      %dma_wait3A_458 = arith.constant 2 : i32
      %dma_wait3A_459 = arith.constant 6 : i32
      %dma_wait3A_460 = arith.constant 0 : i32
      %dma_wait3A_461 = arith.constant 0 : i32
      %dma_wait3A_462 = tpu.memref_slice %arg9[%dma_wait3A_458, %dma_wait3A_460, %dma_wait3A_461] : memref<4x64x128xf32, #tpu.memory_space<vmem>> -> memref<1x64x128xf32, #tpu.memory_space<vmem>>
      %dma_wait3A_463 = tpu.memref_squeeze %dma_wait3A_462 : memref<1x64x128xf32, #tpu.memory_space<vmem>> -> memref<64x128xf32, #tpu.memory_space<vmem>>
      %dma_wait3A_464 = arith.constant 0 : i32
      %dma_wait3A_465 = tpu.memref_slice %arg8[%dma_wait3A_459, %dma_wait3A_464] : memref<16x64xi32, #tpu.memory_space<vmem>> -> memref<1x64xi32, #tpu.memory_space<vmem>>
      %dma_wait3A_466 = tpu.memref_squeeze %dma_wait3A_465 : memref<1x64xi32, #tpu.memory_space<vmem>> -> memref<64xi32, #tpu.memory_space<vmem>>
      %dma_wait3A_467 = arith.constant 0 : i32
      %dma_wait3A_468 = arith.constant 0 : i32
      %dma_wait3A_469 = tpu.memref_slice %arg6[%dma_wait3A_467, %dma_wait3A_468] : memref<10240x128xf32, #tpu.memory_space<vmem_shared>> -> memref<10240x128xf32, #tpu.memory_space<vmem_shared>>
      tpu.wait_indirect_dma semaphore(%arg16 : memref<!tpu.dma_semaphore, #tpu.memory_space<semaphore_mem>>) src(%dma_wait3A_463 : memref<64x128xf32, #tpu.memory_space<vmem>>) dst(%dma_wait3A_469 : memref<10240x128xf32, #tpu.memory_space<vmem_shared>>)
      %dma_start3A_470 = arith.constant 10 : i32
      %dma_start3A_471 = arith.constant 2 : i32
      %dma_start3A_472 = arith.constant 0 : i32
      %dma_start3A_473 = arith.constant 0 : i32
      %dma_start3A_474 = tpu.memref_slice %arg9[%dma_start3A_471, %dma_start3A_472, %dma_start3A_473] : memref<4x64x128xf32, #tpu.memory_space<vmem>> -> memref<1x64x128xf32, #tpu.memory_space<vmem>>
      %dma_start3A_475 = tpu.memref_squeeze %dma_start3A_474 : memref<1x64x128xf32, #tpu.memory_space<vmem>> -> memref<64x128xf32, #tpu.memory_space<vmem>>
      %dma_start3A_476 = arith.constant 0 : i32
      %dma_start3A_477 = tpu.memref_slice %arg7[%dma_start3A_470, %dma_start3A_476] : memref<16x64xi32, #tpu.memory_space<vmem>> -> memref<1x64xi32, #tpu.memory_space<vmem>>
      %dma_start3A_478 = tpu.memref_squeeze %dma_start3A_477 : memref<1x64xi32, #tpu.memory_space<vmem>> -> memref<64xi32, #tpu.memory_space<vmem>>
      %dma_start3A_479 = arith.constant 0 : i32
      %dma_start3A_480 = arith.constant 0 : i32
      %dma_start3A_481 = tpu.memref_slice %arg2[%dma_start3A_479, %dma_start3A_480] : memref<10240x128xf32, #tpu.memory_space<hbm>> -> memref<10240x128xf32, #tpu.memory_space<hbm>>
      tpu.enqueue_indirect_dma source(%dma_start3A_481 : memref<10240x128xf32, #tpu.memory_space<hbm>>) target(%dma_start3A_475 : memref<64x128xf32, #tpu.memory_space<vmem>>) offsets(%dma_start3A_478 : memref<64xi32, #tpu.memory_space<vmem>>) semaphore(%arg12 : memref<!tpu.dma_semaphore, #tpu.memory_space<semaphore_mem>>)
      %dma_wait3A_482 = arith.constant 8 : i32
      %dma_wait3A_483 = arith.constant 0 : i32
      %dma_wait3A_484 = arith.constant 0 : i32
      %dma_wait3A_485 = arith.constant 0 : i32
      %dma_wait3A_486 = tpu.memref_slice %arg9[%dma_wait3A_483, %dma_wait3A_484, %dma_wait3A_485] : memref<4x64x128xf32, #tpu.memory_space<vmem>> -> memref<1x64x128xf32, #tpu.memory_space<vmem>>
      %dma_wait3A_487 = tpu.memref_squeeze %dma_wait3A_486 : memref<1x64x128xf32, #tpu.memory_space<vmem>> -> memref<64x128xf32, #tpu.memory_space<vmem>>
      %dma_wait3A_488 = arith.constant 0 : i32
      %dma_wait3A_489 = tpu.memref_slice %arg7[%dma_wait3A_482, %dma_wait3A_488] : memref<16x64xi32, #tpu.memory_space<vmem>> -> memref<1x64xi32, #tpu.memory_space<vmem>>
      %dma_wait3A_490 = tpu.memref_squeeze %dma_wait3A_489 : memref<1x64xi32, #tpu.memory_space<vmem>> -> memref<64xi32, #tpu.memory_space<vmem>>
      %dma_wait3A_491 = arith.constant 0 : i32
      %dma_wait3A_492 = arith.constant 0 : i32
      %dma_wait3A_493 = tpu.memref_slice %arg2[%dma_wait3A_491, %dma_wait3A_492] : memref<10240x128xf32, #tpu.memory_space<hbm>> -> memref<10240x128xf32, #tpu.memory_space<hbm>>
      tpu.wait_indirect_dma semaphore(%arg10 : memref<!tpu.dma_semaphore, #tpu.memory_space<semaphore_mem>>) src(%dma_wait3A_493 : memref<10240x128xf32, #tpu.memory_space<hbm>>) dst(%dma_wait3A_487 : memref<64x128xf32, #tpu.memory_space<vmem>>)
      %dma_start3A_494 = arith.constant 0 : i32
      %dma_start3A_495 = arith.constant 8 : i32
      %dma_start3A_496 = arith.constant 0 : i32
      %dma_start3A_497 = arith.constant 0 : i32
      %dma_start3A_498 = tpu.memref_slice %arg9[%dma_start3A_494, %dma_start3A_496, %dma_start3A_497] : memref<4x64x128xf32, #tpu.memory_space<vmem>> -> memref<1x64x128xf32, #tpu.memory_space<vmem>>
      %dma_start3A_499 = tpu.memref_squeeze %dma_start3A_498 : memref<1x64x128xf32, #tpu.memory_space<vmem>> -> memref<64x128xf32, #tpu.memory_space<vmem>>
      %dma_start3A_500 = arith.constant 0 : i32
      %dma_start3A_501 = tpu.memref_slice %arg8[%dma_start3A_495, %dma_start3A_500] : memref<16x64xi32, #tpu.memory_space<vmem>> -> memref<1x64xi32, #tpu.memory_space<vmem>>
      %dma_start3A_502 = tpu.memref_squeeze %dma_start3A_501 : memref<1x64xi32, #tpu.memory_space<vmem>> -> memref<64xi32, #tpu.memory_space<vmem>>
      %dma_start3A_503 = arith.constant 0 : i32
      %dma_start3A_504 = arith.constant 0 : i32
      %dma_start3A_505 = tpu.memref_slice %arg6[%dma_start3A_503, %dma_start3A_504] : memref<10240x128xf32, #tpu.memory_space<vmem_shared>> -> memref<10240x128xf32, #tpu.memory_space<vmem_shared>>
      tpu.enqueue_indirect_dma source(%dma_start3A_499 : memref<64x128xf32, #tpu.memory_space<vmem>>) target(%dma_start3A_505 : memref<10240x128xf32, #tpu.memory_space<vmem_shared>>) offsets(%dma_start3A_502 : memref<64xi32, #tpu.memory_space<vmem>>) semaphore(%arg14 : memref<!tpu.dma_semaphore, #tpu.memory_space<semaphore_mem>>) {add = true}
      %dma_wait3A_506 = arith.constant 3 : i32
      %dma_wait3A_507 = arith.constant 7 : i32
      %dma_wait3A_508 = arith.constant 0 : i32
      %dma_wait3A_509 = arith.constant 0 : i32
      %dma_wait3A_510 = tpu.memref_slice %arg9[%dma_wait3A_506, %dma_wait3A_508, %dma_wait3A_509] : memref<4x64x128xf32, #tpu.memory_space<vmem>> -> memref<1x64x128xf32, #tpu.memory_space<vmem>>
      %dma_wait3A_511 = tpu.memref_squeeze %dma_wait3A_510 : memref<1x64x128xf32, #tpu.memory_space<vmem>> -> memref<64x128xf32, #tpu.memory_space<vmem>>
      %dma_wait3A_512 = arith.constant 0 : i32
      %dma_wait3A_513 = tpu.memref_slice %arg8[%dma_wait3A_507, %dma_wait3A_512] : memref<16x64xi32, #tpu.memory_space<vmem>> -> memref<1x64xi32, #tpu.memory_space<vmem>>
      %dma_wait3A_514 = tpu.memref_squeeze %dma_wait3A_513 : memref<1x64xi32, #tpu.memory_space<vmem>> -> memref<64xi32, #tpu.memory_space<vmem>>
      %dma_wait3A_515 = arith.constant 0 : i32
      %dma_wait3A_516 = arith.constant 0 : i32
      %dma_wait3A_517 = tpu.memref_slice %arg6[%dma_wait3A_515, %dma_wait3A_516] : memref<10240x128xf32, #tpu.memory_space<vmem_shared>> -> memref<10240x128xf32, #tpu.memory_space<vmem_shared>>
      tpu.wait_indirect_dma semaphore(%arg17 : memref<!tpu.dma_semaphore, #tpu.memory_space<semaphore_mem>>) src(%dma_wait3A_511 : memref<64x128xf32, #tpu.memory_space<vmem>>) dst(%dma_wait3A_517 : memref<10240x128xf32, #tpu.memory_space<vmem_shared>>)
      %dma_start3A_518 = arith.constant 11 : i32
      %dma_start3A_519 = arith.constant 3 : i32
      %dma_start3A_520 = arith.constant 0 : i32
      %dma_start3A_521 = arith.constant 0 : i32
      %dma_start3A_522 = tpu.memref_slice %arg9[%dma_start3A_519, %dma_start3A_520, %dma_start3A_521] : memref<4x64x128xf32, #tpu.memory_space<vmem>> -> memref<1x64x128xf32, #tpu.memory_space<vmem>>
      %dma_start3A_523 = tpu.memref_squeeze %dma_start3A_522 : memref<1x64x128xf32, #tpu.memory_space<vmem>> -> memref<64x128xf32, #tpu.memory_space<vmem>>
      %dma_start3A_524 = arith.constant 0 : i32
      %dma_start3A_525 = tpu.memref_slice %arg7[%dma_start3A_518, %dma_start3A_524] : memref<16x64xi32, #tpu.memory_space<vmem>> -> memref<1x64xi32, #tpu.memory_space<vmem>>
      %dma_start3A_526 = tpu.memref_squeeze %dma_start3A_525 : memref<1x64xi32, #tpu.memory_space<vmem>> -> memref<64xi32, #tpu.memory_space<vmem>>
      %dma_start3A_527 = arith.constant 0 : i32
      %dma_start3A_528 = arith.constant 0 : i32
      %dma_start3A_529 = tpu.memref_slice %arg2[%dma_start3A_527, %dma_start3A_528] : memref<10240x128xf32, #tpu.memory_space<hbm>> -> memref<10240x128xf32, #tpu.memory_space<hbm>>
      tpu.enqueue_indirect_dma source(%dma_start3A_529 : memref<10240x128xf32, #tpu.memory_space<hbm>>) target(%dma_start3A_523 : memref<64x128xf32, #tpu.memory_space<vmem>>) offsets(%dma_start3A_526 : memref<64xi32, #tpu.memory_space<vmem>>) semaphore(%arg13 : memref<!tpu.dma_semaphore, #tpu.memory_space<semaphore_mem>>)
      %dma_wait3A_530 = arith.constant 9 : i32
      %dma_wait3A_531 = arith.constant 1 : i32
      %dma_wait3A_532 = arith.constant 0 : i32
      %dma_wait3A_533 = arith.constant 0 : i32
      %dma_wait3A_534 = tpu.memref_slice %arg9[%dma_wait3A_531, %dma_wait3A_532, %dma_wait3A_533] : memref<4x64x128xf32, #tpu.memory_space<vmem>> -> memref<1x64x128xf32, #tpu.memory_space<vmem>>
      %dma_wait3A_535 = tpu.memref_squeeze %dma_wait3A_534 : memref<1x64x128xf32, #tpu.memory_space<vmem>> -> memref<64x128xf32, #tpu.memory_space<vmem>>
      %dma_wait3A_536 = arith.constant 0 : i32
      %dma_wait3A_537 = tpu.memref_slice %arg7[%dma_wait3A_530, %dma_wait3A_536] : memref<16x64xi32, #tpu.memory_space<vmem>> -> memref<1x64xi32, #tpu.memory_space<vmem>>
      %dma_wait3A_538 = tpu.memref_squeeze %dma_wait3A_537 : memref<1x64xi32, #tpu.memory_space<vmem>> -> memref<64xi32, #tpu.memory_space<vmem>>
      %dma_wait3A_539 = arith.constant 0 : i32
      %dma_wait3A_540 = arith.constant 0 : i32
      %dma_wait3A_541 = tpu.memref_slice %arg2[%dma_wait3A_539, %dma_wait3A_540] : memref<10240x128xf32, #tpu.memory_space<hbm>> -> memref<10240x128xf32, #tpu.memory_space<hbm>>
      tpu.wait_indirect_dma semaphore(%arg11 : memref<!tpu.dma_semaphore, #tpu.memory_space<semaphore_mem>>) src(%dma_wait3A_541 : memref<10240x128xf32, #tpu.memory_space<hbm>>) dst(%dma_wait3A_535 : memref<64x128xf32, #tpu.memory_space<vmem>>)
      %dma_start3A_542 = arith.constant 1 : i32
      %dma_start3A_543 = arith.constant 9 : i32
      %dma_start3A_544 = arith.constant 0 : i32
      %dma_start3A_545 = arith.constant 0 : i32
      %dma_start3A_546 = tpu.memref_slice %arg9[%dma_start3A_542, %dma_start3A_544, %dma_start3A_545] : memref<4x64x128xf32, #tpu.memory_space<vmem>> -> memref<1x64x128xf32, #tpu.memory_space<vmem>>
      %dma_start3A_547 = tpu.memref_squeeze %dma_start3A_546 : memref<1x64x128xf32, #tpu.memory_space<vmem>> -> memref<64x128xf32, #tpu.memory_space<vmem>>
      %dma_start3A_548 = arith.constant 0 : i32
      %dma_start3A_549 = tpu.memref_slice %arg8[%dma_start3A_543, %dma_start3A_548] : memref<16x64xi32, #tpu.memory_space<vmem>> -> memref<1x64xi32, #tpu.memory_space<vmem>>
      %dma_start3A_550 = tpu.memref_squeeze %dma_start3A_549 : memref<1x64xi32, #tpu.memory_space<vmem>> -> memref<64xi32, #tpu.memory_space<vmem>>
      %dma_start3A_551 = arith.constant 0 : i32
      %dma_start3A_552 = arith.constant 0 : i32
      %dma_start3A_553 = tpu.memref_slice %arg6[%dma_start3A_551, %dma_start3A_552] : memref<10240x128xf32, #tpu.memory_space<vmem_shared>> -> memref<10240x128xf32, #tpu.memory_space<vmem_shared>>
      tpu.enqueue_indirect_dma source(%dma_start3A_547 : memref<64x128xf32, #tpu.memory_space<vmem>>) target(%dma_start3A_553 : memref<10240x128xf32, #tpu.memory_space<vmem_shared>>) offsets(%dma_start3A_550 : memref<64xi32, #tpu.memory_space<vmem>>) semaphore(%arg15 : memref<!tpu.dma_semaphore, #tpu.memory_space<semaphore_mem>>) {add = true}
      %dma_wait3A_554 = arith.constant 0 : i32
      %dma_wait3A_555 = arith.constant 8 : i32
      %dma_wait3A_556 = arith.constant 0 : i32
      %dma_wait3A_557 = arith.constant 0 : i32
      %dma_wait3A_558 = tpu.memref_slice %arg9[%dma_wait3A_554, %dma_wait3A_556, %dma_wait3A_557] : memref<4x64x128xf32, #tpu.memory_space<vmem>> -> memref<1x64x128xf32, #tpu.memory_space<vmem>>
      %dma_wait3A_559 = tpu.memref_squeeze %dma_wait3A_558 : memref<1x64x128xf32, #tpu.memory_space<vmem>> -> memref<64x128xf32, #tpu.memory_space<vmem>>
      %dma_wait3A_560 = arith.constant 0 : i32
      %dma_wait3A_561 = tpu.memref_slice %arg8[%dma_wait3A_555, %dma_wait3A_560] : memref<16x64xi32, #tpu.memory_space<vmem>> -> memref<1x64xi32, #tpu.memory_space<vmem>>
      %dma_wait3A_562 = tpu.memref_squeeze %dma_wait3A_561 : memref<1x64xi32, #tpu.memory_space<vmem>> -> memref<64xi32, #tpu.memory_space<vmem>>
      %dma_wait3A_563 = arith.constant 0 : i32
      %dma_wait3A_564 = arith.constant 0 : i32
      %dma_wait3A_565 = tpu.memref_slice %arg6[%dma_wait3A_563, %dma_wait3A_564] : memref<10240x128xf32, #tpu.memory_space<vmem_shared>> -> memref<10240x128xf32, #tpu.memory_space<vmem_shared>>
      tpu.wait_indirect_dma semaphore(%arg14 : memref<!tpu.dma_semaphore, #tpu.memory_space<semaphore_mem>>) src(%dma_wait3A_559 : memref<64x128xf32, #tpu.memory_space<vmem>>) dst(%dma_wait3A_565 : memref<10240x128xf32, #tpu.memory_space<vmem_shared>>)
      %dma_start3A_566 = arith.constant 12 : i32
      %dma_start3A_567 = arith.constant 0 : i32
      %dma_start3A_568 = arith.constant 0 : i32
      %dma_start3A_569 = arith.constant 0 : i32
      %dma_start3A_570 = tpu.memref_slice %arg9[%dma_start3A_567, %dma_start3A_568, %dma_start3A_569] : memref<4x64x128xf32, #tpu.memory_space<vmem>> -> memref<1x64x128xf32, #tpu.memory_space<vmem>>
      %dma_start3A_571 = tpu.memref_squeeze %dma_start3A_570 : memref<1x64x128xf32, #tpu.memory_space<vmem>> -> memref<64x128xf32, #tpu.memory_space<vmem>>
      %dma_start3A_572 = arith.constant 0 : i32
      %dma_start3A_573 = tpu.memref_slice %arg7[%dma_start3A_566, %dma_start3A_572] : memref<16x64xi32, #tpu.memory_space<vmem>> -> memref<1x64xi32, #tpu.memory_space<vmem>>
      %dma_start3A_574 = tpu.memref_squeeze %dma_start3A_573 : memref<1x64xi32, #tpu.memory_space<vmem>> -> memref<64xi32, #tpu.memory_space<vmem>>
      %dma_start3A_575 = arith.constant 0 : i32
      %dma_start3A_576 = arith.constant 0 : i32
      %dma_start3A_577 = tpu.memref_slice %arg2[%dma_start3A_575, %dma_start3A_576] : memref<10240x128xf32, #tpu.memory_space<hbm>> -> memref<10240x128xf32, #tpu.memory_space<hbm>>
      tpu.enqueue_indirect_dma source(%dma_start3A_577 : memref<10240x128xf32, #tpu.memory_space<hbm>>) target(%dma_start3A_571 : memref<64x128xf32, #tpu.memory_space<vmem>>) offsets(%dma_start3A_574 : memref<64xi32, #tpu.memory_space<vmem>>) semaphore(%arg10 : memref<!tpu.dma_semaphore, #tpu.memory_space<semaphore_mem>>)
      %dma_wait3A_578 = arith.constant 10 : i32
      %dma_wait3A_579 = arith.constant 2 : i32
      %dma_wait3A_580 = arith.constant 0 : i32
      %dma_wait3A_581 = arith.constant 0 : i32
      %dma_wait3A_582 = tpu.memref_slice %arg9[%dma_wait3A_579, %dma_wait3A_580, %dma_wait3A_581] : memref<4x64x128xf32, #tpu.memory_space<vmem>> -> memref<1x64x128xf32, #tpu.memory_space<vmem>>
      %dma_wait3A_583 = tpu.memref_squeeze %dma_wait3A_582 : memref<1x64x128xf32, #tpu.memory_space<vmem>> -> memref<64x128xf32, #tpu.memory_space<vmem>>
      %dma_wait3A_584 = arith.constant 0 : i32
      %dma_wait3A_585 = tpu.memref_slice %arg7[%dma_wait3A_578, %dma_wait3A_584] : memref<16x64xi32, #tpu.memory_space<vmem>> -> memref<1x64xi32, #tpu.memory_space<vmem>>
      %dma_wait3A_586 = tpu.memref_squeeze %dma_wait3A_585 : memref<1x64xi32, #tpu.memory_space<vmem>> -> memref<64xi32, #tpu.memory_space<vmem>>
      %dma_wait3A_587 = arith.constant 0 : i32
      %dma_wait3A_588 = arith.constant 0 : i32
      %dma_wait3A_589 = tpu.memref_slice %arg2[%dma_wait3A_587, %dma_wait3A_588] : memref<10240x128xf32, #tpu.memory_space<hbm>> -> memref<10240x128xf32, #tpu.memory_space<hbm>>
      tpu.wait_indirect_dma semaphore(%arg12 : memref<!tpu.dma_semaphore, #tpu.memory_space<semaphore_mem>>) src(%dma_wait3A_589 : memref<10240x128xf32, #tpu.memory_space<hbm>>) dst(%dma_wait3A_583 : memref<64x128xf32, #tpu.memory_space<vmem>>)
      %dma_start3A_590 = arith.constant 2 : i32
      %dma_start3A_591 = arith.constant 10 : i32
      %dma_start3A_592 = arith.constant 0 : i32
      %dma_start3A_593 = arith.constant 0 : i32
      %dma_start3A_594 = tpu.memref_slice %arg9[%dma_start3A_590, %dma_start3A_592, %dma_start3A_593] : memref<4x64x128xf32, #tpu.memory_space<vmem>> -> memref<1x64x128xf32, #tpu.memory_space<vmem>>
      %dma_start3A_595 = tpu.memref_squeeze %dma_start3A_594 : memref<1x64x128xf32, #tpu.memory_space<vmem>> -> memref<64x128xf32, #tpu.memory_space<vmem>>
      %dma_start3A_596 = arith.constant 0 : i32
      %dma_start3A_597 = tpu.memref_slice %arg8[%dma_start3A_591, %dma_start3A_596] : memref<16x64xi32, #tpu.memory_space<vmem>> -> memref<1x64xi32, #tpu.memory_space<vmem>>
      %dma_start3A_598 = tpu.memref_squeeze %dma_start3A_597 : memref<1x64xi32, #tpu.memory_space<vmem>> -> memref<64xi32, #tpu.memory_space<vmem>>
      %dma_start3A_599 = arith.constant 0 : i32
      %dma_start3A_600 = arith.constant 0 : i32
      %dma_start3A_601 = tpu.memref_slice %arg6[%dma_start3A_599, %dma_start3A_600] : memref<10240x128xf32, #tpu.memory_space<vmem_shared>> -> memref<10240x128xf32, #tpu.memory_space<vmem_shared>>
      tpu.enqueue_indirect_dma source(%dma_start3A_595 : memref<64x128xf32, #tpu.memory_space<vmem>>) target(%dma_start3A_601 : memref<10240x128xf32, #tpu.memory_space<vmem_shared>>) offsets(%dma_start3A_598 : memref<64xi32, #tpu.memory_space<vmem>>) semaphore(%arg16 : memref<!tpu.dma_semaphore, #tpu.memory_space<semaphore_mem>>) {add = true}
      %dma_wait3A_602 = arith.constant 1 : i32
      %dma_wait3A_603 = arith.constant 9 : i32
      %dma_wait3A_604 = arith.constant 0 : i32
      %dma_wait3A_605 = arith.constant 0 : i32
      %dma_wait3A_606 = tpu.memref_slice %arg9[%dma_wait3A_602, %dma_wait3A_604, %dma_wait3A_605] : memref<4x64x128xf32, #tpu.memory_space<vmem>> -> memref<1x64x128xf32, #tpu.memory_space<vmem>>
      %dma_wait3A_607 = tpu.memref_squeeze %dma_wait3A_606 : memref<1x64x128xf32, #tpu.memory_space<vmem>> -> memref<64x128xf32, #tpu.memory_space<vmem>>
      %dma_wait3A_608 = arith.constant 0 : i32
      %dma_wait3A_609 = tpu.memref_slice %arg8[%dma_wait3A_603, %dma_wait3A_608] : memref<16x64xi32, #tpu.memory_space<vmem>> -> memref<1x64xi32, #tpu.memory_space<vmem>>
      %dma_wait3A_610 = tpu.memref_squeeze %dma_wait3A_609 : memref<1x64xi32, #tpu.memory_space<vmem>> -> memref<64xi32, #tpu.memory_space<vmem>>
      %dma_wait3A_611 = arith.constant 0 : i32
      %dma_wait3A_612 = arith.constant 0 : i32
      %dma_wait3A_613 = tpu.memref_slice %arg6[%dma_wait3A_611, %dma_wait3A_612] : memref<10240x128xf32, #tpu.memory_space<vmem_shared>> -> memref<10240x128xf32, #tpu.memory_space<vmem_shared>>
      tpu.wait_indirect_dma semaphore(%arg15 : memref<!tpu.dma_semaphore, #tpu.memory_space<semaphore_mem>>) src(%dma_wait3A_607 : memref<64x128xf32, #tpu.memory_space<vmem>>) dst(%dma_wait3A_613 : memref<10240x128xf32, #tpu.memory_space<vmem_shared>>)
      %dma_start3A_614 = arith.constant 13 : i32
      %dma_start3A_615 = arith.constant 1 : i32
      %dma_start3A_616 = arith.constant 0 : i32
      %dma_start3A_617 = arith.constant 0 : i32
      %dma_start3A_618 = tpu.memref_slice %arg9[%dma_start3A_615, %dma_start3A_616, %dma_start3A_617] : memref<4x64x128xf32, #tpu.memory_space<vmem>> -> memref<1x64x128xf32, #tpu.memory_space<vmem>>
      %dma_start3A_619 = tpu.memref_squeeze %dma_start3A_618 : memref<1x64x128xf32, #tpu.memory_space<vmem>> -> memref<64x128xf32, #tpu.memory_space<vmem>>
      %dma_start3A_620 = arith.constant 0 : i32
      %dma_start3A_621 = tpu.memref_slice %arg7[%dma_start3A_614, %dma_start3A_620] : memref<16x64xi32, #tpu.memory_space<vmem>> -> memref<1x64xi32, #tpu.memory_space<vmem>>
      %dma_start3A_622 = tpu.memref_squeeze %dma_start3A_621 : memref<1x64xi32, #tpu.memory_space<vmem>> -> memref<64xi32, #tpu.memory_space<vmem>>
      %dma_start3A_623 = arith.constant 0 : i32
      %dma_start3A_624 = arith.constant 0 : i32
      %dma_start3A_625 = tpu.memref_slice %arg2[%dma_start3A_623, %dma_start3A_624] : memref<10240x128xf32, #tpu.memory_space<hbm>> -> memref<10240x128xf32, #tpu.memory_space<hbm>>
      tpu.enqueue_indirect_dma source(%dma_start3A_625 : memref<10240x128xf32, #tpu.memory_space<hbm>>) target(%dma_start3A_619 : memref<64x128xf32, #tpu.memory_space<vmem>>) offsets(%dma_start3A_622 : memref<64xi32, #tpu.memory_space<vmem>>) semaphore(%arg11 : memref<!tpu.dma_semaphore, #tpu.memory_space<semaphore_mem>>)
      %dma_wait3A_626 = arith.constant 11 : i32
      %dma_wait3A_627 = arith.constant 3 : i32
      %dma_wait3A_628 = arith.constant 0 : i32
      %dma_wait3A_629 = arith.constant 0 : i32
      %dma_wait3A_630 = tpu.memref_slice %arg9[%dma_wait3A_627, %dma_wait3A_628, %dma_wait3A_629] : memref<4x64x128xf32, #tpu.memory_space<vmem>> -> memref<1x64x128xf32, #tpu.memory_space<vmem>>
      %dma_wait3A_631 = tpu.memref_squeeze %dma_wait3A_630 : memref<1x64x128xf32, #tpu.memory_space<vmem>> -> memref<64x128xf32, #tpu.memory_space<vmem>>
      %dma_wait3A_632 = arith.constant 0 : i32
      %dma_wait3A_633 = tpu.memref_slice %arg7[%dma_wait3A_626, %dma_wait3A_632] : memref<16x64xi32, #tpu.memory_space<vmem>> -> memref<1x64xi32, #tpu.memory_space<vmem>>
      %dma_wait3A_634 = tpu.memref_squeeze %dma_wait3A_633 : memref<1x64xi32, #tpu.memory_space<vmem>> -> memref<64xi32, #tpu.memory_space<vmem>>
      %dma_wait3A_635 = arith.constant 0 : i32
      %dma_wait3A_636 = arith.constant 0 : i32
      %dma_wait3A_637 = tpu.memref_slice %arg2[%dma_wait3A_635, %dma_wait3A_636] : memref<10240x128xf32, #tpu.memory_space<hbm>> -> memref<10240x128xf32, #tpu.memory_space<hbm>>
      tpu.wait_indirect_dma semaphore(%arg13 : memref<!tpu.dma_semaphore, #tpu.memory_space<semaphore_mem>>) src(%dma_wait3A_637 : memref<10240x128xf32, #tpu.memory_space<hbm>>) dst(%dma_wait3A_631 : memref<64x128xf32, #tpu.memory_space<vmem>>)
      %dma_start3A_638 = arith.constant 3 : i32
      %dma_start3A_639 = arith.constant 11 : i32
      %dma_start3A_640 = arith.constant 0 : i32
      %dma_start3A_641 = arith.constant 0 : i32
      %dma_start3A_642 = tpu.memref_slice %arg9[%dma_start3A_638, %dma_start3A_640, %dma_start3A_641] : memref<4x64x128xf32, #tpu.memory_space<vmem>> -> memref<1x64x128xf32, #tpu.memory_space<vmem>>
      %dma_start3A_643 = tpu.memref_squeeze %dma_start3A_642 : memref<1x64x128xf32, #tpu.memory_space<vmem>> -> memref<64x128xf32, #tpu.memory_space<vmem>>
      %dma_start3A_644 = arith.constant 0 : i32
      %dma_start3A_645 = tpu.memref_slice %arg8[%dma_start3A_639, %dma_start3A_644] : memref<16x64xi32, #tpu.memory_space<vmem>> -> memref<1x64xi32, #tpu.memory_space<vmem>>
      %dma_start3A_646 = tpu.memref_squeeze %dma_start3A_645 : memref<1x64xi32, #tpu.memory_space<vmem>> -> memref<64xi32, #tpu.memory_space<vmem>>
      %dma_start3A_647 = arith.constant 0 : i32
      %dma_start3A_648 = arith.constant 0 : i32
      %dma_start3A_649 = tpu.memref_slice %arg6[%dma_start3A_647, %dma_start3A_648] : memref<10240x128xf32, #tpu.memory_space<vmem_shared>> -> memref<10240x128xf32, #tpu.memory_space<vmem_shared>>
      tpu.enqueue_indirect_dma source(%dma_start3A_643 : memref<64x128xf32, #tpu.memory_space<vmem>>) target(%dma_start3A_649 : memref<10240x128xf32, #tpu.memory_space<vmem_shared>>) offsets(%dma_start3A_646 : memref<64xi32, #tpu.memory_space<vmem>>) semaphore(%arg17 : memref<!tpu.dma_semaphore, #tpu.memory_space<semaphore_mem>>) {add = true}
      %dma_wait3A_650 = arith.constant 2 : i32
      %dma_wait3A_651 = arith.constant 10 : i32
      %dma_wait3A_652 = arith.constant 0 : i32
      %dma_wait3A_653 = arith.constant 0 : i32
      %dma_wait3A_654 = tpu.memref_slice %arg9[%dma_wait3A_650, %dma_wait3A_652, %dma_wait3A_653] : memref<4x64x128xf32, #tpu.memory_space<vmem>> -> memref<1x64x128xf32, #tpu.memory_space<vmem>>
      %dma_wait3A_655 = tpu.memref_squeeze %dma_wait3A_654 : memref<1x64x128xf32, #tpu.memory_space<vmem>> -> memref<64x128xf32, #tpu.memory_space<vmem>>
      %dma_wait3A_656 = arith.constant 0 : i32
      %dma_wait3A_657 = tpu.memref_slice %arg8[%dma_wait3A_651, %dma_wait3A_656] : memref<16x64xi32, #tpu.memory_space<vmem>> -> memref<1x64xi32, #tpu.memory_space<vmem>>
      %dma_wait3A_658 = tpu.memref_squeeze %dma_wait3A_657 : memref<1x64xi32, #tpu.memory_space<vmem>> -> memref<64xi32, #tpu.memory_space<vmem>>
      %dma_wait3A_659 = arith.constant 0 : i32
      %dma_wait3A_660 = arith.constant 0 : i32
      %dma_wait3A_661 = tpu.memref_slice %arg6[%dma_wait3A_659, %dma_wait3A_660] : memref<10240x128xf32, #tpu.memory_space<vmem_shared>> -> memref<10240x128xf32, #tpu.memory_space<vmem_shared>>
      tpu.wait_indirect_dma semaphore(%arg16 : memref<!tpu.dma_semaphore, #tpu.memory_space<semaphore_mem>>) src(%dma_wait3A_655 : memref<64x128xf32, #tpu.memory_space<vmem>>) dst(%dma_wait3A_661 : memref<10240x128xf32, #tpu.memory_space<vmem_shared>>)
      %dma_start3A_662 = arith.constant 14 : i32
      %dma_start3A_663 = arith.constant 2 : i32
      %dma_start3A_664 = arith.constant 0 : i32
      %dma_start3A_665 = arith.constant 0 : i32
      %dma_start3A_666 = tpu.memref_slice %arg9[%dma_start3A_663, %dma_start3A_664, %dma_start3A_665] : memref<4x64x128xf32, #tpu.memory_space<vmem>> -> memref<1x64x128xf32, #tpu.memory_space<vmem>>
      %dma_start3A_667 = tpu.memref_squeeze %dma_start3A_666 : memref<1x64x128xf32, #tpu.memory_space<vmem>> -> memref<64x128xf32, #tpu.memory_space<vmem>>
      %dma_start3A_668 = arith.constant 0 : i32
      %dma_start3A_669 = tpu.memref_slice %arg7[%dma_start3A_662, %dma_start3A_668] : memref<16x64xi32, #tpu.memory_space<vmem>> -> memref<1x64xi32, #tpu.memory_space<vmem>>
      %dma_start3A_670 = tpu.memref_squeeze %dma_start3A_669 : memref<1x64xi32, #tpu.memory_space<vmem>> -> memref<64xi32, #tpu.memory_space<vmem>>
      %dma_start3A_671 = arith.constant 0 : i32
      %dma_start3A_672 = arith.constant 0 : i32
      %dma_start3A_673 = tpu.memref_slice %arg2[%dma_start3A_671, %dma_start3A_672] : memref<10240x128xf32, #tpu.memory_space<hbm>> -> memref<10240x128xf32, #tpu.memory_space<hbm>>
      tpu.enqueue_indirect_dma source(%dma_start3A_673 : memref<10240x128xf32, #tpu.memory_space<hbm>>) target(%dma_start3A_667 : memref<64x128xf32, #tpu.memory_space<vmem>>) offsets(%dma_start3A_670 : memref<64xi32, #tpu.memory_space<vmem>>) semaphore(%arg12 : memref<!tpu.dma_semaphore, #tpu.memory_space<semaphore_mem>>)
      %dma_wait3A_674 = arith.constant 12 : i32
      %dma_wait3A_675 = arith.constant 0 : i32
      %dma_wait3A_676 = arith.constant 0 : i32
      %dma_wait3A_677 = arith.constant 0 : i32
      %dma_wait3A_678 = tpu.memref_slice %arg9[%dma_wait3A_675, %dma_wait3A_676, %dma_wait3A_677] : memref<4x64x128xf32, #tpu.memory_space<vmem>> -> memref<1x64x128xf32, #tpu.memory_space<vmem>>
      %dma_wait3A_679 = tpu.memref_squeeze %dma_wait3A_678 : memref<1x64x128xf32, #tpu.memory_space<vmem>> -> memref<64x128xf32, #tpu.memory_space<vmem>>
      %dma_wait3A_680 = arith.constant 0 : i32
      %dma_wait3A_681 = tpu.memref_slice %arg7[%dma_wait3A_674, %dma_wait3A_680] : memref<16x64xi32, #tpu.memory_space<vmem>> -> memref<1x64xi32, #tpu.memory_space<vmem>>
      %dma_wait3A_682 = tpu.memref_squeeze %dma_wait3A_681 : memref<1x64xi32, #tpu.memory_space<vmem>> -> memref<64xi32, #tpu.memory_space<vmem>>
      %dma_wait3A_683 = arith.constant 0 : i32
      %dma_wait3A_684 = arith.constant 0 : i32
      %dma_wait3A_685 = tpu.memref_slice %arg2[%dma_wait3A_683, %dma_wait3A_684] : memref<10240x128xf32, #tpu.memory_space<hbm>> -> memref<10240x128xf32, #tpu.memory_space<hbm>>
      tpu.wait_indirect_dma semaphore(%arg10 : memref<!tpu.dma_semaphore, #tpu.memory_space<semaphore_mem>>) src(%dma_wait3A_685 : memref<10240x128xf32, #tpu.memory_space<hbm>>) dst(%dma_wait3A_679 : memref<64x128xf32, #tpu.memory_space<vmem>>)
      %dma_start3A_686 = arith.constant 0 : i32
      %dma_start3A_687 = arith.constant 12 : i32
      %dma_start3A_688 = arith.constant 0 : i32
      %dma_start3A_689 = arith.constant 0 : i32
      %dma_start3A_690 = tpu.memref_slice %arg9[%dma_start3A_686, %dma_start3A_688, %dma_start3A_689] : memref<4x64x128xf32, #tpu.memory_space<vmem>> -> memref<1x64x128xf32, #tpu.memory_space<vmem>>
      %dma_start3A_691 = tpu.memref_squeeze %dma_start3A_690 : memref<1x64x128xf32, #tpu.memory_space<vmem>> -> memref<64x128xf32, #tpu.memory_space<vmem>>
      %dma_start3A_692 = arith.constant 0 : i32
      %dma_start3A_693 = tpu.memref_slice %arg8[%dma_start3A_687, %dma_start3A_692] : memref<16x64xi32, #tpu.memory_space<vmem>> -> memref<1x64xi32, #tpu.memory_space<vmem>>
      %dma_start3A_694 = tpu.memref_squeeze %dma_start3A_693 : memref<1x64xi32, #tpu.memory_space<vmem>> -> memref<64xi32, #tpu.memory_space<vmem>>
      %dma_start3A_695 = arith.constant 0 : i32
      %dma_start3A_696 = arith.constant 0 : i32
      %dma_start3A_697 = tpu.memref_slice %arg6[%dma_start3A_695, %dma_start3A_696] : memref<10240x128xf32, #tpu.memory_space<vmem_shared>> -> memref<10240x128xf32, #tpu.memory_space<vmem_shared>>
      tpu.enqueue_indirect_dma source(%dma_start3A_691 : memref<64x128xf32, #tpu.memory_space<vmem>>) target(%dma_start3A_697 : memref<10240x128xf32, #tpu.memory_space<vmem_shared>>) offsets(%dma_start3A_694 : memref<64xi32, #tpu.memory_space<vmem>>) semaphore(%arg14 : memref<!tpu.dma_semaphore, #tpu.memory_space<semaphore_mem>>) {add = true}
      %dma_wait3A_698 = arith.constant 3 : i32
      %dma_wait3A_699 = arith.constant 11 : i32
      %dma_wait3A_700 = arith.constant 0 : i32
      %dma_wait3A_701 = arith.constant 0 : i32
      %dma_wait3A_702 = tpu.memref_slice %arg9[%dma_wait3A_698, %dma_wait3A_700, %dma_wait3A_701] : memref<4x64x128xf32, #tpu.memory_space<vmem>> -> memref<1x64x128xf32, #tpu.memory_space<vmem>>
      %dma_wait3A_703 = tpu.memref_squeeze %dma_wait3A_702 : memref<1x64x128xf32, #tpu.memory_space<vmem>> -> memref<64x128xf32, #tpu.memory_space<vmem>>
      %dma_wait3A_704 = arith.constant 0 : i32
      %dma_wait3A_705 = tpu.memref_slice %arg8[%dma_wait3A_699, %dma_wait3A_704] : memref<16x64xi32, #tpu.memory_space<vmem>> -> memref<1x64xi32, #tpu.memory_space<vmem>>
      %dma_wait3A_706 = tpu.memref_squeeze %dma_wait3A_705 : memref<1x64xi32, #tpu.memory_space<vmem>> -> memref<64xi32, #tpu.memory_space<vmem>>
      %dma_wait3A_707 = arith.constant 0 : i32
      %dma_wait3A_708 = arith.constant 0 : i32
      %dma_wait3A_709 = tpu.memref_slice %arg6[%dma_wait3A_707, %dma_wait3A_708] : memref<10240x128xf32, #tpu.memory_space<vmem_shared>> -> memref<10240x128xf32, #tpu.memory_space<vmem_shared>>
      tpu.wait_indirect_dma semaphore(%arg17 : memref<!tpu.dma_semaphore, #tpu.memory_space<semaphore_mem>>) src(%dma_wait3A_703 : memref<64x128xf32, #tpu.memory_space<vmem>>) dst(%dma_wait3A_709 : memref<10240x128xf32, #tpu.memory_space<vmem_shared>>)
      %dma_start3A_710 = arith.constant 15 : i32
      %dma_start3A_711 = arith.constant 3 : i32
      %dma_start3A_712 = arith.constant 0 : i32
      %dma_start3A_713 = arith.constant 0 : i32
      %dma_start3A_714 = tpu.memref_slice %arg9[%dma_start3A_711, %dma_start3A_712, %dma_start3A_713] : memref<4x64x128xf32, #tpu.memory_space<vmem>> -> memref<1x64x128xf32, #tpu.memory_space<vmem>>
      %dma_start3A_715 = tpu.memref_squeeze %dma_start3A_714 : memref<1x64x128xf32, #tpu.memory_space<vmem>> -> memref<64x128xf32, #tpu.memory_space<vmem>>
      %dma_start3A_716 = arith.constant 0 : i32
      %dma_start3A_717 = tpu.memref_slice %arg7[%dma_start3A_710, %dma_start3A_716] : memref<16x64xi32, #tpu.memory_space<vmem>> -> memref<1x64xi32, #tpu.memory_space<vmem>>
      %dma_start3A_718 = tpu.memref_squeeze %dma_start3A_717 : memref<1x64xi32, #tpu.memory_space<vmem>> -> memref<64xi32, #tpu.memory_space<vmem>>
      %dma_start3A_719 = arith.constant 0 : i32
      %dma_start3A_720 = arith.constant 0 : i32
      %dma_start3A_721 = tpu.memref_slice %arg2[%dma_start3A_719, %dma_start3A_720] : memref<10240x128xf32, #tpu.memory_space<hbm>> -> memref<10240x128xf32, #tpu.memory_space<hbm>>
      tpu.enqueue_indirect_dma source(%dma_start3A_721 : memref<10240x128xf32, #tpu.memory_space<hbm>>) target(%dma_start3A_715 : memref<64x128xf32, #tpu.memory_space<vmem>>) offsets(%dma_start3A_718 : memref<64xi32, #tpu.memory_space<vmem>>) semaphore(%arg13 : memref<!tpu.dma_semaphore, #tpu.memory_space<semaphore_mem>>)
      %dma_wait3A_722 = arith.constant 13 : i32
      %dma_wait3A_723 = arith.constant 1 : i32
      %dma_wait3A_724 = arith.constant 0 : i32
      %dma_wait3A_725 = arith.constant 0 : i32
      %dma_wait3A_726 = tpu.memref_slice %arg9[%dma_wait3A_723, %dma_wait3A_724, %dma_wait3A_725] : memref<4x64x128xf32, #tpu.memory_space<vmem>> -> memref<1x64x128xf32, #tpu.memory_space<vmem>>
      %dma_wait3A_727 = tpu.memref_squeeze %dma_wait3A_726 : memref<1x64x128xf32, #tpu.memory_space<vmem>> -> memref<64x128xf32, #tpu.memory_space<vmem>>
      %dma_wait3A_728 = arith.constant 0 : i32
      %dma_wait3A_729 = tpu.memref_slice %arg7[%dma_wait3A_722, %dma_wait3A_728] : memref<16x64xi32, #tpu.memory_space<vmem>> -> memref<1x64xi32, #tpu.memory_space<vmem>>
      %dma_wait3A_730 = tpu.memref_squeeze %dma_wait3A_729 : memref<1x64xi32, #tpu.memory_space<vmem>> -> memref<64xi32, #tpu.memory_space<vmem>>
      %dma_wait3A_731 = arith.constant 0 : i32
      %dma_wait3A_732 = arith.constant 0 : i32
      %dma_wait3A_733 = tpu.memref_slice %arg2[%dma_wait3A_731, %dma_wait3A_732] : memref<10240x128xf32, #tpu.memory_space<hbm>> -> memref<10240x128xf32, #tpu.memory_space<hbm>>
      tpu.wait_indirect_dma semaphore(%arg11 : memref<!tpu.dma_semaphore, #tpu.memory_space<semaphore_mem>>) src(%dma_wait3A_733 : memref<10240x128xf32, #tpu.memory_space<hbm>>) dst(%dma_wait3A_727 : memref<64x128xf32, #tpu.memory_space<vmem>>)
      %dma_start3A_734 = arith.constant 1 : i32
      %dma_start3A_735 = arith.constant 13 : i32
      %dma_start3A_736 = arith.constant 0 : i32
      %dma_start3A_737 = arith.constant 0 : i32
      %dma_start3A_738 = tpu.memref_slice %arg9[%dma_start3A_734, %dma_start3A_736, %dma_start3A_737] : memref<4x64x128xf32, #tpu.memory_space<vmem>> -> memref<1x64x128xf32, #tpu.memory_space<vmem>>
      %dma_start3A_739 = tpu.memref_squeeze %dma_start3A_738 : memref<1x64x128xf32, #tpu.memory_space<vmem>> -> memref<64x128xf32, #tpu.memory_space<vmem>>
      %dma_start3A_740 = arith.constant 0 : i32
      %dma_start3A_741 = tpu.memref_slice %arg8[%dma_start3A_735, %dma_start3A_740] : memref<16x64xi32, #tpu.memory_space<vmem>> -> memref<1x64xi32, #tpu.memory_space<vmem>>
      %dma_start3A_742 = tpu.memref_squeeze %dma_start3A_741 : memref<1x64xi32, #tpu.memory_space<vmem>> -> memref<64xi32, #tpu.memory_space<vmem>>
      %dma_start3A_743 = arith.constant 0 : i32
      %dma_start3A_744 = arith.constant 0 : i32
      %dma_start3A_745 = tpu.memref_slice %arg6[%dma_start3A_743, %dma_start3A_744] : memref<10240x128xf32, #tpu.memory_space<vmem_shared>> -> memref<10240x128xf32, #tpu.memory_space<vmem_shared>>
      tpu.enqueue_indirect_dma source(%dma_start3A_739 : memref<64x128xf32, #tpu.memory_space<vmem>>) target(%dma_start3A_745 : memref<10240x128xf32, #tpu.memory_space<vmem_shared>>) offsets(%dma_start3A_742 : memref<64xi32, #tpu.memory_space<vmem>>) semaphore(%arg15 : memref<!tpu.dma_semaphore, #tpu.memory_space<semaphore_mem>>) {add = true}
      %dma_wait3A_746 = arith.constant 14 : i32
      %dma_wait3A_747 = arith.constant 2 : i32
      %dma_wait3A_748 = arith.constant 0 : i32
      %dma_wait3A_749 = arith.constant 0 : i32
      %dma_wait3A_750 = tpu.memref_slice %arg9[%dma_wait3A_747, %dma_wait3A_748, %dma_wait3A_749] : memref<4x64x128xf32, #tpu.memory_space<vmem>> -> memref<1x64x128xf32, #tpu.memory_space<vmem>>
      %dma_wait3A_751 = tpu.memref_squeeze %dma_wait3A_750 : memref<1x64x128xf32, #tpu.memory_space<vmem>> -> memref<64x128xf32, #tpu.memory_space<vmem>>
      %dma_wait3A_752 = arith.constant 0 : i32
      %dma_wait3A_753 = tpu.memref_slice %arg7[%dma_wait3A_746, %dma_wait3A_752] : memref<16x64xi32, #tpu.memory_space<vmem>> -> memref<1x64xi32, #tpu.memory_space<vmem>>
      %dma_wait3A_754 = tpu.memref_squeeze %dma_wait3A_753 : memref<1x64xi32, #tpu.memory_space<vmem>> -> memref<64xi32, #tpu.memory_space<vmem>>
      %dma_wait3A_755 = arith.constant 0 : i32
      %dma_wait3A_756 = arith.constant 0 : i32
      %dma_wait3A_757 = tpu.memref_slice %arg2[%dma_wait3A_755, %dma_wait3A_756] : memref<10240x128xf32, #tpu.memory_space<hbm>> -> memref<10240x128xf32, #tpu.memory_space<hbm>>
      tpu.wait_indirect_dma semaphore(%arg12 : memref<!tpu.dma_semaphore, #tpu.memory_space<semaphore_mem>>) src(%dma_wait3A_757 : memref<10240x128xf32, #tpu.memory_space<hbm>>) dst(%dma_wait3A_751 : memref<64x128xf32, #tpu.memory_space<vmem>>)
      %dma_start3A_758 = arith.constant 2 : i32
      %dma_start3A_759 = arith.constant 14 : i32
      %dma_start3A_760 = arith.constant 0 : i32
      %dma_start3A_761 = arith.constant 0 : i32
      %dma_start3A_762 = tpu.memref_slice %arg9[%dma_start3A_758, %dma_start3A_760, %dma_start3A_761] : memref<4x64x128xf32, #tpu.memory_space<vmem>> -> memref<1x64x128xf32, #tpu.memory_space<vmem>>
      %dma_start3A_763 = tpu.memref_squeeze %dma_start3A_762 : memref<1x64x128xf32, #tpu.memory_space<vmem>> -> memref<64x128xf32, #tpu.memory_space<vmem>>
      %dma_start3A_764 = arith.constant 0 : i32
      %dma_start3A_765 = tpu.memref_slice %arg8[%dma_start3A_759, %dma_start3A_764] : memref<16x64xi32, #tpu.memory_space<vmem>> -> memref<1x64xi32, #tpu.memory_space<vmem>>
      %dma_start3A_766 = tpu.memref_squeeze %dma_start3A_765 : memref<1x64xi32, #tpu.memory_space<vmem>> -> memref<64xi32, #tpu.memory_space<vmem>>
      %dma_start3A_767 = arith.constant 0 : i32
      %dma_start3A_768 = arith.constant 0 : i32
      %dma_start3A_769 = tpu.memref_slice %arg6[%dma_start3A_767, %dma_start3A_768] : memref<10240x128xf32, #tpu.memory_space<vmem_shared>> -> memref<10240x128xf32, #tpu.memory_space<vmem_shared>>
      tpu.enqueue_indirect_dma source(%dma_start3A_763 : memref<64x128xf32, #tpu.memory_space<vmem>>) target(%dma_start3A_769 : memref<10240x128xf32, #tpu.memory_space<vmem_shared>>) offsets(%dma_start3A_766 : memref<64xi32, #tpu.memory_space<vmem>>) semaphore(%arg16 : memref<!tpu.dma_semaphore, #tpu.memory_space<semaphore_mem>>) {add = true}
      %dma_wait3A_770 = arith.constant 15 : i32
      %dma_wait3A_771 = arith.constant 3 : i32
      %dma_wait3A_772 = arith.constant 0 : i32
      %dma_wait3A_773 = arith.constant 0 : i32
      %dma_wait3A_774 = tpu.memref_slice %arg9[%dma_wait3A_771, %dma_wait3A_772, %dma_wait3A_773] : memref<4x64x128xf32, #tpu.memory_space<vmem>> -> memref<1x64x128xf32, #tpu.memory_space<vmem>>
      %dma_wait3A_775 = tpu.memref_squeeze %dma_wait3A_774 : memref<1x64x128xf32, #tpu.memory_space<vmem>> -> memref<64x128xf32, #tpu.memory_space<vmem>>
      %dma_wait3A_776 = arith.constant 0 : i32
      %dma_wait3A_777 = tpu.memref_slice %arg7[%dma_wait3A_770, %dma_wait3A_776] : memref<16x64xi32, #tpu.memory_space<vmem>> -> memref<1x64xi32, #tpu.memory_space<vmem>>
      %dma_wait3A_778 = tpu.memref_squeeze %dma_wait3A_777 : memref<1x64xi32, #tpu.memory_space<vmem>> -> memref<64xi32, #tpu.memory_space<vmem>>
      %dma_wait3A_779 = arith.constant 0 : i32
      %dma_wait3A_780 = arith.constant 0 : i32
      %dma_wait3A_781 = tpu.memref_slice %arg2[%dma_wait3A_779, %dma_wait3A_780] : memref<10240x128xf32, #tpu.memory_space<hbm>> -> memref<10240x128xf32, #tpu.memory_space<hbm>>
      tpu.wait_indirect_dma semaphore(%arg13 : memref<!tpu.dma_semaphore, #tpu.memory_space<semaphore_mem>>) src(%dma_wait3A_781 : memref<10240x128xf32, #tpu.memory_space<hbm>>) dst(%dma_wait3A_775 : memref<64x128xf32, #tpu.memory_space<vmem>>)
      %dma_start3A_782 = arith.constant 3 : i32
      %dma_start3A_783 = arith.constant 15 : i32
      %dma_start3A_784 = arith.constant 0 : i32
      %dma_start3A_785 = arith.constant 0 : i32
      %dma_start3A_786 = tpu.memref_slice %arg9[%dma_start3A_782, %dma_start3A_784, %dma_start3A_785] : memref<4x64x128xf32, #tpu.memory_space<vmem>> -> memref<1x64x128xf32, #tpu.memory_space<vmem>>
      %dma_start3A_787 = tpu.memref_squeeze %dma_start3A_786 : memref<1x64x128xf32, #tpu.memory_space<vmem>> -> memref<64x128xf32, #tpu.memory_space<vmem>>
      %dma_start3A_788 = arith.constant 0 : i32
      %dma_start3A_789 = tpu.memref_slice %arg8[%dma_start3A_783, %dma_start3A_788] : memref<16x64xi32, #tpu.memory_space<vmem>> -> memref<1x64xi32, #tpu.memory_space<vmem>>
      %dma_start3A_790 = tpu.memref_squeeze %dma_start3A_789 : memref<1x64xi32, #tpu.memory_space<vmem>> -> memref<64xi32, #tpu.memory_space<vmem>>
      %dma_start3A_791 = arith.constant 0 : i32
      %dma_start3A_792 = arith.constant 0 : i32
      %dma_start3A_793 = tpu.memref_slice %arg6[%dma_start3A_791, %dma_start3A_792] : memref<10240x128xf32, #tpu.memory_space<vmem_shared>> -> memref<10240x128xf32, #tpu.memory_space<vmem_shared>>
      tpu.enqueue_indirect_dma source(%dma_start3A_787 : memref<64x128xf32, #tpu.memory_space<vmem>>) target(%dma_start3A_793 : memref<10240x128xf32, #tpu.memory_space<vmem_shared>>) offsets(%dma_start3A_790 : memref<64xi32, #tpu.memory_space<vmem>>) semaphore(%arg17 : memref<!tpu.dma_semaphore, #tpu.memory_space<semaphore_mem>>) {add = true}
      %dma_wait3A_794 = arith.constant 0 : i32
      %dma_wait3A_795 = arith.constant 12 : i32
      %dma_wait3A_796 = arith.constant 0 : i32
      %dma_wait3A_797 = arith.constant 0 : i32
      %dma_wait3A_798 = tpu.memref_slice %arg9[%dma_wait3A_794, %dma_wait3A_796, %dma_wait3A_797] : memref<4x64x128xf32, #tpu.memory_space<vmem>> -> memref<1x64x128xf32, #tpu.memory_space<vmem>>
      %dma_wait3A_799 = tpu.memref_squeeze %dma_wait3A_798 : memref<1x64x128xf32, #tpu.memory_space<vmem>> -> memref<64x128xf32, #tpu.memory_space<vmem>>
      %dma_wait3A_800 = arith.constant 0 : i32
      %dma_wait3A_801 = tpu.memref_slice %arg8[%dma_wait3A_795, %dma_wait3A_800] : memref<16x64xi32, #tpu.memory_space<vmem>> -> memref<1x64xi32, #tpu.memory_space<vmem>>
      %dma_wait3A_802 = tpu.memref_squeeze %dma_wait3A_801 : memref<1x64xi32, #tpu.memory_space<vmem>> -> memref<64xi32, #tpu.memory_space<vmem>>
      %dma_wait3A_803 = arith.constant 0 : i32
      %dma_wait3A_804 = arith.constant 0 : i32
      %dma_wait3A_805 = tpu.memref_slice %arg6[%dma_wait3A_803, %dma_wait3A_804] : memref<10240x128xf32, #tpu.memory_space<vmem_shared>> -> memref<10240x128xf32, #tpu.memory_space<vmem_shared>>
      tpu.wait_indirect_dma semaphore(%arg14 : memref<!tpu.dma_semaphore, #tpu.memory_space<semaphore_mem>>) src(%dma_wait3A_799 : memref<64x128xf32, #tpu.memory_space<vmem>>) dst(%dma_wait3A_805 : memref<10240x128xf32, #tpu.memory_space<vmem_shared>>)
      %dma_wait3A_806 = arith.constant 1 : i32
      %dma_wait3A_807 = arith.constant 13 : i32
      %dma_wait3A_808 = arith.constant 0 : i32
      %dma_wait3A_809 = arith.constant 0 : i32
      %dma_wait3A_810 = tpu.memref_slice %arg9[%dma_wait3A_806, %dma_wait3A_808, %dma_wait3A_809] : memref<4x64x128xf32, #tpu.memory_space<vmem>> -> memref<1x64x128xf32, #tpu.memory_space<vmem>>
      %dma_wait3A_811 = tpu.memref_squeeze %dma_wait3A_810 : memref<1x64x128xf32, #tpu.memory_space<vmem>> -> memref<64x128xf32, #tpu.memory_space<vmem>>
      %dma_wait3A_812 = arith.constant 0 : i32
      %dma_wait3A_813 = tpu.memref_slice %arg8[%dma_wait3A_807, %dma_wait3A_812] : memref<16x64xi32, #tpu.memory_space<vmem>> -> memref<1x64xi32, #tpu.memory_space<vmem>>
      %dma_wait3A_814 = tpu.memref_squeeze %dma_wait3A_813 : memref<1x64xi32, #tpu.memory_space<vmem>> -> memref<64xi32, #tpu.memory_space<vmem>>
      %dma_wait3A_815 = arith.constant 0 : i32
      %dma_wait3A_816 = arith.constant 0 : i32
      %dma_wait3A_817 = tpu.memref_slice %arg6[%dma_wait3A_815, %dma_wait3A_816] : memref<10240x128xf32, #tpu.memory_space<vmem_shared>> -> memref<10240x128xf32, #tpu.memory_space<vmem_shared>>
      tpu.wait_indirect_dma semaphore(%arg15 : memref<!tpu.dma_semaphore, #tpu.memory_space<semaphore_mem>>) src(%dma_wait3A_811 : memref<64x128xf32, #tpu.memory_space<vmem>>) dst(%dma_wait3A_817 : memref<10240x128xf32, #tpu.memory_space<vmem_shared>>)
      %dma_wait3A_818 = arith.constant 2 : i32
      %dma_wait3A_819 = arith.constant 14 : i32
      %dma_wait3A_820 = arith.constant 0 : i32
      %dma_wait3A_821 = arith.constant 0 : i32
      %dma_wait3A_822 = tpu.memref_slice %arg9[%dma_wait3A_818, %dma_wait3A_820, %dma_wait3A_821] : memref<4x64x128xf32, #tpu.memory_space<vmem>> -> memref<1x64x128xf32, #tpu.memory_space<vmem>>
      %dma_wait3A_823 = tpu.memref_squeeze %dma_wait3A_822 : memref<1x64x128xf32, #tpu.memory_space<vmem>> -> memref<64x128xf32, #tpu.memory_space<vmem>>
      %dma_wait3A_824 = arith.constant 0 : i32
      %dma_wait3A_825 = tpu.memref_slice %arg8[%dma_wait3A_819, %dma_wait3A_824] : memref<16x64xi32, #tpu.memory_space<vmem>> -> memref<1x64xi32, #tpu.memory_space<vmem>>
      %dma_wait3A_826 = tpu.memref_squeeze %dma_wait3A_825 : memref<1x64xi32, #tpu.memory_space<vmem>> -> memref<64xi32, #tpu.memory_space<vmem>>
      %dma_wait3A_827 = arith.constant 0 : i32
      %dma_wait3A_828 = arith.constant 0 : i32
      %dma_wait3A_829 = tpu.memref_slice %arg6[%dma_wait3A_827, %dma_wait3A_828] : memref<10240x128xf32, #tpu.memory_space<vmem_shared>> -> memref<10240x128xf32, #tpu.memory_space<vmem_shared>>
      tpu.wait_indirect_dma semaphore(%arg16 : memref<!tpu.dma_semaphore, #tpu.memory_space<semaphore_mem>>) src(%dma_wait3A_823 : memref<64x128xf32, #tpu.memory_space<vmem>>) dst(%dma_wait3A_829 : memref<10240x128xf32, #tpu.memory_space<vmem_shared>>)
      %dma_wait3A_830 = arith.constant 3 : i32
      %dma_wait3A_831 = arith.constant 15 : i32
      %dma_wait3A_832 = arith.constant 0 : i32
      %dma_wait3A_833 = arith.constant 0 : i32
      %dma_wait3A_834 = tpu.memref_slice %arg9[%dma_wait3A_830, %dma_wait3A_832, %dma_wait3A_833] : memref<4x64x128xf32, #tpu.memory_space<vmem>> -> memref<1x64x128xf32, #tpu.memory_space<vmem>>
      %dma_wait3A_835 = tpu.memref_squeeze %dma_wait3A_834 : memref<1x64x128xf32, #tpu.memory_space<vmem>> -> memref<64x128xf32, #tpu.memory_space<vmem>>
      %dma_wait3A_836 = arith.constant 0 : i32
      %dma_wait3A_837 = tpu.memref_slice %arg8[%dma_wait3A_831, %dma_wait3A_836] : memref<16x64xi32, #tpu.memory_space<vmem>> -> memref<1x64xi32, #tpu.memory_space<vmem>>
      %dma_wait3A_838 = tpu.memref_squeeze %dma_wait3A_837 : memref<1x64xi32, #tpu.memory_space<vmem>> -> memref<64xi32, #tpu.memory_space<vmem>>
      %dma_wait3A_839 = arith.constant 0 : i32
      %dma_wait3A_840 = arith.constant 0 : i32
      %dma_wait3A_841 = tpu.memref_slice %arg6[%dma_wait3A_839, %dma_wait3A_840] : memref<10240x128xf32, #tpu.memory_space<vmem_shared>> -> memref<10240x128xf32, #tpu.memory_space<vmem_shared>>
      tpu.wait_indirect_dma semaphore(%arg17 : memref<!tpu.dma_semaphore, #tpu.memory_space<semaphore_mem>>) src(%dma_wait3A_835 : memref<64x128xf32, #tpu.memory_space<vmem>>) dst(%dma_wait3A_841 : memref<10240x128xf32, #tpu.memory_space<vmem_shared>>)
    }
    %scan3A_62 = arith.constant 10 : i32
    %barrier3A_63 = arith.constant 0 : index
    tpu.barrier barrier_id(%barrier3A_63)
    %mul3A_64 = arith.constant 640 : i32
    %mul3A_65 = arith.muli %arg1, %mul3A_64 : i32
    %mul3A_66 = arith.constant 640 : i32
    %mul3A_67 = arith.muli %arg1, %mul3A_66 : i32
    "tpu.region"() ({
      %run_scoped3A_68 = tpu.sem_alloc : memref<!tpu.dma_semaphore, #tpu.memory_space<semaphore_mem>>
      %dma_start3A = arith.constant 0 : i32
      %dma_start3A_69 = tpu.memref_slice %arg5[%arg0, %mul3A_67, %dma_start3A] : memref<2x10240x128xf32, #tpu.memory_space<hbm>> -> memref<1x640x128xf32, #tpu.memory_space<hbm>>
      %dma_start3A_70 = tpu.memref_squeeze %dma_start3A_69 : memref<1x640x128xf32, #tpu.memory_space<hbm>> -> memref<640x128xf32, #tpu.memory_space<hbm>>
      %dma_start3A_71 = arith.constant 0 : i32
      %dma_start3A_72 = tpu.memref_slice %arg6[%mul3A_65, %dma_start3A_71] : memref<10240x128xf32, #tpu.memory_space<vmem_shared>> -> memref<640x128xf32, #tpu.memory_space<vmem_shared>>
      tpu.enqueue_dma source(%dma_start3A_72 : memref<640x128xf32, #tpu.memory_space<vmem_shared>>) target(%dma_start3A_70 : memref<640x128xf32, #tpu.memory_space<hbm>>) target_semaphore(%run_scoped3A_68 : memref<!tpu.dma_semaphore, #tpu.memory_space<semaphore_mem>>)
      %dma_wait3A = arith.constant 0 : i32
      %dma_wait3A_73 = tpu.memref_slice %arg5[%arg0, %mul3A_67, %dma_wait3A] : memref<2x10240x128xf32, #tpu.memory_space<hbm>> -> memref<1x640x128xf32, #tpu.memory_space<hbm>>
      %dma_wait3A_74 = tpu.memref_squeeze %dma_wait3A_73 : memref<1x640x128xf32, #tpu.memory_space<hbm>> -> memref<640x128xf32, #tpu.memory_space<hbm>>
      %dma_wait3A_75 = arith.constant 0 : i32
      %dma_wait3A_76 = tpu.memref_slice %arg6[%mul3A_65, %dma_wait3A_75] : memref<10240x128xf32, #tpu.memory_space<vmem_shared>> -> memref<640x128xf32, #tpu.memory_space<vmem_shared>>
      tpu.wait_dma2 semaphore(%run_scoped3A_68 : memref<!tpu.dma_semaphore, #tpu.memory_space<semaphore_mem>>) src(%dma_wait3A_76 : memref<640x128xf32, #tpu.memory_space<vmem_shared>>) dst(%dma_wait3A_74 : memref<640x128xf32, #tpu.memory_space<hbm>>)
      tpu.yield
    }) : () -> ()
    return
  }
}

#map = affine_map<(d0, d1) -> (0, 0)>
#map1 = affine_map<(d0, d1) -> (0, 0, 0)>
module attributes {stable_mosaic.version = 14 : i64} {
  func.func @body(%arg0: i32, %arg1: i32, %arg2: memref<5120x64xi32, #tpu.memory_space<hbm>>, %arg3: memref<2x10240x128xf32, #tpu.memory_space<hbm>>, %arg4: memref<10240x128xf32, #tpu.memory_space<vmem_shared>>, %arg5: memref<8x64xi32, #tpu.memory_space<vmem>>, %arg6: memref<64x128xf32, #tpu.memory_space<vmem>>, %arg7: memref<!tpu.dma_semaphore, #tpu.memory_space<semaphore_mem>>) attributes {dimension_semantics = [#tpu.dimension_semantics<core_parallel>, #tpu.dimension_semantics<subcore_parallel>], iteration_bounds = array<i64: 2, 16>, scalar_prefetch = 0 : i64, scratch_operands = 4 : i64, tpu.core_type = #tpu.core_type<sc_vector_subcore>, window_params = [{transform_indices = #map}, {transform_indices = #map1}]} {
    %mul3A = arith.constant 2 : i32
    %mul3A_0 = arith.muli %arg1, %mul3A : i32
    %add3A = arith.addi %mul3A_0, %arg0 : i32
    %broadcast_in_dim3A = arith.constant 0.000000e+00 : f32
    %broadcast_in_dim3A_1 = vector.broadcast %broadcast_in_dim3A : f32 to vector<16xf32>
    %scan3A = arith.constant 0 : i32
    %scan3A_2 = arith.constant 64 : i32
    %scan3A_3 = arith.addi %scan3A, %scan3A_2 : i32
    %scan3A_4 = arith.constant 1 : i32
    scf.for %scan3A_65 = %scan3A to %scan3A_3 step %scan3A_4  : i32 {
      %mul3A_66 = arith.constant 1 : i32
      %mul3A_67 = arith.muli %scan3A_65, %mul3A_66 : i32
      %add3A_68 = arith.constant 0 : i32
      %add3A_69 = arith.addi %add3A_68, %mul3A_67 : i32
      %swap3A = arith.index_cast %add3A_69 : i32 to index
      %swap3A_70 = arith.constant 0 : index
      %swap3A_71 = tpu.vector_load %arg6[%swap3A, %swap3A_70] {strides = array<i32>} : memref<64x128xf32, #tpu.memory_space<vmem>>, vector<1x16xf32>,
      %swap3A_72 = vector.shape_cast %swap3A_71 : vector<1x16xf32> to vector<16xf32>
      %swap3A_73 = vector.shape_cast %broadcast_in_dim3A_1 : vector<16xf32> to vector<1x16xf32>
      tpu.vector_store %arg6[%swap3A, %swap3A_70], %swap3A_73 {strides = array<i32>} : memref<64x128xf32, #tpu.memory_space<vmem>>, vector<1x16xf32>,
      %swap3A_74 = arith.index_cast %add3A_69 : i32 to index
      %swap3A_75 = arith.constant 16 : index
      %swap3A_76 = tpu.vector_load %arg6[%swap3A_74, %swap3A_75] {strides = array<i32>} : memref<64x128xf32, #tpu.memory_space<vmem>>, vector<1x16xf32>,
      %swap3A_77 = vector.shape_cast %swap3A_76 : vector<1x16xf32> to vector<16xf32>
      %swap3A_78 = vector.shape_cast %broadcast_in_dim3A_1 : vector<16xf32> to vector<1x16xf32>
      tpu.vector_store %arg6[%swap3A_74, %swap3A_75], %swap3A_78 {strides = array<i32>} : memref<64x128xf32, #tpu.memory_space<vmem>>, vector<1x16xf32>,
      %swap3A_79 = arith.index_cast %add3A_69 : i32 to index
      %swap3A_80 = arith.constant 32 : index
      %swap3A_81 = tpu.vector_load %arg6[%swap3A_79, %swap3A_80] {strides = array<i32>} : memref<64x128xf32, #tpu.memory_space<vmem>>, vector<1x16xf32>,
      %swap3A_82 = vector.shape_cast %swap3A_81 : vector<1x16xf32> to vector<16xf32>
      %swap3A_83 = vector.shape_cast %broadcast_in_dim3A_1 : vector<16xf32> to vector<1x16xf32>
      tpu.vector_store %arg6[%swap3A_79, %swap3A_80], %swap3A_83 {strides = array<i32>} : memref<64x128xf32, #tpu.memory_space<vmem>>, vector<1x16xf32>,
      %swap3A_84 = arith.index_cast %add3A_69 : i32 to index
      %swap3A_85 = arith.constant 48 : index
      %swap3A_86 = tpu.vector_load %arg6[%swap3A_84, %swap3A_85] {strides = array<i32>} : memref<64x128xf32, #tpu.memory_space<vmem>>, vector<1x16xf32>,
      %swap3A_87 = vector.shape_cast %swap3A_86 : vector<1x16xf32> to vector<16xf32>
      %swap3A_88 = vector.shape_cast %broadcast_in_dim3A_1 : vector<16xf32> to vector<1x16xf32>
      tpu.vector_store %arg6[%swap3A_84, %swap3A_85], %swap3A_88 {strides = array<i32>} : memref<64x128xf32, #tpu.memory_space<vmem>>, vector<1x16xf32>,
      %swap3A_89 = arith.index_cast %add3A_69 : i32 to index
      %swap3A_90 = arith.constant 64 : index
      %swap3A_91 = tpu.vector_load %arg6[%swap3A_89, %swap3A_90] {strides = array<i32>} : memref<64x128xf32, #tpu.memory_space<vmem>>, vector<1x16xf32>,
      %swap3A_92 = vector.shape_cast %swap3A_91 : vector<1x16xf32> to vector<16xf32>
      %swap3A_93 = vector.shape_cast %broadcast_in_dim3A_1 : vector<16xf32> to vector<1x16xf32>
      tpu.vector_store %arg6[%swap3A_89, %swap3A_90], %swap3A_93 {strides = array<i32>} : memref<64x128xf32, #tpu.memory_space<vmem>>, vector<1x16xf32>,
      %swap3A_94 = arith.index_cast %add3A_69 : i32 to index
      %swap3A_95 = arith.constant 80 : index
      %swap3A_96 = tpu.vector_load %arg6[%swap3A_94, %swap3A_95] {strides = array<i32>} : memref<64x128xf32, #tpu.memory_space<vmem>>, vector<1x16xf32>,
      %swap3A_97 = vector.shape_cast %swap3A_96 : vector<1x16xf32> to vector<16xf32>
      %swap3A_98 = vector.shape_cast %broadcast_in_dim3A_1 : vector<16xf32> to vector<1x16xf32>
      tpu.vector_store %arg6[%swap3A_94, %swap3A_95], %swap3A_98 {strides = array<i32>} : memref<64x128xf32, #tpu.memory_space<vmem>>, vector<1x16xf32>,
      %swap3A_99 = arith.index_cast %add3A_69 : i32 to index
      %swap3A_100 = arith.constant 96 : index
      %swap3A_101 = tpu.vector_load %arg6[%swap3A_99, %swap3A_100] {strides = array<i32>} : memref<64x128xf32, #tpu.memory_space<vmem>>, vector<1x16xf32>,
      %swap3A_102 = vector.shape_cast %swap3A_101 : vector<1x16xf32> to vector<16xf32>
      %swap3A_103 = vector.shape_cast %broadcast_in_dim3A_1 : vector<16xf32> to vector<1x16xf32>
      tpu.vector_store %arg6[%swap3A_99, %swap3A_100], %swap3A_103 {strides = array<i32>} : memref<64x128xf32, #tpu.memory_space<vmem>>, vector<1x16xf32>,
      %swap3A_104 = arith.index_cast %add3A_69 : i32 to index
      %swap3A_105 = arith.constant 112 : index
      %swap3A_106 = tpu.vector_load %arg6[%swap3A_104, %swap3A_105] {strides = array<i32>} : memref<64x128xf32, #tpu.memory_space<vmem>>, vector<1x16xf32>,
      %swap3A_107 = vector.shape_cast %swap3A_106 : vector<1x16xf32> to vector<16xf32>
      %swap3A_108 = vector.shape_cast %broadcast_in_dim3A_1 : vector<16xf32> to vector<1x16xf32>
      tpu.vector_store %arg6[%swap3A_104, %swap3A_105], %swap3A_108 {strides = array<i32>} : memref<64x128xf32, #tpu.memory_space<vmem>>, vector<1x16xf32>,
    }
    %scan3A_5 = arith.constant 64 : i32
    %mul3A_6 = arith.constant 640 : i32
    %mul3A_7 = arith.muli %arg1, %mul3A_6 : i32
    %add3A_8 = arith.constant 0 : i32
    %add3A_9 = arith.addi %mul3A_7, %add3A_8 : i32
    "tpu.region"() ({
      %run_scoped3A = tpu.sem_alloc : memref<!tpu.dma_semaphore, #tpu.memory_space<semaphore_mem>>
      %dma_start3A = arith.constant 0 : i32
      %dma_start3A_65 = tpu.memref_slice %arg4[%add3A_9, %dma_start3A] : memref<10240x128xf32, #tpu.memory_space<vmem_shared>> -> memref<64x128xf32, #tpu.memory_space<vmem_shared>>
      %dma_start3A_66 = arith.constant 0 : i32
      %dma_start3A_67 = tpu.memref_slice %arg4[%add3A_9, %dma_start3A_66] : memref<10240x128xf32, #tpu.memory_space<vmem_shared>> -> memref<64x128xf32, #tpu.memory_space<vmem_shared>>
      tpu.enqueue_dma source(%arg6 : memref<64x128xf32, #tpu.memory_space<vmem>>) target(%dma_start3A_67 : memref<64x128xf32, #tpu.memory_space<vmem_shared>>) target_semaphore(%run_scoped3A : memref<!tpu.dma_semaphore, #tpu.memory_space<semaphore_mem>>)
      %dma_wait3A = arith.constant 0 : i32
      %dma_wait3A_68 = tpu.memref_slice %arg4[%add3A_9, %dma_wait3A] : memref<10240x128xf32, #tpu.memory_space<vmem_shared>> -> memref<64x128xf32, #tpu.memory_space<vmem_shared>>
      %dma_wait3A_69 = arith.constant 0 : i32
      %dma_wait3A_70 = tpu.memref_slice %arg4[%add3A_9, %dma_wait3A_69] : memref<10240x128xf32, #tpu.memory_space<vmem_shared>> -> memref<64x128xf32, #tpu.memory_space<vmem_shared>>
      tpu.wait_dma2 semaphore(%run_scoped3A : memref<!tpu.dma_semaphore, #tpu.memory_space<semaphore_mem>>) src(%arg6 : memref<64x128xf32, #tpu.memory_space<vmem>>) dst(%dma_wait3A_70 : memref<64x128xf32, #tpu.memory_space<vmem_shared>>)
      tpu.yield
    }) : () -> ()
    %mul3A_10 = arith.constant 640 : i32
    %mul3A_11 = arith.muli %arg1, %mul3A_10 : i32
    %add3A_12 = arith.constant 64 : i32
    %add3A_13 = arith.addi %mul3A_11, %add3A_12 : i32
    "tpu.region"() ({
      %run_scoped3A = tpu.sem_alloc : memref<!tpu.dma_semaphore, #tpu.memory_space<semaphore_mem>>
      %dma_start3A = arith.constant 0 : i32
      %dma_start3A_65 = tpu.memref_slice %arg4[%add3A_13, %dma_start3A] : memref<10240x128xf32, #tpu.memory_space<vmem_shared>> -> memref<64x128xf32, #tpu.memory_space<vmem_shared>>
      %dma_start3A_66 = arith.constant 0 : i32
      %dma_start3A_67 = tpu.memref_slice %arg4[%add3A_13, %dma_start3A_66] : memref<10240x128xf32, #tpu.memory_space<vmem_shared>> -> memref<64x128xf32, #tpu.memory_space<vmem_shared>>
      tpu.enqueue_dma source(%arg6 : memref<64x128xf32, #tpu.memory_space<vmem>>) target(%dma_start3A_67 : memref<64x128xf32, #tpu.memory_space<vmem_shared>>) target_semaphore(%run_scoped3A : memref<!tpu.dma_semaphore, #tpu.memory_space<semaphore_mem>>)
      %dma_wait3A = arith.constant 0 : i32
      %dma_wait3A_68 = tpu.memref_slice %arg4[%add3A_13, %dma_wait3A] : memref<10240x128xf32, #tpu.memory_space<vmem_shared>> -> memref<64x128xf32, #tpu.memory_space<vmem_shared>>
      %dma_wait3A_69 = arith.constant 0 : i32
      %dma_wait3A_70 = tpu.memref_slice %arg4[%add3A_13, %dma_wait3A_69] : memref<10240x128xf32, #tpu.memory_space<vmem_shared>> -> memref<64x128xf32, #tpu.memory_space<vmem_shared>>
      tpu.wait_dma2 semaphore(%run_scoped3A : memref<!tpu.dma_semaphore, #tpu.memory_space<semaphore_mem>>) src(%arg6 : memref<64x128xf32, #tpu.memory_space<vmem>>) dst(%dma_wait3A_70 : memref<64x128xf32, #tpu.memory_space<vmem_shared>>)
      tpu.yield
    }) : () -> ()
    %mul3A_14 = arith.constant 640 : i32
    %mul3A_15 = arith.muli %arg1, %mul3A_14 : i32
    %add3A_16 = arith.constant 128 : i32
    %add3A_17 = arith.addi %mul3A_15, %add3A_16 : i32
    "tpu.region"() ({
      %run_scoped3A = tpu.sem_alloc : memref<!tpu.dma_semaphore, #tpu.memory_space<semaphore_mem>>
      %dma_start3A = arith.constant 0 : i32
      %dma_start3A_65 = tpu.memref_slice %arg4[%add3A_17, %dma_start3A] : memref<10240x128xf32, #tpu.memory_space<vmem_shared>> -> memref<64x128xf32, #tpu.memory_space<vmem_shared>>
      %dma_start3A_66 = arith.constant 0 : i32
      %dma_start3A_67 = tpu.memref_slice %arg4[%add3A_17, %dma_start3A_66] : memref<10240x128xf32, #tpu.memory_space<vmem_shared>> -> memref<64x128xf32, #tpu.memory_space<vmem_shared>>
      tpu.enqueue_dma source(%arg6 : memref<64x128xf32, #tpu.memory_space<vmem>>) target(%dma_start3A_67 : memref<64x128xf32, #tpu.memory_space<vmem_shared>>) target_semaphore(%run_scoped3A : memref<!tpu.dma_semaphore, #tpu.memory_space<semaphore_mem>>)
      %dma_wait3A = arith.constant 0 : i32
      %dma_wait3A_68 = tpu.memref_slice %arg4[%add3A_17, %dma_wait3A] : memref<10240x128xf32, #tpu.memory_space<vmem_shared>> -> memref<64x128xf32, #tpu.memory_space<vmem_shared>>
      %dma_wait3A_69 = arith.constant 0 : i32
      %dma_wait3A_70 = tpu.memref_slice %arg4[%add3A_17, %dma_wait3A_69] : memref<10240x128xf32, #tpu.memory_space<vmem_shared>> -> memref<64x128xf32, #tpu.memory_space<vmem_shared>>
      tpu.wait_dma2 semaphore(%run_scoped3A : memref<!tpu.dma_semaphore, #tpu.memory_space<semaphore_mem>>) src(%arg6 : memref<64x128xf32, #tpu.memory_space<vmem>>) dst(%dma_wait3A_70 : memref<64x128xf32, #tpu.memory_space<vmem_shared>>)
      tpu.yield
    }) : () -> ()
    %mul3A_18 = arith.constant 640 : i32
    %mul3A_19 = arith.muli %arg1, %mul3A_18 : i32
    %add3A_20 = arith.constant 192 : i32
    %add3A_21 = arith.addi %mul3A_19, %add3A_20 : i32
    "tpu.region"() ({
      %run_scoped3A = tpu.sem_alloc : memref<!tpu.dma_semaphore, #tpu.memory_space<semaphore_mem>>
      %dma_start3A = arith.constant 0 : i32
      %dma_start3A_65 = tpu.memref_slice %arg4[%add3A_21, %dma_start3A] : memref<10240x128xf32, #tpu.memory_space<vmem_shared>> -> memref<64x128xf32, #tpu.memory_space<vmem_shared>>
      %dma_start3A_66 = arith.constant 0 : i32
      %dma_start3A_67 = tpu.memref_slice %arg4[%add3A_21, %dma_start3A_66] : memref<10240x128xf32, #tpu.memory_space<vmem_shared>> -> memref<64x128xf32, #tpu.memory_space<vmem_shared>>
      tpu.enqueue_dma source(%arg6 : memref<64x128xf32, #tpu.memory_space<vmem>>) target(%dma_start3A_67 : memref<64x128xf32, #tpu.memory_space<vmem_shared>>) target_semaphore(%run_scoped3A : memref<!tpu.dma_semaphore, #tpu.memory_space<semaphore_mem>>)
      %dma_wait3A = arith.constant 0 : i32
      %dma_wait3A_68 = tpu.memref_slice %arg4[%add3A_21, %dma_wait3A] : memref<10240x128xf32, #tpu.memory_space<vmem_shared>> -> memref<64x128xf32, #tpu.memory_space<vmem_shared>>
      %dma_wait3A_69 = arith.constant 0 : i32
      %dma_wait3A_70 = tpu.memref_slice %arg4[%add3A_21, %dma_wait3A_69] : memref<10240x128xf32, #tpu.memory_space<vmem_shared>> -> memref<64x128xf32, #tpu.memory_space<vmem_shared>>
      tpu.wait_dma2 semaphore(%run_scoped3A : memref<!tpu.dma_semaphore, #tpu.memory_space<semaphore_mem>>) src(%arg6 : memref<64x128xf32, #tpu.memory_space<vmem>>) dst(%dma_wait3A_70 : memref<64x128xf32, #tpu.memory_space<vmem_shared>>)
      tpu.yield
    }) : () -> ()
    %mul3A_22 = arith.constant 640 : i32
    %mul3A_23 = arith.muli %arg1, %mul3A_22 : i32
    %add3A_24 = arith.constant 256 : i32
    %add3A_25 = arith.addi %mul3A_23, %add3A_24 : i32
    "tpu.region"() ({
      %run_scoped3A = tpu.sem_alloc : memref<!tpu.dma_semaphore, #tpu.memory_space<semaphore_mem>>
      %dma_start3A = arith.constant 0 : i32
      %dma_start3A_65 = tpu.memref_slice %arg4[%add3A_25, %dma_start3A] : memref<10240x128xf32, #tpu.memory_space<vmem_shared>> -> memref<64x128xf32, #tpu.memory_space<vmem_shared>>
      %dma_start3A_66 = arith.constant 0 : i32
      %dma_start3A_67 = tpu.memref_slice %arg4[%add3A_25, %dma_start3A_66] : memref<10240x128xf32, #tpu.memory_space<vmem_shared>> -> memref<64x128xf32, #tpu.memory_space<vmem_shared>>
      tpu.enqueue_dma source(%arg6 : memref<64x128xf32, #tpu.memory_space<vmem>>) target(%dma_start3A_67 : memref<64x128xf32, #tpu.memory_space<vmem_shared>>) target_semaphore(%run_scoped3A : memref<!tpu.dma_semaphore, #tpu.memory_space<semaphore_mem>>)
      %dma_wait3A = arith.constant 0 : i32
      %dma_wait3A_68 = tpu.memref_slice %arg4[%add3A_25, %dma_wait3A] : memref<10240x128xf32, #tpu.memory_space<vmem_shared>> -> memref<64x128xf32, #tpu.memory_space<vmem_shared>>
      %dma_wait3A_69 = arith.constant 0 : i32
      %dma_wait3A_70 = tpu.memref_slice %arg4[%add3A_25, %dma_wait3A_69] : memref<10240x128xf32, #tpu.memory_space<vmem_shared>> -> memref<64x128xf32, #tpu.memory_space<vmem_shared>>
      tpu.wait_dma2 semaphore(%run_scoped3A : memref<!tpu.dma_semaphore, #tpu.memory_space<semaphore_mem>>) src(%arg6 : memref<64x128xf32, #tpu.memory_space<vmem>>) dst(%dma_wait3A_70 : memref<64x128xf32, #tpu.memory_space<vmem_shared>>)
      tpu.yield
    }) : () -> ()
    %mul3A_26 = arith.constant 640 : i32
    %mul3A_27 = arith.muli %arg1, %mul3A_26 : i32
    %add3A_28 = arith.constant 320 : i32
    %add3A_29 = arith.addi %mul3A_27, %add3A_28 : i32
    "tpu.region"() ({
      %run_scoped3A = tpu.sem_alloc : memref<!tpu.dma_semaphore, #tpu.memory_space<semaphore_mem>>
      %dma_start3A = arith.constant 0 : i32
      %dma_start3A_65 = tpu.memref_slice %arg4[%add3A_29, %dma_start3A] : memref<10240x128xf32, #tpu.memory_space<vmem_shared>> -> memref<64x128xf32, #tpu.memory_space<vmem_shared>>
      %dma_start3A_66 = arith.constant 0 : i32
      %dma_start3A_67 = tpu.memref_slice %arg4[%add3A_29, %dma_start3A_66] : memref<10240x128xf32, #tpu.memory_space<vmem_shared>> -> memref<64x128xf32, #tpu.memory_space<vmem_shared>>
      tpu.enqueue_dma source(%arg6 : memref<64x128xf32, #tpu.memory_space<vmem>>) target(%dma_start3A_67 : memref<64x128xf32, #tpu.memory_space<vmem_shared>>) target_semaphore(%run_scoped3A : memref<!tpu.dma_semaphore, #tpu.memory_space<semaphore_mem>>)
      %dma_wait3A = arith.constant 0 : i32
      %dma_wait3A_68 = tpu.memref_slice %arg4[%add3A_29, %dma_wait3A] : memref<10240x128xf32, #tpu.memory_space<vmem_shared>> -> memref<64x128xf32, #tpu.memory_space<vmem_shared>>
      %dma_wait3A_69 = arith.constant 0 : i32
      %dma_wait3A_70 = tpu.memref_slice %arg4[%add3A_29, %dma_wait3A_69] : memref<10240x128xf32, #tpu.memory_space<vmem_shared>> -> memref<64x128xf32, #tpu.memory_space<vmem_shared>>
      tpu.wait_dma2 semaphore(%run_scoped3A : memref<!tpu.dma_semaphore, #tpu.memory_space<semaphore_mem>>) src(%arg6 : memref<64x128xf32, #tpu.memory_space<vmem>>) dst(%dma_wait3A_70 : memref<64x128xf32, #tpu.memory_space<vmem_shared>>)
      tpu.yield
    }) : () -> ()
    %mul3A_30 = arith.constant 640 : i32
    %mul3A_31 = arith.muli %arg1, %mul3A_30 : i32
    %add3A_32 = arith.constant 384 : i32
    %add3A_33 = arith.addi %mul3A_31, %add3A_32 : i32
    "tpu.region"() ({
      %run_scoped3A = tpu.sem_alloc : memref<!tpu.dma_semaphore, #tpu.memory_space<semaphore_mem>>
      %dma_start3A = arith.constant 0 : i32
      %dma_start3A_65 = tpu.memref_slice %arg4[%add3A_33, %dma_start3A] : memref<10240x128xf32, #tpu.memory_space<vmem_shared>> -> memref<64x128xf32, #tpu.memory_space<vmem_shared>>
      %dma_start3A_66 = arith.constant 0 : i32
      %dma_start3A_67 = tpu.memref_slice %arg4[%add3A_33, %dma_start3A_66] : memref<10240x128xf32, #tpu.memory_space<vmem_shared>> -> memref<64x128xf32, #tpu.memory_space<vmem_shared>>
      tpu.enqueue_dma source(%arg6 : memref<64x128xf32, #tpu.memory_space<vmem>>) target(%dma_start3A_67 : memref<64x128xf32, #tpu.memory_space<vmem_shared>>) target_semaphore(%run_scoped3A : memref<!tpu.dma_semaphore, #tpu.memory_space<semaphore_mem>>)
      %dma_wait3A = arith.constant 0 : i32
      %dma_wait3A_68 = tpu.memref_slice %arg4[%add3A_33, %dma_wait3A] : memref<10240x128xf32, #tpu.memory_space<vmem_shared>> -> memref<64x128xf32, #tpu.memory_space<vmem_shared>>
      %dma_wait3A_69 = arith.constant 0 : i32
      %dma_wait3A_70 = tpu.memref_slice %arg4[%add3A_33, %dma_wait3A_69] : memref<10240x128xf32, #tpu.memory_space<vmem_shared>> -> memref<64x128xf32, #tpu.memory_space<vmem_shared>>
      tpu.wait_dma2 semaphore(%run_scoped3A : memref<!tpu.dma_semaphore, #tpu.memory_space<semaphore_mem>>) src(%arg6 : memref<64x128xf32, #tpu.memory_space<vmem>>) dst(%dma_wait3A_70 : memref<64x128xf32, #tpu.memory_space<vmem_shared>>)
      tpu.yield
    }) : () -> ()
    %mul3A_34 = arith.constant 640 : i32
    %mul3A_35 = arith.muli %arg1, %mul3A_34 : i32
    %add3A_36 = arith.constant 448 : i32
    %add3A_37 = arith.addi %mul3A_35, %add3A_36 : i32
    "tpu.region"() ({
      %run_scoped3A = tpu.sem_alloc : memref<!tpu.dma_semaphore, #tpu.memory_space<semaphore_mem>>
      %dma_start3A = arith.constant 0 : i32
      %dma_start3A_65 = tpu.memref_slice %arg4[%add3A_37, %dma_start3A] : memref<10240x128xf32, #tpu.memory_space<vmem_shared>> -> memref<64x128xf32, #tpu.memory_space<vmem_shared>>
      %dma_start3A_66 = arith.constant 0 : i32
      %dma_start3A_67 = tpu.memref_slice %arg4[%add3A_37, %dma_start3A_66] : memref<10240x128xf32, #tpu.memory_space<vmem_shared>> -> memref<64x128xf32, #tpu.memory_space<vmem_shared>>
      tpu.enqueue_dma source(%arg6 : memref<64x128xf32, #tpu.memory_space<vmem>>) target(%dma_start3A_67 : memref<64x128xf32, #tpu.memory_space<vmem_shared>>) target_semaphore(%run_scoped3A : memref<!tpu.dma_semaphore, #tpu.memory_space<semaphore_mem>>)
      %dma_wait3A = arith.constant 0 : i32
      %dma_wait3A_68 = tpu.memref_slice %arg4[%add3A_37, %dma_wait3A] : memref<10240x128xf32, #tpu.memory_space<vmem_shared>> -> memref<64x128xf32, #tpu.memory_space<vmem_shared>>
      %dma_wait3A_69 = arith.constant 0 : i32
      %dma_wait3A_70 = tpu.memref_slice %arg4[%add3A_37, %dma_wait3A_69] : memref<10240x128xf32, #tpu.memory_space<vmem_shared>> -> memref<64x128xf32, #tpu.memory_space<vmem_shared>>
      tpu.wait_dma2 semaphore(%run_scoped3A : memref<!tpu.dma_semaphore, #tpu.memory_space<semaphore_mem>>) src(%arg6 : memref<64x128xf32, #tpu.memory_space<vmem>>) dst(%dma_wait3A_70 : memref<64x128xf32, #tpu.memory_space<vmem_shared>>)
      tpu.yield
    }) : () -> ()
    %mul3A_38 = arith.constant 640 : i32
    %mul3A_39 = arith.muli %arg1, %mul3A_38 : i32
    %add3A_40 = arith.constant 512 : i32
    %add3A_41 = arith.addi %mul3A_39, %add3A_40 : i32
    "tpu.region"() ({
      %run_scoped3A = tpu.sem_alloc : memref<!tpu.dma_semaphore, #tpu.memory_space<semaphore_mem>>
      %dma_start3A = arith.constant 0 : i32
      %dma_start3A_65 = tpu.memref_slice %arg4[%add3A_41, %dma_start3A] : memref<10240x128xf32, #tpu.memory_space<vmem_shared>> -> memref<64x128xf32, #tpu.memory_space<vmem_shared>>
      %dma_start3A_66 = arith.constant 0 : i32
      %dma_start3A_67 = tpu.memref_slice %arg4[%add3A_41, %dma_start3A_66] : memref<10240x128xf32, #tpu.memory_space<vmem_shared>> -> memref<64x128xf32, #tpu.memory_space<vmem_shared>>
      tpu.enqueue_dma source(%arg6 : memref<64x128xf32, #tpu.memory_space<vmem>>) target(%dma_start3A_67 : memref<64x128xf32, #tpu.memory_space<vmem_shared>>) target_semaphore(%run_scoped3A : memref<!tpu.dma_semaphore, #tpu.memory_space<semaphore_mem>>)
      %dma_wait3A = arith.constant 0 : i32
      %dma_wait3A_68 = tpu.memref_slice %arg4[%add3A_41, %dma_wait3A] : memref<10240x128xf32, #tpu.memory_space<vmem_shared>> -> memref<64x128xf32, #tpu.memory_space<vmem_shared>>
      %dma_wait3A_69 = arith.constant 0 : i32
      %dma_wait3A_70 = tpu.memref_slice %arg4[%add3A_41, %dma_wait3A_69] : memref<10240x128xf32, #tpu.memory_space<vmem_shared>> -> memref<64x128xf32, #tpu.memory_space<vmem_shared>>
      tpu.wait_dma2 semaphore(%run_scoped3A : memref<!tpu.dma_semaphore, #tpu.memory_space<semaphore_mem>>) src(%arg6 : memref<64x128xf32, #tpu.memory_space<vmem>>) dst(%dma_wait3A_70 : memref<64x128xf32, #tpu.memory_space<vmem_shared>>)
      tpu.yield
    }) : () -> ()
    %mul3A_42 = arith.constant 640 : i32
    %mul3A_43 = arith.muli %arg1, %mul3A_42 : i32
    %add3A_44 = arith.constant 576 : i32
    %add3A_45 = arith.addi %mul3A_43, %add3A_44 : i32
    "tpu.region"() ({
      %run_scoped3A = tpu.sem_alloc : memref<!tpu.dma_semaphore, #tpu.memory_space<semaphore_mem>>
      %dma_start3A = arith.constant 0 : i32
      %dma_start3A_65 = tpu.memref_slice %arg4[%add3A_45, %dma_start3A] : memref<10240x128xf32, #tpu.memory_space<vmem_shared>> -> memref<64x128xf32, #tpu.memory_space<vmem_shared>>
      %dma_start3A_66 = arith.constant 0 : i32
      %dma_start3A_67 = tpu.memref_slice %arg4[%add3A_45, %dma_start3A_66] : memref<10240x128xf32, #tpu.memory_space<vmem_shared>> -> memref<64x128xf32, #tpu.memory_space<vmem_shared>>
      tpu.enqueue_dma source(%arg6 : memref<64x128xf32, #tpu.memory_space<vmem>>) target(%dma_start3A_67 : memref<64x128xf32, #tpu.memory_space<vmem_shared>>) target_semaphore(%run_scoped3A : memref<!tpu.dma_semaphore, #tpu.memory_space<semaphore_mem>>)
      %dma_wait3A = arith.constant 0 : i32
      %dma_wait3A_68 = tpu.memref_slice %arg4[%add3A_45, %dma_wait3A] : memref<10240x128xf32, #tpu.memory_space<vmem_shared>> -> memref<64x128xf32, #tpu.memory_space<vmem_shared>>
      %dma_wait3A_69 = arith.constant 0 : i32
      %dma_wait3A_70 = tpu.memref_slice %arg4[%add3A_45, %dma_wait3A_69] : memref<10240x128xf32, #tpu.memory_space<vmem_shared>> -> memref<64x128xf32, #tpu.memory_space<vmem_shared>>
      tpu.wait_dma2 semaphore(%run_scoped3A : memref<!tpu.dma_semaphore, #tpu.memory_space<semaphore_mem>>) src(%arg6 : memref<64x128xf32, #tpu.memory_space<vmem>>) dst(%dma_wait3A_70 : memref<64x128xf32, #tpu.memory_space<vmem_shared>>)
      tpu.yield
    }) : () -> ()
    %broadcast_in_dim3A_46 = arith.constant 1.000000e+00 : f32
    %broadcast_in_dim3A_47 = vector.broadcast %broadcast_in_dim3A_46 : f32 to vector<16xf32>
    %scan3A_48 = arith.constant 0 : i32
    %scan3A_49 = arith.constant 64 : i32
    %scan3A_50 = arith.addi %scan3A_48, %scan3A_49 : i32
    %scan3A_51 = arith.constant 1 : i32
    scf.for %scan3A_65 = %scan3A_48 to %scan3A_50 step %scan3A_51  : i32 {
      %mul3A_66 = arith.constant 1 : i32
      %mul3A_67 = arith.muli %scan3A_65, %mul3A_66 : i32
      %add3A_68 = arith.constant 0 : i32
      %add3A_69 = arith.addi %add3A_68, %mul3A_67 : i32
      %swap3A = arith.index_cast %add3A_69 : i32 to index
      %swap3A_70 = arith.constant 0 : index
      %swap3A_71 = tpu.vector_load %arg6[%swap3A, %swap3A_70] {strides = array<i32>} : memref<64x128xf32, #tpu.memory_space<vmem>>, vector<1x16xf32>,
      %swap3A_72 = vector.shape_cast %swap3A_71 : vector<1x16xf32> to vector<16xf32>
      %swap3A_73 = vector.shape_cast %broadcast_in_dim3A_47 : vector<16xf32> to vector<1x16xf32>
      tpu.vector_store %arg6[%swap3A, %swap3A_70], %swap3A_73 {strides = array<i32>} : memref<64x128xf32, #tpu.memory_space<vmem>>, vector<1x16xf32>,
      %swap3A_74 = arith.index_cast %add3A_69 : i32 to index
      %swap3A_75 = arith.constant 16 : index
      %swap3A_76 = tpu.vector_load %arg6[%swap3A_74, %swap3A_75] {strides = array<i32>} : memref<64x128xf32, #tpu.memory_space<vmem>>, vector<1x16xf32>,
      %swap3A_77 = vector.shape_cast %swap3A_76 : vector<1x16xf32> to vector<16xf32>
      %swap3A_78 = vector.shape_cast %broadcast_in_dim3A_47 : vector<16xf32> to vector<1x16xf32>
      tpu.vector_store %arg6[%swap3A_74, %swap3A_75], %swap3A_78 {strides = array<i32>} : memref<64x128xf32, #tpu.memory_space<vmem>>, vector<1x16xf32>,
      %swap3A_79 = arith.index_cast %add3A_69 : i32 to index
      %swap3A_80 = arith.constant 32 : index
      %swap3A_81 = tpu.vector_load %arg6[%swap3A_79, %swap3A_80] {strides = array<i32>} : memref<64x128xf32, #tpu.memory_space<vmem>>, vector<1x16xf32>,
      %swap3A_82 = vector.shape_cast %swap3A_81 : vector<1x16xf32> to vector<16xf32>
      %swap3A_83 = vector.shape_cast %broadcast_in_dim3A_47 : vector<16xf32> to vector<1x16xf32>
      tpu.vector_store %arg6[%swap3A_79, %swap3A_80], %swap3A_83 {strides = array<i32>} : memref<64x128xf32, #tpu.memory_space<vmem>>, vector<1x16xf32>,
      %swap3A_84 = arith.index_cast %add3A_69 : i32 to index
      %swap3A_85 = arith.constant 48 : index
      %swap3A_86 = tpu.vector_load %arg6[%swap3A_84, %swap3A_85] {strides = array<i32>} : memref<64x128xf32, #tpu.memory_space<vmem>>, vector<1x16xf32>,
      %swap3A_87 = vector.shape_cast %swap3A_86 : vector<1x16xf32> to vector<16xf32>
      %swap3A_88 = vector.shape_cast %broadcast_in_dim3A_47 : vector<16xf32> to vector<1x16xf32>
      tpu.vector_store %arg6[%swap3A_84, %swap3A_85], %swap3A_88 {strides = array<i32>} : memref<64x128xf32, #tpu.memory_space<vmem>>, vector<1x16xf32>,
      %swap3A_89 = arith.index_cast %add3A_69 : i32 to index
      %swap3A_90 = arith.constant 64 : index
      %swap3A_91 = tpu.vector_load %arg6[%swap3A_89, %swap3A_90] {strides = array<i32>} : memref<64x128xf32, #tpu.memory_space<vmem>>, vector<1x16xf32>,
      %swap3A_92 = vector.shape_cast %swap3A_91 : vector<1x16xf32> to vector<16xf32>
      %swap3A_93 = vector.shape_cast %broadcast_in_dim3A_47 : vector<16xf32> to vector<1x16xf32>
      tpu.vector_store %arg6[%swap3A_89, %swap3A_90], %swap3A_93 {strides = array<i32>} : memref<64x128xf32, #tpu.memory_space<vmem>>, vector<1x16xf32>,
      %swap3A_94 = arith.index_cast %add3A_69 : i32 to index
      %swap3A_95 = arith.constant 80 : index
      %swap3A_96 = tpu.vector_load %arg6[%swap3A_94, %swap3A_95] {strides = array<i32>} : memref<64x128xf32, #tpu.memory_space<vmem>>, vector<1x16xf32>,
      %swap3A_97 = vector.shape_cast %swap3A_96 : vector<1x16xf32> to vector<16xf32>
      %swap3A_98 = vector.shape_cast %broadcast_in_dim3A_47 : vector<16xf32> to vector<1x16xf32>
      tpu.vector_store %arg6[%swap3A_94, %swap3A_95], %swap3A_98 {strides = array<i32>} : memref<64x128xf32, #tpu.memory_space<vmem>>, vector<1x16xf32>,
      %swap3A_99 = arith.index_cast %add3A_69 : i32 to index
      %swap3A_100 = arith.constant 96 : index
      %swap3A_101 = tpu.vector_load %arg6[%swap3A_99, %swap3A_100] {strides = array<i32>} : memref<64x128xf32, #tpu.memory_space<vmem>>, vector<1x16xf32>,
      %swap3A_102 = vector.shape_cast %swap3A_101 : vector<1x16xf32> to vector<16xf32>
      %swap3A_103 = vector.shape_cast %broadcast_in_dim3A_47 : vector<16xf32> to vector<1x16xf32>
      tpu.vector_store %arg6[%swap3A_99, %swap3A_100], %swap3A_103 {strides = array<i32>} : memref<64x128xf32, #tpu.memory_space<vmem>>, vector<1x16xf32>,
      %swap3A_104 = arith.index_cast %add3A_69 : i32 to index
      %swap3A_105 = arith.constant 112 : index
      %swap3A_106 = tpu.vector_load %arg6[%swap3A_104, %swap3A_105] {strides = array<i32>} : memref<64x128xf32, #tpu.memory_space<vmem>>, vector<1x16xf32>,
      %swap3A_107 = vector.shape_cast %swap3A_106 : vector<1x16xf32> to vector<16xf32>
      %swap3A_108 = vector.shape_cast %broadcast_in_dim3A_47 : vector<16xf32> to vector<1x16xf32>
      tpu.vector_store %arg6[%swap3A_104, %swap3A_105], %swap3A_108 {strides = array<i32>} : memref<64x128xf32, #tpu.memory_space<vmem>>, vector<1x16xf32>,
    }
    %scan3A_52 = arith.constant 64 : i32
    %barrier3A = arith.constant 0 : index
    tpu.barrier barrier_id(%barrier3A)
    %mul3A_53 = arith.constant 160 : i32
    %mul3A_54 = arith.muli %add3A, %mul3A_53 : i32
    %scan3A_55 = arith.constant 0 : i32
    %scan3A_56 = arith.constant 20 : i32
    %scan3A_57 = arith.addi %scan3A_55, %scan3A_56 : i32
    %scan3A_58 = arith.constant 1 : i32
    scf.for %scan3A_65 = %scan3A_55 to %scan3A_57 step %scan3A_58  : i32 {
      %mul3A_66 = arith.constant 1 : i32
      %mul3A_67 = arith.muli %scan3A_65, %mul3A_66 : i32
      %add3A_68 = arith.constant 0 : i32
      %add3A_69 = arith.addi %add3A_68, %mul3A_67 : i32
      %mul3A_70 = arith.constant 8 : i32
      %mul3A_71 = arith.muli %add3A_69, %mul3A_70 : i32
      %add3A_72 = arith.addi %mul3A_54, %mul3A_71 : i32
      "tpu.region"() ({
        %run_scoped3A = tpu.sem_alloc : memref<!tpu.dma_semaphore, #tpu.memory_space<semaphore_mem>>
        %dma_start3A_183 = arith.constant 0 : i32
        %dma_start3A_184 = tpu.memref_slice %arg2[%add3A_72, %dma_start3A_183] : memref<5120x64xi32, #tpu.memory_space<hbm>> -> memref<8x64xi32, #tpu.memory_space<hbm>>
        %dma_start3A_185 = arith.constant 0 : i32
        %dma_start3A_186 = tpu.memref_slice %arg2[%add3A_72, %dma_start3A_185] : memref<5120x64xi32, #tpu.memory_space<hbm>> -> memref<8x64xi32, #tpu.memory_space<hbm>>
        tpu.enqueue_dma source(%dma_start3A_186 : memref<8x64xi32, #tpu.memory_space<hbm>>) target(%arg5 : memref<8x64xi32, #tpu.memory_space<vmem>>) target_semaphore(%run_scoped3A : memref<!tpu.dma_semaphore, #tpu.memory_space<semaphore_mem>>)
        %dma_wait3A_187 = arith.constant 0 : i32
        %dma_wait3A_188 = tpu.memref_slice %arg2[%add3A_72, %dma_wait3A_187] : memref<5120x64xi32, #tpu.memory_space<hbm>> -> memref<8x64xi32, #tpu.memory_space<hbm>>
        %dma_wait3A_189 = arith.constant 0 : i32
        %dma_wait3A_190 = tpu.memref_slice %arg2[%add3A_72, %dma_wait3A_189] : memref<5120x64xi32, #tpu.memory_space<hbm>> -> memref<8x64xi32, #tpu.memory_space<hbm>>
        tpu.wait_dma2 semaphore(%run_scoped3A : memref<!tpu.dma_semaphore, #tpu.memory_space<semaphore_mem>>) src(%dma_wait3A_190 : memref<8x64xi32, #tpu.memory_space<hbm>>) dst(%arg5 : memref<8x64xi32, #tpu.memory_space<vmem>>)
        tpu.yield
      }) : () -> ()
      %dma_start3A = arith.constant 0 : i32
      %dma_start3A_73 = arith.constant 0 : i32
      %dma_start3A_74 = tpu.memref_slice %arg5[%dma_start3A, %dma_start3A_73] : memref<8x64xi32, #tpu.memory_space<vmem>> -> memref<1x64xi32, #tpu.memory_space<vmem>>
      %dma_start3A_75 = tpu.memref_squeeze %dma_start3A_74 : memref<1x64xi32, #tpu.memory_space<vmem>> -> memref<64xi32, #tpu.memory_space<vmem>>
      %dma_start3A_76 = arith.constant 0 : i32
      %dma_start3A_77 = arith.constant 0 : i32
      %dma_start3A_78 = tpu.memref_slice %arg4[%dma_start3A_76, %dma_start3A_77] : memref<10240x128xf32, #tpu.memory_space<vmem_shared>> -> memref<10240x128xf32, #tpu.memory_space<vmem_shared>>
      tpu.enqueue_indirect_dma source(%arg6 : memref<64x128xf32, #tpu.memory_space<vmem>>) target(%dma_start3A_78 : memref<10240x128xf32, #tpu.memory_space<vmem_shared>>) offsets(%dma_start3A_75 : memref<64xi32, #tpu.memory_space<vmem>>) semaphore(%arg7 : memref<!tpu.dma_semaphore, #tpu.memory_space<semaphore_mem>>) {add = true}
      %dma_start3A_79 = arith.constant 1 : i32
      %dma_start3A_80 = arith.constant 0 : i32
      %dma_start3A_81 = tpu.memref_slice %arg5[%dma_start3A_79, %dma_start3A_80] : memref<8x64xi32, #tpu.memory_space<vmem>> -> memref<1x64xi32, #tpu.memory_space<vmem>>
      %dma_start3A_82 = tpu.memref_squeeze %dma_start3A_81 : memref<1x64xi32, #tpu.memory_space<vmem>> -> memref<64xi32, #tpu.memory_space<vmem>>
      %dma_start3A_83 = arith.constant 0 : i32
      %dma_start3A_84 = arith.constant 0 : i32
      %dma_start3A_85 = tpu.memref_slice %arg4[%dma_start3A_83, %dma_start3A_84] : memref<10240x128xf32, #tpu.memory_space<vmem_shared>> -> memref<10240x128xf32, #tpu.memory_space<vmem_shared>>
      tpu.enqueue_indirect_dma source(%arg6 : memref<64x128xf32, #tpu.memory_space<vmem>>) target(%dma_start3A_85 : memref<10240x128xf32, #tpu.memory_space<vmem_shared>>) offsets(%dma_start3A_82 : memref<64xi32, #tpu.memory_space<vmem>>) semaphore(%arg7 : memref<!tpu.dma_semaphore, #tpu.memory_space<semaphore_mem>>) {add = true}
      %dma_start3A_86 = arith.constant 2 : i32
      %dma_start3A_87 = arith.constant 0 : i32
      %dma_start3A_88 = tpu.memref_slice %arg5[%dma_start3A_86, %dma_start3A_87] : memref<8x64xi32, #tpu.memory_space<vmem>> -> memref<1x64xi32, #tpu.memory_space<vmem>>
      %dma_start3A_89 = tpu.memref_squeeze %dma_start3A_88 : memref<1x64xi32, #tpu.memory_space<vmem>> -> memref<64xi32, #tpu.memory_space<vmem>>
      %dma_start3A_90 = arith.constant 0 : i32
      %dma_start3A_91 = arith.constant 0 : i32
      %dma_start3A_92 = tpu.memref_slice %arg4[%dma_start3A_90, %dma_start3A_91] : memref<10240x128xf32, #tpu.memory_space<vmem_shared>> -> memref<10240x128xf32, #tpu.memory_space<vmem_shared>>
      tpu.enqueue_indirect_dma source(%arg6 : memref<64x128xf32, #tpu.memory_space<vmem>>) target(%dma_start3A_92 : memref<10240x128xf32, #tpu.memory_space<vmem_shared>>) offsets(%dma_start3A_89 : memref<64xi32, #tpu.memory_space<vmem>>) semaphore(%arg7 : memref<!tpu.dma_semaphore, #tpu.memory_space<semaphore_mem>>) {add = true}
      %dma_start3A_93 = arith.constant 3 : i32
      %dma_start3A_94 = arith.constant 0 : i32
      %dma_start3A_95 = tpu.memref_slice %arg5[%dma_start3A_93, %dma_start3A_94] : memref<8x64xi32, #tpu.memory_space<vmem>> -> memref<1x64xi32, #tpu.memory_space<vmem>>
      %dma_start3A_96 = tpu.memref_squeeze %dma_start3A_95 : memref<1x64xi32, #tpu.memory_space<vmem>> -> memref<64xi32, #tpu.memory_space<vmem>>
      %dma_start3A_97 = arith.constant 0 : i32
      %dma_start3A_98 = arith.constant 0 : i32
      %dma_start3A_99 = tpu.memref_slice %arg4[%dma_start3A_97, %dma_start3A_98] : memref<10240x128xf32, #tpu.memory_space<vmem_shared>> -> memref<10240x128xf32, #tpu.memory_space<vmem_shared>>
      tpu.enqueue_indirect_dma source(%arg6 : memref<64x128xf32, #tpu.memory_space<vmem>>) target(%dma_start3A_99 : memref<10240x128xf32, #tpu.memory_space<vmem_shared>>) offsets(%dma_start3A_96 : memref<64xi32, #tpu.memory_space<vmem>>) semaphore(%arg7 : memref<!tpu.dma_semaphore, #tpu.memory_space<semaphore_mem>>) {add = true}
      %dma_start3A_100 = arith.constant 4 : i32
      %dma_start3A_101 = arith.constant 0 : i32
      %dma_start3A_102 = tpu.memref_slice %arg5[%dma_start3A_100, %dma_start3A_101] : memref<8x64xi32, #tpu.memory_space<vmem>> -> memref<1x64xi32, #tpu.memory_space<vmem>>
      %dma_start3A_103 = tpu.memref_squeeze %dma_start3A_102 : memref<1x64xi32, #tpu.memory_space<vmem>> -> memref<64xi32, #tpu.memory_space<vmem>>
      %dma_start3A_104 = arith.constant 0 : i32
      %dma_start3A_105 = arith.constant 0 : i32
      %dma_start3A_106 = tpu.memref_slice %arg4[%dma_start3A_104, %dma_start3A_105] : memref<10240x128xf32, #tpu.memory_space<vmem_shared>> -> memref<10240x128xf32, #tpu.memory_space<vmem_shared>>
      tpu.enqueue_indirect_dma source(%arg6 : memref<64x128xf32, #tpu.memory_space<vmem>>) target(%dma_start3A_106 : memref<10240x128xf32, #tpu.memory_space<vmem_shared>>) offsets(%dma_start3A_103 : memref<64xi32, #tpu.memory_space<vmem>>) semaphore(%arg7 : memref<!tpu.dma_semaphore, #tpu.memory_space<semaphore_mem>>) {add = true}
      %dma_start3A_107 = arith.constant 5 : i32
      %dma_start3A_108 = arith.constant 0 : i32
      %dma_start3A_109 = tpu.memref_slice %arg5[%dma_start3A_107, %dma_start3A_108] : memref<8x64xi32, #tpu.memory_space<vmem>> -> memref<1x64xi32, #tpu.memory_space<vmem>>
      %dma_start3A_110 = tpu.memref_squeeze %dma_start3A_109 : memref<1x64xi32, #tpu.memory_space<vmem>> -> memref<64xi32, #tpu.memory_space<vmem>>
      %dma_start3A_111 = arith.constant 0 : i32
      %dma_start3A_112 = arith.constant 0 : i32
      %dma_start3A_113 = tpu.memref_slice %arg4[%dma_start3A_111, %dma_start3A_112] : memref<10240x128xf32, #tpu.memory_space<vmem_shared>> -> memref<10240x128xf32, #tpu.memory_space<vmem_shared>>
      tpu.enqueue_indirect_dma source(%arg6 : memref<64x128xf32, #tpu.memory_space<vmem>>) target(%dma_start3A_113 : memref<10240x128xf32, #tpu.memory_space<vmem_shared>>) offsets(%dma_start3A_110 : memref<64xi32, #tpu.memory_space<vmem>>) semaphore(%arg7 : memref<!tpu.dma_semaphore, #tpu.memory_space<semaphore_mem>>) {add = true}
      %dma_start3A_114 = arith.constant 6 : i32
      %dma_start3A_115 = arith.constant 0 : i32
      %dma_start3A_116 = tpu.memref_slice %arg5[%dma_start3A_114, %dma_start3A_115] : memref<8x64xi32, #tpu.memory_space<vmem>> -> memref<1x64xi32, #tpu.memory_space<vmem>>
      %dma_start3A_117 = tpu.memref_squeeze %dma_start3A_116 : memref<1x64xi32, #tpu.memory_space<vmem>> -> memref<64xi32, #tpu.memory_space<vmem>>
      %dma_start3A_118 = arith.constant 0 : i32
      %dma_start3A_119 = arith.constant 0 : i32
      %dma_start3A_120 = tpu.memref_slice %arg4[%dma_start3A_118, %dma_start3A_119] : memref<10240x128xf32, #tpu.memory_space<vmem_shared>> -> memref<10240x128xf32, #tpu.memory_space<vmem_shared>>
      tpu.enqueue_indirect_dma source(%arg6 : memref<64x128xf32, #tpu.memory_space<vmem>>) target(%dma_start3A_120 : memref<10240x128xf32, #tpu.memory_space<vmem_shared>>) offsets(%dma_start3A_117 : memref<64xi32, #tpu.memory_space<vmem>>) semaphore(%arg7 : memref<!tpu.dma_semaphore, #tpu.memory_space<semaphore_mem>>) {add = true}
      %dma_start3A_121 = arith.constant 7 : i32
      %dma_start3A_122 = arith.constant 0 : i32
      %dma_start3A_123 = tpu.memref_slice %arg5[%dma_start3A_121, %dma_start3A_122] : memref<8x64xi32, #tpu.memory_space<vmem>> -> memref<1x64xi32, #tpu.memory_space<vmem>>
      %dma_start3A_124 = tpu.memref_squeeze %dma_start3A_123 : memref<1x64xi32, #tpu.memory_space<vmem>> -> memref<64xi32, #tpu.memory_space<vmem>>
      %dma_start3A_125 = arith.constant 0 : i32
      %dma_start3A_126 = arith.constant 0 : i32
      %dma_start3A_127 = tpu.memref_slice %arg4[%dma_start3A_125, %dma_start3A_126] : memref<10240x128xf32, #tpu.memory_space<vmem_shared>> -> memref<10240x128xf32, #tpu.memory_space<vmem_shared>>
      tpu.enqueue_indirect_dma source(%arg6 : memref<64x128xf32, #tpu.memory_space<vmem>>) target(%dma_start3A_127 : memref<10240x128xf32, #tpu.memory_space<vmem_shared>>) offsets(%dma_start3A_124 : memref<64xi32, #tpu.memory_space<vmem>>) semaphore(%arg7 : memref<!tpu.dma_semaphore, #tpu.memory_space<semaphore_mem>>) {add = true}
      %dma_wait3A = arith.constant 0 : i32
      %dma_wait3A_128 = arith.constant 0 : i32
      %dma_wait3A_129 = tpu.memref_slice %arg5[%dma_wait3A, %dma_wait3A_128] : memref<8x64xi32, #tpu.memory_space<vmem>> -> memref<1x64xi32, #tpu.memory_space<vmem>>
      %dma_wait3A_130 = tpu.memref_squeeze %dma_wait3A_129 : memref<1x64xi32, #tpu.memory_space<vmem>> -> memref<64xi32, #tpu.memory_space<vmem>>
      %dma_wait3A_131 = arith.constant 0 : i32
      %dma_wait3A_132 = arith.constant 0 : i32
      %dma_wait3A_133 = tpu.memref_slice %arg4[%dma_wait3A_131, %dma_wait3A_132] : memref<10240x128xf32, #tpu.memory_space<vmem_shared>> -> memref<10240x128xf32, #tpu.memory_space<vmem_shared>>
      tpu.wait_indirect_dma semaphore(%arg7 : memref<!tpu.dma_semaphore, #tpu.memory_space<semaphore_mem>>) src(%arg6 : memref<64x128xf32, #tpu.memory_space<vmem>>) dst(%dma_wait3A_133 : memref<10240x128xf32, #tpu.memory_space<vmem_shared>>)
      %dma_wait3A_134 = arith.constant 1 : i32
      %dma_wait3A_135 = arith.constant 0 : i32
      %dma_wait3A_136 = tpu.memref_slice %arg5[%dma_wait3A_134, %dma_wait3A_135] : memref<8x64xi32, #tpu.memory_space<vmem>> -> memref<1x64xi32, #tpu.memory_space<vmem>>
      %dma_wait3A_137 = tpu.memref_squeeze %dma_wait3A_136 : memref<1x64xi32, #tpu.memory_space<vmem>> -> memref<64xi32, #tpu.memory_space<vmem>>
      %dma_wait3A_138 = arith.constant 0 : i32
      %dma_wait3A_139 = arith.constant 0 : i32
      %dma_wait3A_140 = tpu.memref_slice %arg4[%dma_wait3A_138, %dma_wait3A_139] : memref<10240x128xf32, #tpu.memory_space<vmem_shared>> -> memref<10240x128xf32, #tpu.memory_space<vmem_shared>>
      tpu.wait_indirect_dma semaphore(%arg7 : memref<!tpu.dma_semaphore, #tpu.memory_space<semaphore_mem>>) src(%arg6 : memref<64x128xf32, #tpu.memory_space<vmem>>) dst(%dma_wait3A_140 : memref<10240x128xf32, #tpu.memory_space<vmem_shared>>)
      %dma_wait3A_141 = arith.constant 2 : i32
      %dma_wait3A_142 = arith.constant 0 : i32
      %dma_wait3A_143 = tpu.memref_slice %arg5[%dma_wait3A_141, %dma_wait3A_142] : memref<8x64xi32, #tpu.memory_space<vmem>> -> memref<1x64xi32, #tpu.memory_space<vmem>>
      %dma_wait3A_144 = tpu.memref_squeeze %dma_wait3A_143 : memref<1x64xi32, #tpu.memory_space<vmem>> -> memref<64xi32, #tpu.memory_space<vmem>>
      %dma_wait3A_145 = arith.constant 0 : i32
      %dma_wait3A_146 = arith.constant 0 : i32
      %dma_wait3A_147 = tpu.memref_slice %arg4[%dma_wait3A_145, %dma_wait3A_146] : memref<10240x128xf32, #tpu.memory_space<vmem_shared>> -> memref<10240x128xf32, #tpu.memory_space<vmem_shared>>
      tpu.wait_indirect_dma semaphore(%arg7 : memref<!tpu.dma_semaphore, #tpu.memory_space<semaphore_mem>>) src(%arg6 : memref<64x128xf32, #tpu.memory_space<vmem>>) dst(%dma_wait3A_147 : memref<10240x128xf32, #tpu.memory_space<vmem_shared>>)
      %dma_wait3A_148 = arith.constant 3 : i32
      %dma_wait3A_149 = arith.constant 0 : i32
      %dma_wait3A_150 = tpu.memref_slice %arg5[%dma_wait3A_148, %dma_wait3A_149] : memref<8x64xi32, #tpu.memory_space<vmem>> -> memref<1x64xi32, #tpu.memory_space<vmem>>
      %dma_wait3A_151 = tpu.memref_squeeze %dma_wait3A_150 : memref<1x64xi32, #tpu.memory_space<vmem>> -> memref<64xi32, #tpu.memory_space<vmem>>
      %dma_wait3A_152 = arith.constant 0 : i32
      %dma_wait3A_153 = arith.constant 0 : i32
      %dma_wait3A_154 = tpu.memref_slice %arg4[%dma_wait3A_152, %dma_wait3A_153] : memref<10240x128xf32, #tpu.memory_space<vmem_shared>> -> memref<10240x128xf32, #tpu.memory_space<vmem_shared>>
      tpu.wait_indirect_dma semaphore(%arg7 : memref<!tpu.dma_semaphore, #tpu.memory_space<semaphore_mem>>) src(%arg6 : memref<64x128xf32, #tpu.memory_space<vmem>>) dst(%dma_wait3A_154 : memref<10240x128xf32, #tpu.memory_space<vmem_shared>>)
      %dma_wait3A_155 = arith.constant 4 : i32
      %dma_wait3A_156 = arith.constant 0 : i32
      %dma_wait3A_157 = tpu.memref_slice %arg5[%dma_wait3A_155, %dma_wait3A_156] : memref<8x64xi32, #tpu.memory_space<vmem>> -> memref<1x64xi32, #tpu.memory_space<vmem>>
      %dma_wait3A_158 = tpu.memref_squeeze %dma_wait3A_157 : memref<1x64xi32, #tpu.memory_space<vmem>> -> memref<64xi32, #tpu.memory_space<vmem>>
      %dma_wait3A_159 = arith.constant 0 : i32
      %dma_wait3A_160 = arith.constant 0 : i32
      %dma_wait3A_161 = tpu.memref_slice %arg4[%dma_wait3A_159, %dma_wait3A_160] : memref<10240x128xf32, #tpu.memory_space<vmem_shared>> -> memref<10240x128xf32, #tpu.memory_space<vmem_shared>>
      tpu.wait_indirect_dma semaphore(%arg7 : memref<!tpu.dma_semaphore, #tpu.memory_space<semaphore_mem>>) src(%arg6 : memref<64x128xf32, #tpu.memory_space<vmem>>) dst(%dma_wait3A_161 : memref<10240x128xf32, #tpu.memory_space<vmem_shared>>)
      %dma_wait3A_162 = arith.constant 5 : i32
      %dma_wait3A_163 = arith.constant 0 : i32
      %dma_wait3A_164 = tpu.memref_slice %arg5[%dma_wait3A_162, %dma_wait3A_163] : memref<8x64xi32, #tpu.memory_space<vmem>> -> memref<1x64xi32, #tpu.memory_space<vmem>>
      %dma_wait3A_165 = tpu.memref_squeeze %dma_wait3A_164 : memref<1x64xi32, #tpu.memory_space<vmem>> -> memref<64xi32, #tpu.memory_space<vmem>>
      %dma_wait3A_166 = arith.constant 0 : i32
      %dma_wait3A_167 = arith.constant 0 : i32
      %dma_wait3A_168 = tpu.memref_slice %arg4[%dma_wait3A_166, %dma_wait3A_167] : memref<10240x128xf32, #tpu.memory_space<vmem_shared>> -> memref<10240x128xf32, #tpu.memory_space<vmem_shared>>
      tpu.wait_indirect_dma semaphore(%arg7 : memref<!tpu.dma_semaphore, #tpu.memory_space<semaphore_mem>>) src(%arg6 : memref<64x128xf32, #tpu.memory_space<vmem>>) dst(%dma_wait3A_168 : memref<10240x128xf32, #tpu.memory_space<vmem_shared>>)
      %dma_wait3A_169 = arith.constant 6 : i32
      %dma_wait3A_170 = arith.constant 0 : i32
      %dma_wait3A_171 = tpu.memref_slice %arg5[%dma_wait3A_169, %dma_wait3A_170] : memref<8x64xi32, #tpu.memory_space<vmem>> -> memref<1x64xi32, #tpu.memory_space<vmem>>
      %dma_wait3A_172 = tpu.memref_squeeze %dma_wait3A_171 : memref<1x64xi32, #tpu.memory_space<vmem>> -> memref<64xi32, #tpu.memory_space<vmem>>
      %dma_wait3A_173 = arith.constant 0 : i32
      %dma_wait3A_174 = arith.constant 0 : i32
      %dma_wait3A_175 = tpu.memref_slice %arg4[%dma_wait3A_173, %dma_wait3A_174] : memref<10240x128xf32, #tpu.memory_space<vmem_shared>> -> memref<10240x128xf32, #tpu.memory_space<vmem_shared>>
      tpu.wait_indirect_dma semaphore(%arg7 : memref<!tpu.dma_semaphore, #tpu.memory_space<semaphore_mem>>) src(%arg6 : memref<64x128xf32, #tpu.memory_space<vmem>>) dst(%dma_wait3A_175 : memref<10240x128xf32, #tpu.memory_space<vmem_shared>>)
      %dma_wait3A_176 = arith.constant 7 : i32
      %dma_wait3A_177 = arith.constant 0 : i32
      %dma_wait3A_178 = tpu.memref_slice %arg5[%dma_wait3A_176, %dma_wait3A_177] : memref<8x64xi32, #tpu.memory_space<vmem>> -> memref<1x64xi32, #tpu.memory_space<vmem>>
      %dma_wait3A_179 = tpu.memref_squeeze %dma_wait3A_178 : memref<1x64xi32, #tpu.memory_space<vmem>> -> memref<64xi32, #tpu.memory_space<vmem>>
      %dma_wait3A_180 = arith.constant 0 : i32
      %dma_wait3A_181 = arith.constant 0 : i32
      %dma_wait3A_182 = tpu.memref_slice %arg4[%dma_wait3A_180, %dma_wait3A_181] : memref<10240x128xf32, #tpu.memory_space<vmem_shared>> -> memref<10240x128xf32, #tpu.memory_space<vmem_shared>>
      tpu.wait_indirect_dma semaphore(%arg7 : memref<!tpu.dma_semaphore, #tpu.memory_space<semaphore_mem>>) src(%arg6 : memref<64x128xf32, #tpu.memory_space<vmem>>) dst(%dma_wait3A_182 : memref<10240x128xf32, #tpu.memory_space<vmem_shared>>)
    }
    %scan3A_59 = arith.constant 20 : i32
    %barrier3A_60 = arith.constant 0 : index
    tpu.barrier barrier_id(%barrier3A_60)
    %mul3A_61 = arith.constant 640 : i32
    %mul3A_62 = arith.muli %arg1, %mul3A_61 : i32
    %mul3A_63 = arith.constant 640 : i32
    %mul3A_64 = arith.muli %arg1, %mul3A_63 : i32
    "tpu.region"() ({
      %run_scoped3A = tpu.sem_alloc : memref<!tpu.dma_semaphore, #tpu.memory_space<semaphore_mem>>
      %dma_start3A = arith.constant 0 : i32
      %dma_start3A_65 = tpu.memref_slice %arg3[%arg0, %mul3A_64, %dma_start3A] : memref<2x10240x128xf32, #tpu.memory_space<hbm>> -> memref<1x640x128xf32, #tpu.memory_space<hbm>>
      %dma_start3A_66 = tpu.memref_squeeze %dma_start3A_65 : memref<1x640x128xf32, #tpu.memory_space<hbm>> -> memref<640x128xf32, #tpu.memory_space<hbm>>
      %dma_start3A_67 = arith.constant 0 : i32
      %dma_start3A_68 = tpu.memref_slice %arg4[%mul3A_62, %dma_start3A_67] : memref<10240x128xf32, #tpu.memory_space<vmem_shared>> -> memref<640x128xf32, #tpu.memory_space<vmem_shared>>
      tpu.enqueue_dma source(%dma_start3A_68 : memref<640x128xf32, #tpu.memory_space<vmem_shared>>) target(%dma_start3A_66 : memref<640x128xf32, #tpu.memory_space<hbm>>) target_semaphore(%run_scoped3A : memref<!tpu.dma_semaphore, #tpu.memory_space<semaphore_mem>>)
      %dma_wait3A = arith.constant 0 : i32
      %dma_wait3A_69 = tpu.memref_slice %arg3[%arg0, %mul3A_64, %dma_wait3A] : memref<2x10240x128xf32, #tpu.memory_space<hbm>> -> memref<1x640x128xf32, #tpu.memory_space<hbm>>
      %dma_wait3A_70 = tpu.memref_squeeze %dma_wait3A_69 : memref<1x640x128xf32, #tpu.memory_space<hbm>> -> memref<640x128xf32, #tpu.memory_space<hbm>>
      %dma_wait3A_71 = arith.constant 0 : i32
      %dma_wait3A_72 = tpu.memref_slice %arg4[%mul3A_62, %dma_wait3A_71] : memref<10240x128xf32, #tpu.memory_space<vmem_shared>> -> memref<640x128xf32, #tpu.memory_space<vmem_shared>>
      tpu.wait_dma2 semaphore(%run_scoped3A : memref<!tpu.dma_semaphore, #tpu.memory_space<semaphore_mem>>) src(%dma_wait3A_72 : memref<640x128xf32, #tpu.memory_space<vmem_shared>>) dst(%dma_wait3A_70 : memref<640x128xf32, #tpu.memory_space<hbm>>)
      tpu.yield
    }) : () -> ()
    return
  }
}

module attributes {stable_mosaic.version = 14 : i64} {
  func.func @_tc1_body(%arg0: i32, %arg1: memref<2x1024x128xf32, #tpu.memory_space<vmem>>, %arg2: memref<2x1024x128xf32, #tpu.memory_space<vmem>>, %arg3: memref<1024x128xf32, #tpu.memory_space<vmem>>, %arg4: memref<128x256xf32, #tpu.memory_space<vmem>>, %arg5: memref<1x256xf32, #tpu.memory_space<vmem>>, %arg6: memref<128x256xf32, #tpu.memory_space<vmem>>, %arg7: memref<2x1024x128xf32, #tpu.memory_space<vmem>>) attributes {dimension_semantics = [#tpu.dimension_semantics<arbitrary>], iteration_bounds = array<i64: 10>, scalar_prefetch = 0 : i64, scratch_operands = 0 : i64, tpu.core_type = #tpu.core_type<tc>, window_params = [{transform_indices = @transform_0, window_bounds = array<i64: 2, 1024, 128>}, {transform_indices = @transform_1, window_bounds = array<i64: 2, 1024, 128>}, {transform_indices = @transform_2, window_bounds = array<i64: 1024, 128>}, {pipeline_mode = #tpu.pipeline_mode<synchronous>, transform_indices = @transform_3, window_bounds = array<i64: 128, 256>}, {pipeline_mode = #tpu.pipeline_mode<synchronous>, transform_indices = @transform_4, window_bounds = array<i64: 1, 256>}, {pipeline_mode = #tpu.pipeline_mode<synchronous>, transform_indices = @transform_5, window_bounds = array<i64: 128, 256>}, {transform_indices = @transform_6, window_bounds = array<i64: 2, 1024, 128>}]} {
    %get3A = arith.constant 0 : index
    %get3A_0 = arith.constant 0 : index
    %get3A_1 = arith.constant 0 : index
    %get3A_2 = vector.load %arg1[%get3A, %get3A_0, %get3A_1] : memref<2x1024x128xf32, #tpu.memory_space<vmem>>, vector<1x1024x128xf32>
    %get3A_3 = vector.shape_cast %get3A_2 : vector<1x1024x128xf32> to vector<1024x128xf32>
    %get3A_4 = arith.constant 1 : index
    %get3A_5 = arith.constant 0 : index
    %get3A_6 = arith.constant 0 : index
    %get3A_7 = vector.load %arg1[%get3A_4, %get3A_5, %get3A_6] : memref<2x1024x128xf32, #tpu.memory_space<vmem>>, vector<1x1024x128xf32>
    %get3A_8 = vector.shape_cast %get3A_7 : vector<1x1024x128xf32> to vector<1024x128xf32>
    %add3A = arith.addf %get3A_3, %get3A_8 : vector<1024x128xf32>
    %get3A_9 = arith.constant 0 : index
    %get3A_10 = arith.constant 0 : index
    %get3A_11 = arith.constant 0 : index
    %get3A_12 = vector.load %arg2[%get3A_9, %get3A_10, %get3A_11] : memref<2x1024x128xf32, #tpu.memory_space<vmem>>, vector<1x1024x128xf32>
    %get3A_13 = vector.shape_cast %get3A_12 : vector<1x1024x128xf32> to vector<1024x128xf32>
    %slice3A = vector.extract_strided_slice %get3A_13 {offsets = [0, 0], sizes = [1024, 1], strides = [1, 1]} : vector<1024x128xf32> to vector<1024x1xf32>
    %get3A_14 = arith.constant 1 : index
    %get3A_15 = arith.constant 0 : index
    %get3A_16 = arith.constant 0 : index
    %get3A_17 = vector.load %arg2[%get3A_14, %get3A_15, %get3A_16] : memref<2x1024x128xf32, #tpu.memory_space<vmem>>, vector<1x1024x128xf32>
    %get3A_18 = vector.shape_cast %get3A_17 : vector<1x1024x128xf32> to vector<1024x128xf32>
    %slice3A_19 = vector.extract_strided_slice %get3A_18 {offsets = [0, 0], sizes = [1024, 1], strides = [1, 1]} : vector<1024x128xf32> to vector<1024x1xf32>
    %add3A_20 = arith.addf %slice3A, %slice3A_19 : vector<1024x1xf32>
    %max3A = arith.constant 1.000000e+00 : f32
    %max3A_21 = vector.broadcast %max3A : f32 to vector<1024x1xf32>
    %max3A_22 = arith.maximumf %add3A_20, %max3A_21 : vector<1024x1xf32>
    %div3A = vector.broadcast %max3A_22 : vector<1024x1xf32> to vector<1024x128xf32>
    %div3A_23 = arith.divf %add3A, %div3A : vector<1024x128xf32>
    %get3A_24 = arith.constant 0 : index
    %get3A_25 = arith.constant 0 : index
    %get3A_26 = vector.load %arg4[%get3A_24, %get3A_25] : memref<128x256xf32, #tpu.memory_space<vmem>>, vector<128x256xf32>
    %dot_general3A = arith.constant dense<0.000000e+00> : vector<1024x256xf32>
    %dot_general3A_27 = tpu.matmul %div3A_23, %get3A_26, %dot_general3A {dimension_numbers = #tpu.dot_dimension_numbers<[1], [0], [0], [1], [0, 0, 1, 1], [], []>, transpose_lhs_hint = false} : vector<1024x128xf32>, vector<128x256xf32>, vector<1024x256xf32> -> vector<1024x256xf32>
    %get3A_28 = arith.constant 0 : index
    %get3A_29 = arith.constant 0 : index
    %get3A_30 = vector.load %arg5[%get3A_28, %get3A_29] : memref<1x256xf32, #tpu.memory_space<vmem>>, vector<1x256xf32>
    %add3A_31 = vector.broadcast %get3A_30 : vector<1x256xf32> to vector<1024x256xf32>
    %add3A_32 = arith.addf %dot_general3A_27, %add3A_31 : vector<1024x256xf32>
    %get3A_33 = arith.constant 0 : index
    %get3A_34 = arith.constant 0 : index
    %get3A_35 = vector.load %arg3[%get3A_33, %get3A_34] : memref<1024x128xf32, #tpu.memory_space<vmem>>, vector<1024x128xf32>
    %get3A_36 = arith.constant 0 : index
    %get3A_37 = arith.constant 0 : index
    %get3A_38 = vector.load %arg6[%get3A_36, %get3A_37] : memref<128x256xf32, #tpu.memory_space<vmem>>, vector<128x256xf32>
    %dot_general3A_39 = arith.constant dense<0.000000e+00> : vector<1024x256xf32>
    %dot_general3A_40 = tpu.matmul %get3A_35, %get3A_38, %dot_general3A_39 {dimension_numbers = #tpu.dot_dimension_numbers<[1], [0], [0], [1], [0, 0, 1, 1], [], []>, transpose_lhs_hint = false} : vector<1024x128xf32>, vector<128x256xf32>, vector<1024x256xf32> -> vector<1024x256xf32>
    %add3A_41 = arith.addf %add3A_32, %dot_general3A_40 : vector<1024x256xf32>
    %max3A_42 = arith.constant 0.000000e+00 : f32
    %max3A_43 = vector.broadcast %max3A_42 : f32 to vector<1024x256xf32>
    %max3A_44 = arith.maximumf %add3A_41, %max3A_43 : vector<1024x256xf32>
    %slice3A_45 = vector.extract_strided_slice %max3A_44 {offsets = [0, 0], sizes = [1024, 128], strides = [1, 1]} : vector<1024x256xf32> to vector<1024x128xf32>
    %swap3A = arith.constant 0 : index
    %swap3A_46 = arith.constant 0 : index
    %swap3A_47 = arith.constant 0 : index
    %swap3A_48 = vector.load %arg7[%swap3A, %swap3A_46, %swap3A_47] : memref<2x1024x128xf32, #tpu.memory_space<vmem>>, vector<1x1024x128xf32>
    %swap3A_49 = vector.shape_cast %swap3A_48 : vector<1x1024x128xf32> to vector<1024x128xf32>
    %swap3A_50 = vector.shape_cast %slice3A_45 : vector<1024x128xf32> to vector<1x1024x128xf32>
    tpu.vector_store %arg7[%swap3A, %swap3A_46, %swap3A_47], %swap3A_50 {strides = array<i32>} : memref<2x1024x128xf32, #tpu.memory_space<vmem>>, vector<1x1024x128xf32>,
    %slice3A_51 = vector.extract_strided_slice %max3A_44 {offsets = [0, 128], sizes = [1024, 128], strides = [1, 1]} : vector<1024x256xf32> to vector<1024x128xf32>
    %swap3A_52 = arith.constant 1 : index
    %swap3A_53 = arith.constant 0 : index
    %swap3A_54 = arith.constant 0 : index
    %swap3A_55 = vector.load %arg7[%swap3A_52, %swap3A_53, %swap3A_54] : memref<2x1024x128xf32, #tpu.memory_space<vmem>>, vector<1x1024x128xf32>
    %swap3A_56 = vector.shape_cast %swap3A_55 : vector<1x1024x128xf32> to vector<1024x128xf32>
    %swap3A_57 = vector.shape_cast %slice3A_51 : vector<1024x128xf32> to vector<1x1024x128xf32>
    tpu.vector_store %arg7[%swap3A_52, %swap3A_53, %swap3A_54], %swap3A_57 {strides = array<i32>} : memref<2x1024x128xf32, #tpu.memory_space<vmem>>, vector<1x1024x128xf32>,
    return
  }
  func.func @transform_0(%arg0: i32) -> (i32, i32, i32) {
    %c0_i32 = arith.constant 0 : i32
    %c0_i32_0 = arith.constant 0 : i32
    %c0_i32_1 = arith.constant 0 : i32
    return %c0_i32, %arg0, %c0_i32_0 : i32, i32, i32
  }
  func.func @transform_1(%arg0: i32) -> (i32, i32, i32) {
    %c0_i32 = arith.constant 0 : i32
    %c0_i32_0 = arith.constant 0 : i32
    %c0_i32_1 = arith.constant 0 : i32
    return %c0_i32, %arg0, %c0_i32_0 : i32, i32, i32
  }
  func.func @transform_2(%arg0: i32) -> (i32, i32) {
    %c0_i32 = arith.constant 0 : i32
    %c0_i32_0 = arith.constant 0 : i32
    return %arg0, %c0_i32 : i32, i32
  }
  func.func @transform_3(%arg0: i32) -> (i32, i32) {
    %c0_i32 = arith.constant 0 : i32
    %c0_i32_0 = arith.constant 0 : i32
    %c0_i32_1 = arith.constant 0 : i32
    return %c0_i32, %c0_i32_0 : i32, i32
  }
  func.func @transform_4(%arg0: i32) -> (i32, i32) {
    %c0_i32 = arith.constant 0 : i32
    %c0_i32_0 = arith.constant 0 : i32
    %c0_i32_1 = arith.constant 0 : i32
    return %c0_i32, %c0_i32_0 : i32, i32
  }
  func.func @transform_5(%arg0: i32) -> (i32, i32) {
    %c0_i32 = arith.constant 0 : i32
    %c0_i32_0 = arith.constant 0 : i32
    %c0_i32_1 = arith.constant 0 : i32
    return %c0_i32, %c0_i32_0 : i32, i32
  }
  func.func @transform_6(%arg0: i32) -> (i32, i32, i32) {
    %c0_i32 = arith.constant 0 : i32
    %c0_i32_0 = arith.constant 0 : i32
    %c0_i32_1 = arith.constant 0 : i32
    return %c0_i32, %arg0, %c0_i32_0 : i32, i32, i32
  }
}

module attributes {stable_mosaic.version = 14 : i64} {
  func.func @_tc2_body(%arg0: i32, %arg1: memref<2x1024x128xf32, #tpu.memory_space<vmem>>, %arg2: memref<2x1024x128xf32, #tpu.memory_space<vmem>>, %arg3: memref<2x1024x128xf32, #tpu.memory_space<vmem>>, %arg4: memref<256x256xf32, #tpu.memory_space<vmem>>, %arg5: memref<1x256xf32, #tpu.memory_space<vmem>>, %arg6: memref<256x256xf32, #tpu.memory_space<vmem>>, %arg7: memref<256x128xf32, #tpu.memory_space<vmem>>, %arg8: memref<1x128xf32, #tpu.memory_space<vmem>>, %arg9: memref<1024x128xf32, #tpu.memory_space<vmem>>) attributes {dimension_semantics = [#tpu.dimension_semantics<arbitrary>], iteration_bounds = array<i64: 10>, scalar_prefetch = 0 : i64, scratch_operands = 0 : i64, tpu.core_type = #tpu.core_type<tc>, window_params = [{transform_indices = @transform_0, window_bounds = array<i64: 2, 1024, 128>}, {transform_indices = @transform_1, window_bounds = array<i64: 2, 1024, 128>}, {transform_indices = @transform_2, window_bounds = array<i64: 2, 1024, 128>}, {pipeline_mode = #tpu.pipeline_mode<synchronous>, transform_indices = @transform_3, window_bounds = array<i64: 256, 256>}, {pipeline_mode = #tpu.pipeline_mode<synchronous>, transform_indices = @transform_4, window_bounds = array<i64: 1, 256>}, {pipeline_mode = #tpu.pipeline_mode<synchronous>, transform_indices = @transform_5, window_bounds = array<i64: 256, 256>}, {pipeline_mode = #tpu.pipeline_mode<synchronous>, transform_indices = @transform_6, window_bounds = array<i64: 256, 128>}, {pipeline_mode = #tpu.pipeline_mode<synchronous>, transform_indices = @transform_7, window_bounds = array<i64: 1, 128>}, {transform_indices = @transform_8, window_bounds = array<i64: 1024, 128>}]} {
    %get3A = arith.constant 0 : index
    %get3A_0 = arith.constant 0 : index
    %get3A_1 = arith.constant 0 : index
    %get3A_2 = vector.load %arg2[%get3A, %get3A_0, %get3A_1] : memref<2x1024x128xf32, #tpu.memory_space<vmem>>, vector<1x1024x128xf32>
    %get3A_3 = vector.shape_cast %get3A_2 : vector<1x1024x128xf32> to vector<1024x128xf32>
    %slice3A = vector.extract_strided_slice %get3A_3 {offsets = [0, 0], sizes = [1024, 1], strides = [1, 1]} : vector<1024x128xf32> to vector<1024x1xf32>
    %get3A_4 = arith.constant 1 : index
    %get3A_5 = arith.constant 0 : index
    %get3A_6 = arith.constant 0 : index
    %get3A_7 = vector.load %arg2[%get3A_4, %get3A_5, %get3A_6] : memref<2x1024x128xf32, #tpu.memory_space<vmem>>, vector<1x1024x128xf32>
    %get3A_8 = vector.shape_cast %get3A_7 : vector<1x1024x128xf32> to vector<1024x128xf32>
    %slice3A_9 = vector.extract_strided_slice %get3A_8 {offsets = [0, 0], sizes = [1024, 1], strides = [1, 1]} : vector<1024x128xf32> to vector<1024x1xf32>
    %add3A = arith.addf %slice3A, %slice3A_9 : vector<1024x1xf32>
    %max3A = arith.constant 1.000000e+00 : f32
    %max3A_10 = vector.broadcast %max3A : f32 to vector<1024x1xf32>
    %max3A_11 = arith.maximumf %add3A, %max3A_10 : vector<1024x1xf32>
    %get3A_12 = arith.constant 0 : index
    %get3A_13 = arith.constant 0 : index
    %get3A_14 = arith.constant 0 : index
    %get3A_15 = vector.load %arg1[%get3A_12, %get3A_13, %get3A_14] : memref<2x1024x128xf32, #tpu.memory_space<vmem>>, vector<1x1024x128xf32>
    %get3A_16 = vector.shape_cast %get3A_15 : vector<1x1024x128xf32> to vector<1024x128xf32>
    %div3A = vector.broadcast %max3A_11 : vector<1024x1xf32> to vector<1024x128xf32>
    %div3A_17 = arith.divf %get3A_16, %div3A : vector<1024x128xf32>
    %get3A_18 = arith.constant 1 : index
    %get3A_19 = arith.constant 0 : index
    %get3A_20 = arith.constant 0 : index
    %get3A_21 = vector.load %arg1[%get3A_18, %get3A_19, %get3A_20] : memref<2x1024x128xf32, #tpu.memory_space<vmem>>, vector<1x1024x128xf32>
    %get3A_22 = vector.shape_cast %get3A_21 : vector<1x1024x128xf32> to vector<1024x128xf32>
    %div3A_23 = vector.broadcast %max3A_11 : vector<1024x1xf32> to vector<1024x128xf32>
    %div3A_24 = arith.divf %get3A_22, %div3A_23 : vector<1024x128xf32>
    %get3A_25 = arith.constant 0 : index
    %get3A_26 = arith.constant 0 : index
    %get3A_27 = vector.load %arg4[%get3A_25, %get3A_26] : memref<256x256xf32, #tpu.memory_space<vmem>>, vector<256x256xf32>
    %get3A_28 = arith.constant 0 : index
    %get3A_29 = arith.constant 0 : index
    %get3A_30 = vector.load %arg6[%get3A_28, %get3A_29] : memref<256x256xf32, #tpu.memory_space<vmem>>, vector<256x256xf32>
    %slice3A_31 = vector.extract_strided_slice %get3A_27 {offsets = [0, 0], sizes = [128, 256], strides = [1, 1]} : vector<256x256xf32> to vector<128x256xf32>
    %dot_general3A = arith.constant dense<0.000000e+00> : vector<1024x256xf32>
    %dot_general3A_32 = tpu.matmul %div3A_17, %slice3A_31, %dot_general3A {dimension_numbers = #tpu.dot_dimension_numbers<[1], [0], [0], [1], [0, 0, 1, 1], [], []>, transpose_lhs_hint = false} : vector<1024x128xf32>, vector<128x256xf32>, vector<1024x256xf32> -> vector<1024x256xf32>
    %slice3A_33 = vector.extract_strided_slice %get3A_27 {offsets = [128, 0], sizes = [128, 256], strides = [1, 1]} : vector<256x256xf32> to vector<128x256xf32>
    %dot_general3A_34 = arith.constant dense<0.000000e+00> : vector<1024x256xf32>
    %dot_general3A_35 = tpu.matmul %div3A_24, %slice3A_33, %dot_general3A_34 {dimension_numbers = #tpu.dot_dimension_numbers<[1], [0], [0], [1], [0, 0, 1, 1], [], []>, transpose_lhs_hint = false} : vector<1024x128xf32>, vector<128x256xf32>, vector<1024x256xf32> -> vector<1024x256xf32>
    %add3A_36 = arith.addf %dot_general3A_32, %dot_general3A_35 : vector<1024x256xf32>
    %get3A_37 = arith.constant 0 : index
    %get3A_38 = arith.constant 0 : index
    %get3A_39 = vector.load %arg5[%get3A_37, %get3A_38] : memref<1x256xf32, #tpu.memory_space<vmem>>, vector<1x256xf32>
    %add3A_40 = vector.broadcast %get3A_39 : vector<1x256xf32> to vector<1024x256xf32>
    %add3A_41 = arith.addf %add3A_36, %add3A_40 : vector<1024x256xf32>
    %get3A_42 = arith.constant 0 : index
    %get3A_43 = arith.constant 0 : index
    %get3A_44 = arith.constant 0 : index
    %get3A_45 = vector.load %arg3[%get3A_42, %get3A_43, %get3A_44] : memref<2x1024x128xf32, #tpu.memory_space<vmem>>, vector<1x1024x128xf32>
    %get3A_46 = vector.shape_cast %get3A_45 : vector<1x1024x128xf32> to vector<1024x128xf32>
    %slice3A_47 = vector.extract_strided_slice %get3A_30 {offsets = [0, 0], sizes = [128, 256], strides = [1, 1]} : vector<256x256xf32> to vector<128x256xf32>
    %dot_general3A_48 = arith.constant dense<0.000000e+00> : vector<1024x256xf32>
    %dot_general3A_49 = tpu.matmul %get3A_46, %slice3A_47, %dot_general3A_48 {dimension_numbers = #tpu.dot_dimension_numbers<[1], [0], [0], [1], [0, 0, 1, 1], [], []>, transpose_lhs_hint = false} : vector<1024x128xf32>, vector<128x256xf32>, vector<1024x256xf32> -> vector<1024x256xf32>
    %add3A_50 = arith.addf %add3A_41, %dot_general3A_49 : vector<1024x256xf32>
    %get3A_51 = arith.constant 1 : index
    %get3A_52 = arith.constant 0 : index
    %get3A_53 = arith.constant 0 : index
    %get3A_54 = vector.load %arg3[%get3A_51, %get3A_52, %get3A_53] : memref<2x1024x128xf32, #tpu.memory_space<vmem>>, vector<1x1024x128xf32>
    %get3A_55 = vector.shape_cast %get3A_54 : vector<1x1024x128xf32> to vector<1024x128xf32>
    %slice3A_56 = vector.extract_strided_slice %get3A_30 {offsets = [128, 0], sizes = [128, 256], strides = [1, 1]} : vector<256x256xf32> to vector<128x256xf32>
    %dot_general3A_57 = arith.constant dense<0.000000e+00> : vector<1024x256xf32>
    %dot_general3A_58 = tpu.matmul %get3A_55, %slice3A_56, %dot_general3A_57 {dimension_numbers = #tpu.dot_dimension_numbers<[1], [0], [0], [1], [0, 0, 1, 1], [], []>, transpose_lhs_hint = false} : vector<1024x128xf32>, vector<128x256xf32>, vector<1024x256xf32> -> vector<1024x256xf32>
    %add3A_59 = arith.addf %add3A_50, %dot_general3A_58 : vector<1024x256xf32>
    %max3A_60 = arith.constant 0.000000e+00 : f32
    %max3A_61 = vector.broadcast %max3A_60 : f32 to vector<1024x256xf32>
    %max3A_62 = arith.maximumf %add3A_59, %max3A_61 : vector<1024x256xf32>
    %get3A_63 = arith.constant 0 : index
    %get3A_64 = arith.constant 0 : index
    %get3A_65 = vector.load %arg7[%get3A_63, %get3A_64] : memref<256x128xf32, #tpu.memory_space<vmem>>, vector<256x128xf32>
    %dot_general3A_66 = arith.constant dense<0.000000e+00> : vector<1024x128xf32>
    %dot_general3A_67 = tpu.matmul %max3A_62, %get3A_65, %dot_general3A_66 {dimension_numbers = #tpu.dot_dimension_numbers<[1], [0], [0], [1], [0, 0, 1, 1], [], []>, transpose_lhs_hint = false} : vector<1024x256xf32>, vector<256x128xf32>, vector<1024x128xf32> -> vector<1024x128xf32>
    %get3A_68 = arith.constant 0 : index
    %get3A_69 = arith.constant 0 : index
    %get3A_70 = vector.load %arg8[%get3A_68, %get3A_69] : memref<1x128xf32, #tpu.memory_space<vmem>>, vector<1x128xf32>
    %add3A_71 = vector.broadcast %get3A_70 : vector<1x128xf32> to vector<1024x128xf32>
    %add3A_72 = arith.addf %dot_general3A_67, %add3A_71 : vector<1024x128xf32>
    %swap3A = arith.constant 0 : index
    %swap3A_73 = arith.constant 0 : index
    %swap3A_74 = vector.load %arg9[%swap3A, %swap3A_73] : memref<1024x128xf32, #tpu.memory_space<vmem>>, vector<1024x128xf32>
    tpu.vector_store %arg9[%swap3A, %swap3A_73], %add3A_72 {strides = array<i32>} : memref<1024x128xf32, #tpu.memory_space<vmem>>, vector<1024x128xf32>,
    return
  }
  func.func @transform_0(%arg0: i32) -> (i32, i32, i32) {
    %c0_i32 = arith.constant 0 : i32
    %c0_i32_0 = arith.constant 0 : i32
    %c0_i32_1 = arith.constant 0 : i32
    return %c0_i32, %arg0, %c0_i32_0 : i32, i32, i32
  }
  func.func @transform_1(%arg0: i32) -> (i32, i32, i32) {
    %c0_i32 = arith.constant 0 : i32
    %c0_i32_0 = arith.constant 0 : i32
    %c0_i32_1 = arith.constant 0 : i32
    return %c0_i32, %arg0, %c0_i32_0 : i32, i32, i32
  }
  func.func @transform_2(%arg0: i32) -> (i32, i32, i32) {
    %c0_i32 = arith.constant 0 : i32
    %c0_i32_0 = arith.constant 0 : i32
    %c0_i32_1 = arith.constant 0 : i32
    return %c0_i32, %arg0, %c0_i32_0 : i32, i32, i32
  }
  func.func @transform_3(%arg0: i32) -> (i32, i32) {
    %c0_i32 = arith.constant 0 : i32
    %c0_i32_0 = arith.constant 0 : i32
    %c0_i32_1 = arith.constant 0 : i32
    return %c0_i32, %c0_i32_0 : i32, i32
  }
  func.func @transform_4(%arg0: i32) -> (i32, i32) {
    %c0_i32 = arith.constant 0 : i32
    %c0_i32_0 = arith.constant 0 : i32
    %c0_i32_1 = arith.constant 0 : i32
    return %c0_i32, %c0_i32_0 : i32, i32
  }
  func.func @transform_5(%arg0: i32) -> (i32, i32) {
    %c0_i32 = arith.constant 0 : i32
    %c0_i32_0 = arith.constant 0 : i32
    %c0_i32_1 = arith.constant 0 : i32
    return %c0_i32, %c0_i32_0 : i32, i32
  }
  func.func @transform_6(%arg0: i32) -> (i32, i32) {
    %c0_i32 = arith.constant 0 : i32
    %c0_i32_0 = arith.constant 0 : i32
    %c0_i32_1 = arith.constant 0 : i32
    return %c0_i32, %c0_i32_0 : i32, i32
  }
  func.func @transform_7(%arg0: i32) -> (i32, i32) {
    %c0_i32 = arith.constant 0 : i32
    %c0_i32_0 = arith.constant 0 : i32
    %c0_i32_1 = arith.constant 0 : i32
    return %c0_i32, %c0_i32_0 : i32, i32
  }
  func.func @transform_8(%arg0: i32) -> (i32, i32) {
    %c0_i32 = arith.constant 0 : i32
    %c0_i32_0 = arith.constant 0 : i32
    return %arg0, %c0_i32 : i32, i32
  }
}

</mosaic_0001>

<sc_bundles>
// kernel: kernel.10.cloned.1.call-start
scs
__scs_entry_jumppad:
0x0: {  	(pc) =	sbr.rel $0x88, $3  }
0x1: {  	(tag) =	ssettag $0x0;
	lr =	simm.s32 $0x1  }
0x2: {  	[smem:$0x3F97] =	sst lr;
	_ =	strace $0xD0000000  }
0x3: {  	_ = 	snop  }
0x4: {  	_ = 	snop  }
0x5: {  	_ = 	snop  }
0x6: {  	_ = 	snop  }
0x7: {  	_ = 	snop  }
__scs_overlays_trampoline_lowered:
0x8: {  	[smem:$0x3FA6] =	sst s0  }
0x9: {  	[smem:$0x3FA7] =	sst s1  }
0xa: {  	[smem:$0x3FA8] =	sst s2  }
0xb: {  	[smem:$0x3FA9] =	sst s3  }
0xc: {  	[smem:$0x3FAA] =	sst s4  }
0xd: {  	[smem:$0x3FAB] =	sst s5  }
0xe: {  	[smem:$0x3FAC] =	sst s6  }
0xf: {  	[smem:$0x3FAD] =	sst s7  }
0x10: {  	[smem:$0x3FAE] =	sst s8  }
0x11: {  	[smem:$0x3FAF] =	sst s9;
	s0 =	simm.s32 @!p0 $0x0  }
0x12: {  	s1 =	sld [smem:$0x3F95];
	s0 =	simm.s32 @p0 $0x1  }
0x13: {  	[smem:$0x3FB0] =	sst s0;
	s0 =	simm.s32 @!p1 $0x0  }
0x14: {  	s2 =	sld [smem:$0x3F94];
	s0 =	simm.s32 @p1 $0x1  }
0x15: {  	[smem:$0x3FB1] =	sst s0;
	s0 =	simm.s32 @!p2 $0x0  }
0x16: {  	s3 =	sld [smem:$0x3FDB];
	s0 =	simm.s32 @p2 $0x1  }
0x17: {  	s4 =	simm.s32 $0x1BF5;
	[smem:$0x3FB3] =	sst s0  }
0x18: {  	s0 =	sld [smem:$0x3F96];
	_ =	swait.ge [sflag:s4], $0x0  }
0x19: {  	s7 =	sld [smem:$0x3F97]  }
0x1a: {  	s8 =	sadd.s32 $0xFFFFE003, lr  }
0x1b: {  	s9 =	sadd.s32 $0xFFFFFEF7, lr;
	s5 =	simm.s32 $0xFFFFFFFF;
	p2 =	slt.u32 s8, $0xFFFFF086  }
0x1c: {  	p1 =	slt.u32 s9, $0xF7A;
	s5 =	simm.s32 @!p2 $0x0  }
0x1d: {  	s5 =	simm.s32 @p1 $0x1;
	p0 =	seq.s32 s7, s2  }
0x1e: {  	s7 =	smul.u32 @!p0 $0xF7A, s2;
	p2 =	seq.s32 @!p0 s5, $0x0  }
0x1f: {  	s9 =	smul.u32 $0xF7A, s1;
	s8 =	simm.s32 @!p0 $0x1BF5;
	p2 =	por !p2, p0  }
0x20: {  	[sflag:s8] =	ssyncset.s32 @!p0 $0xFFFFF086;
	s6 =	sadd.s32 @!p0 s3, s7;
	s7 =	simm.s32 @!p0 $0x108  }
0x21: {  	s3 =	sadd.s32 s3, s9;
	s6 =	sadd.s32 @!p0 $0x88, s6;
	s7 =	simm.s32 @p2 $0x1082  }
0x22: {  	[simem:s7], [sflag:s8] =	dma.local @!p0 [hbm:s6], $0xF7A  }
0x23: {  	s9 =	sor.u32 $0xD0000000, s2;
	s6 =	simm.s32 $0x108;
	_ =	swait.ge @!p0 [sflag:s8], $0x0  }
0x24: {  	s3 =	sadd.s32 $0x88, s3;
	s6 =	simm.s32 @!p1 $0x1082;
	[sflag:s4] =	ssyncset.s32 $0xFFFFF086  }
0x25: {  	[simem:s6], [sflag:s4] =	dma.local [hbm:s3], $0xF7A  }
0x26: {  	[smem:$0x3F97] =	sst s1;
	(tag) =	ssettag s2;
	_ =	strace s9  }
0x27: {  	s1 =	sld [smem:$0x3FA7]  }
0x28: {  	s2 =	sld [smem:$0x3FA8]  }
0x29: {  	s4 =	sld [smem:$0x3FAA]  }
0x2a: {  	p0 =	seq.s32 s5, $0x0;
	s5 =	sld [smem:$0x3FAB]  }
0x2b: {  	s6 =	sld [smem:$0x3FAC]  }
0x2c: {  	s7 =	sld [smem:$0x3FAD]  }
0x2d: {  	s3 =	simm.s32 $0x108;
	s8 =	sld [smem:$0x3FAE]  }
0x2e: {  	s3 =	simm.s32 @!p0 $0x1082;
	s9 =	sld [smem:$0x3FAF]  }
0x2f: {  	lr =	sadd.s32 s0, s3;
	s0 =	sld [smem:$0x3FA6]  }
0x30: {  	s3 =	sld [smem:$0x3FA9]  }
0x31: {  	[smem:$0x3FB2] =	sst s10  }
0x32: {  	s10 =	sld [smem:$0x3FB0];
	_ =	sdelay $0x3  }
0x33: {  	p0 =	seq.s32 s10, $0x1;
	s10 =	sld [smem:$0x3FB2];
	_ =	sdelay $0x3  }
0x34: {  	[smem:$0x3FB2] =	sst s10  }
0x35: {  	s10 =	sld [smem:$0x3FB1];
	_ =	sdelay $0x3  }
0x36: {  	p1 =	seq.s32 s10, $0x1;
	s10 =	sld [smem:$0x3FB2];
	_ =	sdelay $0x3  }
0x37: {  	[smem:$0x3FB2] =	sst s10  }
0x38: {  	s10 =	sld [smem:$0x3FB3]  }
0x39: {  	_ = 	snop;
	(pc) =	sbr.ind lr, $3  }
0x3a: {  	_ = 	snop  }
0x3b: {  	_ = 	snop  }
0x3c: {  	p2 =	seq.s32 s10, $0x1;
	s10 =	sld [smem:$0x3FB2]  }
0x3d: {  	_ =	shalt  }
0x3e: {  	_ =	shalt  }
0x3f: {  	_ =	shalt  }
0x40: {  	_ =	shalt  }
0x41: {  	_ =	shalt  }
0x42: {  	_ =	shalt  }
0x43: {  	_ =	shalt  }
0x44: {  	_ =	shalt  }
0x45: {  	_ =	shalt  }
0x46: {  	_ =	shalt  }
0x47: {  	_ =	shalt  }
0x48: {  	_ =	shalt  }
0x49: {  	_ =	shalt  }
0x4a: {  	_ =	shalt  }
0x4b: {  	_ =	shalt  }
0x4c: {  	_ =	shalt  }
0x4d: {  	_ =	shalt  }
0x4e: {  	_ =	shalt  }
0x4f: {  	_ =	shalt  }
0x50: {  	_ =	shalt  }
0x51: {  	_ =	shalt  }
0x52: {  	_ =	shalt  }
0x53: {  	_ =	shalt  }
0x54: {  	_ =	shalt  }
0x55: {  	_ =	shalt  }
0x56: {  	_ =	shalt  }
0x57: {  	_ =	shalt  }
0x58: {  	_ =	shalt  }
0x59: {  	_ =	shalt  }
0x5a: {  	_ =	shalt  }
0x5b: {  	_ =	shalt  }
0x5c: {  	_ =	shalt  }
0x5d: {  	_ =	shalt  }
0x5e: {  	_ =	shalt  }
0x5f: {  	_ =	shalt  }
0x60: {  	_ =	shalt  }
0x61: {  	_ =	shalt  }
0x62: {  	_ =	shalt  }
0x63: {  	_ =	shalt  }
0x64: {  	_ =	shalt  }
0x65: {  	_ =	shalt  }
0x66: {  	_ =	shalt  }
0x67: {  	_ =	shalt  }
0x68: {  	_ =	shalt  }
0x69: {  	_ =	shalt  }
0x6a: {  	_ =	shalt  }
0x6b: {  	_ =	shalt  }
0x6c: {  	_ =	shalt  }
0x6d: {  	_ =	shalt  }
0x6e: {  	_ =	shalt  }
0x6f: {  	_ =	shalt  }
0x70: {  	_ =	shalt  }
0x71: {  	_ =	shalt  }
0x72: {  	_ =	shalt  }
0x73: {  	_ =	shalt  }
0x74: {  	_ =	shalt  }
0x75: {  	_ =	shalt  }
0x76: {  	_ =	shalt  }
0x77: {  	_ =	shalt  }
0x78: {  	_ =	shalt  }
0x79: {  	_ =	shalt  }
0x7a: {  	_ =	shalt  }
0x7b: {  	_ =	shalt  }
0x7c: {  	_ =	shalt  }
0x7d: {  	_ =	shalt  }
0x7e: {  	_ =	shalt  }
0x7f: {  	_ =	shalt  }
0x80: {  	_ =	shalt  }
0x81: {  	_ =	shalt  }
0x82: {  	_ =	shalt  }
0x83: {  	_ =	shalt  }
0x84: {  	_ =	shalt  }
0x85: {  	_ =	shalt  }
0x86: {  	_ =	shalt  }
0x87: {  	_ =	shalt  }
.Lfunc_end0:
.L_simem_size_0:
called_computation.1_lowered:
.L_overlay_start_0:
0x88: {  	s2 =	sld [smem:$0x3FD9]  }
0x89: {  	s3 =	sld [smem:$0x3FFE];
	_ =	sdelay $0x1  }
0x8a: {  	s1 =	srdreg.scid  }
0x8b: {  	s0 =	sand.u32 $0x1, s1  }
0x8c: {  	s16 =	sshll.u32 s0, $0xA;
	s2 =	sadd.s32 s3, s2  }
0x8d: {  	s2 =	sadd.s32 s2, s16  }
0x8e: {  	[smem:$0x3FBE] =	sst s2  }
0x8f: {  	_ = 	snop  }
0x90: {  	(tm) =	ssettm $0x1  }
0x91: {  	s17 =	sld [smem:$0x3FFB];
	_ =	sdelay $0x3  }
0x92: {  	_ =	strace s17  }
0x93: {  	s2 =	sld [smem:$0x3FFC];
	_ =	sdelay $0x3  }
0x94: {  	_ =	strace s2  }
0x95: {  	s2 =	sld [smem:$0x3FFD];
	_ =	sdelay $0x3  }
0x96: {  	_ =	strace s2  }
0x97: {  	_ =	strace $0x8FFFFFFF  }
0x98: {  	s18 =	sld [smem:$0x3FDB];
	_ =	sdelay $0x1  }
0x99: {  	s19 =	simm.s32 $_scs_section_size  }
0x9a: {  	s4 =	simm.s32 $_size__tile_overlayer_lowered;
	s5 =	simm.s32 $_tile_overlayer_lowered  }
0x9b: {  	s22 =	simm.s32 $0x1BFF;
	s21 =	sshll.u32 s5, $0x1;
	s2 =	sadd.s32 s19, s18  }
0x9c: {  	s6 =	simm.s32 $0x0;
	s20 =	sshll.u32 s4, $0x1;
	s4 =	sadd.s32 s21, s2  }
0x9d: {  	[timem:s6], [sflag:s22] =	dma.local [hbm:s4], s20  }
0x9e: {  	_ =	swait.ge [sflag:s22], s20  }
0x9f: {  	s3 =	ssub.s32 $0x0, s20;
	[sflag:s22] =	ssyncset.done $0x0  }
0xa0: {  	[sflag:s22] =	ssyncadd.s32 s3;
	_ =	sdelay $0x1  }
0xa1: {  	s23 =	simm.s32 $0x1B8B  }
0xa2: {  	_ =	swait.ge [sflag:s23], $0x1  }
0xa3: {  	[sflag:s23] =	ssyncset.done $0x0  }
0xa4: {  	s25 =	simm.s32 $0x1B8E;
	s24 =	sld [smem:$0x3FFE];
	[sflag:s23] =	ssyncadd.s32 $0xFFFFFFFF  }
0xa5: {  	s26 =	simm.s32 $execute0_lowered;
	[smem:$0x3FD2] =	sst s25  }
0xa6: {  	s4 =	sshll.u32 s26, $0x1;
	_ =	strace $0x80000046;
	[dreg:$0x1] =	wrdreg $0xFFFFFFFF  }
0xa7: {  	s28 =	simm.s32 $_size_execute0_lowered;
	s2 =	sadd.s32 s2, s4;
	[dreg:$0x0] =	wrdreg $0x0  }
0xa8: {  	s4 =	sshll.u32 s28, $0x1;
	[dreg:$0x2] =	wrdreg s2  }
0xa9: {  	[dreg:$0x3] =	wrdreg s4  }
0xaa: {  	[dreg:$0x4] =	wrdreg $0xC0  }
0xab: {  	_ =	task [dreg:s6], $0x5FFFF  }
0xac: {  	[dreg:$0x1] =	wrdreg $0xFFFFFFFF  }
0xad: {  	[dreg:$0x0] =	wrdreg $0x60  }
0xae: {  	[dreg:$0x2] =	wrdreg s24  }
0xaf: {  	[dreg:$0x3] =	wrdreg $0x0  }
0xb0: {  	[dreg:$0x4] =	wrdreg $0xA  }
0xb1: {  	_ =	task.clear_ibuf [dreg:s6], $0x5FFFF;
	_ =	strace $0x90000046  }
0xb2: {  	s29 =	simm.s32 $0xA;
	_ =	strace $0x80000048  }
0xb3: {  	_ =	swait.ge [sflag:s29], $0x1  }
0xb4: {  	[sflag:s29] =	ssyncadd.s32 $0xFFFFFFFF  }
0xb5: {  	_ =	strace $0x90000048  }
0xb6: {  	_ =	sfence  }
0xb7: {  	s30 =	sld [smem:$0x0];
	_ =	sdelay $0x2  }
0xb8: {  	s31 =	sshll.u32 s1, $0xD;
	s1 =	sshrl.u32 s1, $0x2  }
0xb9: {  	s3 =	sand.u32 $0x4000, s31;
	s1 =	sadd.s32 s1, s30  }
0xba: {  	s0 =	sor.u32 s3, s0;
	s1 =	sshll.u32 s1, $0x11  }
0xbb: {  	s0 =	sor.u32 s1, s0  }
0xbc: {  	s0 =	sadd.s32 $0x8F2B, s0  }
0xbd: {  	[sflag:s0] =	ssyncadd.remote.s32 $0x1  }
0xbe: {  	_ =	sfence.sel $0xFFFF  }
0xbf: {  	[dreg:$0x0] =	wrdreg $0xFFFFFFFF;
	(pc) =	sbr.abs _section_cstart, $3  }
0xc0: {  	[dreg:$0x1] =	wrdreg $0xFFFFFFFF  }
0xc1: {  	_ =	task.clear_ibuf [dreg:s6], $0x2FFFF;
	_ =	strace $0x9FFFFFFF  }
0xc2: {  	(tm) =	ssettm $0x7FFFFFFF  }
0xc3: {  	_ =	shalt  }
tec
execute0_lowered:
.L_overlay_start_1:
0x0: {  	(tag) =	ssettag $0x1  }
0x1: {  	s1 =	rddreg [dreg:$0x0]  }
0x2: {  	s2 =	rddreg [dreg:$0x1];
	s3 =	simm.s32 $0x0  }
0x3: {  	s15 =	simm.s32 $0x14080;
	[smem:$0x7FF] =	sst s3  }
0x4: {  	s17 =	simm.s32 $0x14100;
	_ =	strace $0x80000047;
	[dreg:$0x5] =	wrdreg s15  }
0x5: {  	s18 =	simm.s32 $0x14180;
	[dreg:$0x6] =	wrdreg s17  }
0x6: {  	s0 =	srdreg.scid;
	s20 =	simm.s32 $0x14880;
	[dreg:$0x7] =	wrdreg s18  }
0x7: {  	s8 =	stileid.u32;
	s22 =	simm.s32 $0x14200;
	[dreg:$0x8] =	wrdreg s20  }
0x8: {  	s24 =	simm.s32 $0x14900;
	s26 =	simm.s32 $0x14280;
	[dreg:$0x9] =	wrdreg s22  }
0x9: {  	s9 =	simm.s32 $0x14980;
	s11 =	simm.s32 $0x14300;
	[dreg:$0xa] =	wrdreg s24  }
0xa: {  	s28 =	simm.s32 $0x5;
	s29 =	simm.s32 $0x3;
	[dreg:$0xb] =	wrdreg s26  }
0xb: {  	s30 =	simm.s32 $0x6;
	s0 =	sand.u32 $0x1, s0;
	[dreg:$0xc] =	wrdreg s9  }
0xc: {  	s4 =	smul.u32 $0xA000, s8;
	[dreg:$0xd] =	wrdreg s11;
	s15 =	simm.s32 $0x14380  }
0xd: {  	s7 =	smul.u32 $0x14000, s8;
	s17 =	simm.s32 $0x14400;
	[dreg:$0xf] =	wrdreg s15  }
0xe: {  	s8 =	smul.u32 $0x50000, s8;
	s18 =	simm.s32 $0x14B00;
	[dreg:$0x11] =	wrdreg s17  }
0xf: {  	s5 =	smul.u32 $0x5000, s0;
	s20 =	simm.s32 $0x14B80;
	[dreg:$0x12] =	wrdreg s18  }
0x10: {  	s6 =	smul.u32 $0x140000, s0;
	s22 =	simm.s32 $0x14C00;
	[dreg:$0x14] =	wrdreg s20  }
0x11: {  	s0 =	ssub.s32 $0x2, s0;
	s24 =	simm.s32 $0x14C80;
	[dreg:$0x16] =	wrdreg s22  }
0x12: {  	s26 =	simm.s32 $0x14D00;
	s13 =	sshrl.u32 s0, $0x1;
	[dreg:$0x18] =	wrdreg s24  }
0x13: {  	s16 =	sshrl.u32 s8, $0x2;
	[dreg:$0x1a] =	wrdreg s26;
	s5 =	sadd.s32 s5, s4  }
0x14: {  	s4 =	sadd.s32 $0x2A200, s1;
	s6 =	sadd.s32 s7, s6;
	s0 =	ssub.s32 s0, s13  }
0x15: {  	s13 =	simm.s32 $0x14A00;
	s5 =	sshrl.u32 s5, $0x3;
	s6 =	sshrl.u32 s6, $0x3  }
0x16: {  	[dreg:$0xe] =	wrdreg s13;
	s0 =	smax.u32 s0, $0x1;
	s5 =	sadd.s32 s5, s1  }
0x17: {  	s1 =	sadd.s32 s6, s1;
	s6 =	sadd.s32 s16, s2;
	[smem:$0x7FD] =	sst s0  }
0x18: {  	s31 =	simm.s32 $0x4;
	s16 =	simm.s32 $0x14A80;
	[dreg:$0x1b] =	wrdreg s6  }
0x19: {  	s9 =	simm.s32 $0x14E00;
	s14 =	sadd.s32 $0x2200, s5;
	[dreg:$0x10] =	wrdreg s16  }
0x1a: {  	s11 =	simm.s32 $0x14E80;
	s5 =	sadd.s32 $0x16200, s5;
	[dreg:$0x3] =	wrdreg s14  }
0x1b: {  	s17 =	simm.s32 $0x15000;
	s19 =	sadd.s32 $0x2000, s6;
	[dreg:$0x4] =	wrdreg s5  }
0x1c: {  	s18 =	simm.s32 $0x9;
	s21 =	sadd.s32 $0x4000, s6;
	[dreg:$0x1c] =	wrdreg s19  }
0x1d: {  	s20 =	simm.s32 $0x14800;
	s23 =	sadd.s32 $0x6000, s6;
	[dreg:$0x1d] =	wrdreg s21  }
0x1e: {  	s22 =	simm.s32 $0x17000;
	s25 =	sadd.s32 $0x8000, s6;
	[dreg:$0x1e] =	wrdreg s23  }
0x1f: {  	s24 =	simm.s32 $0x1;
	s8 =	sadd.s32 $0xA000, s6;
	[dreg:$0x1f] =	wrdreg s25  }
0x20: {  	s26 =	simm.s32 $0x2;
	s10 =	sadd.s32 $0xC000, s6;
	[smem:$0x7F7] =	sst s8  }
0x21: {  	s7 =	simm.s32 $0x14D80;
	s12 =	sadd.s32 $0xE000, s6;
	[smem:$0x7F8] =	sst s10  }
0x22: {  	s13 =	simm.s32 $0x14F80;
	s1 =	sadd.s32 $0x52200, s1;
	[smem:$0x7F9] =	sst s12  }
0x23: {  	s0 =	simm.s32 $0x8;
	s14 =	sadd.s32 $0x10000, s6;
	[smem:$0x7FC] =	sst s1  }
0x24: {  	s6 =	sadd.s32 $0x12000, s6;
	s19 =	simm.s32 $0x14480;
	[smem:$0x7FA] =	sst s14  }
0x25: {  	s21 =	simm.s32 $0x14500;
	s23 =	simm.s32 $0x14580;
	[smem:$0x7FB] =	sst s6  }
0x26: {  	s25 =	simm.s32 $0x14600;
	s1 =	simm.s32 $0x7;
	[dreg:$0x13] =	wrdreg s19  }
0x27: {  	s8 =	simm.s32 $0x14700;
	s10 =	simm.s32 $0x14780;
	[dreg:$0x15] =	wrdreg s21  }
0x28: {  	s12 =	simm.s32 $0x14F00;
	s19 =	simm.s32 $0x14000;
	[dreg:$0x17] =	wrdreg s23  }
0x29: {  	s21 =	simm.s32 $0x40;
	s23 =	simm.s32 $0x19000;
	[dreg:$0x19] =	wrdreg s25  }
0x2a: {  	v0 =	vimm.f32 $0.0e+00;
	s25 =	simm.s32 $0x1B000;
	s6 =	simm.s32 $0x14680;
	s14 =	simm.s32 $0x0  }
.LBB2_1:
0x2b: {  	s15 =	simm.s32 $0x0;
	s16 =	simm.s32 $0x200  }
.LBB2_2:
0x2c: {  	p0 =	sne.s32 s16, $0x7E00;
	[tilespmem:s15+$0x15070] =	vst v0  }
0x2d: {  	[tilespmem:s15+$0x15000] =	vst v0  }
0x2e: {  	[tilespmem:s15+$0x15010] =	vst v0  }
.Ltmp0:
0x2f: {  	[tilespmem:s15+$0x15020] =	vst v0;
	(pc) =	sbr.rel @p0 .LBB2_2-.Ltmp0, $4  }
0x30: {  	[tilespmem:s15+$0x15030] =	vst v0  }
0x31: {  	[tilespmem:s15+$0x15040] =	vst v0  }
0x32: {  	[tilespmem:s15+$0x15050] =	vst v0  }
0x33: {  	[tilespmem:s15+$0x15060] =	vst v0;
	s15 =	sshra.s32 s16, $0x2;
	s16 =	sadd.s32 $0x200, s16  }
0x34: {  	[tilespmem:s15+$0x15070] =	vst v0  }
0x35: {  	[tilespmem:s15+$0x15000] =	vst v0  }
0x36: {  	[tilespmem:s15+$0x15010] =	vst v0  }
0x37: {  	[tilespmem:s15+$0x15020] =	vst v0  }
0x38: {  	[tilespmem:s15+$0x15030] =	vst v0  }
0x39: {  	[tilespmem:s15+$0x15040] =	vst v0  }
0x3a: {  	[smem:$0x7F6] =	sst s14;
	[tilespmem:s15+$0x15050] =	vst v0  }
0x3b: {  	[tilespmem:s15+$0x15060] =	vst v0;
	s5 =	rddreg [dreg:$0x1b]  }
0x3c: {  	[spmem:s5] =	stream.linear.scatter [tilespmem:s17], [sflag:$0x9], $0x2000, $0x38;
	[tilespmem:$0x1D000] =	vst v63  }
0x3d: {  	_ =	swait.ge [sflag:s18], $0x2000  }
0x3e: {  	[sflag:s18] =	ssyncset.done $0x0  }
0x3f: {  	s14 =	rddreg [dreg:$0x1c];
	[sflag:s18] =	ssyncadd.s32 $0xFFFFE000  }
0x40: {  	[spmem:s14] =	stream.linear.scatter [tilespmem:s17], [sflag:$0x9], $0x2000, $0x38;
	[tilespmem:$0x1D000] =	vst v63  }
0x41: {  	_ =	swait.ge [sflag:s18], $0x2000  }
0x42: {  	[sflag:s18] =	ssyncset.done $0x0  }
0x43: {  	s15 =	rddreg [dreg:$0x1d];
	[sflag:s18] =	ssyncadd.s32 $0xFFFFE000  }
0x44: {  	[spmem:s15] =	stream.linear.scatter [tilespmem:s17], [sflag:$0x9], $0x2000, $0x38;
	[tilespmem:$0x1D000] =	vst v63  }
0x45: {  	_ =	swait.ge [sflag:s18], $0x2000  }
0x46: {  	[sflag:s18] =	ssyncset.done $0x0  }
0x47: {  	s16 =	rddreg [dreg:$0x1e];
	[sflag:s18] =	ssyncadd.s32 $0xFFFFE000  }
0x48: {  	[spmem:s16] =	stream.linear.scatter [tilespmem:s17], [sflag:$0x9], $0x2000, $0x38;
	[tilespmem:$0x1D000] =	vst v63  }
0x49: {  	_ =	swait.ge [sflag:s18], $0x2000  }
0x4a: {  	[sflag:s18] =	ssyncset.done $0x0  }
0x4b: {  	s14 =	rddreg [dreg:$0x1f];
	[sflag:s18] =	ssyncadd.s32 $0xFFFFE000  }
0x4c: {  	[spmem:s14] =	stream.linear.scatter [tilespmem:s17], [sflag:$0x9], $0x2000, $0x38;
	[tilespmem:$0x1D000] =	vst v63  }
0x4d: {  	_ =	swait.ge [sflag:s18], $0x2000  }
0x4e: {  	s15 =	sld [smem:$0x7F7]  }
0x4f: {  	[sflag:s18] =	ssyncset.done $0x0  }
0x50: {  	[sflag:s18] =	ssyncadd.s32 $0xFFFFE000  }
0x51: {  	[spmem:s15] =	stream.linear.scatter [tilespmem:s17], [sflag:$0x9], $0x2000, $0x38;
	[tilespmem:$0x1D000] =	vst v63  }
0x52: {  	_ =	swait.ge [sflag:s18], $0x2000  }
0x53: {  	s16 =	sld [smem:$0x7F8]  }
0x54: {  	[sflag:s18] =	ssyncset.done $0x0  }
0x55: {  	[sflag:s18] =	ssyncadd.s32 $0xFFFFE000  }
0x56: {  	[spmem:s16] =	stream.linear.scatter [tilespmem:s17], [sflag:$0x9], $0x2000, $0x38;
	[tilespmem:$0x1D000] =	vst v63  }
0x57: {  	_ =	swait.ge [sflag:s18], $0x2000  }
0x58: {  	s14 =	sld [smem:$0x7F9]  }
0x59: {  	[sflag:s18] =	ssyncset.done $0x0  }
0x5a: {  	[sflag:s18] =	ssyncadd.s32 $0xFFFFE000  }
0x5b: {  	[spmem:s14] =	stream.linear.scatter [tilespmem:s17], [sflag:$0x9], $0x2000, $0x38;
	[tilespmem:$0x1D000] =	vst v63  }
0x5c: {  	_ =	swait.ge [sflag:s18], $0x2000  }
0x5d: {  	s15 =	sld [smem:$0x7FA]  }
0x5e: {  	[sflag:s18] =	ssyncset.done $0x0  }
0x5f: {  	[sflag:s18] =	ssyncadd.s32 $0xFFFFE000  }
0x60: {  	[spmem:s15] =	stream.linear.scatter [tilespmem:s17], [sflag:$0x9], $0x2000, $0x38;
	[tilespmem:$0x1D000] =	vst v63  }
0x61: {  	_ =	swait.ge [sflag:s18], $0x2000  }
0x62: {  	s16 =	sld [smem:$0x7FB]  }
0x63: {  	[sflag:s18] =	ssyncset.done $0x0  }
0x64: {  	[sflag:s18] =	ssyncadd.s32 $0xFFFFE000  }
0x65: {  	[spmem:s16] =	stream.linear.scatter [tilespmem:s17], [sflag:$0x9], $0x2000, $0x38;
	[tilespmem:$0x1D000] =	vst v63  }
0x66: {  	_ =	swait.ge [sflag:s18], $0x2000  }
0x67: {  	[sflag:s18] =	ssyncset.done $0x0  }
0x68: {  	[sflag:s18] =	ssyncadd.s32 $0xFFFFE000  }
0x69: {  	[bflag:$0x0] =	sbarrier.arrive $0xFFFF  }
0x6a: {  	s14 =	rddreg [dreg:$0x4]  }
0x6b: {  	s5 =	sadd.s32 $0x0, s14  }
0x6c: {  	[tilespmem:s19], [sflag:$0x9] =	stream.linear.gather [hbm4b:s5+s3], $0x800, $0x38;
	[tilespmem:$0x1D000] =	vst v63  }
0x6d: {  	_ =	swait.ge [sflag:s18], $0x800  }
0x6e: {  	s15 =	rddreg [dreg:$0x3];
	[sflag:s18] =	ssyncset.done $0x0  }
0x6f: {  	[sflag:s18] =	ssyncadd.s32 $0xFFFFF800;
	s5 =	sadd.s32 $0x0, s15  }
0x70: {  	[tilespmem:s20], [sflag:$0x9] =	stream.linear.gather [hbm4b:s5+s3], $0x800, $0x38;
	[tilespmem:$0x1D000] =	vst v63  }
0x71: {  	_ =	swait.ge [sflag:s18], $0x800  }
0x72: {  	[sflag:s18] =	ssyncset.done $0x0  }
0x73: {  	[sflag:s18] =	ssyncadd.s32 $0xFFFFF800  }
0x74: {  	[tilespmem:s17], [sflag:$0x1] =	stream.indirect.gather [hbm4b:s4+s21], $0x80, s19, s21, $0xb8;
	[tilespmem:$0x1D000] =	vst v63  }
0x75: {  	s16 =	rddreg [dreg:$0x5]  }
0x76: {  	[tilespmem:s22], [sflag:$0x2] =	stream.indirect.gather [hbm4b:s4+s21], $0x80, s16, s21, $0xb8;
	[tilespmem:$0x1D000] =	vst v63  }
0x77: {  	s14 =	rddreg [dreg:$0x6]  }
0x78: {  	[tilespmem:s23], [sflag:$0x3] =	stream.indirect.gather [hbm4b:s4+s21], $0x80, s14, s21, $0xb8;
	[tilespmem:$0x1D000] =	vst v63  }
0x79: {  	_ =	swait.ge [sflag:s24], $0x2000  }
0x7a: {  	[sflag:s24] =	ssyncset.done $0x0  }
0x7b: {  	[sflag:s24] =	ssyncadd.s32 $0xFFFFE000  }
0x7c: {  	[spmem:s2] =	stream.indirect.scatter.add.f32 [tilespmem:s17], [sflag:$0x5], $0x80, s20, s21, $0xb8;
	[tilespmem:$0x1D000] =	vst v63  }
0x7d: {  	s15 =	rddreg [dreg:$0x7]  }
0x7e: {  	[tilespmem:s25], [sflag:$0x4] =	stream.indirect.gather [hbm4b:s4+s21], $0x80, s15, s21, $0xb8;
	[tilespmem:$0x1D000] =	vst v63  }
0x7f: {  	_ =	swait.ge [sflag:s26], $0x2000  }
0x80: {  	[sflag:s26] =	ssyncset.done $0x0  }
0x81: {  	s16 =	rddreg [dreg:$0x8];
	[sflag:s26] =	ssyncadd.s32 $0xFFFFE000  }
0x82: {  	[spmem:s2] =	stream.indirect.scatter.add.f32 [tilespmem:s22], [sflag:$0x6], $0x80, s16, s21, $0xb8;
	[tilespmem:$0x1D000] =	vst v63  }
0x83: {  	_ =	swait.ge [sflag:s28], $0x2000  }
0x84: {  	[sflag:s28] =	ssyncset.done $0x0  }
0x85: {  	s14 =	rddreg [dreg:$0x9];
	[sflag:s28] =	ssyncadd.s32 $0xFFFFE000  }
0x86: {  	[tilespmem:s17], [sflag:$0x1] =	stream.indirect.gather [hbm4b:s4+s21], $0x80, s14, s21, $0xb8;
	[tilespmem:$0x1D000] =	vst v63  }
0x87: {  	_ =	swait.ge [sflag:s29], $0x2000  }
0x88: {  	[sflag:s29] =	ssyncset.done $0x0  }
0x89: {  	s15 =	rddreg [dreg:$0xa];
	[sflag:s29] =	ssyncadd.s32 $0xFFFFE000  }
0x8a: {  	[spmem:s2] =	stream.indirect.scatter.add.f32 [tilespmem:s23], [sflag:$0x7], $0x80, s15, s21, $0xb8;
	[tilespmem:$0x1D000] =	vst v63  }
0x8b: {  	_ =	swait.ge [sflag:s30], $0x2000  }
0x8c: {  	[sflag:s30] =	ssyncset.done $0x0  }
0x8d: {  	s16 =	rddreg [dreg:$0xb];
	[sflag:s30] =	ssyncadd.s32 $0xFFFFE000  }
0x8e: {  	[tilespmem:s22], [sflag:$0x2] =	stream.indirect.gather [hbm4b:s4+s21], $0x80, s16, s21, $0xb8;
	[tilespmem:$0x1D000] =	vst v63  }
0x8f: {  	_ =	swait.ge [sflag:s31], $0x2000  }
0x90: {  	[sflag:s31] =	ssyncset.done $0x0  }
0x91: {  	s14 =	rddreg [dreg:$0xc];
	[sflag:s31] =	ssyncadd.s32 $0xFFFFE000  }
0x92: {  	[spmem:s2] =	stream.indirect.scatter.add.f32 [tilespmem:s25], [sflag:$0x8], $0x80, s14, s21, $0xb8;
	[tilespmem:$0x1D000] =	vst v63  }
0x93: {  	_ =	swait.ge [sflag:s1], $0x2000  }
0x94: {  	[sflag:s1] =	ssyncset.done $0x0  }
0x95: {  	s15 =	rddreg [dreg:$0xd];
	[sflag:s1] =	ssyncadd.s32 $0xFFFFE000  }
0x96: {  	[tilespmem:s23], [sflag:$0x3] =	stream.indirect.gather [hbm4b:s4+s21], $0x80, s15, s21, $0xb8;
	[tilespmem:$0x1D000] =	vst v63  }
0x97: {  	_ =	swait.ge [sflag:s24], $0x2000  }
0x98: {  	[sflag:s24] =	ssyncset.done $0x0  }
0x99: {  	s16 =	rddreg [dreg:$0xe];
	[sflag:s24] =	ssyncadd.s32 $0xFFFFE000  }
0x9a: {  	[spmem:s2] =	stream.indirect.scatter.add.f32 [tilespmem:s17], [sflag:$0x5], $0x80, s16, s21, $0xb8;
	[tilespmem:$0x1D000] =	vst v63  }
0x9b: {  	_ =	swait.ge [sflag:s0], $0x2000  }
0x9c: {  	[sflag:s0] =	ssyncset.done $0x0  }
0x9d: {  	s14 =	rddreg [dreg:$0xf];
	[sflag:s0] =	ssyncadd.s32 $0xFFFFE000  }
0x9e: {  	[tilespmem:s25], [sflag:$0x4] =	stream.indirect.gather [hbm4b:s4+s21], $0x80, s14, s21, $0xb8;
	[tilespmem:$0x1D000] =	vst v63  }
0x9f: {  	_ =	swait.ge [sflag:s26], $0x2000  }
0xa0: {  	[sflag:s26] =	ssyncset.done $0x0  }
0xa1: {  	s15 =	rddreg [dreg:$0x10];
	[sflag:s26] =	ssyncadd.s32 $0xFFFFE000  }
0xa2: {  	[spmem:s2] =	stream.indirect.scatter.add.f32 [tilespmem:s22], [sflag:$0x6], $0x80, s15, s21, $0xb8;
	[tilespmem:$0x1D000] =	vst v63  }
0xa3: {  	_ =	swait.ge [sflag:s28], $0x2000  }
0xa4: {  	[sflag:s28] =	ssyncset.done $0x0  }
0xa5: {  	s16 =	rddreg [dreg:$0x11];
	[sflag:s28] =	ssyncadd.s32 $0xFFFFE000  }
0xa6: {  	[tilespmem:s17], [sflag:$0x1] =	stream.indirect.gather [hbm4b:s4+s21], $0x80, s16, s21, $0xb8;
	[tilespmem:$0x1D000] =	vst v63  }
0xa7: {  	_ =	swait.ge [sflag:s29], $0x2000  }
0xa8: {  	[sflag:s29] =	ssyncset.done $0x0  }
0xa9: {  	s14 =	rddreg [dreg:$0x12];
	[sflag:s29] =	ssyncadd.s32 $0xFFFFE000  }
0xaa: {  	[spmem:s2] =	stream.indirect.scatter.add.f32 [tilespmem:s23], [sflag:$0x7], $0x80, s14, s21, $0xb8;
	[tilespmem:$0x1D000] =	vst v63  }
0xab: {  	_ =	swait.ge [sflag:s30], $0x2000  }
0xac: {  	[sflag:s30] =	ssyncset.done $0x0  }
0xad: {  	s15 =	rddreg [dreg:$0x13];
	[sflag:s30] =	ssyncadd.s32 $0xFFFFE000  }
0xae: {  	[tilespmem:s22], [sflag:$0x2] =	stream.indirect.gather [hbm4b:s4+s21], $0x80, s15, s21, $0xb8;
	[tilespmem:$0x1D000] =	vst v63  }
0xaf: {  	_ =	swait.ge [sflag:s31], $0x2000  }
0xb0: {  	[sflag:s31] =	ssyncset.done $0x0  }
0xb1: {  	s16 =	rddreg [dreg:$0x14];
	[sflag:s31] =	ssyncadd.s32 $0xFFFFE000  }
0xb2: {  	[spmem:s2] =	stream.indirect.scatter.add.f32 [tilespmem:s25], [sflag:$0x8], $0x80, s16, s21, $0xb8;
	[tilespmem:$0x1D000] =	vst v63  }
0xb3: {  	_ =	swait.ge [sflag:s1], $0x2000  }
0xb4: {  	[sflag:s1] =	ssyncset.done $0x0  }
0xb5: {  	s14 =	rddreg [dreg:$0x15];
	[sflag:s1] =	ssyncadd.s32 $0xFFFFE000  }
0xb6: {  	[tilespmem:s23], [sflag:$0x3] =	stream.indirect.gather [hbm4b:s4+s21], $0x80, s14, s21, $0xb8;
	[tilespmem:$0x1D000] =	vst v63  }
0xb7: {  	_ =	swait.ge [sflag:s24], $0x2000  }
0xb8: {  	[sflag:s24] =	ssyncset.done $0x0  }
0xb9: {  	s15 =	rddreg [dreg:$0x16];
	[sflag:s24] =	ssyncadd.s32 $0xFFFFE000  }
0xba: {  	[spmem:s2] =	stream.indirect.scatter.add.f32 [tilespmem:s17], [sflag:$0x5], $0x80, s15, s21, $0xb8;
	[tilespmem:$0x1D000] =	vst v63  }
0xbb: {  	_ =	swait.ge [sflag:s0], $0x2000  }
0xbc: {  	[sflag:s0] =	ssyncset.done $0x0  }
0xbd: {  	s16 =	rddreg [dreg:$0x17];
	[sflag:s0] =	ssyncadd.s32 $0xFFFFE000  }
0xbe: {  	[tilespmem:s25], [sflag:$0x4] =	stream.indirect.gather [hbm4b:s4+s21], $0x80, s16, s21, $0xb8;
	[tilespmem:$0x1D000] =	vst v63  }
0xbf: {  	_ =	swait.ge [sflag:s26], $0x2000  }
0xc0: {  	[sflag:s26] =	ssyncset.done $0x0  }
0xc1: {  	s14 =	rddreg [dreg:$0x18];
	[sflag:s26] =	ssyncadd.s32 $0xFFFFE000  }
0xc2: {  	[spmem:s2] =	stream.indirect.scatter.add.f32 [tilespmem:s22], [sflag:$0x6], $0x80, s14, s21, $0xb8;
	[tilespmem:$0x1D000] =	vst v63  }
0xc3: {  	_ =	swait.ge [sflag:s28], $0x2000  }
0xc4: {  	[sflag:s28] =	ssyncset.done $0x0  }
0xc5: {  	s15 =	rddreg [dreg:$0x19];
	[sflag:s28] =	ssyncadd.s32 $0xFFFFE000  }
0xc6: {  	[tilespmem:s17], [sflag:$0x1] =	stream.indirect.gather [hbm4b:s4+s21], $0x80, s15, s21, $0xb8;
	[tilespmem:$0x1D000] =	vst v63  }
0xc7: {  	_ =	swait.ge [sflag:s29], $0x2000  }
0xc8: {  	[sflag:s29] =	ssyncset.done $0x0  }
0xc9: {  	s16 =	rddreg [dreg:$0x1a];
	[sflag:s29] =	ssyncadd.s32 $0xFFFFE000  }
0xca: {  	[spmem:s2] =	stream.indirect.scatter.add.f32 [tilespmem:s23], [sflag:$0x7], $0x80, s16, s21, $0xb8;
	[tilespmem:$0x1D000] =	vst v63  }
0xcb: {  	_ =	swait.ge [sflag:s30], $0x2000  }
0xcc: {  	[sflag:s30] =	ssyncset.done $0x0  }
0xcd: {  	[sflag:s30] =	ssyncadd.s32 $0xFFFFE000  }
0xce: {  	[tilespmem:s22], [sflag:$0x2] =	stream.indirect.gather [hbm4b:s4+s21], $0x80, s6, s21, $0xb8;
	[tilespmem:$0x1D000] =	vst v63  }
0xcf: {  	_ =	swait.ge [sflag:s31], $0x2000  }
0xd0: {  	[sflag:s31] =	ssyncset.done $0x0  }
0xd1: {  	[sflag:s31] =	ssyncadd.s32 $0xFFFFE000  }
0xd2: {  	[spmem:s2] =	stream.indirect.scatter.add.f32 [tilespmem:s25], [sflag:$0x8], $0x80, s7, s21, $0xb8;
	[tilespmem:$0x1D000] =	vst v63  }
0xd3: {  	_ =	swait.ge [sflag:s1], $0x2000  }
0xd4: {  	[sflag:s1] =	ssyncset.done $0x0  }
0xd5: {  	[sflag:s1] =	ssyncadd.s32 $0xFFFFE000  }
0xd6: {  	[tilespmem:s23], [sflag:$0x3] =	stream.indirect.gather [hbm4b:s4+s21], $0x80, s8, s21, $0xb8;
	[tilespmem:$0x1D000] =	vst v63  }
0xd7: {  	_ =	swait.ge [sflag:s24], $0x2000  }
0xd8: {  	[sflag:s24] =	ssyncset.done $0x0  }
0xd9: {  	[sflag:s24] =	ssyncadd.s32 $0xFFFFE000  }
0xda: {  	[spmem:s2] =	stream.indirect.scatter.add.f32 [tilespmem:s17], [sflag:$0x5], $0x80, s9, s21, $0xb8;
	[tilespmem:$0x1D000] =	vst v63  }
0xdb: {  	_ =	swait.ge [sflag:s0], $0x2000  }
0xdc: {  	[sflag:s0] =	ssyncset.done $0x0  }
0xdd: {  	[sflag:s0] =	ssyncadd.s32 $0xFFFFE000  }
0xde: {  	[tilespmem:s25], [sflag:$0x4] =	stream.indirect.gather [hbm4b:s4+s21], $0x80, s10, s21, $0xb8;
	[tilespmem:$0x1D000] =	vst v63  }
0xdf: {  	_ =	swait.ge [sflag:s26], $0x2000  }
0xe0: {  	[sflag:s26] =	ssyncset.done $0x0  }
0xe1: {  	[sflag:s26] =	ssyncadd.s32 $0xFFFFE000  }
0xe2: {  	[spmem:s2] =	stream.indirect.scatter.add.f32 [tilespmem:s22], [sflag:$0x6], $0x80, s11, s21, $0xb8;
	[tilespmem:$0x1D000] =	vst v63  }
0xe3: {  	_ =	swait.ge [sflag:s29], $0x2000  }
0xe4: {  	[sflag:s29] =	ssyncset.done $0x0  }
0xe5: {  	[sflag:s29] =	ssyncadd.s32 $0xFFFFE000  }
0xe6: {  	[spmem:s2] =	stream.indirect.scatter.add.f32 [tilespmem:s23], [sflag:$0x7], $0x80, s12, s21, $0xb8;
	[tilespmem:$0x1D000] =	vst v63  }
0xe7: {  	_ =	swait.ge [sflag:s31], $0x2000  }
0xe8: {  	[sflag:s31] =	ssyncset.done $0x0  }
0xe9: {  	[sflag:s31] =	ssyncadd.s32 $0xFFFFE000  }
0xea: {  	[spmem:s2] =	stream.indirect.scatter.add.f32 [tilespmem:s25], [sflag:$0x8], $0x80, s13, s21, $0xb8;
	[tilespmem:$0x1D000] =	vst v63  }
0xeb: {  	_ =	swait.ge [sflag:s28], $0x2000  }
0xec: {  	[sflag:s28] =	ssyncset.done $0x0  }
0xed: {  	[sflag:s28] =	ssyncadd.s32 $0xFFFFE000  }
0xee: {  	_ =	swait.ge [sflag:s30], $0x2000  }
0xef: {  	[sflag:s30] =	ssyncset.done $0x0  }
0xf0: {  	[sflag:s30] =	ssyncadd.s32 $0xFFFFE000  }
0xf1: {  	_ =	swait.ge [sflag:s1], $0x2000  }
0xf2: {  	[sflag:s1] =	ssyncset.done $0x0  }
0xf3: {  	[sflag:s1] =	ssyncadd.s32 $0xFFFFE000  }
0xf4: {  	s15 =	simm.s32 $0x100;
	_ =	swait.ge [sflag:s0], $0x2000  }
0xf5: {  	s16 =	simm.s32 $0x200;
	s5 =	rddreg [dreg:$0x4];
	[sflag:s0] =	ssyncset.done $0x0  }
.LBB2_4:
0xf6: {  	[sflag:s0] =	ssyncadd.s32 $0xFFFFE000;
	s5 =	sadd.s32 s15, s5  }
0xf7: {  	[tilespmem:s19], [sflag:$0x9] =	stream.linear.gather [hbm4b:s5+s3], $0x800, $0x38;
	[tilespmem:$0x1D000] =	vst v63  }
0xf8: {  	_ =	swait.ge [sflag:s18], $0x800  }
0xf9: {  	s5 =	rddreg [dreg:$0x3];
	[sflag:s18] =	ssyncset.done $0x0  }
0xfa: {  	[sflag:s18] =	ssyncadd.s32 $0xFFFFF800;
	s5 =	sadd.s32 s15, s5  }
0xfb: {  	[tilespmem:s20], [sflag:$0x9] =	stream.linear.gather [hbm4b:s5+s3], $0x800, $0x38;
	[tilespmem:$0x1D000] =	vst v63  }
0xfc: {  	_ =	swait.ge [sflag:s18], $0x800  }
0xfd: {  	[sflag:s18] =	ssyncset.done $0x0  }
0xfe: {  	[sflag:s18] =	ssyncadd.s32 $0xFFFFF800  }
0xff: {  	[tilespmem:s17], [sflag:$0x1] =	stream.indirect.gather [hbm4b:s4+s21], $0x80, s19, s21, $0xb8;
	[tilespmem:$0x1D000] =	vst v63  }
0x100: {  	s14 =	smov.u32 s16;
	s5 =	rddreg [dreg:$0x5]  }
0x101: {  	[tilespmem:s22], [sflag:$0x2] =	stream.indirect.gather [hbm4b:s4+s21], $0x80, s5, s21, $0xb8;
	[tilespmem:$0x1D000] =	vst v63  }
0x102: {  	s15 =	smov.u32 s14;
	s14 =	rddreg [dreg:$0x6]  }
0x103: {  	[tilespmem:s23], [sflag:$0x3] =	stream.indirect.gather [hbm4b:s4+s21], $0x80, s14, s21, $0xb8;
	[tilespmem:$0x1D000] =	vst v63  }
0x104: {  	_ =	swait.ge [sflag:s24], $0x2000  }
0x105: {  	[sflag:s24] =	ssyncset.done $0x0  }
0x106: {  	[sflag:s24] =	ssyncadd.s32 $0xFFFFE000  }
0x107: {  	[spmem:s2] =	stream.indirect.scatter.add.f32 [tilespmem:s17], [sflag:$0x5], $0x80, s20, s21, $0xb8;
	[tilespmem:$0x1D000] =	vst v63  }
0x108: {  	s14 =	rddreg [dreg:$0x7]  }
0x109: {  	[tilespmem:s25], [sflag:$0x4] =	stream.indirect.gather [hbm4b:s4+s21], $0x80, s14, s21, $0xb8;
	[tilespmem:$0x1D000] =	vst v63  }
0x10a: {  	_ =	swait.ge [sflag:s26], $0x2000  }
0x10b: {  	[sflag:s26] =	ssyncset.done $0x0  }
0x10c: {  	s14 =	rddreg [dreg:$0x8];
	[sflag:s26] =	ssyncadd.s32 $0xFFFFE000  }
0x10d: {  	[spmem:s2] =	stream.indirect.scatter.add.f32 [tilespmem:s22], [sflag:$0x6], $0x80, s14, s21, $0xb8;
	[tilespmem:$0x1D000] =	vst v63  }
0x10e: {  	_ =	swait.ge [sflag:s28], $0x2000  }
0x10f: {  	[sflag:s28] =	ssyncset.done $0x0  }
0x110: {  	s14 =	rddreg [dreg:$0x9];
	[sflag:s28] =	ssyncadd.s32 $0xFFFFE000  }
0x111: {  	[tilespmem:s17], [sflag:$0x1] =	stream.indirect.gather [hbm4b:s4+s21], $0x80, s14, s21, $0xb8;
	[tilespmem:$0x1D000] =	vst v63  }
0x112: {  	_ =	swait.ge [sflag:s29], $0x2000  }
0x113: {  	[sflag:s29] =	ssyncset.done $0x0  }
0x114: {  	s14 =	rddreg [dreg:$0xa];
	[sflag:s29] =	ssyncadd.s32 $0xFFFFE000  }
0x115: {  	[spmem:s2] =	stream.indirect.scatter.add.f32 [tilespmem:s23], [sflag:$0x7], $0x80, s14, s21, $0xb8;
	[tilespmem:$0x1D000] =	vst v63  }
0x116: {  	_ =	swait.ge [sflag:s30], $0x2000  }
0x117: {  	[sflag:s30] =	ssyncset.done $0x0  }
0x118: {  	s14 =	rddreg [dreg:$0xb];
	[sflag:s30] =	ssyncadd.s32 $0xFFFFE000  }
0x119: {  	[tilespmem:s22], [sflag:$0x2] =	stream.indirect.gather [hbm4b:s4+s21], $0x80, s14, s21, $0xb8;
	[tilespmem:$0x1D000] =	vst v63  }
0x11a: {  	_ =	swait.ge [sflag:s31], $0x2000  }
0x11b: {  	[sflag:s31] =	ssyncset.done $0x0  }
0x11c: {  	s14 =	rddreg [dreg:$0xc];
	[sflag:s31] =	ssyncadd.s32 $0xFFFFE000  }
0x11d: {  	[spmem:s2] =	stream.indirect.scatter.add.f32 [tilespmem:s25], [sflag:$0x8], $0x80, s14, s21, $0xb8;
	[tilespmem:$0x1D000] =	vst v63  }
0x11e: {  	_ =	swait.ge [sflag:s1], $0x2000  }
0x11f: {  	[sflag:s1] =	ssyncset.done $0x0  }
0x120: {  	s14 =	rddreg [dreg:$0xd];
	[sflag:s1] =	ssyncadd.s32 $0xFFFFE000  }
0x121: {  	[tilespmem:s23], [sflag:$0x3] =	stream.indirect.gather [hbm4b:s4+s21], $0x80, s14, s21, $0xb8;
	[tilespmem:$0x1D000] =	vst v63  }
0x122: {  	_ =	swait.ge [sflag:s24], $0x2000  }
0x123: {  	[sflag:s24] =	ssyncset.done $0x0  }
0x124: {  	s14 =	rddreg [dreg:$0xe];
	[sflag:s24] =	ssyncadd.s32 $0xFFFFE000  }
0x125: {  	[spmem:s2] =	stream.indirect.scatter.add.f32 [tilespmem:s17], [sflag:$0x5], $0x80, s14, s21, $0xb8;
	[tilespmem:$0x1D000] =	vst v63  }
0x126: {  	_ =	swait.ge [sflag:s0], $0x2000  }
0x127: {  	[sflag:s0] =	ssyncset.done $0x0  }
0x128: {  	s14 =	rddreg [dreg:$0xf];
	[sflag:s0] =	ssyncadd.s32 $0xFFFFE000  }
0x129: {  	[tilespmem:s25], [sflag:$0x4] =	stream.indirect.gather [hbm4b:s4+s21], $0x80, s14, s21, $0xb8;
	[tilespmem:$0x1D000] =	vst v63  }
0x12a: {  	_ =	swait.ge [sflag:s26], $0x2000  }
0x12b: {  	[sflag:s26] =	ssyncset.done $0x0  }
0x12c: {  	s14 =	rddreg [dreg:$0x10];
	[sflag:s26] =	ssyncadd.s32 $0xFFFFE000  }
0x12d: {  	[spmem:s2] =	stream.indirect.scatter.add.f32 [tilespmem:s22], [sflag:$0x6], $0x80, s14, s21, $0xb8;
	[tilespmem:$0x1D000] =	vst v63  }
0x12e: {  	_ =	swait.ge [sflag:s28], $0x2000  }
0x12f: {  	[sflag:s28] =	ssyncset.done $0x0  }
0x130: {  	s14 =	rddreg [dreg:$0x11];
	[sflag:s28] =	ssyncadd.s32 $0xFFFFE000  }
0x131: {  	[tilespmem:s17], [sflag:$0x1] =	stream.indirect.gather [hbm4b:s4+s21], $0x80, s14, s21, $0xb8;
	[tilespmem:$0x1D000] =	vst v63  }
0x132: {  	_ =	swait.ge [sflag:s29], $0x2000  }
0x133: {  	[sflag:s29] =	ssyncset.done $0x0  }
0x134: {  	s14 =	rddreg [dreg:$0x12];
	[sflag:s29] =	ssyncadd.s32 $0xFFFFE000  }
0x135: {  	[spmem:s2] =	stream.indirect.scatter.add.f32 [tilespmem:s23], [sflag:$0x7], $0x80, s14, s21, $0xb8;
	[tilespmem:$0x1D000] =	vst v63  }
0x136: {  	_ =	swait.ge [sflag:s30], $0x2000  }
0x137: {  	[sflag:s30] =	ssyncset.done $0x0  }
0x138: {  	s14 =	rddreg [dreg:$0x13];
	[sflag:s30] =	ssyncadd.s32 $0xFFFFE000  }
0x139: {  	[tilespmem:s22], [sflag:$0x2] =	stream.indirect.gather [hbm4b:s4+s21], $0x80, s14, s21, $0xb8;
	[tilespmem:$0x1D000] =	vst v63  }
0x13a: {  	_ =	swait.ge [sflag:s31], $0x2000  }
0x13b: {  	[sflag:s31] =	ssyncset.done $0x0  }
0x13c: {  	s14 =	rddreg [dreg:$0x14];
	[sflag:s31] =	ssyncadd.s32 $0xFFFFE000  }
0x13d: {  	[spmem:s2] =	stream.indirect.scatter.add.f32 [tilespmem:s25], [sflag:$0x8], $0x80, s14, s21, $0xb8;
	[tilespmem:$0x1D000] =	vst v63  }
0x13e: {  	_ =	swait.ge [sflag:s1], $0x2000  }
0x13f: {  	[sflag:s1] =	ssyncset.done $0x0  }
0x140: {  	s14 =	rddreg [dreg:$0x15];
	[sflag:s1] =	ssyncadd.s32 $0xFFFFE000  }
0x141: {  	[tilespmem:s23], [sflag:$0x3] =	stream.indirect.gather [hbm4b:s4+s21], $0x80, s14, s21, $0xb8;
	[tilespmem:$0x1D000] =	vst v63  }
0x142: {  	_ =	swait.ge [sflag:s24], $0x2000  }
0x143: {  	[sflag:s24] =	ssyncset.done $0x0  }
0x144: {  	s14 =	rddreg [dreg:$0x16];
	[sflag:s24] =	ssyncadd.s32 $0xFFFFE000  }
0x145: {  	[spmem:s2] =	stream.indirect.scatter.add.f32 [tilespmem:s17], [sflag:$0x5], $0x80, s14, s21, $0xb8;
	[tilespmem:$0x1D000] =	vst v63  }
0x146: {  	_ =	swait.ge [sflag:s0], $0x2000  }
0x147: {  	[sflag:s0] =	ssyncset.done $0x0  }
0x148: {  	s14 =	rddreg [dreg:$0x17];
	[sflag:s0] =	ssyncadd.s32 $0xFFFFE000  }
0x149: {  	[tilespmem:s25], [sflag:$0x4] =	stream.indirect.gather [hbm4b:s4+s21], $0x80, s14, s21, $0xb8;
	[tilespmem:$0x1D000] =	vst v63  }
0x14a: {  	_ =	swait.ge [sflag:s26], $0x2000  }
0x14b: {  	[sflag:s26] =	ssyncset.done $0x0  }
0x14c: {  	s14 =	rddreg [dreg:$0x18];
	[sflag:s26] =	ssyncadd.s32 $0xFFFFE000  }
0x14d: {  	[spmem:s2] =	stream.indirect.scatter.add.f32 [tilespmem:s22], [sflag:$0x6], $0x80, s14, s21, $0xb8;
	[tilespmem:$0x1D000] =	vst v63  }
0x14e: {  	_ =	swait.ge [sflag:s28], $0x2000  }
0x14f: {  	[sflag:s28] =	ssyncset.done $0x0  }
0x150: {  	s14 =	rddreg [dreg:$0x19];
	[sflag:s28] =	ssyncadd.s32 $0xFFFFE000  }
0x151: {  	[tilespmem:s17], [sflag:$0x1] =	stream.indirect.gather [hbm4b:s4+s21], $0x80, s14, s21, $0xb8;
	[tilespmem:$0x1D000] =	vst v63  }
0x152: {  	_ =	swait.ge [sflag:s29], $0x2000  }
0x153: {  	[sflag:s29] =	ssyncset.done $0x0  }
0x154: {  	s14 =	rddreg [dreg:$0x1a];
	[sflag:s29] =	ssyncadd.s32 $0xFFFFE000  }
0x155: {  	[spmem:s2] =	stream.indirect.scatter.add.f32 [tilespmem:s23], [sflag:$0x7], $0x80, s14, s21, $0xb8;
	[tilespmem:$0x1D000] =	vst v63  }
0x156: {  	_ =	swait.ge [sflag:s30], $0x2000  }
0x157: {  	[sflag:s30] =	ssyncset.done $0x0  }
0x158: {  	[sflag:s30] =	ssyncadd.s32 $0xFFFFE000  }
0x159: {  	[tilespmem:s22], [sflag:$0x2] =	stream.indirect.gather [hbm4b:s4+s21], $0x80, s6, s21, $0xb8;
	[tilespmem:$0x1D000] =	vst v63  }
0x15a: {  	_ =	swait.ge [sflag:s31], $0x2000  }
0x15b: {  	[sflag:s31] =	ssyncset.done $0x0  }
0x15c: {  	[sflag:s31] =	ssyncadd.s32 $0xFFFFE000  }
0x15d: {  	[spmem:s2] =	stream.indirect.scatter.add.f32 [tilespmem:s25], [sflag:$0x8], $0x80, s7, s21, $0xb8;
	[tilespmem:$0x1D000] =	vst v63  }
0x15e: {  	_ =	swait.ge [sflag:s1], $0x2000  }
0x15f: {  	[sflag:s1] =	ssyncset.done $0x0  }
0x160: {  	[sflag:s1] =	ssyncadd.s32 $0xFFFFE000  }
0x161: {  	[tilespmem:s23], [sflag:$0x3] =	stream.indirect.gather [hbm4b:s4+s21], $0x80, s8, s21, $0xb8;
	[tilespmem:$0x1D000] =	vst v63  }
0x162: {  	_ =	swait.ge [sflag:s24], $0x2000  }
0x163: {  	[sflag:s24] =	ssyncset.done $0x0  }
0x164: {  	[sflag:s24] =	ssyncadd.s32 $0xFFFFE000  }
0x165: {  	[spmem:s2] =	stream.indirect.scatter.add.f32 [tilespmem:s17], [sflag:$0x5], $0x80, s9, s21, $0xb8;
	[tilespmem:$0x1D000] =	vst v63  }
0x166: {  	_ =	swait.ge [sflag:s0], $0x2000  }
0x167: {  	[sflag:s0] =	ssyncset.done $0x0  }
0x168: {  	[sflag:s0] =	ssyncadd.s32 $0xFFFFE000  }
0x169: {  	[tilespmem:s25], [sflag:$0x4] =	stream.indirect.gather [hbm4b:s4+s21], $0x80, s10, s21, $0xb8;
	[tilespmem:$0x1D000] =	vst v63  }
0x16a: {  	_ =	swait.ge [sflag:s26], $0x2000  }
0x16b: {  	[sflag:s26] =	ssyncset.done $0x0  }
0x16c: {  	[sflag:s26] =	ssyncadd.s32 $0xFFFFE000  }
0x16d: {  	[spmem:s2] =	stream.indirect.scatter.add.f32 [tilespmem:s22], [sflag:$0x6], $0x80, s11, s21, $0xb8;
	[tilespmem:$0x1D000] =	vst v63  }
0x16e: {  	_ =	swait.ge [sflag:s29], $0x2000  }
0x16f: {  	[sflag:s29] =	ssyncset.done $0x0  }
0x170: {  	[sflag:s29] =	ssyncadd.s32 $0xFFFFE000  }
0x171: {  	[spmem:s2] =	stream.indirect.scatter.add.f32 [tilespmem:s23], [sflag:$0x7], $0x80, s12, s21, $0xb8;
	[tilespmem:$0x1D000] =	vst v63  }
0x172: {  	_ =	swait.ge [sflag:s31], $0x2000  }
0x173: {  	[sflag:s31] =	ssyncset.done $0x0  }
0x174: {  	[sflag:s31] =	ssyncadd.s32 $0xFFFFE000  }
0x175: {  	[spmem:s2] =	stream.indirect.scatter.add.f32 [tilespmem:s25], [sflag:$0x8], $0x80, s13, s21, $0xb8;
	[tilespmem:$0x1D000] =	vst v63  }
0x176: {  	_ =	swait.ge [sflag:s28], $0x2000  }
0x177: {  	[sflag:s28] =	ssyncset.done $0x0  }
0x178: {  	[sflag:s28] =	ssyncadd.s32 $0xFFFFE000  }
0x179: {  	_ =	swait.ge [sflag:s30], $0x2000  }
0x17a: {  	[sflag:s30] =	ssyncset.done $0x0  }
0x17b: {  	p0 =	sne.s32 s16, $0x900;
	[sflag:s30] =	ssyncadd.s32 $0xFFFFE000  }
.Ltmp1:
0x17c: {  	_ =	swait.ge [sflag:s1], $0x2000;
	(pc) =	sbr.rel @p0 .LBB2_4-.Ltmp1, $4  }
0x17d: {  	[sflag:s1] =	ssyncset.done $0x0  }
0x17e: {  	[sflag:s1] =	ssyncadd.s32 $0xFFFFE000  }
0x17f: {  	_ =	swait.ge [sflag:s0], $0x2000  }
0x180: {  	s16 =	sadd.s32 $0x100, s16;
	s5 =	rddreg [dreg:$0x4];
	[sflag:s0] =	ssyncset.done $0x0  }
0x181: {  	[sflag:s0] =	ssyncadd.s32 $0xFFFFE000;
	s5 =	sadd.s32 s15, s5  }
0x182: {  	[tilespmem:s19], [sflag:$0x9] =	stream.linear.gather [hbm4b:s5+s3], $0x800, $0x38;
	[tilespmem:$0x1D000] =	vst v63  }
0x183: {  	_ =	swait.ge [sflag:s18], $0x800  }
0x184: {  	s14 =	rddreg [dreg:$0x3];
	[sflag:s18] =	ssyncset.done $0x0  }
0x185: {  	[sflag:s18] =	ssyncadd.s32 $0xFFFFF800;
	s5 =	sadd.s32 s15, s14  }
0x186: {  	[tilespmem:s20], [sflag:$0x9] =	stream.linear.gather [hbm4b:s5+s3], $0x800, $0x38;
	[tilespmem:$0x1D000] =	vst v63  }
0x187: {  	_ =	swait.ge [sflag:s18], $0x800  }
0x188: {  	[sflag:s18] =	ssyncset.done $0x0  }
0x189: {  	[sflag:s18] =	ssyncadd.s32 $0xFFFFF800  }
0x18a: {  	[tilespmem:s17], [sflag:$0x1] =	stream.indirect.gather [hbm4b:s4+s21], $0x80, s19, s21, $0xb8;
	[tilespmem:$0x1D000] =	vst v63  }
0x18b: {  	s16 =	rddreg [dreg:$0x5]  }
0x18c: {  	[tilespmem:s22], [sflag:$0x2] =	stream.indirect.gather [hbm4b:s4+s21], $0x80, s16, s21, $0xb8;
	[tilespmem:$0x1D000] =	vst v63  }
0x18d: {  	s14 =	rddreg [dreg:$0x6]  }
0x18e: {  	[tilespmem:s23], [sflag:$0x3] =	stream.indirect.gather [hbm4b:s4+s21], $0x80, s14, s21, $0xb8;
	[tilespmem:$0x1D000] =	vst v63  }
0x18f: {  	_ =	swait.ge [sflag:s24], $0x2000  }
0x190: {  	[sflag:s24] =	ssyncset.done $0x0  }
0x191: {  	[sflag:s24] =	ssyncadd.s32 $0xFFFFE000  }
0x192: {  	[spmem:s2] =	stream.indirect.scatter.add.f32 [tilespmem:s17], [sflag:$0x5], $0x80, s20, s21, $0xb8;
	[tilespmem:$0x1D000] =	vst v63  }
0x193: {  	s15 =	rddreg [dreg:$0x7]  }
0x194: {  	[tilespmem:s25], [sflag:$0x4] =	stream.indirect.gather [hbm4b:s4+s21], $0x80, s15, s21, $0xb8;
	[tilespmem:$0x1D000] =	vst v63  }
0x195: {  	_ =	swait.ge [sflag:s26], $0x2000  }
0x196: {  	[sflag:s26] =	ssyncset.done $0x0  }
0x197: {  	s16 =	rddreg [dreg:$0x8];
	[sflag:s26] =	ssyncadd.s32 $0xFFFFE000  }
0x198: {  	[spmem:s2] =	stream.indirect.scatter.add.f32 [tilespmem:s22], [sflag:$0x6], $0x80, s16, s21, $0xb8;
	[tilespmem:$0x1D000] =	vst v63  }
0x199: {  	_ =	swait.ge [sflag:s28], $0x2000  }
0x19a: {  	[sflag:s28] =	ssyncset.done $0x0  }
0x19b: {  	s14 =	rddreg [dreg:$0x9];
	[sflag:s28] =	ssyncadd.s32 $0xFFFFE000  }
0x19c: {  	[tilespmem:s17], [sflag:$0x1] =	stream.indirect.gather [hbm4b:s4+s21], $0x80, s14, s21, $0xb8;
	[tilespmem:$0x1D000] =	vst v63  }
0x19d: {  	_ =	swait.ge [sflag:s29], $0x2000  }
0x19e: {  	[sflag:s29] =	ssyncset.done $0x0  }
0x19f: {  	s15 =	rddreg [dreg:$0xa];
	[sflag:s29] =	ssyncadd.s32 $0xFFFFE000  }
0x1a0: {  	[spmem:s2] =	stream.indirect.scatter.add.f32 [tilespmem:s23], [sflag:$0x7], $0x80, s15, s21, $0xb8;
	[tilespmem:$0x1D000] =	vst v63  }
0x1a1: {  	_ =	swait.ge [sflag:s30], $0x2000  }
0x1a2: {  	[sflag:s30] =	ssyncset.done $0x0  }
0x1a3: {  	s16 =	rddreg [dreg:$0xb];
	[sflag:s30] =	ssyncadd.s32 $0xFFFFE000  }
0x1a4: {  	[tilespmem:s22], [sflag:$0x2] =	stream.indirect.gather [hbm4b:s4+s21], $0x80, s16, s21, $0xb8;
	[tilespmem:$0x1D000] =	vst v63  }
0x1a5: {  	_ =	swait.ge [sflag:s31], $0x2000  }
0x1a6: {  	[sflag:s31] =	ssyncset.done $0x0  }
0x1a7: {  	s14 =	rddreg [dreg:$0xc];
	[sflag:s31] =	ssyncadd.s32 $0xFFFFE000  }
0x1a8: {  	[spmem:s2] =	stream.indirect.scatter.add.f32 [tilespmem:s25], [sflag:$0x8], $0x80, s14, s21, $0xb8;
	[tilespmem:$0x1D000] =	vst v63  }
0x1a9: {  	_ =	swait.ge [sflag:s1], $0x2000  }
0x1aa: {  	[sflag:s1] =	ssyncset.done $0x0  }
0x1ab: {  	s15 =	rddreg [dreg:$0xd];
	[sflag:s1] =	ssyncadd.s32 $0xFFFFE000  }
0x1ac: {  	[tilespmem:s23], [sflag:$0x3] =	stream.indirect.gather [hbm4b:s4+s21], $0x80, s15, s21, $0xb8;
	[tilespmem:$0x1D000] =	vst v63  }
0x1ad: {  	_ =	swait.ge [sflag:s24], $0x2000  }
0x1ae: {  	[sflag:s24] =	ssyncset.done $0x0  }
0x1af: {  	s16 =	rddreg [dreg:$0xe];
	[sflag:s24] =	ssyncadd.s32 $0xFFFFE000  }
0x1b0: {  	[spmem:s2] =	stream.indirect.scatter.add.f32 [tilespmem:s17], [sflag:$0x5], $0x80, s16, s21, $0xb8;
	[tilespmem:$0x1D000] =	vst v63  }
0x1b1: {  	_ =	swait.ge [sflag:s0], $0x2000  }
0x1b2: {  	[sflag:s0] =	ssyncset.done $0x0  }
0x1b3: {  	s14 =	rddreg [dreg:$0xf];
	[sflag:s0] =	ssyncadd.s32 $0xFFFFE000  }
0x1b4: {  	[tilespmem:s25], [sflag:$0x4] =	stream.indirect.gather [hbm4b:s4+s21], $0x80, s14, s21, $0xb8;
	[tilespmem:$0x1D000] =	vst v63  }
0x1b5: {  	_ =	swait.ge [sflag:s26], $0x2000  }
0x1b6: {  	[sflag:s26] =	ssyncset.done $0x0  }
0x1b7: {  	s15 =	rddreg [dreg:$0x10];
	[sflag:s26] =	ssyncadd.s32 $0xFFFFE000  }
0x1b8: {  	[spmem:s2] =	stream.indirect.scatter.add.f32 [tilespmem:s22], [sflag:$0x6], $0x80, s15, s21, $0xb8;
	[tilespmem:$0x1D000] =	vst v63  }
0x1b9: {  	_ =	swait.ge [sflag:s28], $0x2000  }
0x1ba: {  	[sflag:s28] =	ssyncset.done $0x0  }
0x1bb: {  	s16 =	rddreg [dreg:$0x11];
	[sflag:s28] =	ssyncadd.s32 $0xFFFFE000  }
0x1bc: {  	[tilespmem:s17], [sflag:$0x1] =	stream.indirect.gather [hbm4b:s4+s21], $0x80, s16, s21, $0xb8;
	[tilespmem:$0x1D000] =	vst v63  }
0x1bd: {  	_ =	swait.ge [sflag:s29], $0x2000  }
0x1be: {  	[sflag:s29] =	ssyncset.done $0x0  }
0x1bf: {  	s14 =	rddreg [dreg:$0x12];
	[sflag:s29] =	ssyncadd.s32 $0xFFFFE000  }
0x1c0: {  	[spmem:s2] =	stream.indirect.scatter.add.f32 [tilespmem:s23], [sflag:$0x7], $0x80, s14, s21, $0xb8;
	[tilespmem:$0x1D000] =	vst v63  }
0x1c1: {  	_ =	swait.ge [sflag:s30], $0x2000  }
0x1c2: {  	[sflag:s30] =	ssyncset.done $0x0  }
0x1c3: {  	s15 =	rddreg [dreg:$0x13];
	[sflag:s30] =	ssyncadd.s32 $0xFFFFE000  }
0x1c4: {  	[tilespmem:s22], [sflag:$0x2] =	stream.indirect.gather [hbm4b:s4+s21], $0x80, s15, s21, $0xb8;
	[tilespmem:$0x1D000] =	vst v63  }
0x1c5: {  	_ =	swait.ge [sflag:s31], $0x2000  }
0x1c6: {  	[sflag:s31] =	ssyncset.done $0x0  }
0x1c7: {  	s16 =	rddreg [dreg:$0x14];
	[sflag:s31] =	ssyncadd.s32 $0xFFFFE000  }
0x1c8: {  	[spmem:s2] =	stream.indirect.scatter.add.f32 [tilespmem:s25], [sflag:$0x8], $0x80, s16, s21, $0xb8;
	[tilespmem:$0x1D000] =	vst v63  }
0x1c9: {  	_ =	swait.ge [sflag:s1], $0x2000  }
0x1ca: {  	[sflag:s1] =	ssyncset.done $0x0  }
0x1cb: {  	s14 =	rddreg [dreg:$0x15];
	[sflag:s1] =	ssyncadd.s32 $0xFFFFE000  }
0x1cc: {  	[tilespmem:s23], [sflag:$0x3] =	stream.indirect.gather [hbm4b:s4+s21], $0x80, s14, s21, $0xb8;
	[tilespmem:$0x1D000] =	vst v63  }
0x1cd: {  	_ =	swait.ge [sflag:s24], $0x2000  }
0x1ce: {  	[sflag:s24] =	ssyncset.done $0x0  }
0x1cf: {  	s15 =	rddreg [dreg:$0x16];
	[sflag:s24] =	ssyncadd.s32 $0xFFFFE000  }
0x1d0: {  	[spmem:s2] =	stream.indirect.scatter.add.f32 [tilespmem:s17], [sflag:$0x5], $0x80, s15, s21, $0xb8;
	[tilespmem:$0x1D000] =	vst v63  }
0x1d1: {  	_ =	swait.ge [sflag:s0], $0x2000  }
0x1d2: {  	[sflag:s0] =	ssyncset.done $0x0  }
0x1d3: {  	s16 =	rddreg [dreg:$0x17];
	[sflag:s0] =	ssyncadd.s32 $0xFFFFE000  }
0x1d4: {  	[tilespmem:s25], [sflag:$0x4] =	stream.indirect.gather [hbm4b:s4+s21], $0x80, s16, s21, $0xb8;
	[tilespmem:$0x1D000] =	vst v63  }
0x1d5: {  	_ =	swait.ge [sflag:s26], $0x2000  }
0x1d6: {  	[sflag:s26] =	ssyncset.done $0x0  }
0x1d7: {  	s14 =	rddreg [dreg:$0x18];
	[sflag:s26] =	ssyncadd.s32 $0xFFFFE000  }
0x1d8: {  	[spmem:s2] =	stream.indirect.scatter.add.f32 [tilespmem:s22], [sflag:$0x6], $0x80, s14, s21, $0xb8;
	[tilespmem:$0x1D000] =	vst v63  }
0x1d9: {  	_ =	swait.ge [sflag:s28], $0x2000  }
0x1da: {  	[sflag:s28] =	ssyncset.done $0x0  }
0x1db: {  	s15 =	rddreg [dreg:$0x19];
	[sflag:s28] =	ssyncadd.s32 $0xFFFFE000  }
0x1dc: {  	[tilespmem:s17], [sflag:$0x1] =	stream.indirect.gather [hbm4b:s4+s21], $0x80, s15, s21, $0xb8;
	[tilespmem:$0x1D000] =	vst v63  }
0x1dd: {  	_ =	swait.ge [sflag:s29], $0x2000  }
0x1de: {  	[sflag:s29] =	ssyncset.done $0x0  }
0x1df: {  	s16 =	rddreg [dreg:$0x1a];
	[sflag:s29] =	ssyncadd.s32 $0xFFFFE000  }
0x1e0: {  	[spmem:s2] =	stream.indirect.scatter.add.f32 [tilespmem:s23], [sflag:$0x7], $0x80, s16, s21, $0xb8;
	[tilespmem:$0x1D000] =	vst v63  }
0x1e1: {  	_ =	swait.ge [sflag:s30], $0x2000  }
0x1e2: {  	[sflag:s30] =	ssyncset.done $0x0  }
0x1e3: {  	[sflag:s30] =	ssyncadd.s32 $0xFFFFE000  }
0x1e4: {  	[tilespmem:s22], [sflag:$0x2] =	stream.indirect.gather [hbm4b:s4+s21], $0x80, s6, s21, $0xb8;
	[tilespmem:$0x1D000] =	vst v63  }
0x1e5: {  	_ =	swait.ge [sflag:s31], $0x2000  }
0x1e6: {  	[sflag:s31] =	ssyncset.done $0x0  }
0x1e7: {  	[sflag:s31] =	ssyncadd.s32 $0xFFFFE000  }
0x1e8: {  	[spmem:s2] =	stream.indirect.scatter.add.f32 [tilespmem:s25], [sflag:$0x8], $0x80, s7, s21, $0xb8;
	[tilespmem:$0x1D000] =	vst v63  }
0x1e9: {  	_ =	swait.ge [sflag:s1], $0x2000  }
0x1ea: {  	[sflag:s1] =	ssyncset.done $0x0  }
0x1eb: {  	[sflag:s1] =	ssyncadd.s32 $0xFFFFE000  }
0x1ec: {  	[tilespmem:s23], [sflag:$0x3] =	stream.indirect.gather [hbm4b:s4+s21], $0x80, s8, s21, $0xb8;
	[tilespmem:$0x1D000] =	vst v63  }
0x1ed: {  	_ =	swait.ge [sflag:s24], $0x2000  }
0x1ee: {  	[sflag:s24] =	ssyncset.done $0x0  }
0x1ef: {  	[sflag:s24] =	ssyncadd.s32 $0xFFFFE000  }
0x1f0: {  	[spmem:s2] =	stream.indirect.scatter.add.f32 [tilespmem:s17], [sflag:$0x5], $0x80, s9, s21, $0xb8;
	[tilespmem:$0x1D000] =	vst v63  }
0x1f1: {  	_ =	swait.ge [sflag:s0], $0x2000  }
0x1f2: {  	[sflag:s0] =	ssyncset.done $0x0  }
0x1f3: {  	[sflag:s0] =	ssyncadd.s32 $0xFFFFE000  }
0x1f4: {  	[tilespmem:s25], [sflag:$0x4] =	stream.indirect.gather [hbm4b:s4+s21], $0x80, s10, s21, $0xb8;
	[tilespmem:$0x1D000] =	vst v63  }
0x1f5: {  	_ =	swait.ge [sflag:s26], $0x2000  }
0x1f6: {  	[sflag:s26] =	ssyncset.done $0x0  }
0x1f7: {  	[sflag:s26] =	ssyncadd.s32 $0xFFFFE000  }
0x1f8: {  	[spmem:s2] =	stream.indirect.scatter.add.f32 [tilespmem:s22], [sflag:$0x6], $0x80, s11, s21, $0xb8;
	[tilespmem:$0x1D000] =	vst v63  }
0x1f9: {  	_ =	swait.ge [sflag:s29], $0x2000  }
0x1fa: {  	[sflag:s29] =	ssyncset.done $0x0  }
0x1fb: {  	[sflag:s29] =	ssyncadd.s32 $0xFFFFE000  }
0x1fc: {  	[spmem:s2] =	stream.indirect.scatter.add.f32 [tilespmem:s23], [sflag:$0x7], $0x80, s12, s21, $0xb8;
	[tilespmem:$0x1D000] =	vst v63  }
0x1fd: {  	_ =	swait.ge [sflag:s31], $0x2000  }
0x1fe: {  	[sflag:s31] =	ssyncset.done $0x0  }
0x1ff: {  	[sflag:s31] =	ssyncadd.s32 $0xFFFFE000  }
0x200: {  	[spmem:s2] =	stream.indirect.scatter.add.f32 [tilespmem:s25], [sflag:$0x8], $0x80, s13, s21, $0xb8;
	[tilespmem:$0x1D000] =	vst v63  }
0x201: {  	_ =	swait.ge [sflag:s28], $0x2000  }
0x202: {  	[sflag:s28] =	ssyncset.done $0x0  }
0x203: {  	[sflag:s28] =	ssyncadd.s32 $0xFFFFE000  }
0x204: {  	_ =	swait.ge [sflag:s30], $0x2000  }
0x205: {  	[sflag:s30] =	ssyncset.done $0x0  }
0x206: {  	[sflag:s30] =	ssyncadd.s32 $0xFFFFE000  }
0x207: {  	_ =	swait.ge [sflag:s1], $0x2000  }
0x208: {  	[sflag:s1] =	ssyncset.done $0x0  }
0x209: {  	[sflag:s1] =	ssyncadd.s32 $0xFFFFE000  }
0x20a: {  	_ =	swait.ge [sflag:s0], $0x2000  }
0x20b: {  	[sflag:s0] =	ssyncset.done $0x0  }
0x20c: {  	[sflag:s0] =	ssyncadd.s32 $0xFFFFE000  }
0x20d: {  	[bflag:$0x0] =	sbarrier.arrive $0xFFFF  }
0x20e: {  	s14 =	stileid.u32;
	s16 =	sld [smem:$0x7FC]  }
0x20f: {  	s5 =	sshll.u32 s14, $0x6;
	s15 =	rddreg [dreg:$0x1b]  }
0x210: {  	s5 =	sor.u32 $0x1C09, s5;
	s14 =	sshrl.u32 s15, $0x3  }
0x211: {  	[hbm:s16], [sflag:s5] =	dma.local [spmem:s14], $0x2800  }
0x212: {  	_ =	swait.ge [sflag:s18], $0x2800  }
0x213: {  	s15 =	sld [smem:$0x7F6]  }
0x214: {  	s16 =	sld [smem:$0x7FD];
	_ =	sdelay $0x1  }
0x215: {  	s14 =	sadd.s32 $0x1, s15  }
0x216: {  	p0 =	sne.s32 s14, s16  }
.Ltmp2:
0x217: {  	_ = 	snop;
	(pc) =	sbr.rel @p0 .LBB2_1-.Ltmp2, $3  }
0x218: {  	_ =	sdelay $0x1  }
0x219: {  	[sflag:s18] =	ssyncset.done $0x0  }
0x21a: {  	[sflag:s18] =	ssyncadd.s32 $0xFFFFD800  }
0x21b: {  	_ =	sfence.sel $0x180000  }
0x21c: {  	[bflag:$0x0] =	sbarrier.arrive $0xFFFF  }
0x21d: {  	_ =	strace $0x90000047  }
0x21e: {  	s0 =	stileid.u32;
	[bflag:$0x2] =	sbarrier.arrive $0xFFFF  }
0x21f: {  	p0 =	sne.s32 s0, $0x0;
	s0 =	rddreg [dreg:$0x2]  }
0x220: {  	s0 =	sadd.s32 @!p0 $0x100000, s0  }
0x221: {  	[sflag:s0] =	ssyncadd.tile.s32 @!p0 $0x1;
	_ =	shalt  }
.Lfunc_end2:
_tile_overlayer_lowered:
.L_overlay_start_2:
0x222: {  	(tag) =	ssettag $0x2  }
0x223: {  	s0 =	rddreg [dreg:$0x0];
	s2 =	stileid.u32  }
0x224: {  	s1 =	rddreg [dreg:$0x1];
	p0 =	sne.s32 s2, $0x0  }
0x225: {  	s3 =	rddreg [dreg:$0x2];
	[bflag:$0x3] =	sbarrier.arrive $0xFFFF;
	s2 =	simm.s32 @!p0 $0x1C09  }
0x226: {  	[timem:s3], [sflag:s2] =	dma.local @!p0 [hbm:s0], s1  }
0x227: {  	s0 =	simm.s32 @!p0 $0x9  }
0x228: {  	_ =	swait.ge @!p0 [sflag:s0], s1  }
0x229: {  	s1 =	ssub.s32 @!p0 $0x0, s1;
	[sflag:s0] =	ssyncset.done @!p0 $0x0  }
0x22a: {  	[sflag:s0] =	ssyncadd.s32 @!p0 s1  }
0x22b: {  	[bflag:$0x3] =	sbarrier.arrive $0xFFFF  }
0x22c: {  	_ =	shalt  }

// kernel: kernel.13.cloned.1.call-start
scs
__scs_entry_jumppad:
0x0: {  	(pc) =	sbr.rel $0x88, $3  }
0x1: {  	(tag) =	ssettag $0x0;
	lr =	simm.s32 $0x1  }
0x2: {  	[smem:$0x3F97] =	sst lr;
	_ =	strace $0xD0000000  }
0x3: {  	_ = 	snop  }
0x4: {  	_ = 	snop  }
0x5: {  	_ = 	snop  }
0x6: {  	_ = 	snop  }
0x7: {  	_ = 	snop  }
__scs_overlays_trampoline_lowered:
0x8: {  	[smem:$0x3FA6] =	sst s0  }
0x9: {  	[smem:$0x3FA7] =	sst s1  }
0xa: {  	[smem:$0x3FA8] =	sst s2  }
0xb: {  	[smem:$0x3FA9] =	sst s3  }
0xc: {  	[smem:$0x3FAA] =	sst s4  }
0xd: {  	[smem:$0x3FAB] =	sst s5  }
0xe: {  	[smem:$0x3FAC] =	sst s6  }
0xf: {  	[smem:$0x3FAD] =	sst s7  }
0x10: {  	[smem:$0x3FAE] =	sst s8  }
0x11: {  	[smem:$0x3FAF] =	sst s9;
	s0 =	simm.s32 @!p0 $0x0  }
0x12: {  	s1 =	sld [smem:$0x3F95];
	s0 =	simm.s32 @p0 $0x1  }
0x13: {  	[smem:$0x3FB0] =	sst s0;
	s0 =	simm.s32 @!p1 $0x0  }
0x14: {  	s2 =	sld [smem:$0x3F94];
	s0 =	simm.s32 @p1 $0x1  }
0x15: {  	[smem:$0x3FB1] =	sst s0;
	s0 =	simm.s32 @!p2 $0x0  }
0x16: {  	s3 =	sld [smem:$0x3FDB];
	s0 =	simm.s32 @p2 $0x1  }
0x17: {  	s4 =	simm.s32 $0x1BF5;
	[smem:$0x3FB3] =	sst s0  }
0x18: {  	s0 =	sld [smem:$0x3F96];
	_ =	swait.ge [sflag:s4], $0x0  }
0x19: {  	s7 =	sld [smem:$0x3F97]  }
0x1a: {  	s8 =	sadd.s32 $0xFFFFE003, lr  }
0x1b: {  	s9 =	sadd.s32 $0xFFFFFEF7, lr;
	s5 =	simm.s32 $0xFFFFFFFF;
	p2 =	slt.u32 s8, $0xFFFFF086  }
0x1c: {  	p1 =	slt.u32 s9, $0xF7A;
	s5 =	simm.s32 @!p2 $0x0  }
0x1d: {  	s5 =	simm.s32 @p1 $0x1;
	p0 =	seq.s32 s7, s2  }
0x1e: {  	s7 =	smul.u32 @!p0 $0xF7A, s2;
	p2 =	seq.s32 @!p0 s5, $0x0  }
0x1f: {  	s9 =	smul.u32 $0xF7A, s1;
	s8 =	simm.s32 @!p0 $0x1BF5;
	p2 =	por !p2, p0  }
0x20: {  	[sflag:s8] =	ssyncset.s32 @!p0 $0xFFFFF086;
	s6 =	sadd.s32 @!p0 s3, s7;
	s7 =	simm.s32 @!p0 $0x108  }
0x21: {  	s3 =	sadd.s32 s3, s9;
	s6 =	sadd.s32 @!p0 $0x88, s6;
	s7 =	simm.s32 @p2 $0x1082  }
0x22: {  	[simem:s7], [sflag:s8] =	dma.local @!p0 [hbm:s6], $0xF7A  }
0x23: {  	s9 =	sor.u32 $0xD0000000, s2;
	s6 =	simm.s32 $0x108;
	_ =	swait.ge @!p0 [sflag:s8], $0x0  }
0x24: {  	s3 =	sadd.s32 $0x88, s3;
	s6 =	simm.s32 @!p1 $0x1082;
	[sflag:s4] =	ssyncset.s32 $0xFFFFF086  }
0x25: {  	[simem:s6], [sflag:s4] =	dma.local [hbm:s3], $0xF7A  }
0x26: {  	[smem:$0x3F97] =	sst s1;
	(tag) =	ssettag s2;
	_ =	strace s9  }
0x27: {  	s1 =	sld [smem:$0x3FA7]  }
0x28: {  	s2 =	sld [smem:$0x3FA8]  }
0x29: {  	s4 =	sld [smem:$0x3FAA]  }
0x2a: {  	p0 =	seq.s32 s5, $0x0;
	s5 =	sld [smem:$0x3FAB]  }
0x2b: {  	s6 =	sld [smem:$0x3FAC]  }
0x2c: {  	s7 =	sld [smem:$0x3FAD]  }
0x2d: {  	s3 =	simm.s32 $0x108;
	s8 =	sld [smem:$0x3FAE]  }
0x2e: {  	s3 =	simm.s32 @!p0 $0x1082;
	s9 =	sld [smem:$0x3FAF]  }
0x2f: {  	lr =	sadd.s32 s0, s3;
	s0 =	sld [smem:$0x3FA6]  }
0x30: {  	s3 =	sld [smem:$0x3FA9]  }
0x31: {  	[smem:$0x3FB2] =	sst s10  }
0x32: {  	s10 =	sld [smem:$0x3FB0];
	_ =	sdelay $0x3  }
0x33: {  	p0 =	seq.s32 s10, $0x1;
	s10 =	sld [smem:$0x3FB2];
	_ =	sdelay $0x3  }
0x34: {  	[smem:$0x3FB2] =	sst s10  }
0x35: {  	s10 =	sld [smem:$0x3FB1];
	_ =	sdelay $0x3  }
0x36: {  	p1 =	seq.s32 s10, $0x1;
	s10 =	sld [smem:$0x3FB2];
	_ =	sdelay $0x3  }
0x37: {  	[smem:$0x3FB2] =	sst s10  }
0x38: {  	s10 =	sld [smem:$0x3FB3]  }
0x39: {  	_ = 	snop;
	(pc) =	sbr.ind lr, $3  }
0x3a: {  	_ = 	snop  }
0x3b: {  	_ = 	snop  }
0x3c: {  	p2 =	seq.s32 s10, $0x1;
	s10 =	sld [smem:$0x3FB2]  }
0x3d: {  	_ =	shalt  }
0x3e: {  	_ =	shalt  }
0x3f: {  	_ =	shalt  }
0x40: {  	_ =	shalt  }
0x41: {  	_ =	shalt  }
0x42: {  	_ =	shalt  }
0x43: {  	_ =	shalt  }
0x44: {  	_ =	shalt  }
0x45: {  	_ =	shalt  }
0x46: {  	_ =	shalt  }
0x47: {  	_ =	shalt  }
0x48: {  	_ =	shalt  }
0x49: {  	_ =	shalt  }
0x4a: {  	_ =	shalt  }
0x4b: {  	_ =	shalt  }
0x4c: {  	_ =	shalt  }
0x4d: {  	_ =	shalt  }
0x4e: {  	_ =	shalt  }
0x4f: {  	_ =	shalt  }
0x50: {  	_ =	shalt  }
0x51: {  	_ =	shalt  }
0x52: {  	_ =	shalt  }
0x53: {  	_ =	shalt  }
0x54: {  	_ =	shalt  }
0x55: {  	_ =	shalt  }
0x56: {  	_ =	shalt  }
0x57: {  	_ =	shalt  }
0x58: {  	_ =	shalt  }
0x59: {  	_ =	shalt  }
0x5a: {  	_ =	shalt  }
0x5b: {  	_ =	shalt  }
0x5c: {  	_ =	shalt  }
0x5d: {  	_ =	shalt  }
0x5e: {  	_ =	shalt  }
0x5f: {  	_ =	shalt  }
0x60: {  	_ =	shalt  }
0x61: {  	_ =	shalt  }
0x62: {  	_ =	shalt  }
0x63: {  	_ =	shalt  }
0x64: {  	_ =	shalt  }
0x65: {  	_ =	shalt  }
0x66: {  	_ =	shalt  }
0x67: {  	_ =	shalt  }
0x68: {  	_ =	shalt  }
0x69: {  	_ =	shalt  }
0x6a: {  	_ =	shalt  }
0x6b: {  	_ =	shalt  }
0x6c: {  	_ =	shalt  }
0x6d: {  	_ =	shalt  }
0x6e: {  	_ =	shalt  }
0x6f: {  	_ =	shalt  }
0x70: {  	_ =	shalt  }
0x71: {  	_ =	shalt  }
0x72: {  	_ =	shalt  }
0x73: {  	_ =	shalt  }
0x74: {  	_ =	shalt  }
0x75: {  	_ =	shalt  }
0x76: {  	_ =	shalt  }
0x77: {  	_ =	shalt  }
0x78: {  	_ =	shalt  }
0x79: {  	_ =	shalt  }
0x7a: {  	_ =	shalt  }
0x7b: {  	_ =	shalt  }
0x7c: {  	_ =	shalt  }
0x7d: {  	_ =	shalt  }
0x7e: {  	_ =	shalt  }
0x7f: {  	_ =	shalt  }
0x80: {  	_ =	shalt  }
0x81: {  	_ =	shalt  }
0x82: {  	_ =	shalt  }
0x83: {  	_ =	shalt  }
0x84: {  	_ =	shalt  }
0x85: {  	_ =	shalt  }
0x86: {  	_ =	shalt  }
0x87: {  	_ =	shalt  }
.Lfunc_end0:
.L_simem_size_0:
called_computation.2_lowered:
.L_overlay_start_0:
0x88: {  	s2 =	sld [smem:$0x3FD9]  }
0x89: {  	s3 =	sld [smem:$0x3FFE];
	_ =	sdelay $0x1  }
0x8a: {  	s1 =	srdreg.scid  }
0x8b: {  	s0 =	sand.u32 $0x1, s1  }
0x8c: {  	s16 =	sshll.u32 s0, $0xA;
	s2 =	sadd.s32 s3, s2  }
0x8d: {  	s2 =	sadd.s32 s2, s16  }
0x8e: {  	[smem:$0x3FBE] =	sst s2  }
0x8f: {  	_ = 	snop  }
0x90: {  	(tm) =	ssettm $0x1  }
0x91: {  	s17 =	sld [smem:$0x3FFB];
	_ =	sdelay $0x3  }
0x92: {  	_ =	strace s17  }
0x93: {  	s2 =	sld [smem:$0x3FFC];
	_ =	sdelay $0x3  }
0x94: {  	_ =	strace s2  }
0x95: {  	s2 =	sld [smem:$0x3FFD];
	_ =	sdelay $0x3  }
0x96: {  	_ =	strace s2  }
0x97: {  	_ =	strace $0x8FFFFFFF  }
0x98: {  	s18 =	sld [smem:$0x3FDB];
	_ =	sdelay $0x1  }
0x99: {  	s19 =	simm.s32 $_scs_section_size  }
0x9a: {  	s4 =	simm.s32 $_size__tile_overlayer_lowered;
	s5 =	simm.s32 $_tile_overlayer_lowered  }
0x9b: {  	s22 =	simm.s32 $0x1BFF;
	s21 =	sshll.u32 s5, $0x1;
	s2 =	sadd.s32 s19, s18  }
0x9c: {  	s6 =	simm.s32 $0x0;
	s20 =	sshll.u32 s4, $0x1;
	s4 =	sadd.s32 s21, s2  }
0x9d: {  	[timem:s6], [sflag:s22] =	dma.local [hbm:s4], s20  }
0x9e: {  	_ =	swait.ge [sflag:s22], s20  }
0x9f: {  	s3 =	ssub.s32 $0x0, s20;
	[sflag:s22] =	ssyncset.done $0x0  }
0xa0: {  	[sflag:s22] =	ssyncadd.s32 s3;
	_ =	sdelay $0x1  }
0xa1: {  	s23 =	simm.s32 $0x1B8B  }
0xa2: {  	_ =	swait.ge [sflag:s23], $0x1  }
0xa3: {  	[sflag:s23] =	ssyncset.done $0x0  }
0xa4: {  	s25 =	simm.s32 $0x1B8E;
	s24 =	sld [smem:$0x3FFE];
	[sflag:s23] =	ssyncadd.s32 $0xFFFFFFFF  }
0xa5: {  	s26 =	simm.s32 $execute0_lowered;
	[smem:$0x3FD2] =	sst s25  }
0xa6: {  	s4 =	sshll.u32 s26, $0x1;
	_ =	strace $0x8000004C;
	[dreg:$0x1] =	wrdreg $0xFFFFFFFF  }
0xa7: {  	s28 =	simm.s32 $_size_execute0_lowered;
	s2 =	sadd.s32 s2, s4;
	[dreg:$0x0] =	wrdreg $0x0  }
0xa8: {  	s4 =	sshll.u32 s28, $0x1;
	[dreg:$0x2] =	wrdreg s2  }
0xa9: {  	[dreg:$0x3] =	wrdreg s4  }
0xaa: {  	[dreg:$0x4] =	wrdreg $0xC0  }
0xab: {  	_ =	task [dreg:s6], $0x5FFFF  }
0xac: {  	[dreg:$0x1] =	wrdreg $0xFFFFFFFF  }
0xad: {  	[dreg:$0x0] =	wrdreg $0x60  }
0xae: {  	[dreg:$0x2] =	wrdreg s24  }
0xaf: {  	[dreg:$0x3] =	wrdreg $0x0  }
0xb0: {  	[dreg:$0x4] =	wrdreg $0x9  }
0xb1: {  	_ =	task.clear_ibuf [dreg:s6], $0x5FFFF;
	_ =	strace $0x9000004C  }
0xb2: {  	s29 =	simm.s32 $0x9;
	_ =	strace $0x8000004E  }
0xb3: {  	_ =	swait.ge [sflag:s29], $0x1  }
0xb4: {  	[sflag:s29] =	ssyncadd.s32 $0xFFFFFFFF  }
0xb5: {  	_ =	strace $0x9000004E  }
0xb6: {  	_ =	sfence  }
0xb7: {  	s30 =	sld [smem:$0x0];
	_ =	sdelay $0x2  }
0xb8: {  	s31 =	sshll.u32 s1, $0xD;
	s1 =	sshrl.u32 s1, $0x2  }
0xb9: {  	s3 =	sand.u32 $0x4000, s31;
	s1 =	sadd.s32 s1, s30  }
0xba: {  	s0 =	sor.u32 s3, s0;
	s1 =	sshll.u32 s1, $0x11  }
0xbb: {  	s0 =	sor.u32 s1, s0  }
0xbc: {  	s0 =	sadd.s32 $0x8F2B, s0  }
0xbd: {  	[sflag:s0] =	ssyncadd.remote.s32 $0x1  }
0xbe: {  	_ =	sfence.sel $0xFFFF  }
0xbf: {  	[dreg:$0x0] =	wrdreg $0xFFFFFFFF;
	(pc) =	sbr.abs _section_cstart, $3  }
0xc0: {  	[dreg:$0x1] =	wrdreg $0xFFFFFFFF  }
0xc1: {  	_ =	task.clear_ibuf [dreg:s6], $0x2FFFF;
	_ =	strace $0x9FFFFFFF  }
0xc2: {  	(tm) =	ssettm $0x7FFFFFFF  }
0xc3: {  	_ =	shalt  }
tec
execute0_lowered:
.L_overlay_start_1:
0x0: {  	(tag) =	ssettag $0x1  }
0x1: {  	s0 =	srdreg.scid  }
0x2: {  	s9 =	stileid.u32;
	s1 =	rddreg [dreg:$0x0]  }
0x3: {  	s2 =	rddreg [dreg:$0x1];
	s3 =	simm.s32 $0x0;
	s15 =	simm.s32 $0x14080  }
0x4: {  	s17 =	simm.s32 $0x14100;
	s18 =	simm.s32 $0x14180;
	s20 =	simm.s32 $0x14880  }
0x5: {  	s22 =	simm.s32 $0x14200;
	s24 =	simm.s32 $0x14900;
	[smem:$0x7FF] =	sst s3  }
0x6: {  	s26 =	simm.s32 $0x14280;
	_ =	strace $0x8000004D;
	[dreg:$0x5] =	wrdreg s15  }
0x7: {  	s28 =	simm.s32 $0x5;
	s4 =	smul.u32 $0xA000, s9;
	[dreg:$0x6] =	wrdreg s17  }
0x8: {  	s29 =	simm.s32 $0x3;
	s10 =	smul.u32 $0x14000, s9;
	[dreg:$0x7] =	wrdreg s18  }
0x9: {  	s30 =	simm.s32 $0x6;
	s8 =	smul.u32 $0x1400, s9;
	[dreg:$0x8] =	wrdreg s20  }
0xa: {  	s0 =	sand.u32 $0x1, s0;
	s13 =	smul.u32 $0x50000, s9;
	[dreg:$0x9] =	wrdreg s22  }
0xb: {  	s31 =	simm.s32 $0x4;
	s5 =	smul.u32 $0xA0000, s0;
	[dreg:$0xa] =	wrdreg s24  }
0xc: {  	s9 =	simm.s32 $0x14980;
	s6 =	smul.u32 $0x140000, s0;
	[dreg:$0xb] =	wrdreg s26  }
0xd: {  	s0 =	ssub.s32 $0x2, s0;
	[dreg:$0xc] =	wrdreg s9;
	s15 =	simm.s32 $0x14380  }
0xe: {  	s17 =	simm.s32 $0x14400;
	s18 =	simm.s32 $0x14B00;
	s20 =	simm.s32 $0x14B80  }
0xf: {  	s22 =	simm.s32 $0x14C00;
	s24 =	simm.s32 $0x14C80;
	[dreg:$0xf] =	wrdreg s15  }
0x10: {  	s26 =	simm.s32 $0x14D00;
	s9 =	simm.s32 $0x14E00;
	[dreg:$0x11] =	wrdreg s17  }
0x11: {  	s11 =	sadd.s32 s8, s1;
	s12 =	sshrl.u32 s0, $0x1;
	[dreg:$0x12] =	wrdreg s18  }
0x12: {  	s16 =	sshrl.u32 s13, $0x2;
	s13 =	simm.s32 $0x14A00;
	[dreg:$0x14] =	wrdreg s20  }
0x13: {  	s17 =	simm.s32 $0x15000;
	s18 =	simm.s32 $0x9;
	[dreg:$0x16] =	wrdreg s22  }
0x14: {  	s20 =	simm.s32 $0x14800;
	s22 =	simm.s32 $0x17000;
	[dreg:$0x18] =	wrdreg s24  }
0x15: {  	s24 =	simm.s32 $0x1;
	[dreg:$0x1a] =	wrdreg s26;
	s4 =	sadd.s32 s4, s5  }
0x16: {  	s5 =	sadd.s32 s10, s6;
	s6 =	sadd.s32 $0x2200, s11;
	[dreg:$0xe] =	wrdreg s13  }
0x17: {  	s26 =	simm.s32 $0x2;
	s11 =	simm.s32 $0x14300;
	[dreg:$0x3] =	wrdreg s6  }
0x18: {  	s0 =	ssub.s32 s0, s12;
	s6 =	sadd.s32 s16, s2;
	[dreg:$0xd] =	wrdreg s11  }
0x19: {  	s13 =	simm.s32 $0x14F80;
	s16 =	simm.s32 $0x14A80;
	[dreg:$0x1b] =	wrdreg s6  }
0x1a: {  	s7 =	sshrl.u32 s4, $0x3;
	s0 =	smax.u32 s0, $0x1;
	[dreg:$0x10] =	wrdreg s16  }
0x1b: {  	s4 =	sadd.s32 $0x16200, s1;
	s19 =	sadd.s32 $0x2000, s6;
	[smem:$0x7FD] =	sst s0  }
0x1c: {  	s5 =	sshrl.u32 s5, $0x3;
	s21 =	sadd.s32 $0x4000, s6;
	[dreg:$0x1c] =	wrdreg s19  }
0x1d: {  	s11 =	simm.s32 $0x14E80;
	s23 =	sadd.s32 $0x6000, s6;
	[dreg:$0x1d] =	wrdreg s21  }
0x1e: {  	s7 =	sadd.s32 s7, s1;
	s25 =	sadd.s32 $0x8000, s6;
	[dreg:$0x1e] =	wrdreg s23  }
0x1f: {  	s1 =	sadd.s32 s5, s1;
	s8 =	sadd.s32 $0xA000, s6;
	[dreg:$0x1f] =	wrdreg s25  }
0x20: {  	s10 =	sadd.s32 $0xC000, s6;
	s12 =	sadd.s32 $0xE000, s6;
	[smem:$0x7F7] =	sst s8  }
0x21: {  	s0 =	simm.s32 $0x8;
	s14 =	sadd.s32 $0xF2200, s7;
	[smem:$0x7F8] =	sst s10  }
0x22: {  	[smem:$0x7F9] =	sst s12;
	s1 =	sadd.s32 $0x11A200, s1;
	s19 =	simm.s32 $0x14480  }
0x23: {  	s21 =	simm.s32 $0x14500;
	s23 =	simm.s32 $0x14580;
	[dreg:$0x4] =	wrdreg s14  }
0x24: {  	s25 =	simm.s32 $0x14600;
	s7 =	simm.s32 $0x14D80;
	[smem:$0x7FC] =	sst s1  }
0x25: {  	s8 =	simm.s32 $0x14700;
	s10 =	simm.s32 $0x14780;
	[dreg:$0x13] =	wrdreg s19  }
0x26: {  	s12 =	simm.s32 $0x14F00;
	s14 =	sadd.s32 $0x10000, s6;
	[dreg:$0x15] =	wrdreg s21  }
0x27: {  	s6 =	sadd.s32 $0x12000, s6;
	s19 =	simm.s32 $0x14000;
	[dreg:$0x17] =	wrdreg s23  }
0x28: {  	s21 =	simm.s32 $0x40;
	s23 =	simm.s32 $0x19000;
	[dreg:$0x19] =	wrdreg s25  }
0x29: {  	s25 =	simm.s32 $0x1B000;
	s1 =	simm.s32 $0x7;
	[smem:$0x7FA] =	sst s14  }
0x2a: {  	v0 =	vimm.f32 $0.0e+00;
	[smem:$0x7FB] =	sst s6;
	s6 =	simm.s32 $0x14680;
	s14 =	simm.s32 $0x0  }
.LBB2_1:
0x2b: {  	s15 =	simm.s32 $0x0;
	s16 =	simm.s32 $0x200  }
.LBB2_2:
0x2c: {  	p0 =	sne.s32 s16, $0x7E00;
	[tilespmem:s15+$0x15070] =	vst v0  }
0x2d: {  	[tilespmem:s15+$0x15000] =	vst v0  }
0x2e: {  	[tilespmem:s15+$0x15010] =	vst v0  }
.Ltmp0:
0x2f: {  	[tilespmem:s15+$0x15020] =	vst v0;
	(pc) =	sbr.rel @p0 .LBB2_2-.Ltmp0, $4  }
0x30: {  	[tilespmem:s15+$0x15030] =	vst v0  }
0x31: {  	[tilespmem:s15+$0x15040] =	vst v0  }
0x32: {  	[tilespmem:s15+$0x15050] =	vst v0  }
0x33: {  	[tilespmem:s15+$0x15060] =	vst v0;
	s15 =	sshra.s32 s16, $0x2;
	s16 =	sadd.s32 $0x200, s16  }
0x34: {  	[tilespmem:s15+$0x15070] =	vst v0  }
0x35: {  	[tilespmem:s15+$0x15000] =	vst v0  }
0x36: {  	[tilespmem:s15+$0x15010] =	vst v0  }
0x37: {  	[tilespmem:s15+$0x15020] =	vst v0  }
0x38: {  	[tilespmem:s15+$0x15030] =	vst v0  }
0x39: {  	[tilespmem:s15+$0x15040] =	vst v0  }
0x3a: {  	[smem:$0x7F6] =	sst s14;
	[tilespmem:s15+$0x15050] =	vst v0  }
0x3b: {  	[tilespmem:s15+$0x15060] =	vst v0;
	s5 =	rddreg [dreg:$0x1b]  }
0x3c: {  	[spmem:s5] =	stream.linear.scatter [tilespmem:s17], [sflag:$0x9], $0x2000, $0x38;
	[tilespmem:$0x1D000] =	vst v63  }
0x3d: {  	_ =	swait.ge [sflag:s18], $0x2000  }
0x3e: {  	[sflag:s18] =	ssyncset.done $0x0  }
0x3f: {  	s14 =	rddreg [dreg:$0x1c];
	[sflag:s18] =	ssyncadd.s32 $0xFFFFE000  }
0x40: {  	[spmem:s14] =	stream.linear.scatter [tilespmem:s17], [sflag:$0x9], $0x2000, $0x38;
	[tilespmem:$0x1D000] =	vst v63  }
0x41: {  	_ =	swait.ge [sflag:s18], $0x2000  }
0x42: {  	[sflag:s18] =	ssyncset.done $0x0  }
0x43: {  	s15 =	rddreg [dreg:$0x1d];
	[sflag:s18] =	ssyncadd.s32 $0xFFFFE000  }
0x44: {  	[spmem:s15] =	stream.linear.scatter [tilespmem:s17], [sflag:$0x9], $0x2000, $0x38;
	[tilespmem:$0x1D000] =	vst v63  }
0x45: {  	_ =	swait.ge [sflag:s18], $0x2000  }
0x46: {  	[sflag:s18] =	ssyncset.done $0x0  }
0x47: {  	s16 =	rddreg [dreg:$0x1e];
	[sflag:s18] =	ssyncadd.s32 $0xFFFFE000  }
0x48: {  	[spmem:s16] =	stream.linear.scatter [tilespmem:s17], [sflag:$0x9], $0x2000, $0x38;
	[tilespmem:$0x1D000] =	vst v63  }
0x49: {  	_ =	swait.ge [sflag:s18], $0x2000  }
0x4a: {  	[sflag:s18] =	ssyncset.done $0x0  }
0x4b: {  	s14 =	rddreg [dreg:$0x1f];
	[sflag:s18] =	ssyncadd.s32 $0xFFFFE000  }
0x4c: {  	[spmem:s14] =	stream.linear.scatter [tilespmem:s17], [sflag:$0x9], $0x2000, $0x38;
	[tilespmem:$0x1D000] =	vst v63  }
0x4d: {  	_ =	swait.ge [sflag:s18], $0x2000  }
0x4e: {  	s15 =	sld [smem:$0x7F7]  }
0x4f: {  	[sflag:s18] =	ssyncset.done $0x0  }
0x50: {  	[sflag:s18] =	ssyncadd.s32 $0xFFFFE000  }
0x51: {  	[spmem:s15] =	stream.linear.scatter [tilespmem:s17], [sflag:$0x9], $0x2000, $0x38;
	[tilespmem:$0x1D000] =	vst v63  }
0x52: {  	_ =	swait.ge [sflag:s18], $0x2000  }
0x53: {  	s16 =	sld [smem:$0x7F8]  }
0x54: {  	[sflag:s18] =	ssyncset.done $0x0  }
0x55: {  	[sflag:s18] =	ssyncadd.s32 $0xFFFFE000  }
0x56: {  	[spmem:s16] =	stream.linear.scatter [tilespmem:s17], [sflag:$0x9], $0x2000, $0x38;
	[tilespmem:$0x1D000] =	vst v63  }
0x57: {  	_ =	swait.ge [sflag:s18], $0x2000  }
0x58: {  	s14 =	sld [smem:$0x7F9]  }
0x59: {  	[sflag:s18] =	ssyncset.done $0x0  }
0x5a: {  	[sflag:s18] =	ssyncadd.s32 $0xFFFFE000  }
0x5b: {  	[spmem:s14] =	stream.linear.scatter [tilespmem:s17], [sflag:$0x9], $0x2000, $0x38;
	[tilespmem:$0x1D000] =	vst v63  }
0x5c: {  	_ =	swait.ge [sflag:s18], $0x2000  }
0x5d: {  	s15 =	sld [smem:$0x7FA]  }
0x5e: {  	[sflag:s18] =	ssyncset.done $0x0  }
0x5f: {  	[sflag:s18] =	ssyncadd.s32 $0xFFFFE000  }
0x60: {  	[spmem:s15] =	stream.linear.scatter [tilespmem:s17], [sflag:$0x9], $0x2000, $0x38;
	[tilespmem:$0x1D000] =	vst v63  }
0x61: {  	_ =	swait.ge [sflag:s18], $0x2000  }
0x62: {  	s16 =	sld [smem:$0x7FB]  }
0x63: {  	[sflag:s18] =	ssyncset.done $0x0  }
0x64: {  	[sflag:s18] =	ssyncadd.s32 $0xFFFFE000  }
0x65: {  	[spmem:s16] =	stream.linear.scatter [tilespmem:s17], [sflag:$0x9], $0x2000, $0x38;
	[tilespmem:$0x1D000] =	vst v63  }
0x66: {  	_ =	swait.ge [sflag:s18], $0x2000  }
0x67: {  	[sflag:s18] =	ssyncset.done $0x0  }
0x68: {  	[sflag:s18] =	ssyncadd.s32 $0xFFFFE000  }
0x69: {  	[bflag:$0x0] =	sbarrier.arrive $0xFFFF  }
0x6a: {  	s14 =	rddreg [dreg:$0x4]  }
0x6b: {  	s5 =	sadd.s32 $0x0, s14  }
0x6c: {  	[tilespmem:s19], [sflag:$0x9] =	stream.linear.gather [hbm4b:s5+s3], $0x800, $0x38;
	[tilespmem:$0x1D000] =	vst v63  }
0x6d: {  	_ =	swait.ge [sflag:s18], $0x800  }
0x6e: {  	s15 =	rddreg [dreg:$0x3];
	[sflag:s18] =	ssyncset.done $0x0  }
0x6f: {  	[sflag:s18] =	ssyncadd.s32 $0xFFFFF800;
	s5 =	sadd.s32 $0x0, s15  }
0x70: {  	[tilespmem:s20], [sflag:$0x9] =	stream.linear.gather [hbm4b:s5+s3], $0x800, $0x38;
	[tilespmem:$0x1D000] =	vst v63  }
0x71: {  	_ =	swait.ge [sflag:s18], $0x800  }
0x72: {  	[sflag:s18] =	ssyncset.done $0x0  }
0x73: {  	[sflag:s18] =	ssyncadd.s32 $0xFFFFF800  }
0x74: {  	[tilespmem:s17], [sflag:$0x1] =	stream.indirect.gather [hbm4b:s4+s21], $0x80, s19, s21, $0xb8;
	[tilespmem:$0x1D000] =	vst v63  }
0x75: {  	s16 =	rddreg [dreg:$0x5]  }
0x76: {  	[tilespmem:s22], [sflag:$0x2] =	stream.indirect.gather [hbm4b:s4+s21], $0x80, s16, s21, $0xb8;
	[tilespmem:$0x1D000] =	vst v63  }
0x77: {  	s14 =	rddreg [dreg:$0x6]  }
0x78: {  	[tilespmem:s23], [sflag:$0x3] =	stream.indirect.gather [hbm4b:s4+s21], $0x80, s14, s21, $0xb8;
	[tilespmem:$0x1D000] =	vst v63  }
0x79: {  	_ =	swait.ge [sflag:s24], $0x2000  }
0x7a: {  	[sflag:s24] =	ssyncset.done $0x0  }
0x7b: {  	[sflag:s24] =	ssyncadd.s32 $0xFFFFE000  }
0x7c: {  	[spmem:s2] =	stream.indirect.scatter.add.f32 [tilespmem:s17], [sflag:$0x5], $0x80, s20, s21, $0xb8;
	[tilespmem:$0x1D000] =	vst v63  }
0x7d: {  	s15 =	rddreg [dreg:$0x7]  }
0x7e: {  	[tilespmem:s25], [sflag:$0x4] =	stream.indirect.gather [hbm4b:s4+s21], $0x80, s15, s21, $0xb8;
	[tilespmem:$0x1D000] =	vst v63  }
0x7f: {  	_ =	swait.ge [sflag:s26], $0x2000  }
0x80: {  	[sflag:s26] =	ssyncset.done $0x0  }
0x81: {  	s16 =	rddreg [dreg:$0x8];
	[sflag:s26] =	ssyncadd.s32 $0xFFFFE000  }
0x82: {  	[spmem:s2] =	stream.indirect.scatter.add.f32 [tilespmem:s22], [sflag:$0x6], $0x80, s16, s21, $0xb8;
	[tilespmem:$0x1D000] =	vst v63  }
0x83: {  	_ =	swait.ge [sflag:s28], $0x2000  }
0x84: {  	[sflag:s28] =	ssyncset.done $0x0  }
0x85: {  	s14 =	rddreg [dreg:$0x9];
	[sflag:s28] =	ssyncadd.s32 $0xFFFFE000  }
0x86: {  	[tilespmem:s17], [sflag:$0x1] =	stream.indirect.gather [hbm4b:s4+s21], $0x80, s14, s21, $0xb8;
	[tilespmem:$0x1D000] =	vst v63  }
0x87: {  	_ =	swait.ge [sflag:s29], $0x2000  }
0x88: {  	[sflag:s29] =	ssyncset.done $0x0  }
0x89: {  	s15 =	rddreg [dreg:$0xa];
	[sflag:s29] =	ssyncadd.s32 $0xFFFFE000  }
0x8a: {  	[spmem:s2] =	stream.indirect.scatter.add.f32 [tilespmem:s23], [sflag:$0x7], $0x80, s15, s21, $0xb8;
	[tilespmem:$0x1D000] =	vst v63  }
0x8b: {  	_ =	swait.ge [sflag:s30], $0x2000  }
0x8c: {  	[sflag:s30] =	ssyncset.done $0x0  }
0x8d: {  	s16 =	rddreg [dreg:$0xb];
	[sflag:s30] =	ssyncadd.s32 $0xFFFFE000  }
0x8e: {  	[tilespmem:s22], [sflag:$0x2] =	stream.indirect.gather [hbm4b:s4+s21], $0x80, s16, s21, $0xb8;
	[tilespmem:$0x1D000] =	vst v63  }
0x8f: {  	_ =	swait.ge [sflag:s31], $0x2000  }
0x90: {  	[sflag:s31] =	ssyncset.done $0x0  }
0x91: {  	s14 =	rddreg [dreg:$0xc];
	[sflag:s31] =	ssyncadd.s32 $0xFFFFE000  }
0x92: {  	[spmem:s2] =	stream.indirect.scatter.add.f32 [tilespmem:s25], [sflag:$0x8], $0x80, s14, s21, $0xb8;
	[tilespmem:$0x1D000] =	vst v63  }
0x93: {  	_ =	swait.ge [sflag:s1], $0x2000  }
0x94: {  	[sflag:s1] =	ssyncset.done $0x0  }
0x95: {  	s15 =	rddreg [dreg:$0xd];
	[sflag:s1] =	ssyncadd.s32 $0xFFFFE000  }
0x96: {  	[tilespmem:s23], [sflag:$0x3] =	stream.indirect.gather [hbm4b:s4+s21], $0x80, s15, s21, $0xb8;
	[tilespmem:$0x1D000] =	vst v63  }
0x97: {  	_ =	swait.ge [sflag:s24], $0x2000  }
0x98: {  	[sflag:s24] =	ssyncset.done $0x0  }
0x99: {  	s16 =	rddreg [dreg:$0xe];
	[sflag:s24] =	ssyncadd.s32 $0xFFFFE000  }
0x9a: {  	[spmem:s2] =	stream.indirect.scatter.add.f32 [tilespmem:s17], [sflag:$0x5], $0x80, s16, s21, $0xb8;
	[tilespmem:$0x1D000] =	vst v63  }
0x9b: {  	_ =	swait.ge [sflag:s0], $0x2000  }
0x9c: {  	[sflag:s0] =	ssyncset.done $0x0  }
0x9d: {  	s14 =	rddreg [dreg:$0xf];
	[sflag:s0] =	ssyncadd.s32 $0xFFFFE000  }
0x9e: {  	[tilespmem:s25], [sflag:$0x4] =	stream.indirect.gather [hbm4b:s4+s21], $0x80, s14, s21, $0xb8;
	[tilespmem:$0x1D000] =	vst v63  }
0x9f: {  	_ =	swait.ge [sflag:s26], $0x2000  }
0xa0: {  	[sflag:s26] =	ssyncset.done $0x0  }
0xa1: {  	s15 =	rddreg [dreg:$0x10];
	[sflag:s26] =	ssyncadd.s32 $0xFFFFE000  }
0xa2: {  	[spmem:s2] =	stream.indirect.scatter.add.f32 [tilespmem:s22], [sflag:$0x6], $0x80, s15, s21, $0xb8;
	[tilespmem:$0x1D000] =	vst v63  }
0xa3: {  	_ =	swait.ge [sflag:s28], $0x2000  }
0xa4: {  	[sflag:s28] =	ssyncset.done $0x0  }
0xa5: {  	s16 =	rddreg [dreg:$0x11];
	[sflag:s28] =	ssyncadd.s32 $0xFFFFE000  }
0xa6: {  	[tilespmem:s17], [sflag:$0x1] =	stream.indirect.gather [hbm4b:s4+s21], $0x80, s16, s21, $0xb8;
	[tilespmem:$0x1D000] =	vst v63  }
0xa7: {  	_ =	swait.ge [sflag:s29], $0x2000  }
0xa8: {  	[sflag:s29] =	ssyncset.done $0x0  }
0xa9: {  	s14 =	rddreg [dreg:$0x12];
	[sflag:s29] =	ssyncadd.s32 $0xFFFFE000  }
0xaa: {  	[spmem:s2] =	stream.indirect.scatter.add.f32 [tilespmem:s23], [sflag:$0x7], $0x80, s14, s21, $0xb8;
	[tilespmem:$0x1D000] =	vst v63  }
0xab: {  	_ =	swait.ge [sflag:s30], $0x2000  }
0xac: {  	[sflag:s30] =	ssyncset.done $0x0  }
0xad: {  	s15 =	rddreg [dreg:$0x13];
	[sflag:s30] =	ssyncadd.s32 $0xFFFFE000  }
0xae: {  	[tilespmem:s22], [sflag:$0x2] =	stream.indirect.gather [hbm4b:s4+s21], $0x80, s15, s21, $0xb8;
	[tilespmem:$0x1D000] =	vst v63  }
0xaf: {  	_ =	swait.ge [sflag:s31], $0x2000  }
0xb0: {  	[sflag:s31] =	ssyncset.done $0x0  }
0xb1: {  	s16 =	rddreg [dreg:$0x14];
	[sflag:s31] =	ssyncadd.s32 $0xFFFFE000  }
0xb2: {  	[spmem:s2] =	stream.indirect.scatter.add.f32 [tilespmem:s25], [sflag:$0x8], $0x80, s16, s21, $0xb8;
	[tilespmem:$0x1D000] =	vst v63  }
0xb3: {  	_ =	swait.ge [sflag:s1], $0x2000  }
0xb4: {  	[sflag:s1] =	ssyncset.done $0x0  }
0xb5: {  	s14 =	rddreg [dreg:$0x15];
	[sflag:s1] =	ssyncadd.s32 $0xFFFFE000  }
0xb6: {  	[tilespmem:s23], [sflag:$0x3] =	stream.indirect.gather [hbm4b:s4+s21], $0x80, s14, s21, $0xb8;
	[tilespmem:$0x1D000] =	vst v63  }
0xb7: {  	_ =	swait.ge [sflag:s24], $0x2000  }
0xb8: {  	[sflag:s24] =	ssyncset.done $0x0  }
0xb9: {  	s15 =	rddreg [dreg:$0x16];
	[sflag:s24] =	ssyncadd.s32 $0xFFFFE000  }
0xba: {  	[spmem:s2] =	stream.indirect.scatter.add.f32 [tilespmem:s17], [sflag:$0x5], $0x80, s15, s21, $0xb8;
	[tilespmem:$0x1D000] =	vst v63  }
0xbb: {  	_ =	swait.ge [sflag:s0], $0x2000  }
0xbc: {  	[sflag:s0] =	ssyncset.done $0x0  }
0xbd: {  	s16 =	rddreg [dreg:$0x17];
	[sflag:s0] =	ssyncadd.s32 $0xFFFFE000  }
0xbe: {  	[tilespmem:s25], [sflag:$0x4] =	stream.indirect.gather [hbm4b:s4+s21], $0x80, s16, s21, $0xb8;
	[tilespmem:$0x1D000] =	vst v63  }
0xbf: {  	_ =	swait.ge [sflag:s26], $0x2000  }
0xc0: {  	[sflag:s26] =	ssyncset.done $0x0  }
0xc1: {  	s14 =	rddreg [dreg:$0x18];
	[sflag:s26] =	ssyncadd.s32 $0xFFFFE000  }
0xc2: {  	[spmem:s2] =	stream.indirect.scatter.add.f32 [tilespmem:s22], [sflag:$0x6], $0x80, s14, s21, $0xb8;
	[tilespmem:$0x1D000] =	vst v63  }
0xc3: {  	_ =	swait.ge [sflag:s28], $0x2000  }
0xc4: {  	[sflag:s28] =	ssyncset.done $0x0  }
0xc5: {  	s15 =	rddreg [dreg:$0x19];
	[sflag:s28] =	ssyncadd.s32 $0xFFFFE000  }
0xc6: {  	[tilespmem:s17], [sflag:$0x1] =	stream.indirect.gather [hbm4b:s4+s21], $0x80, s15, s21, $0xb8;
	[tilespmem:$0x1D000] =	vst v63  }
0xc7: {  	_ =	swait.ge [sflag:s29], $0x2000  }
0xc8: {  	[sflag:s29] =	ssyncset.done $0x0  }
0xc9: {  	s16 =	rddreg [dreg:$0x1a];
	[sflag:s29] =	ssyncadd.s32 $0xFFFFE000  }
0xca: {  	[spmem:s2] =	stream.indirect.scatter.add.f32 [tilespmem:s23], [sflag:$0x7], $0x80, s16, s21, $0xb8;
	[tilespmem:$0x1D000] =	vst v63  }
0xcb: {  	_ =	swait.ge [sflag:s30], $0x2000  }
0xcc: {  	[sflag:s30] =	ssyncset.done $0x0  }
0xcd: {  	[sflag:s30] =	ssyncadd.s32 $0xFFFFE000  }
0xce: {  	[tilespmem:s22], [sflag:$0x2] =	stream.indirect.gather [hbm4b:s4+s21], $0x80, s6, s21, $0xb8;
	[tilespmem:$0x1D000] =	vst v63  }
0xcf: {  	_ =	swait.ge [sflag:s31], $0x2000  }
0xd0: {  	[sflag:s31] =	ssyncset.done $0x0  }
0xd1: {  	[sflag:s31] =	ssyncadd.s32 $0xFFFFE000  }
0xd2: {  	[spmem:s2] =	stream.indirect.scatter.add.f32 [tilespmem:s25], [sflag:$0x8], $0x80, s7, s21, $0xb8;
	[tilespmem:$0x1D000] =	vst v63  }
0xd3: {  	_ =	swait.ge [sflag:s1], $0x2000  }
0xd4: {  	[sflag:s1] =	ssyncset.done $0x0  }
0xd5: {  	[sflag:s1] =	ssyncadd.s32 $0xFFFFE000  }
0xd6: {  	[tilespmem:s23], [sflag:$0x3] =	stream.indirect.gather [hbm4b:s4+s21], $0x80, s8, s21, $0xb8;
	[tilespmem:$0x1D000] =	vst v63  }
0xd7: {  	_ =	swait.ge [sflag:s24], $0x2000  }
0xd8: {  	[sflag:s24] =	ssyncset.done $0x0  }
0xd9: {  	[sflag:s24] =	ssyncadd.s32 $0xFFFFE000  }
0xda: {  	[spmem:s2] =	stream.indirect.scatter.add.f32 [tilespmem:s17], [sflag:$0x5], $0x80, s9, s21, $0xb8;
	[tilespmem:$0x1D000] =	vst v63  }
0xdb: {  	_ =	swait.ge [sflag:s0], $0x2000  }
0xdc: {  	[sflag:s0] =	ssyncset.done $0x0  }
0xdd: {  	[sflag:s0] =	ssyncadd.s32 $0xFFFFE000  }
0xde: {  	[tilespmem:s25], [sflag:$0x4] =	stream.indirect.gather [hbm4b:s4+s21], $0x80, s10, s21, $0xb8;
	[tilespmem:$0x1D000] =	vst v63  }
0xdf: {  	_ =	swait.ge [sflag:s26], $0x2000  }
0xe0: {  	[sflag:s26] =	ssyncset.done $0x0  }
0xe1: {  	[sflag:s26] =	ssyncadd.s32 $0xFFFFE000  }
0xe2: {  	[spmem:s2] =	stream.indirect.scatter.add.f32 [tilespmem:s22], [sflag:$0x6], $0x80, s11, s21, $0xb8;
	[tilespmem:$0x1D000] =	vst v63  }
0xe3: {  	_ =	swait.ge [sflag:s29], $0x2000  }
0xe4: {  	[sflag:s29] =	ssyncset.done $0x0  }
0xe5: {  	[sflag:s29] =	ssyncadd.s32 $0xFFFFE000  }
0xe6: {  	[spmem:s2] =	stream.indirect.scatter.add.f32 [tilespmem:s23], [sflag:$0x7], $0x80, s12, s21, $0xb8;
	[tilespmem:$0x1D000] =	vst v63  }
0xe7: {  	_ =	swait.ge [sflag:s31], $0x2000  }
0xe8: {  	[sflag:s31] =	ssyncset.done $0x0  }
0xe9: {  	[sflag:s31] =	ssyncadd.s32 $0xFFFFE000  }
0xea: {  	[spmem:s2] =	stream.indirect.scatter.add.f32 [tilespmem:s25], [sflag:$0x8], $0x80, s13, s21, $0xb8;
	[tilespmem:$0x1D000] =	vst v63  }
0xeb: {  	_ =	swait.ge [sflag:s28], $0x2000  }
0xec: {  	[sflag:s28] =	ssyncset.done $0x0  }
0xed: {  	[sflag:s28] =	ssyncadd.s32 $0xFFFFE000  }
0xee: {  	_ =	swait.ge [sflag:s30], $0x2000  }
0xef: {  	[sflag:s30] =	ssyncset.done $0x0  }
0xf0: {  	[sflag:s30] =	ssyncadd.s32 $0xFFFFE000  }
0xf1: {  	_ =	swait.ge [sflag:s1], $0x2000  }
0xf2: {  	[sflag:s1] =	ssyncset.done $0x0  }
0xf3: {  	[sflag:s1] =	ssyncadd.s32 $0xFFFFE000  }
0xf4: {  	s15 =	simm.s32 $0x100;
	_ =	swait.ge [sflag:s0], $0x2000  }
0xf5: {  	s16 =	simm.s32 $0x200;
	s5 =	rddreg [dreg:$0x4];
	[sflag:s0] =	ssyncset.done $0x0  }
.LBB2_4:
0xf6: {  	[sflag:s0] =	ssyncadd.s32 $0xFFFFE000;
	s5 =	sadd.s32 s15, s5  }
0xf7: {  	[tilespmem:s19], [sflag:$0x9] =	stream.linear.gather [hbm4b:s5+s3], $0x800, $0x38;
	[tilespmem:$0x1D000] =	vst v63  }
0xf8: {  	_ =	swait.ge [sflag:s18], $0x800  }
0xf9: {  	s5 =	rddreg [dreg:$0x3];
	[sflag:s18] =	ssyncset.done $0x0  }
0xfa: {  	[sflag:s18] =	ssyncadd.s32 $0xFFFFF800;
	s5 =	sadd.s32 s15, s5  }
0xfb: {  	[tilespmem:s20], [sflag:$0x9] =	stream.linear.gather [hbm4b:s5+s3], $0x800, $0x38;
	[tilespmem:$0x1D000] =	vst v63  }
0xfc: {  	_ =	swait.ge [sflag:s18], $0x800  }
0xfd: {  	[sflag:s18] =	ssyncset.done $0x0  }
0xfe: {  	[sflag:s18] =	ssyncadd.s32 $0xFFFFF800  }
0xff: {  	[tilespmem:s17], [sflag:$0x1] =	stream.indirect.gather [hbm4b:s4+s21], $0x80, s19, s21, $0xb8;
	[tilespmem:$0x1D000] =	vst v63  }
0x100: {  	s14 =	smov.u32 s16;
	s5 =	rddreg [dreg:$0x5]  }
0x101: {  	[tilespmem:s22], [sflag:$0x2] =	stream.indirect.gather [hbm4b:s4+s21], $0x80, s5, s21, $0xb8;
	[tilespmem:$0x1D000] =	vst v63  }
0x102: {  	s15 =	smov.u32 s14;
	s14 =	rddreg [dreg:$0x6]  }
0x103: {  	[tilespmem:s23], [sflag:$0x3] =	stream.indirect.gather [hbm4b:s4+s21], $0x80, s14, s21, $0xb8;
	[tilespmem:$0x1D000] =	vst v63  }
0x104: {  	_ =	swait.ge [sflag:s24], $0x2000  }
0x105: {  	[sflag:s24] =	ssyncset.done $0x0  }
0x106: {  	[sflag:s24] =	ssyncadd.s32 $0xFFFFE000  }
0x107: {  	[spmem:s2] =	stream.indirect.scatter.add.f32 [tilespmem:s17], [sflag:$0x5], $0x80, s20, s21, $0xb8;
	[tilespmem:$0x1D000] =	vst v63  }
0x108: {  	s14 =	rddreg [dreg:$0x7]  }
0x109: {  	[tilespmem:s25], [sflag:$0x4] =	stream.indirect.gather [hbm4b:s4+s21], $0x80, s14, s21, $0xb8;
	[tilespmem:$0x1D000] =	vst v63  }
0x10a: {  	_ =	swait.ge [sflag:s26], $0x2000  }
0x10b: {  	[sflag:s26] =	ssyncset.done $0x0  }
0x10c: {  	s14 =	rddreg [dreg:$0x8];
	[sflag:s26] =	ssyncadd.s32 $0xFFFFE000  }
0x10d: {  	[spmem:s2] =	stream.indirect.scatter.add.f32 [tilespmem:s22], [sflag:$0x6], $0x80, s14, s21, $0xb8;
	[tilespmem:$0x1D000] =	vst v63  }
0x10e: {  	_ =	swait.ge [sflag:s28], $0x2000  }
0x10f: {  	[sflag:s28] =	ssyncset.done $0x0  }
0x110: {  	s14 =	rddreg [dreg:$0x9];
	[sflag:s28] =	ssyncadd.s32 $0xFFFFE000  }
0x111: {  	[tilespmem:s17], [sflag:$0x1] =	stream.indirect.gather [hbm4b:s4+s21], $0x80, s14, s21, $0xb8;
	[tilespmem:$0x1D000] =	vst v63  }
0x112: {  	_ =	swait.ge [sflag:s29], $0x2000  }
0x113: {  	[sflag:s29] =	ssyncset.done $0x0  }
0x114: {  	s14 =	rddreg [dreg:$0xa];
	[sflag:s29] =	ssyncadd.s32 $0xFFFFE000  }
0x115: {  	[spmem:s2] =	stream.indirect.scatter.add.f32 [tilespmem:s23], [sflag:$0x7], $0x80, s14, s21, $0xb8;
	[tilespmem:$0x1D000] =	vst v63  }
0x116: {  	_ =	swait.ge [sflag:s30], $0x2000  }
0x117: {  	[sflag:s30] =	ssyncset.done $0x0  }
0x118: {  	s14 =	rddreg [dreg:$0xb];
	[sflag:s30] =	ssyncadd.s32 $0xFFFFE000  }
0x119: {  	[tilespmem:s22], [sflag:$0x2] =	stream.indirect.gather [hbm4b:s4+s21], $0x80, s14, s21, $0xb8;
	[tilespmem:$0x1D000] =	vst v63  }
0x11a: {  	_ =	swait.ge [sflag:s31], $0x2000  }
0x11b: {  	[sflag:s31] =	ssyncset.done $0x0  }
0x11c: {  	s14 =	rddreg [dreg:$0xc];
	[sflag:s31] =	ssyncadd.s32 $0xFFFFE000  }
0x11d: {  	[spmem:s2] =	stream.indirect.scatter.add.f32 [tilespmem:s25], [sflag:$0x8], $0x80, s14, s21, $0xb8;
	[tilespmem:$0x1D000] =	vst v63  }
0x11e: {  	_ =	swait.ge [sflag:s1], $0x2000  }
0x11f: {  	[sflag:s1] =	ssyncset.done $0x0  }
0x120: {  	s14 =	rddreg [dreg:$0xd];
	[sflag:s1] =	ssyncadd.s32 $0xFFFFE000  }
0x121: {  	[tilespmem:s23], [sflag:$0x3] =	stream.indirect.gather [hbm4b:s4+s21], $0x80, s14, s21, $0xb8;
	[tilespmem:$0x1D000] =	vst v63  }
0x122: {  	_ =	swait.ge [sflag:s24], $0x2000  }
0x123: {  	[sflag:s24] =	ssyncset.done $0x0  }
0x124: {  	s14 =	rddreg [dreg:$0xe];
	[sflag:s24] =	ssyncadd.s32 $0xFFFFE000  }
0x125: {  	[spmem:s2] =	stream.indirect.scatter.add.f32 [tilespmem:s17], [sflag:$0x5], $0x80, s14, s21, $0xb8;
	[tilespmem:$0x1D000] =	vst v63  }
0x126: {  	_ =	swait.ge [sflag:s0], $0x2000  }
0x127: {  	[sflag:s0] =	ssyncset.done $0x0  }
0x128: {  	s14 =	rddreg [dreg:$0xf];
	[sflag:s0] =	ssyncadd.s32 $0xFFFFE000  }
0x129: {  	[tilespmem:s25], [sflag:$0x4] =	stream.indirect.gather [hbm4b:s4+s21], $0x80, s14, s21, $0xb8;
	[tilespmem:$0x1D000] =	vst v63  }
0x12a: {  	_ =	swait.ge [sflag:s26], $0x2000  }
0x12b: {  	[sflag:s26] =	ssyncset.done $0x0  }
0x12c: {  	s14 =	rddreg [dreg:$0x10];
	[sflag:s26] =	ssyncadd.s32 $0xFFFFE000  }
0x12d: {  	[spmem:s2] =	stream.indirect.scatter.add.f32 [tilespmem:s22], [sflag:$0x6], $0x80, s14, s21, $0xb8;
	[tilespmem:$0x1D000] =	vst v63  }
0x12e: {  	_ =	swait.ge [sflag:s28], $0x2000  }
0x12f: {  	[sflag:s28] =	ssyncset.done $0x0  }
0x130: {  	s14 =	rddreg [dreg:$0x11];
	[sflag:s28] =	ssyncadd.s32 $0xFFFFE000  }
0x131: {  	[tilespmem:s17], [sflag:$0x1] =	stream.indirect.gather [hbm4b:s4+s21], $0x80, s14, s21, $0xb8;
	[tilespmem:$0x1D000] =	vst v63  }
0x132: {  	_ =	swait.ge [sflag:s29], $0x2000  }
0x133: {  	[sflag:s29] =	ssyncset.done $0x0  }
0x134: {  	s14 =	rddreg [dreg:$0x12];
	[sflag:s29] =	ssyncadd.s32 $0xFFFFE000  }
0x135: {  	[spmem:s2] =	stream.indirect.scatter.add.f32 [tilespmem:s23], [sflag:$0x7], $0x80, s14, s21, $0xb8;
	[tilespmem:$0x1D000] =	vst v63  }
0x136: {  	_ =	swait.ge [sflag:s30], $0x2000  }
0x137: {  	[sflag:s30] =	ssyncset.done $0x0  }
0x138: {  	s14 =	rddreg [dreg:$0x13];
	[sflag:s30] =	ssyncadd.s32 $0xFFFFE000  }
0x139: {  	[tilespmem:s22], [sflag:$0x2] =	stream.indirect.gather [hbm4b:s4+s21], $0x80, s14, s21, $0xb8;
	[tilespmem:$0x1D000] =	vst v63  }
0x13a: {  	_ =	swait.ge [sflag:s31], $0x2000  }
0x13b: {  	[sflag:s31] =	ssyncset.done $0x0  }
0x13c: {  	s14 =	rddreg [dreg:$0x14];
	[sflag:s31] =	ssyncadd.s32 $0xFFFFE000  }
0x13d: {  	[spmem:s2] =	stream.indirect.scatter.add.f32 [tilespmem:s25], [sflag:$0x8], $0x80, s14, s21, $0xb8;
	[tilespmem:$0x1D000] =	vst v63  }
0x13e: {  	_ =	swait.ge [sflag:s1], $0x2000  }
0x13f: {  	[sflag:s1] =	ssyncset.done $0x0  }
0x140: {  	s14 =	rddreg [dreg:$0x15];
	[sflag:s1] =	ssyncadd.s32 $0xFFFFE000  }
0x141: {  	[tilespmem:s23], [sflag:$0x3] =	stream.indirect.gather [hbm4b:s4+s21], $0x80, s14, s21, $0xb8;
	[tilespmem:$0x1D000] =	vst v63  }
0x142: {  	_ =	swait.ge [sflag:s24], $0x2000  }
0x143: {  	[sflag:s24] =	ssyncset.done $0x0  }
0x144: {  	s14 =	rddreg [dreg:$0x16];
	[sflag:s24] =	ssyncadd.s32 $0xFFFFE000  }
0x145: {  	[spmem:s2] =	stream.indirect.scatter.add.f32 [tilespmem:s17], [sflag:$0x5], $0x80, s14, s21, $0xb8;
	[tilespmem:$0x1D000] =	vst v63  }
0x146: {  	_ =	swait.ge [sflag:s0], $0x2000  }
0x147: {  	[sflag:s0] =	ssyncset.done $0x0  }
0x148: {  	s14 =	rddreg [dreg:$0x17];
	[sflag:s0] =	ssyncadd.s32 $0xFFFFE000  }
0x149: {  	[tilespmem:s25], [sflag:$0x4] =	stream.indirect.gather [hbm4b:s4+s21], $0x80, s14, s21, $0xb8;
	[tilespmem:$0x1D000] =	vst v63  }
0x14a: {  	_ =	swait.ge [sflag:s26], $0x2000  }
0x14b: {  	[sflag:s26] =	ssyncset.done $0x0  }
0x14c: {  	s14 =	rddreg [dreg:$0x18];
	[sflag:s26] =	ssyncadd.s32 $0xFFFFE000  }
0x14d: {  	[spmem:s2] =	stream.indirect.scatter.add.f32 [tilespmem:s22], [sflag:$0x6], $0x80, s14, s21, $0xb8;
	[tilespmem:$0x1D000] =	vst v63  }
0x14e: {  	_ =	swait.ge [sflag:s28], $0x2000  }
0x14f: {  	[sflag:s28] =	ssyncset.done $0x0  }
0x150: {  	s14 =	rddreg [dreg:$0x19];
	[sflag:s28] =	ssyncadd.s32 $0xFFFFE000  }
0x151: {  	[tilespmem:s17], [sflag:$0x1] =	stream.indirect.gather [hbm4b:s4+s21], $0x80, s14, s21, $0xb8;
	[tilespmem:$0x1D000] =	vst v63  }
0x152: {  	_ =	swait.ge [sflag:s29], $0x2000  }
0x153: {  	[sflag:s29] =	ssyncset.done $0x0  }
0x154: {  	s14 =	rddreg [dreg:$0x1a];
	[sflag:s29] =	ssyncadd.s32 $0xFFFFE000  }
0x155: {  	[spmem:s2] =	stream.indirect.scatter.add.f32 [tilespmem:s23], [sflag:$0x7], $0x80, s14, s21, $0xb8;
	[tilespmem:$0x1D000] =	vst v63  }
0x156: {  	_ =	swait.ge [sflag:s30], $0x2000  }
0x157: {  	[sflag:s30] =	ssyncset.done $0x0  }
0x158: {  	[sflag:s30] =	ssyncadd.s32 $0xFFFFE000  }
0x159: {  	[tilespmem:s22], [sflag:$0x2] =	stream.indirect.gather [hbm4b:s4+s21], $0x80, s6, s21, $0xb8;
	[tilespmem:$0x1D000] =	vst v63  }
0x15a: {  	_ =	swait.ge [sflag:s31], $0x2000  }
0x15b: {  	[sflag:s31] =	ssyncset.done $0x0  }
0x15c: {  	[sflag:s31] =	ssyncadd.s32 $0xFFFFE000  }
0x15d: {  	[spmem:s2] =	stream.indirect.scatter.add.f32 [tilespmem:s25], [sflag:$0x8], $0x80, s7, s21, $0xb8;
	[tilespmem:$0x1D000] =	vst v63  }
0x15e: {  	_ =	swait.ge [sflag:s1], $0x2000  }
0x15f: {  	[sflag:s1] =	ssyncset.done $0x0  }
0x160: {  	[sflag:s1] =	ssyncadd.s32 $0xFFFFE000  }
0x161: {  	[tilespmem:s23], [sflag:$0x3] =	stream.indirect.gather [hbm4b:s4+s21], $0x80, s8, s21, $0xb8;
	[tilespmem:$0x1D000] =	vst v63  }
0x162: {  	_ =	swait.ge [sflag:s24], $0x2000  }
0x163: {  	[sflag:s24] =	ssyncset.done $0x0  }
0x164: {  	[sflag:s24] =	ssyncadd.s32 $0xFFFFE000  }
0x165: {  	[spmem:s2] =	stream.indirect.scatter.add.f32 [tilespmem:s17], [sflag:$0x5], $0x80, s9, s21, $0xb8;
	[tilespmem:$0x1D000] =	vst v63  }
0x166: {  	_ =	swait.ge [sflag:s0], $0x2000  }
0x167: {  	[sflag:s0] =	ssyncset.done $0x0  }
0x168: {  	[sflag:s0] =	ssyncadd.s32 $0xFFFFE000  }
0x169: {  	[tilespmem:s25], [sflag:$0x4] =	stream.indirect.gather [hbm4b:s4+s21], $0x80, s10, s21, $0xb8;
	[tilespmem:$0x1D000] =	vst v63  }
0x16a: {  	_ =	swait.ge [sflag:s26], $0x2000  }
0x16b: {  	[sflag:s26] =	ssyncset.done $0x0  }
0x16c: {  	[sflag:s26] =	ssyncadd.s32 $0xFFFFE000  }
0x16d: {  	[spmem:s2] =	stream.indirect.scatter.add.f32 [tilespmem:s22], [sflag:$0x6], $0x80, s11, s21, $0xb8;
	[tilespmem:$0x1D000] =	vst v63  }
0x16e: {  	_ =	swait.ge [sflag:s29], $0x2000  }
0x16f: {  	[sflag:s29] =	ssyncset.done $0x0  }
0x170: {  	[sflag:s29] =	ssyncadd.s32 $0xFFFFE000  }
0x171: {  	[spmem:s2] =	stream.indirect.scatter.add.f32 [tilespmem:s23], [sflag:$0x7], $0x80, s12, s21, $0xb8;
	[tilespmem:$0x1D000] =	vst v63  }
0x172: {  	_ =	swait.ge [sflag:s31], $0x2000  }
0x173: {  	[sflag:s31] =	ssyncset.done $0x0  }
0x174: {  	[sflag:s31] =	ssyncadd.s32 $0xFFFFE000  }
0x175: {  	[spmem:s2] =	stream.indirect.scatter.add.f32 [tilespmem:s25], [sflag:$0x8], $0x80, s13, s21, $0xb8;
	[tilespmem:$0x1D000] =	vst v63  }
0x176: {  	_ =	swait.ge [sflag:s28], $0x2000  }
0x177: {  	[sflag:s28] =	ssyncset.done $0x0  }
0x178: {  	[sflag:s28] =	ssyncadd.s32 $0xFFFFE000  }
0x179: {  	_ =	swait.ge [sflag:s30], $0x2000  }
0x17a: {  	[sflag:s30] =	ssyncset.done $0x0  }
0x17b: {  	p0 =	sne.s32 s16, $0x1300;
	[sflag:s30] =	ssyncadd.s32 $0xFFFFE000  }
.Ltmp1:
0x17c: {  	_ =	swait.ge [sflag:s1], $0x2000;
	(pc) =	sbr.rel @p0 .LBB2_4-.Ltmp1, $4  }
0x17d: {  	[sflag:s1] =	ssyncset.done $0x0  }
0x17e: {  	[sflag:s1] =	ssyncadd.s32 $0xFFFFE000  }
0x17f: {  	_ =	swait.ge [sflag:s0], $0x2000  }
0x180: {  	s16 =	sadd.s32 $0x100, s16;
	s5 =	rddreg [dreg:$0x4];
	[sflag:s0] =	ssyncset.done $0x0  }
0x181: {  	[sflag:s0] =	ssyncadd.s32 $0xFFFFE000;
	s5 =	sadd.s32 s15, s5  }
0x182: {  	[tilespmem:s19], [sflag:$0x9] =	stream.linear.gather [hbm4b:s5+s3], $0x800, $0x38;
	[tilespmem:$0x1D000] =	vst v63  }
0x183: {  	_ =	swait.ge [sflag:s18], $0x800  }
0x184: {  	s14 =	rddreg [dreg:$0x3];
	[sflag:s18] =	ssyncset.done $0x0  }
0x185: {  	[sflag:s18] =	ssyncadd.s32 $0xFFFFF800;
	s5 =	sadd.s32 s15, s14  }
0x186: {  	[tilespmem:s20], [sflag:$0x9] =	stream.linear.gather [hbm4b:s5+s3], $0x800, $0x38;
	[tilespmem:$0x1D000] =	vst v63  }
0x187: {  	_ =	swait.ge [sflag:s18], $0x800  }
0x188: {  	[sflag:s18] =	ssyncset.done $0x0  }
0x189: {  	[sflag:s18] =	ssyncadd.s32 $0xFFFFF800  }
0x18a: {  	[tilespmem:s17], [sflag:$0x1] =	stream.indirect.gather [hbm4b:s4+s21], $0x80, s19, s21, $0xb8;
	[tilespmem:$0x1D000] =	vst v63  }
0x18b: {  	s16 =	rddreg [dreg:$0x5]  }
0x18c: {  	[tilespmem:s22], [sflag:$0x2] =	stream.indirect.gather [hbm4b:s4+s21], $0x80, s16, s21, $0xb8;
	[tilespmem:$0x1D000] =	vst v63  }
0x18d: {  	s14 =	rddreg [dreg:$0x6]  }
0x18e: {  	[tilespmem:s23], [sflag:$0x3] =	stream.indirect.gather [hbm4b:s4+s21], $0x80, s14, s21, $0xb8;
	[tilespmem:$0x1D000] =	vst v63  }
0x18f: {  	_ =	swait.ge [sflag:s24], $0x2000  }
0x190: {  	[sflag:s24] =	ssyncset.done $0x0  }
0x191: {  	[sflag:s24] =	ssyncadd.s32 $0xFFFFE000  }
0x192: {  	[spmem:s2] =	stream.indirect.scatter.add.f32 [tilespmem:s17], [sflag:$0x5], $0x80, s20, s21, $0xb8;
	[tilespmem:$0x1D000] =	vst v63  }
0x193: {  	s15 =	rddreg [dreg:$0x7]  }
0x194: {  	[tilespmem:s25], [sflag:$0x4] =	stream.indirect.gather [hbm4b:s4+s21], $0x80, s15, s21, $0xb8;
	[tilespmem:$0x1D000] =	vst v63  }
0x195: {  	_ =	swait.ge [sflag:s26], $0x2000  }
0x196: {  	[sflag:s26] =	ssyncset.done $0x0  }
0x197: {  	s16 =	rddreg [dreg:$0x8];
	[sflag:s26] =	ssyncadd.s32 $0xFFFFE000  }
0x198: {  	[spmem:s2] =	stream.indirect.scatter.add.f32 [tilespmem:s22], [sflag:$0x6], $0x80, s16, s21, $0xb8;
	[tilespmem:$0x1D000] =	vst v63  }
0x199: {  	_ =	swait.ge [sflag:s28], $0x2000  }
0x19a: {  	[sflag:s28] =	ssyncset.done $0x0  }
0x19b: {  	s14 =	rddreg [dreg:$0x9];
	[sflag:s28] =	ssyncadd.s32 $0xFFFFE000  }
0x19c: {  	[tilespmem:s17], [sflag:$0x1] =	stream.indirect.gather [hbm4b:s4+s21], $0x80, s14, s21, $0xb8;
	[tilespmem:$0x1D000] =	vst v63  }
0x19d: {  	_ =	swait.ge [sflag:s29], $0x2000  }
0x19e: {  	[sflag:s29] =	ssyncset.done $0x0  }
0x19f: {  	s15 =	rddreg [dreg:$0xa];
	[sflag:s29] =	ssyncadd.s32 $0xFFFFE000  }
0x1a0: {  	[spmem:s2] =	stream.indirect.scatter.add.f32 [tilespmem:s23], [sflag:$0x7], $0x80, s15, s21, $0xb8;
	[tilespmem:$0x1D000] =	vst v63  }
0x1a1: {  	_ =	swait.ge [sflag:s30], $0x2000  }
0x1a2: {  	[sflag:s30] =	ssyncset.done $0x0  }
0x1a3: {  	s16 =	rddreg [dreg:$0xb];
	[sflag:s30] =	ssyncadd.s32 $0xFFFFE000  }
0x1a4: {  	[tilespmem:s22], [sflag:$0x2] =	stream.indirect.gather [hbm4b:s4+s21], $0x80, s16, s21, $0xb8;
	[tilespmem:$0x1D000] =	vst v63  }
0x1a5: {  	_ =	swait.ge [sflag:s31], $0x2000  }
0x1a6: {  	[sflag:s31] =	ssyncset.done $0x0  }
0x1a7: {  	s14 =	rddreg [dreg:$0xc];
	[sflag:s31] =	ssyncadd.s32 $0xFFFFE000  }
0x1a8: {  	[spmem:s2] =	stream.indirect.scatter.add.f32 [tilespmem:s25], [sflag:$0x8], $0x80, s14, s21, $0xb8;
	[tilespmem:$0x1D000] =	vst v63  }
0x1a9: {  	_ =	swait.ge [sflag:s1], $0x2000  }
0x1aa: {  	[sflag:s1] =	ssyncset.done $0x0  }
0x1ab: {  	s15 =	rddreg [dreg:$0xd];
	[sflag:s1] =	ssyncadd.s32 $0xFFFFE000  }
0x1ac: {  	[tilespmem:s23], [sflag:$0x3] =	stream.indirect.gather [hbm4b:s4+s21], $0x80, s15, s21, $0xb8;
	[tilespmem:$0x1D000] =	vst v63  }
0x1ad: {  	_ =	swait.ge [sflag:s24], $0x2000  }
0x1ae: {  	[sflag:s24] =	ssyncset.done $0x0  }
0x1af: {  	s16 =	rddreg [dreg:$0xe];
	[sflag:s24] =	ssyncadd.s32 $0xFFFFE000  }
0x1b0: {  	[spmem:s2] =	stream.indirect.scatter.add.f32 [tilespmem:s17], [sflag:$0x5], $0x80, s16, s21, $0xb8;
	[tilespmem:$0x1D000] =	vst v63  }
0x1b1: {  	_ =	swait.ge [sflag:s0], $0x2000  }
0x1b2: {  	[sflag:s0] =	ssyncset.done $0x0  }
0x1b3: {  	s14 =	rddreg [dreg:$0xf];
	[sflag:s0] =	ssyncadd.s32 $0xFFFFE000  }
0x1b4: {  	[tilespmem:s25], [sflag:$0x4] =	stream.indirect.gather [hbm4b:s4+s21], $0x80, s14, s21, $0xb8;
	[tilespmem:$0x1D000] =	vst v63  }
0x1b5: {  	_ =	swait.ge [sflag:s26], $0x2000  }
0x1b6: {  	[sflag:s26] =	ssyncset.done $0x0  }
0x1b7: {  	s15 =	rddreg [dreg:$0x10];
	[sflag:s26] =	ssyncadd.s32 $0xFFFFE000  }
0x1b8: {  	[spmem:s2] =	stream.indirect.scatter.add.f32 [tilespmem:s22], [sflag:$0x6], $0x80, s15, s21, $0xb8;
	[tilespmem:$0x1D000] =	vst v63  }
0x1b9: {  	_ =	swait.ge [sflag:s28], $0x2000  }
0x1ba: {  	[sflag:s28] =	ssyncset.done $0x0  }
0x1bb: {  	s16 =	rddreg [dreg:$0x11];
	[sflag:s28] =	ssyncadd.s32 $0xFFFFE000  }
0x1bc: {  	[tilespmem:s17], [sflag:$0x1] =	stream.indirect.gather [hbm4b:s4+s21], $0x80, s16, s21, $0xb8;
	[tilespmem:$0x1D000] =	vst v63  }
0x1bd: {  	_ =	swait.ge [sflag:s29], $0x2000  }
0x1be: {  	[sflag:s29] =	ssyncset.done $0x0  }
0x1bf: {  	s14 =	rddreg [dreg:$0x12];
	[sflag:s29] =	ssyncadd.s32 $0xFFFFE000  }
0x1c0: {  	[spmem:s2] =	stream.indirect.scatter.add.f32 [tilespmem:s23], [sflag:$0x7], $0x80, s14, s21, $0xb8;
	[tilespmem:$0x1D000] =	vst v63  }
0x1c1: {  	_ =	swait.ge [sflag:s30], $0x2000  }
0x1c2: {  	[sflag:s30] =	ssyncset.done $0x0  }
0x1c3: {  	s15 =	rddreg [dreg:$0x13];
	[sflag:s30] =	ssyncadd.s32 $0xFFFFE000  }
0x1c4: {  	[tilespmem:s22], [sflag:$0x2] =	stream.indirect.gather [hbm4b:s4+s21], $0x80, s15, s21, $0xb8;
	[tilespmem:$0x1D000] =	vst v63  }
0x1c5: {  	_ =	swait.ge [sflag:s31], $0x2000  }
0x1c6: {  	[sflag:s31] =	ssyncset.done $0x0  }
0x1c7: {  	s16 =	rddreg [dreg:$0x14];
	[sflag:s31] =	ssyncadd.s32 $0xFFFFE000  }
0x1c8: {  	[spmem:s2] =	stream.indirect.scatter.add.f32 [tilespmem:s25], [sflag:$0x8], $0x80, s16, s21, $0xb8;
	[tilespmem:$0x1D000] =	vst v63  }
0x1c9: {  	_ =	swait.ge [sflag:s1], $0x2000  }
0x1ca: {  	[sflag:s1] =	ssyncset.done $0x0  }
0x1cb: {  	s14 =	rddreg [dreg:$0x15];
	[sflag:s1] =	ssyncadd.s32 $0xFFFFE000  }
0x1cc: {  	[tilespmem:s23], [sflag:$0x3] =	stream.indirect.gather [hbm4b:s4+s21], $0x80, s14, s21, $0xb8;
	[tilespmem:$0x1D000] =	vst v63  }
0x1cd: {  	_ =	swait.ge [sflag:s24], $0x2000  }
0x1ce: {  	[sflag:s24] =	ssyncset.done $0x0  }
0x1cf: {  	s15 =	rddreg [dreg:$0x16];
	[sflag:s24] =	ssyncadd.s32 $0xFFFFE000  }
0x1d0: {  	[spmem:s2] =	stream.indirect.scatter.add.f32 [tilespmem:s17], [sflag:$0x5], $0x80, s15, s21, $0xb8;
	[tilespmem:$0x1D000] =	vst v63  }
0x1d1: {  	_ =	swait.ge [sflag:s0], $0x2000  }
0x1d2: {  	[sflag:s0] =	ssyncset.done $0x0  }
0x1d3: {  	s16 =	rddreg [dreg:$0x17];
	[sflag:s0] =	ssyncadd.s32 $0xFFFFE000  }
0x1d4: {  	[tilespmem:s25], [sflag:$0x4] =	stream.indirect.gather [hbm4b:s4+s21], $0x80, s16, s21, $0xb8;
	[tilespmem:$0x1D000] =	vst v63  }
0x1d5: {  	_ =	swait.ge [sflag:s26], $0x2000  }
0x1d6: {  	[sflag:s26] =	ssyncset.done $0x0  }
0x1d7: {  	s14 =	rddreg [dreg:$0x18];
	[sflag:s26] =	ssyncadd.s32 $0xFFFFE000  }
0x1d8: {  	[spmem:s2] =	stream.indirect.scatter.add.f32 [tilespmem:s22], [sflag:$0x6], $0x80, s14, s21, $0xb8;
	[tilespmem:$0x1D000] =	vst v63  }
0x1d9: {  	_ =	swait.ge [sflag:s28], $0x2000  }
0x1da: {  	[sflag:s28] =	ssyncset.done $0x0  }
0x1db: {  	s15 =	rddreg [dreg:$0x19];
	[sflag:s28] =	ssyncadd.s32 $0xFFFFE000  }
0x1dc: {  	[tilespmem:s17], [sflag:$0x1] =	stream.indirect.gather [hbm4b:s4+s21], $0x80, s15, s21, $0xb8;
	[tilespmem:$0x1D000] =	vst v63  }
0x1dd: {  	_ =	swait.ge [sflag:s29], $0x2000  }
0x1de: {  	[sflag:s29] =	ssyncset.done $0x0  }
0x1df: {  	s16 =	rddreg [dreg:$0x1a];
	[sflag:s29] =	ssyncadd.s32 $0xFFFFE000  }
0x1e0: {  	[spmem:s2] =	stream.indirect.scatter.add.f32 [tilespmem:s23], [sflag:$0x7], $0x80, s16, s21, $0xb8;
	[tilespmem:$0x1D000] =	vst v63  }
0x1e1: {  	_ =	swait.ge [sflag:s30], $0x2000  }
0x1e2: {  	[sflag:s30] =	ssyncset.done $0x0  }
0x1e3: {  	[sflag:s30] =	ssyncadd.s32 $0xFFFFE000  }
0x1e4: {  	[tilespmem:s22], [sflag:$0x2] =	stream.indirect.gather [hbm4b:s4+s21], $0x80, s6, s21, $0xb8;
	[tilespmem:$0x1D000] =	vst v63  }
0x1e5: {  	_ =	swait.ge [sflag:s31], $0x2000  }
0x1e6: {  	[sflag:s31] =	ssyncset.done $0x0  }
0x1e7: {  	[sflag:s31] =	ssyncadd.s32 $0xFFFFE000  }
0x1e8: {  	[spmem:s2] =	stream.indirect.scatter.add.f32 [tilespmem:s25], [sflag:$0x8], $0x80, s7, s21, $0xb8;
	[tilespmem:$0x1D000] =	vst v63  }
0x1e9: {  	_ =	swait.ge [sflag:s1], $0x2000  }
0x1ea: {  	[sflag:s1] =	ssyncset.done $0x0  }
0x1eb: {  	[sflag:s1] =	ssyncadd.s32 $0xFFFFE000  }
0x1ec: {  	[tilespmem:s23], [sflag:$0x3] =	stream.indirect.gather [hbm4b:s4+s21], $0x80, s8, s21, $0xb8;
	[tilespmem:$0x1D000] =	vst v63  }
0x1ed: {  	_ =	swait.ge [sflag:s24], $0x2000  }
0x1ee: {  	[sflag:s24] =	ssyncset.done $0x0  }
0x1ef: {  	[sflag:s24] =	ssyncadd.s32 $0xFFFFE000  }
0x1f0: {  	[spmem:s2] =	stream.indirect.scatter.add.f32 [tilespmem:s17], [sflag:$0x5], $0x80, s9, s21, $0xb8;
	[tilespmem:$0x1D000] =	vst v63  }
0x1f1: {  	_ =	swait.ge [sflag:s0], $0x2000  }
0x1f2: {  	[sflag:s0] =	ssyncset.done $0x0  }
0x1f3: {  	[sflag:s0] =	ssyncadd.s32 $0xFFFFE000  }
0x1f4: {  	[tilespmem:s25], [sflag:$0x4] =	stream.indirect.gather [hbm4b:s4+s21], $0x80, s10, s21, $0xb8;
	[tilespmem:$0x1D000] =	vst v63  }
0x1f5: {  	_ =	swait.ge [sflag:s26], $0x2000  }
0x1f6: {  	[sflag:s26] =	ssyncset.done $0x0  }
0x1f7: {  	[sflag:s26] =	ssyncadd.s32 $0xFFFFE000  }
0x1f8: {  	[spmem:s2] =	stream.indirect.scatter.add.f32 [tilespmem:s22], [sflag:$0x6], $0x80, s11, s21, $0xb8;
	[tilespmem:$0x1D000] =	vst v63  }
0x1f9: {  	_ =	swait.ge [sflag:s29], $0x2000  }
0x1fa: {  	[sflag:s29] =	ssyncset.done $0x0  }
0x1fb: {  	[sflag:s29] =	ssyncadd.s32 $0xFFFFE000  }
0x1fc: {  	[spmem:s2] =	stream.indirect.scatter.add.f32 [tilespmem:s23], [sflag:$0x7], $0x80, s12, s21, $0xb8;
	[tilespmem:$0x1D000] =	vst v63  }
0x1fd: {  	_ =	swait.ge [sflag:s31], $0x2000  }
0x1fe: {  	[sflag:s31] =	ssyncset.done $0x0  }
0x1ff: {  	[sflag:s31] =	ssyncadd.s32 $0xFFFFE000  }
0x200: {  	[spmem:s2] =	stream.indirect.scatter.add.f32 [tilespmem:s25], [sflag:$0x8], $0x80, s13, s21, $0xb8;
	[tilespmem:$0x1D000] =	vst v63  }
0x201: {  	_ =	swait.ge [sflag:s28], $0x2000  }
0x202: {  	[sflag:s28] =	ssyncset.done $0x0  }
0x203: {  	[sflag:s28] =	ssyncadd.s32 $0xFFFFE000  }
0x204: {  	_ =	swait.ge [sflag:s30], $0x2000  }
0x205: {  	[sflag:s30] =	ssyncset.done $0x0  }
0x206: {  	[sflag:s30] =	ssyncadd.s32 $0xFFFFE000  }
0x207: {  	_ =	swait.ge [sflag:s1], $0x2000  }
0x208: {  	[sflag:s1] =	ssyncset.done $0x0  }
0x209: {  	[sflag:s1] =	ssyncadd.s32 $0xFFFFE000  }
0x20a: {  	_ =	swait.ge [sflag:s0], $0x2000  }
0x20b: {  	[sflag:s0] =	ssyncset.done $0x0  }
0x20c: {  	[sflag:s0] =	ssyncadd.s32 $0xFFFFE000  }
0x20d: {  	[bflag:$0x0] =	sbarrier.arrive $0xFFFF  }
0x20e: {  	s14 =	stileid.u32;
	s16 =	sld [smem:$0x7FC]  }
0x20f: {  	s5 =	sshll.u32 s14, $0x6;
	s15 =	rddreg [dreg:$0x1b]  }
0x210: {  	s5 =	sor.u32 $0x1C09, s5;
	s14 =	sshrl.u32 s15, $0x3  }
0x211: {  	[hbm:s16], [sflag:s5] =	dma.local [spmem:s14], $0x2800  }
0x212: {  	_ =	swait.ge [sflag:s18], $0x2800  }
0x213: {  	s15 =	sld [smem:$0x7F6]  }
0x214: {  	s16 =	sld [smem:$0x7FD];
	_ =	sdelay $0x1  }
0x215: {  	s14 =	sadd.s32 $0x1, s15  }
0x216: {  	p0 =	sne.s32 s14, s16  }
.Ltmp2:
0x217: {  	_ = 	snop;
	(pc) =	sbr.rel @p0 .LBB2_1-.Ltmp2, $3  }
0x218: {  	_ =	sdelay $0x1  }
0x219: {  	[sflag:s18] =	ssyncset.done $0x0  }
0x21a: {  	[sflag:s18] =	ssyncadd.s32 $0xFFFFD800  }
0x21b: {  	_ =	sfence.sel $0x180000  }
0x21c: {  	[bflag:$0x0] =	sbarrier.arrive $0xFFFF  }
0x21d: {  	_ =	strace $0x9000004D  }
0x21e: {  	s0 =	stileid.u32;
	[bflag:$0x2] =	sbarrier.arrive $0xFFFF  }
0x21f: {  	p0 =	sne.s32 s0, $0x0;
	s0 =	rddreg [dreg:$0x2]  }
0x220: {  	s0 =	sadd.s32 @!p0 $0x100000, s0  }
0x221: {  	[sflag:s0] =	ssyncadd.tile.s32 @!p0 $0x1;
	_ =	shalt  }
.Lfunc_end2:
_tile_overlayer_lowered:
.L_overlay_start_2:
0x222: {  	(tag) =	ssettag $0x2  }
0x223: {  	s0 =	rddreg [dreg:$0x0];
	s2 =	stileid.u32  }
0x224: {  	s1 =	rddreg [dreg:$0x1];
	p0 =	sne.s32 s2, $0x0  }
0x225: {  	s3 =	rddreg [dreg:$0x2];
	[bflag:$0x3] =	sbarrier.arrive $0xFFFF;
	s2 =	simm.s32 @!p0 $0x1C09  }
0x226: {  	[timem:s3], [sflag:s2] =	dma.local @!p0 [hbm:s0], s1  }
0x227: {  	s0 =	simm.s32 @!p0 $0x9  }
0x228: {  	_ =	swait.ge @!p0 [sflag:s0], s1  }
0x229: {  	s1 =	ssub.s32 @!p0 $0x0, s1;
	[sflag:s0] =	ssyncset.done @!p0 $0x0  }
0x22a: {  	[sflag:s0] =	ssyncadd.s32 @!p0 s1  }
0x22b: {  	[bflag:$0x3] =	sbarrier.arrive $0xFFFF  }
0x22c: {  	_ =	shalt  }

// kernel: kernel.7.cloned.1.call-start
scs
__scs_entry_jumppad:
0x0: {  	(pc) =	sbr.rel $0x88, $3  }
0x1: {  	(tag) =	ssettag $0x0;
	lr =	simm.s32 $0x1  }
0x2: {  	[smem:$0x3F97] =	sst lr;
	_ =	strace $0xD0000000  }
0x3: {  	_ = 	snop  }
0x4: {  	_ = 	snop  }
0x5: {  	_ = 	snop  }
0x6: {  	_ = 	snop  }
0x7: {  	_ = 	snop  }
__scs_overlays_trampoline_lowered:
0x8: {  	[smem:$0x3FA6] =	sst s0  }
0x9: {  	[smem:$0x3FA7] =	sst s1  }
0xa: {  	[smem:$0x3FA8] =	sst s2  }
0xb: {  	[smem:$0x3FA9] =	sst s3  }
0xc: {  	[smem:$0x3FAA] =	sst s4  }
0xd: {  	[smem:$0x3FAB] =	sst s5  }
0xe: {  	[smem:$0x3FAC] =	sst s6  }
0xf: {  	[smem:$0x3FAD] =	sst s7  }
0x10: {  	[smem:$0x3FAE] =	sst s8  }
0x11: {  	[smem:$0x3FAF] =	sst s9;
	s0 =	simm.s32 @!p0 $0x0  }
0x12: {  	s1 =	sld [smem:$0x3F95];
	s0 =	simm.s32 @p0 $0x1  }
0x13: {  	[smem:$0x3FB0] =	sst s0;
	s0 =	simm.s32 @!p1 $0x0  }
0x14: {  	s2 =	sld [smem:$0x3F94];
	s0 =	simm.s32 @p1 $0x1  }
0x15: {  	[smem:$0x3FB1] =	sst s0;
	s0 =	simm.s32 @!p2 $0x0  }
0x16: {  	s3 =	sld [smem:$0x3FDB];
	s0 =	simm.s32 @p2 $0x1  }
0x17: {  	s4 =	simm.s32 $0x1BF5;
	[smem:$0x3FB3] =	sst s0  }
0x18: {  	s0 =	sld [smem:$0x3F96];
	_ =	swait.ge [sflag:s4], $0x0  }
0x19: {  	s7 =	sld [smem:$0x3F97]  }
0x1a: {  	s8 =	sadd.s32 $0xFFFFE003, lr  }
0x1b: {  	s9 =	sadd.s32 $0xFFFFFEF7, lr;
	s5 =	simm.s32 $0xFFFFFFFF;
	p2 =	slt.u32 s8, $0xFFFFF086  }
0x1c: {  	p1 =	slt.u32 s9, $0xF7A;
	s5 =	simm.s32 @!p2 $0x0  }
0x1d: {  	s5 =	simm.s32 @p1 $0x1;
	p0 =	seq.s32 s7, s2  }
0x1e: {  	s7 =	smul.u32 @!p0 $0xF7A, s2;
	p2 =	seq.s32 @!p0 s5, $0x0  }
0x1f: {  	s9 =	smul.u32 $0xF7A, s1;
	s8 =	simm.s32 @!p0 $0x1BF5;
	p2 =	por !p2, p0  }
0x20: {  	[sflag:s8] =	ssyncset.s32 @!p0 $0xFFFFF086;
	s6 =	sadd.s32 @!p0 s3, s7;
	s7 =	simm.s32 @!p0 $0x108  }
0x21: {  	s3 =	sadd.s32 s3, s9;
	s6 =	sadd.s32 @!p0 $0x88, s6;
	s7 =	simm.s32 @p2 $0x1082  }
0x22: {  	[simem:s7], [sflag:s8] =	dma.local @!p0 [hbm:s6], $0xF7A  }
0x23: {  	s9 =	sor.u32 $0xD0000000, s2;
	s6 =	simm.s32 $0x108;
	_ =	swait.ge @!p0 [sflag:s8], $0x0  }
0x24: {  	s3 =	sadd.s32 $0x88, s3;
	s6 =	simm.s32 @!p1 $0x1082;
	[sflag:s4] =	ssyncset.s32 $0xFFFFF086  }
0x25: {  	[simem:s6], [sflag:s4] =	dma.local [hbm:s3], $0xF7A  }
0x26: {  	[smem:$0x3F97] =	sst s1;
	(tag) =	ssettag s2;
	_ =	strace s9  }
0x27: {  	s1 =	sld [smem:$0x3FA7]  }
0x28: {  	s2 =	sld [smem:$0x3FA8]  }
0x29: {  	s4 =	sld [smem:$0x3FAA]  }
0x2a: {  	p0 =	seq.s32 s5, $0x0;
	s5 =	sld [smem:$0x3FAB]  }
0x2b: {  	s6 =	sld [smem:$0x3FAC]  }
0x2c: {  	s7 =	sld [smem:$0x3FAD]  }
0x2d: {  	s3 =	simm.s32 $0x108;
	s8 =	sld [smem:$0x3FAE]  }
0x2e: {  	s3 =	simm.s32 @!p0 $0x1082;
	s9 =	sld [smem:$0x3FAF]  }
0x2f: {  	lr =	sadd.s32 s0, s3;
	s0 =	sld [smem:$0x3FA6]  }
0x30: {  	s3 =	sld [smem:$0x3FA9]  }
0x31: {  	[smem:$0x3FB2] =	sst s10  }
0x32: {  	s10 =	sld [smem:$0x3FB0];
	_ =	sdelay $0x3  }
0x33: {  	p0 =	seq.s32 s10, $0x1;
	s10 =	sld [smem:$0x3FB2];
	_ =	sdelay $0x3  }
0x34: {  	[smem:$0x3FB2] =	sst s10  }
0x35: {  	s10 =	sld [smem:$0x3FB1];
	_ =	sdelay $0x3  }
0x36: {  	p1 =	seq.s32 s10, $0x1;
	s10 =	sld [smem:$0x3FB2];
	_ =	sdelay $0x3  }
0x37: {  	[smem:$0x3FB2] =	sst s10  }
0x38: {  	s10 =	sld [smem:$0x3FB3]  }
0x39: {  	_ = 	snop;
	(pc) =	sbr.ind lr, $3  }
0x3a: {  	_ = 	snop  }
0x3b: {  	_ = 	snop  }
0x3c: {  	p2 =	seq.s32 s10, $0x1;
	s10 =	sld [smem:$0x3FB2]  }
0x3d: {  	_ =	shalt  }
0x3e: {  	_ =	shalt  }
0x3f: {  	_ =	shalt  }
0x40: {  	_ =	shalt  }
0x41: {  	_ =	shalt  }
0x42: {  	_ =	shalt  }
0x43: {  	_ =	shalt  }
0x44: {  	_ =	shalt  }
0x45: {  	_ =	shalt  }
0x46: {  	_ =	shalt  }
0x47: {  	_ =	shalt  }
0x48: {  	_ =	shalt  }
0x49: {  	_ =	shalt  }
0x4a: {  	_ =	shalt  }
0x4b: {  	_ =	shalt  }
0x4c: {  	_ =	shalt  }
0x4d: {  	_ =	shalt  }
0x4e: {  	_ =	shalt  }
0x4f: {  	_ =	shalt  }
0x50: {  	_ =	shalt  }
0x51: {  	_ =	shalt  }
0x52: {  	_ =	shalt  }
0x53: {  	_ =	shalt  }
0x54: {  	_ =	shalt  }
0x55: {  	_ =	shalt  }
0x56: {  	_ =	shalt  }
0x57: {  	_ =	shalt  }
0x58: {  	_ =	shalt  }
0x59: {  	_ =	shalt  }
0x5a: {  	_ =	shalt  }
0x5b: {  	_ =	shalt  }
0x5c: {  	_ =	shalt  }
0x5d: {  	_ =	shalt  }
0x5e: {  	_ =	shalt  }
0x5f: {  	_ =	shalt  }
0x60: {  	_ =	shalt  }
0x61: {  	_ =	shalt  }
0x62: {  	_ =	shalt  }
0x63: {  	_ =	shalt  }
0x64: {  	_ =	shalt  }
0x65: {  	_ =	shalt  }
0x66: {  	_ =	shalt  }
0x67: {  	_ =	shalt  }
0x68: {  	_ =	shalt  }
0x69: {  	_ =	shalt  }
0x6a: {  	_ =	shalt  }
0x6b: {  	_ =	shalt  }
0x6c: {  	_ =	shalt  }
0x6d: {  	_ =	shalt  }
0x6e: {  	_ =	shalt  }
0x6f: {  	_ =	shalt  }
0x70: {  	_ =	shalt  }
0x71: {  	_ =	shalt  }
0x72: {  	_ =	shalt  }
0x73: {  	_ =	shalt  }
0x74: {  	_ =	shalt  }
0x75: {  	_ =	shalt  }
0x76: {  	_ =	shalt  }
0x77: {  	_ =	shalt  }
0x78: {  	_ =	shalt  }
0x79: {  	_ =	shalt  }
0x7a: {  	_ =	shalt  }
0x7b: {  	_ =	shalt  }
0x7c: {  	_ =	shalt  }
0x7d: {  	_ =	shalt  }
0x7e: {  	_ =	shalt  }
0x7f: {  	_ =	shalt  }
0x80: {  	_ =	shalt  }
0x81: {  	_ =	shalt  }
0x82: {  	_ =	shalt  }
0x83: {  	_ =	shalt  }
0x84: {  	_ =	shalt  }
0x85: {  	_ =	shalt  }
0x86: {  	_ =	shalt  }
0x87: {  	_ =	shalt  }
.Lfunc_end0:
.L_simem_size_0:
called_computation_lowered:
.L_overlay_start_0:
0x88: {  	s2 =	sld [smem:$0x3FD9]  }
0x89: {  	s3 =	sld [smem:$0x3FFE];
	_ =	sdelay $0x1  }
0x8a: {  	s1 =	srdreg.scid  }
0x8b: {  	s0 =	sand.u32 $0x1, s1  }
0x8c: {  	s17 =	sshll.u32 s0, $0xA;
	s2 =	sadd.s32 s3, s2  }
0x8d: {  	s2 =	sadd.s32 s2, s17  }
0x8e: {  	[smem:$0x3FBE] =	sst s2  }
0x8f: {  	_ = 	snop  }
0x90: {  	(tm) =	ssettm $0x1  }
0x91: {  	s18 =	sld [smem:$0x3FFB];
	_ =	sdelay $0x3  }
0x92: {  	_ =	strace s18  }
0x93: {  	s2 =	sld [smem:$0x3FFC];
	_ =	sdelay $0x3  }
0x94: {  	_ =	strace s2  }
0x95: {  	s2 =	sld [smem:$0x3FFD];
	_ =	sdelay $0x3  }
0x96: {  	_ =	strace s2  }
0x97: {  	_ =	strace $0x8FFFFFFF  }
0x98: {  	s19 =	sld [smem:$0x3FDB];
	_ =	sdelay $0x1  }
0x99: {  	s20 =	simm.s32 $_scs_section_size  }
0x9a: {  	s4 =	simm.s32 $_size__tile_overlayer_lowered;
	s5 =	simm.s32 $_tile_overlayer_lowered  }
0x9b: {  	s6 =	simm.s32 $0x1BFF;
	s21 =	sshll.u32 s5, $0x1;
	s3 =	sadd.s32 s20, s19  }
0x9c: {  	s22 =	simm.s32 $0x0;
	s4 =	sshll.u32 s4, $0x1;
	s5 =	sadd.s32 s21, s3  }
0x9d: {  	[timem:s22], [sflag:s6] =	dma.local [hbm:s5], s4  }
0x9e: {  	_ =	swait.ge [sflag:s6], s4  }
0x9f: {  	s4 =	ssub.s32 $0x0, s4;
	[sflag:s6] =	ssyncset.done $0x0  }
0xa0: {  	[sflag:s6] =	ssyncadd.s32 s4;
	_ =	sdelay $0x1  }
0xa1: {  	s23 =	simm.s32 $0x1B8B  }
0xa2: {  	_ =	swait.ge [sflag:s23], $0x1  }
0xa3: {  	[sflag:s23] =	ssyncset.done $0x0  }
0xa4: {  	[sflag:s23] =	ssyncadd.s32 $0xFFFFFFFF  }
0xa5: {  	s4 =	sld [smem:$0x0]  }
0xa6: {  	s5 =	sand.u32 $0xFFFFFFFE, s1  }
0xa7: {  	p0 =	sne.s32 s1, s5  }
0xa8: {  	s5 =	sshll.u32 @p0 s5, $0xE  }
0xa9: {  	s5 =	sadd.s32 @p0 $0x11B8D, s5;
	s6 =	sshll.u32 @p0 s4, $0x11  }
0xaa: {  	s5 =	sor.u32 @p0 s6, s5  }
0xab: {  	[sflag:s5] =	ssyncadd.remote.s32 @p0 $0x1;
	_ =	sdelay $0x1  }
0xac: {  	s5 =	simm.s32 @p0 $0x1B8D  }
0xad: {  	_ =	swait.eq @p0 [sflag:s5], $0x1  }
0xae: {  	[sflag:s5] =	ssyncadd.s32 @p0 $0xFFFFFFFF  }
0xaf: {  	s6 =	sshll.u32 @!p0 s1, $0xE  }
0xb0: {  	s6 =	sor.u32 @!p0 $0x4000, s6;
	s5 =	simm.s32 @!p0 $0x1B8D  }
0xb1: {  	s4 =	sshll.u32 @!p0 s4, $0x11;
	s6 =	sadd.s32 @!p0 $0x11B8D, s6;
	_ =	swait.eq @!p0 [sflag:s5], $0x1  }
0xb2: {  	s4 =	sor.u32 @!p0 s4, s6;
	[sflag:s5] =	ssyncadd.s32 @!p0 $0xFFFFFFFF  }
0xb3: {  	s25 =	simm.s32 $0x1B8E;
	s24 =	sld [smem:$0x3FFE];
	[sflag:s4] =	ssyncadd.remote.s32 @!p0 $0x1  }
0xb4: {  	s26 =	simm.s32 $execute0_lowered;
	[smem:$0x3FD2] =	sst s25  }
0xb5: {  	s5 =	sshll.u32 s26, $0x1;
	_ =	strace $0x80000049;
	[dreg:$0x1] =	wrdreg $0xFFFFFFFF  }
0xb6: {  	s28 =	simm.s32 $_size_execute0_lowered;
	s3 =	sadd.s32 s3, s5;
	[dreg:$0x0] =	wrdreg $0x0  }
0xb7: {  	s5 =	sshll.u32 s28, $0x1;
	[dreg:$0x2] =	wrdreg s3  }
0xb8: {  	[dreg:$0x3] =	wrdreg s5  }
0xb9: {  	[dreg:$0x4] =	wrdreg $0xC0  }
0xba: {  	_ =	task [dreg:s22], $0x5FFFF  }
0xbb: {  	[dreg:$0x1] =	wrdreg $0xFFFFFFFF  }
0xbc: {  	[dreg:$0x0] =	wrdreg $0x60  }
0xbd: {  	[dreg:$0x2] =	wrdreg s24  }
0xbe: {  	[dreg:$0x3] =	wrdreg $0x0  }
0xbf: {  	[dreg:$0x4] =	wrdreg $0x9  }
0xc0: {  	_ =	task.clear_ibuf [dreg:s22], $0x5FFFF;
	_ =	strace $0x90000049  }
0xc1: {  	s29 =	simm.s32 $0x9;
	_ =	strace $0x8000004B  }
0xc2: {  	_ =	swait.ge [sflag:s29], $0x1  }
0xc3: {  	[sflag:s29] =	ssyncadd.s32 $0xFFFFFFFF  }
0xc4: {  	_ =	strace $0x9000004B  }
0xc5: {  	_ =	sfence  }
0xc6: {  	s30 =	sld [smem:$0x0];
	_ =	sdelay $0x2  }
0xc7: {  	s31 =	sshll.u32 s1, $0xD;
	s1 =	sshrl.u32 s1, $0x2  }
0xc8: {  	s4 =	sand.u32 $0x4000, s31;
	s1 =	sadd.s32 s1, s30  }
0xc9: {  	s0 =	sor.u32 s4, s0;
	s1 =	sshll.u32 s1, $0x11  }
0xca: {  	s0 =	sor.u32 s1, s0  }
0xcb: {  	s0 =	sadd.s32 $0x8F2B, s0  }
0xcc: {  	[sflag:s0] =	ssyncadd.remote.s32 $0x1  }
0xcd: {  	_ =	sfence.sel $0xFFFF  }
0xce: {  	[dreg:$0x0] =	wrdreg $0xFFFFFFFF;
	(pc) =	sbr.abs _section_cstart, $3  }
0xcf: {  	[dreg:$0x1] =	wrdreg $0xFFFFFFFF  }
0xd0: {  	_ =	task.clear_ibuf [dreg:s22], $0x2FFFF;
	_ =	strace $0x9FFFFFFF  }
0xd1: {  	(tm) =	ssettm $0x7FFFFFFF  }
tec
execute0_lowered:
.L_overlay_start_1:
0x0: {  	(tag) =	ssettag $0x1  }
0x1: {  	s0 =	rddreg [dreg:$0x0];
	s7 =	stileid.u32  }
0x2: {  	s1 =	srdreg.scid;
	s2 =	rddreg [dreg:$0x1]  }
0x3: {  	s3 =	simm.s32 $0x0;
	s17 =	simm.s32 $0x14400;
	s18 =	simm.s32 $0x2  }
0x4: {  	s19 =	simm.s32 $0x14000;
	s20 =	simm.s32 $0x40;
	s21 =	simm.s32 $0x14080  }
0x5: {  	s22 =	simm.s32 $0x14100;
	s28 =	simm.s32 $0x14380;
	s4 =	smul.u32 $0x1400, s7  }
0x6: {  	s29 =	simm.s32 $0x1;
	s30 =	simm.s32 $0x0;
	s6 =	smul.u32 $0x14000, s7  }
0x7: {  	s1 =	sand.u32 $0x1, s1;
	[smem:$0x7FF] =	sst s3;
	s7 =	smul.u32 $0x50000, s7  }
0x8: {  	s5 =	smul.u32 $0x140000, s1;
	_ =	strace $0x8000004A;
	s24 =	ssub.s32 $0x2, s1  }
0x9: {  	s1 =	smul.u32 $0xA00, s1;
	s15 =	sadd.s32 s4, s0;
	s25 =	sshrl.u32 s24, $0x1  }
0xa: {  	s7 =	sshrl.u32 s7, $0x2;
	s23 =	sadd.s32 s6, s5;
	s16 =	ssub.s32 s24, s25  }
0xb: {  	s31 =	sadd.s32 s1, s15;
	s24 =	simm.s32 $0x14200;
	s25 =	simm.s32 $0x14280  }
0xc: {  	s4 =	sshrl.u32 s23, $0x3;
	s15 =	smax.u32 s16, $0x1;
	s16 =	sadd.s32 $0x2200, s31  }
0xd: {  	s23 =	simm.s32 $0x14180;
	s0 =	sadd.s32 s4, s0;
	s4 =	sadd.s32 s7, s2  }
0xe: {  	s26 =	sadd.s32 $0x2000, s4;
	s6 =	sadd.s32 $0x4000, s4;
	s7 =	sadd.s32 $0x6000, s4  }
0xf: {  	s8 =	sadd.s32 $0x8000, s4;
	s9 =	sadd.s32 $0xA000, s4;
	s10 =	sadd.s32 $0xC000, s4  }
0x10: {  	s11 =	sadd.s32 $0xE000, s4;
	s12 =	sadd.s32 $0x10000, s4;
	s13 =	sadd.s32 $0x12000, s4  }
0x11: {  	v0 =	vimm.f32 $0.0e+00;
	v1 =	vimm.f32 $1.000000000e+00;
	s14 =	sadd.s32 $0xA2200, s0;
	[dreg:$0x3] =	wrdreg s26;
	s26 =	simm.s32 $0x14300  }
.LBB2_1:
0x12: {  	s1 =	simm.s32 $0x0;
	s31 =	simm.s32 $0x200  }
.LBB2_2:
0x13: {  	p0 =	sne.s32 s31, $0x7E00;
	[tilespmem:s1+$0x14470] =	vst v0  }
0x14: {  	[tilespmem:s1+$0x14400] =	vst v0  }
0x15: {  	[tilespmem:s1+$0x14410] =	vst v0  }
.Ltmp0:
0x16: {  	[tilespmem:s1+$0x14420] =	vst v0;
	(pc) =	sbr.rel @p0 .LBB2_2-.Ltmp0, $4  }
0x17: {  	[tilespmem:s1+$0x14430] =	vst v0  }
0x18: {  	[tilespmem:s1+$0x14440] =	vst v0  }
0x19: {  	[tilespmem:s1+$0x14450] =	vst v0  }
0x1a: {  	[tilespmem:s1+$0x14460] =	vst v0;
	s1 =	sshra.s32 s31, $0x2;
	s31 =	sadd.s32 $0x200, s31  }
0x1b: {  	[tilespmem:s1+$0x14470] =	vst v0  }
0x1c: {  	[tilespmem:s1+$0x14400] =	vst v0  }
0x1d: {  	[tilespmem:s1+$0x14410] =	vst v0  }
0x1e: {  	[tilespmem:s1+$0x14420] =	vst v0  }
0x1f: {  	[tilespmem:s1+$0x14430] =	vst v0  }
0x20: {  	[tilespmem:s1+$0x14440] =	vst v0  }
0x21: {  	[tilespmem:s1+$0x14450] =	vst v0  }
0x22: {  	[tilespmem:s1+$0x14460] =	vst v0  }
0x23: {  	[spmem:s4] =	stream.linear.scatter [tilespmem:s17], [sflag:$0x2], $0x2000, $0x38;
	[tilespmem:$0x16400] =	vst v63  }
0x24: {  	_ =	swait.ge [sflag:s18], $0x2000  }
0x25: {  	[sflag:s18] =	ssyncset.done $0x0  }
0x26: {  	s0 =	rddreg [dreg:$0x3];
	[sflag:s18] =	ssyncadd.s32 $0xFFFFE000  }
0x27: {  	[spmem:s0] =	stream.linear.scatter [tilespmem:s17], [sflag:$0x2], $0x2000, $0x38;
	[tilespmem:$0x16400] =	vst v63  }
0x28: {  	_ =	swait.ge [sflag:s18], $0x2000  }
0x29: {  	[sflag:s18] =	ssyncset.done $0x0  }
0x2a: {  	[sflag:s18] =	ssyncadd.s32 $0xFFFFE000  }
0x2b: {  	[spmem:s6] =	stream.linear.scatter [tilespmem:s17], [sflag:$0x2], $0x2000, $0x38;
	[tilespmem:$0x16400] =	vst v63  }
0x2c: {  	_ =	swait.ge [sflag:s18], $0x2000  }
0x2d: {  	[sflag:s18] =	ssyncset.done $0x0  }
0x2e: {  	[sflag:s18] =	ssyncadd.s32 $0xFFFFE000  }
0x2f: {  	[spmem:s7] =	stream.linear.scatter [tilespmem:s17], [sflag:$0x2], $0x2000, $0x38;
	[tilespmem:$0x16400] =	vst v63  }
0x30: {  	_ =	swait.ge [sflag:s18], $0x2000  }
0x31: {  	[sflag:s18] =	ssyncset.done $0x0  }
0x32: {  	[sflag:s18] =	ssyncadd.s32 $0xFFFFE000  }
0x33: {  	[spmem:s8] =	stream.linear.scatter [tilespmem:s17], [sflag:$0x2], $0x2000, $0x38;
	[tilespmem:$0x16400] =	vst v63  }
0x34: {  	_ =	swait.ge [sflag:s18], $0x2000  }
0x35: {  	[sflag:s18] =	ssyncset.done $0x0  }
0x36: {  	[sflag:s18] =	ssyncadd.s32 $0xFFFFE000  }
0x37: {  	[spmem:s9] =	stream.linear.scatter [tilespmem:s17], [sflag:$0x2], $0x2000, $0x38;
	[tilespmem:$0x16400] =	vst v63  }
0x38: {  	_ =	swait.ge [sflag:s18], $0x2000  }
0x39: {  	[sflag:s18] =	ssyncset.done $0x0  }
0x3a: {  	[sflag:s18] =	ssyncadd.s32 $0xFFFFE000  }
0x3b: {  	[spmem:s10] =	stream.linear.scatter [tilespmem:s17], [sflag:$0x2], $0x2000, $0x38;
	[tilespmem:$0x16400] =	vst v63  }
0x3c: {  	_ =	swait.ge [sflag:s18], $0x2000  }
0x3d: {  	[sflag:s18] =	ssyncset.done $0x0  }
0x3e: {  	[sflag:s18] =	ssyncadd.s32 $0xFFFFE000  }
0x3f: {  	[spmem:s11] =	stream.linear.scatter [tilespmem:s17], [sflag:$0x2], $0x2000, $0x38;
	[tilespmem:$0x16400] =	vst v63  }
0x40: {  	_ =	swait.ge [sflag:s18], $0x2000  }
0x41: {  	[sflag:s18] =	ssyncset.done $0x0  }
0x42: {  	[sflag:s18] =	ssyncadd.s32 $0xFFFFE000  }
0x43: {  	[spmem:s12] =	stream.linear.scatter [tilespmem:s17], [sflag:$0x2], $0x2000, $0x38;
	[tilespmem:$0x16400] =	vst v63  }
0x44: {  	_ =	swait.ge [sflag:s18], $0x2000  }
0x45: {  	[sflag:s18] =	ssyncset.done $0x0  }
0x46: {  	[sflag:s18] =	ssyncadd.s32 $0xFFFFE000  }
0x47: {  	[spmem:s13] =	stream.linear.scatter [tilespmem:s17], [sflag:$0x2], $0x2000, $0x38;
	[tilespmem:$0x16400] =	vst v63  }
0x48: {  	_ =	swait.ge [sflag:s18], $0x2000  }
0x49: {  	[sflag:s18] =	ssyncset.done $0x0  }
0x4a: {  	s1 =	simm.s32 $0x0;
	s31 =	simm.s32 $0x200;
	[sflag:s18] =	ssyncadd.s32 $0xFFFFE000  }
.LBB2_4:
0x4b: {  	p0 =	sne.s32 s31, $0x7E00;
	[tilespmem:s1+$0x14470] =	vst v1  }
0x4c: {  	[tilespmem:s1+$0x14400] =	vst v1  }
0x4d: {  	[tilespmem:s1+$0x14410] =	vst v1  }
.Ltmp1:
0x4e: {  	[tilespmem:s1+$0x14420] =	vst v1;
	(pc) =	sbr.rel @p0 .LBB2_4-.Ltmp1, $4  }
0x4f: {  	[tilespmem:s1+$0x14430] =	vst v1  }
0x50: {  	[tilespmem:s1+$0x14440] =	vst v1  }
0x51: {  	[tilespmem:s1+$0x14450] =	vst v1  }
0x52: {  	[tilespmem:s1+$0x14460] =	vst v1;
	s1 =	sshra.s32 s31, $0x2;
	s31 =	sadd.s32 $0x200, s31  }
0x53: {  	[tilespmem:s1+$0x14470] =	vst v1  }
0x54: {  	[tilespmem:s1+$0x14400] =	vst v1  }
0x55: {  	[tilespmem:s1+$0x14410] =	vst v1  }
0x56: {  	[tilespmem:s1+$0x14420] =	vst v1  }
0x57: {  	[tilespmem:s1+$0x14430] =	vst v1  }
0x58: {  	[tilespmem:s1+$0x14440] =	vst v1  }
0x59: {  	[tilespmem:s1+$0x14450] =	vst v1  }
0x5a: {  	[tilespmem:s1+$0x14460] =	vst v1  }
0x5b: {  	s0 =	sadd.s32 $0x0, s16;
	[bflag:$0x0] =	sbarrier.arrive $0xFFFF  }
0x5c: {  	[tilespmem:s19], [sflag:$0x2] =	stream.linear.gather [hbm4b:s0+s3], $0x400, $0x38;
	[tilespmem:$0x16400] =	vst v63  }
0x5d: {  	_ =	swait.ge [sflag:s18], $0x400  }
0x5e: {  	[sflag:s18] =	ssyncset.done $0x0  }
0x5f: {  	[sflag:s18] =	ssyncadd.s32 $0xFFFFFC00  }
0x60: {  	[spmem:s2] =	stream.indirect.scatter.add.f32 [tilespmem:s17], [sflag:$0x1], $0x80, s19, s20, $0xb8;
	[tilespmem:$0x16400] =	vst v63  }
0x61: {  	_ = 	snop  }
0x62: {  	[spmem:s2] =	stream.indirect.scatter.add.f32 [tilespmem:s17], [sflag:$0x1], $0x80, s21, s20, $0xb8;
	[tilespmem:$0x16400] =	vst v63  }
0x63: {  	_ = 	snop  }
0x64: {  	[spmem:s2] =	stream.indirect.scatter.add.f32 [tilespmem:s17], [sflag:$0x1], $0x80, s22, s20, $0xb8;
	[tilespmem:$0x16400] =	vst v63  }
0x65: {  	_ = 	snop  }
0x66: {  	[spmem:s2] =	stream.indirect.scatter.add.f32 [tilespmem:s17], [sflag:$0x1], $0x80, s23, s20, $0xb8;
	[tilespmem:$0x16400] =	vst v63  }
0x67: {  	_ = 	snop  }
0x68: {  	[spmem:s2] =	stream.indirect.scatter.add.f32 [tilespmem:s17], [sflag:$0x1], $0x80, s24, s20, $0xb8;
	[tilespmem:$0x16400] =	vst v63  }
0x69: {  	_ = 	snop  }
0x6a: {  	[spmem:s2] =	stream.indirect.scatter.add.f32 [tilespmem:s17], [sflag:$0x1], $0x80, s25, s20, $0xb8;
	[tilespmem:$0x16400] =	vst v63  }
0x6b: {  	_ = 	snop  }
0x6c: {  	[spmem:s2] =	stream.indirect.scatter.add.f32 [tilespmem:s17], [sflag:$0x1], $0x80, s26, s20, $0xb8;
	[tilespmem:$0x16400] =	vst v63  }
0x6d: {  	_ = 	snop  }
0x6e: {  	[spmem:s2] =	stream.indirect.scatter.add.f32 [tilespmem:s17], [sflag:$0x1], $0x80, s28, s20, $0xb8;
	[tilespmem:$0x16400] =	vst v63  }
0x6f: {  	_ =	swait.ge [sflag:s29], $0x2000  }
0x70: {  	[sflag:s29] =	ssyncset.done $0x0  }
0x71: {  	[sflag:s29] =	ssyncadd.s32 $0xFFFFE000  }
0x72: {  	_ =	swait.ge [sflag:s29], $0x2000  }
0x73: {  	[sflag:s29] =	ssyncset.done $0x0  }
0x74: {  	[sflag:s29] =	ssyncadd.s32 $0xFFFFE000  }
0x75: {  	_ =	swait.ge [sflag:s29], $0x2000  }
0x76: {  	[sflag:s29] =	ssyncset.done $0x0  }
0x77: {  	[sflag:s29] =	ssyncadd.s32 $0xFFFFE000  }
0x78: {  	_ =	swait.ge [sflag:s29], $0x2000  }
0x79: {  	[sflag:s29] =	ssyncset.done $0x0  }
0x7a: {  	[sflag:s29] =	ssyncadd.s32 $0xFFFFE000  }
0x7b: {  	_ =	swait.ge [sflag:s29], $0x2000  }
0x7c: {  	[sflag:s29] =	ssyncset.done $0x0  }
0x7d: {  	[sflag:s29] =	ssyncadd.s32 $0xFFFFE000  }
0x7e: {  	_ =	swait.ge [sflag:s29], $0x2000  }
0x7f: {  	[sflag:s29] =	ssyncset.done $0x0  }
0x80: {  	[sflag:s29] =	ssyncadd.s32 $0xFFFFE000  }
0x81: {  	_ =	swait.ge [sflag:s29], $0x2000  }
0x82: {  	[sflag:s29] =	ssyncset.done $0x0  }
0x83: {  	[sflag:s29] =	ssyncadd.s32 $0xFFFFE000  }
0x84: {  	_ =	swait.ge [sflag:s29], $0x2000  }
0x85: {  	s31 =	simm.s32 $0x80;
	s1 =	simm.s32 $0x100;
	[sflag:s29] =	ssyncset.done $0x0  }
.LBB2_6:
0x86: {  	s5 =	sadd.s32 s31, s16  }
0x87: {  	[sflag:s29] =	ssyncadd.s32 $0xFFFFE000;
	s31 =	smov.u32 s1;
	s0 =	sadd.s32 $0x80, s1  }
0x88: {  	[tilespmem:s19], [sflag:$0x2] =	stream.linear.gather [hbm4b:s5+s3], $0x400, $0x38;
	[tilespmem:$0x16400] =	vst v63  }
0x89: {  	p0 =	sne.s32 s1, $0x980;
	_ =	swait.ge [sflag:s18], $0x400  }
0x8a: {  	[sflag:s18] =	ssyncset.done $0x0  }
0x8b: {  	[sflag:s18] =	ssyncadd.s32 $0xFFFFFC00  }
0x8c: {  	[spmem:s2] =	stream.indirect.scatter.add.f32 [tilespmem:s17], [sflag:$0x1], $0x80, s19, s20, $0xb8;
	[tilespmem:$0x16400] =	vst v63  }
0x8d: {  	_ = 	snop  }
0x8e: {  	[spmem:s2] =	stream.indirect.scatter.add.f32 [tilespmem:s17], [sflag:$0x1], $0x80, s21, s20, $0xb8;
	[tilespmem:$0x16400] =	vst v63  }
0x8f: {  	_ = 	snop  }
0x90: {  	[spmem:s2] =	stream.indirect.scatter.add.f32 [tilespmem:s17], [sflag:$0x1], $0x80, s22, s20, $0xb8;
	[tilespmem:$0x16400] =	vst v63  }
0x91: {  	_ = 	snop  }
0x92: {  	[spmem:s2] =	stream.indirect.scatter.add.f32 [tilespmem:s17], [sflag:$0x1], $0x80, s23, s20, $0xb8;
	[tilespmem:$0x16400] =	vst v63  }
0x93: {  	_ = 	snop  }
0x94: {  	[spmem:s2] =	stream.indirect.scatter.add.f32 [tilespmem:s17], [sflag:$0x1], $0x80, s24, s20, $0xb8;
	[tilespmem:$0x16400] =	vst v63  }
0x95: {  	_ = 	snop  }
0x96: {  	[spmem:s2] =	stream.indirect.scatter.add.f32 [tilespmem:s17], [sflag:$0x1], $0x80, s25, s20, $0xb8;
	[tilespmem:$0x16400] =	vst v63  }
0x97: {  	_ = 	snop  }
0x98: {  	[spmem:s2] =	stream.indirect.scatter.add.f32 [tilespmem:s17], [sflag:$0x1], $0x80, s26, s20, $0xb8;
	[tilespmem:$0x16400] =	vst v63  }
0x99: {  	_ = 	snop  }
0x9a: {  	[spmem:s2] =	stream.indirect.scatter.add.f32 [tilespmem:s17], [sflag:$0x1], $0x80, s28, s20, $0xb8;
	[tilespmem:$0x16400] =	vst v63  }
0x9b: {  	_ =	swait.ge [sflag:s29], $0x2000  }
0x9c: {  	[sflag:s29] =	ssyncset.done $0x0  }
0x9d: {  	[sflag:s29] =	ssyncadd.s32 $0xFFFFE000  }
0x9e: {  	_ =	swait.ge [sflag:s29], $0x2000  }
0x9f: {  	[sflag:s29] =	ssyncset.done $0x0  }
0xa0: {  	[sflag:s29] =	ssyncadd.s32 $0xFFFFE000  }
0xa1: {  	_ =	swait.ge [sflag:s29], $0x2000  }
0xa2: {  	[sflag:s29] =	ssyncset.done $0x0  }
0xa3: {  	[sflag:s29] =	ssyncadd.s32 $0xFFFFE000  }
0xa4: {  	_ =	swait.ge [sflag:s29], $0x2000  }
0xa5: {  	[sflag:s29] =	ssyncset.done $0x0  }
0xa6: {  	[sflag:s29] =	ssyncadd.s32 $0xFFFFE000  }
0xa7: {  	_ =	swait.ge [sflag:s29], $0x2000  }
0xa8: {  	[sflag:s29] =	ssyncset.done $0x0  }
0xa9: {  	[sflag:s29] =	ssyncadd.s32 $0xFFFFE000  }
0xaa: {  	_ =	swait.ge [sflag:s29], $0x2000  }
0xab: {  	[sflag:s29] =	ssyncset.done $0x0  }
0xac: {  	[sflag:s29] =	ssyncadd.s32 $0xFFFFE000  }
.Ltmp2:
0xad: {  	_ =	swait.ge [sflag:s29], $0x2000;
	(pc) =	sbr.rel @p0 .LBB2_6-.Ltmp2, $4  }
0xae: {  	[sflag:s29] =	ssyncset.done $0x0  }
0xaf: {  	[sflag:s29] =	ssyncadd.s32 $0xFFFFE000  }
0xb0: {  	_ =	swait.ge [sflag:s29], $0x2000  }
0xb1: {  	s1 =	smov.u32 s0;
	[sflag:s29] =	ssyncset.done $0x0  }
0xb2: {  	s0 =	sadd.s32 s31, s16;
	[sflag:s29] =	ssyncadd.s32 $0xFFFFE000  }
0xb3: {  	[tilespmem:s19], [sflag:$0x2] =	stream.linear.gather [hbm4b:s0+s3], $0x400, $0x38;
	[tilespmem:$0x16400] =	vst v63  }
0xb4: {  	_ =	swait.ge [sflag:s18], $0x400  }
0xb5: {  	[sflag:s18] =	ssyncset.done $0x0  }
0xb6: {  	[sflag:s18] =	ssyncadd.s32 $0xFFFFFC00  }
0xb7: {  	[spmem:s2] =	stream.indirect.scatter.add.f32 [tilespmem:s17], [sflag:$0x1], $0x80, s19, s20, $0xb8;
	[tilespmem:$0x16400] =	vst v63  }
0xb8: {  	_ = 	snop  }
0xb9: {  	[spmem:s2] =	stream.indirect.scatter.add.f32 [tilespmem:s17], [sflag:$0x1], $0x80, s21, s20, $0xb8;
	[tilespmem:$0x16400] =	vst v63  }
0xba: {  	_ = 	snop  }
0xbb: {  	[spmem:s2] =	stream.indirect.scatter.add.f32 [tilespmem:s17], [sflag:$0x1], $0x80, s22, s20, $0xb8;
	[tilespmem:$0x16400] =	vst v63  }
0xbc: {  	_ = 	snop  }
0xbd: {  	[spmem:s2] =	stream.indirect.scatter.add.f32 [tilespmem:s17], [sflag:$0x1], $0x80, s23, s20, $0xb8;
	[tilespmem:$0x16400] =	vst v63  }
0xbe: {  	_ = 	snop  }
0xbf: {  	[spmem:s2] =	stream.indirect.scatter.add.f32 [tilespmem:s17], [sflag:$0x1], $0x80, s24, s20, $0xb8;
	[tilespmem:$0x16400] =	vst v63  }
0xc0: {  	_ = 	snop  }
0xc1: {  	[spmem:s2] =	stream.indirect.scatter.add.f32 [tilespmem:s17], [sflag:$0x1], $0x80, s25, s20, $0xb8;
	[tilespmem:$0x16400] =	vst v63  }
0xc2: {  	_ = 	snop  }
0xc3: {  	[spmem:s2] =	stream.indirect.scatter.add.f32 [tilespmem:s17], [sflag:$0x1], $0x80, s26, s20, $0xb8;
	[tilespmem:$0x16400] =	vst v63  }
0xc4: {  	_ = 	snop  }
0xc5: {  	[spmem:s2] =	stream.indirect.scatter.add.f32 [tilespmem:s17], [sflag:$0x1], $0x80, s28, s20, $0xb8;
	[tilespmem:$0x16400] =	vst v63  }
0xc6: {  	_ =	swait.ge [sflag:s29], $0x2000  }
0xc7: {  	[sflag:s29] =	ssyncset.done $0x0  }
0xc8: {  	[sflag:s29] =	ssyncadd.s32 $0xFFFFE000  }
0xc9: {  	_ =	swait.ge [sflag:s29], $0x2000  }
0xca: {  	[sflag:s29] =	ssyncset.done $0x0  }
0xcb: {  	[sflag:s29] =	ssyncadd.s32 $0xFFFFE000  }
0xcc: {  	_ =	swait.ge [sflag:s29], $0x2000  }
0xcd: {  	[sflag:s29] =	ssyncset.done $0x0  }
0xce: {  	[sflag:s29] =	ssyncadd.s32 $0xFFFFE000  }
0xcf: {  	_ =	swait.ge [sflag:s29], $0x2000  }
0xd0: {  	[sflag:s29] =	ssyncset.done $0x0  }
0xd1: {  	[sflag:s29] =	ssyncadd.s32 $0xFFFFE000  }
0xd2: {  	_ =	swait.ge [sflag:s29], $0x2000  }
0xd3: {  	[sflag:s29] =	ssyncset.done $0x0  }
0xd4: {  	[sflag:s29] =	ssyncadd.s32 $0xFFFFE000  }
0xd5: {  	_ =	swait.ge [sflag:s29], $0x2000  }
0xd6: {  	[sflag:s29] =	ssyncset.done $0x0  }
0xd7: {  	[sflag:s29] =	ssyncadd.s32 $0xFFFFE000  }
0xd8: {  	_ =	swait.ge [sflag:s29], $0x2000  }
0xd9: {  	[sflag:s29] =	ssyncset.done $0x0  }
0xda: {  	[sflag:s29] =	ssyncadd.s32 $0xFFFFE000  }
0xdb: {  	s31 =	stileid.u32;
	_ =	swait.ge [sflag:s29], $0x2000  }
0xdc: {  	s1 =	sshrl.u32 s4, $0x3;
	s30 =	sadd.s32 $0x1, s30;
	[sflag:s29] =	ssyncset.done $0x0  }
0xdd: {  	s0 =	sshll.u32 s31, $0x6;
	p0 =	sne.s32 s30, s15;
	[sflag:s29] =	ssyncadd.s32 $0xFFFFE000  }
.Ltmp3:
0xde: {  	s0 =	sor.u32 $0x1C02, s0;
	[bflag:$0x0] =	sbarrier.arrive $0xFFFF;
	(pc) =	sbr.rel @p0 .LBB2_1-.Ltmp3, $4  }
0xdf: {  	[hbm:s14], [sflag:s0] =	dma.local [spmem:s1], $0x2800  }
0xe0: {  	_ =	swait.ge [sflag:s18], $0x2800  }
0xe1: {  	[sflag:s18] =	ssyncset.done $0x0  }
0xe2: {  	[sflag:s18] =	ssyncadd.s32 $0xFFFFD800  }
0xe3: {  	_ =	sfence.sel $0x180000  }
0xe4: {  	[bflag:$0x0] =	sbarrier.arrive $0xFFFF  }
0xe5: {  	_ =	strace $0x9000004A  }
0xe6: {  	s0 =	stileid.u32;
	[bflag:$0x2] =	sbarrier.arrive $0xFFFF  }
0xe7: {  	p0 =	sne.s32 s0, $0x0;
	s0 =	rddreg [dreg:$0x2]  }
0xe8: {  	s0 =	sadd.s32 @!p0 $0x100000, s0  }
0xe9: {  	[sflag:s0] =	ssyncadd.tile.s32 @!p0 $0x1;
	_ =	shalt  }
.Lfunc_end2:
_tile_overlayer_lowered:
.L_overlay_start_2:
0xea: {  	(tag) =	ssettag $0x2  }
0xeb: {  	s0 =	rddreg [dreg:$0x0];
	s2 =	stileid.u32  }
0xec: {  	s1 =	rddreg [dreg:$0x1];
	p0 =	sne.s32 s2, $0x0  }
0xed: {  	s3 =	rddreg [dreg:$0x2];
	[bflag:$0x3] =	sbarrier.arrive $0xFFFF;
	s2 =	simm.s32 @!p0 $0x1C02  }
0xee: {  	[timem:s3], [sflag:s2] =	dma.local @!p0 [hbm:s0], s1  }
0xef: {  	s0 =	simm.s32 @!p0 $0x2  }
0xf0: {  	_ =	swait.ge @!p0 [sflag:s0], s1  }
0xf1: {  	s1 =	ssub.s32 @!p0 $0x0, s1;
	[sflag:s0] =	ssyncset.done @!p0 $0x0  }
0xf2: {  	[sflag:s0] =	ssyncadd.s32 @!p0 s1  }
0xf3: {  	[bflag:$0x3] =	sbarrier.arrive $0xFFFF  }
0xf4: {  	_ =	shalt  }

</sc_bundles>
